<compile_context>
chip_gen: v7x
topology: tpu7x:2x2x1
jax: 0.10.2.dev20260603
libtpu: 0.0.44.dev20260713+nightly
codegen_flags: <defaults>
</compile_context>

<pallas_src>
import dataclasses
import functools

import jax
import jax.numpy as jnp
from jax import lax
from jax.experimental import pallas as pl
from jax.experimental.pallas import tpu as pltpu
from jax.experimental.pallas import tpu_sc as plsc

N = 10000
D = 128
NP = 10240
DUMP = 10008
NC, NS, L = 2, 16, 16
NW = NC * NS

E = 320000
E_PAD = 327680
G_E = E_PAD // (NW * 128)

S = 960000
S_PAD = 983040
G_S = S_PAD // (NW * 128)

ROWS_PER_TILE = NP // NS


def _mesh():
    return plsc.VectorSubcoreMesh(core_axis_name="c", subcore_axis_name="s")


def _deg_body(dst2_hbm, deg_hbm, idx_v, ones_v, zb_v, shared):
    c = lax.axis_index("c")
    s = lax.axis_index("s")

    @pl.loop(0, 8)
    def _(i):
        ones_v[pl.ds(i * L, L)] = jnp.ones((L,), jnp.float32)

    @pl.loop(0, ROWS_PER_TILE // L)
    def _(i):
        zb_v[pl.ds(i * L, L)] = jnp.zeros((L,), jnp.float32)

    pltpu.sync_copy(zb_v, shared.at[pl.ds(s * ROWS_PER_TILE, ROWS_PER_TILE)])
    plsc.subcore_barrier()
    gbase = (c * NS + s) * G_E
    pltpu.sync_copy(dst2_hbm.at[pl.ds(gbase, G_E)], idx_v)

    @pl.loop(0, G_E)
    def _(j):
        pltpu.sync_copy(ones_v, shared.at[idx_v.at[j]], add=True)

    plsc.subcore_barrier()
    sl = pl.ds(s * ROWS_PER_TILE, ROWS_PER_TILE)
    pltpu.sync_copy(shared.at[sl], deg_hbm.at[c, sl])


def _deg(dst2):
    f = functools.partial(
        pl.kernel,
        out_type=jax.ShapeDtypeStruct((NC, NP), jnp.float32),
        mesh=_mesh(),
        scratch_types=[
            pltpu.VMEM((G_E, 128), jnp.int32),
            pltpu.VMEM((128,), jnp.float32),
            pltpu.VMEM((ROWS_PER_TILE,), jnp.float32),
            pltpu.VMEM_SHARED((NP,), jnp.float32),
        ],
    )(_deg_body)
    return f(dst2)


_HALF = G_E // 2


def _msg_body(g_hbm, src2_hbm, dst2_hbm, acc_hbm, isrc_v, idst_v, rows_a, rows_b,
              shared, sem_ga, sem_gb, sem_sa, sem_sb):
    c = lax.axis_index("c")
    s = lax.axis_index("s")

    @pl.loop(0, 128)
    def _(r):
        @pl.loop(0, D // L)
        def _(k):
            rows_a[r, pl.ds(k * L, L)] = jnp.zeros((L,), jnp.float32)

    @pl.loop(0, ROWS_PER_TILE // 128)
    def _(i):
        pltpu.sync_copy(rows_a, shared.at[pl.ds(s * ROWS_PER_TILE + i * 128, 128)])

    plsc.subcore_barrier()
    gbase = (c * NS + s) * G_E

    _NSPL = 4
    _SR = 128 // _NSPL

    def start_gather(j, buf, sem):
        for hh in range(_NSPL):
            pltpu.async_copy(
                g_hbm.at[isrc_v.at[j, pl.ds(hh * _SR, _SR)]],
                buf.at[pl.ds(hh * _SR, _SR)],
                sem,
            )

    def wait_gather(buf, sem):
        for hh in range(_NSPL):
            pltpu.make_async_copy(
                g_hbm.at[isrc_v.at[0, pl.ds(hh * _SR, _SR)]],
                buf.at[pl.ds(hh * _SR, _SR)],
                sem,
            ).wait()

    def wait_scatter(buf, sem):
        pltpu.make_async_copy(buf, shared.at[idst_v.at[0]], sem).wait()

    for half in range(2):
        base = gbase + half * _HALF
        pltpu.sync_copy(src2_hbm.at[pl.ds(base, _HALF)], isrc_v)
        pltpu.sync_copy(dst2_hbm.at[pl.ds(base, _HALF)], idst_v)
        start_gather(0, rows_a, sem_ga)

        @pl.loop(0, _HALF // 2)
        def _(i):
            j = 2 * i
            wait_gather(rows_a, sem_ga)

            @pl.when(i >= 1)
            def _():
                wait_scatter(rows_b, sem_sb)

            start_gather(j + 1, rows_b, sem_gb)
            pltpu.async_copy(rows_a, shared.at[idst_v.at[j]], sem_sa, add=True)
            wait_gather(rows_b, sem_gb)
            wait_scatter(rows_a, sem_sa)

            @pl.when(j + 2 < _HALF)
            def _():
                start_gather(j + 2, rows_a, sem_ga)

            pltpu.async_copy(rows_b, shared.at[idst_v.at[j + 1]], sem_sb, add=True)

        wait_scatter(rows_b, sem_sb)

    plsc.subcore_barrier()

    @pl.loop(0, ROWS_PER_TILE // 128)
    def _(i):
        sl = pl.ds(s * ROWS_PER_TILE + i * 128, 128)
        pltpu.sync_copy(shared.at[sl], acc_hbm.at[c, sl])


def _msg(g, src2, dst2):
    f = functools.partial(
        pl.kernel,
        out_type=jax.ShapeDtypeStruct((NC, NP, D), jnp.float32),
        mesh=_mesh(),
        scratch_types=[
            pltpu.VMEM((_HALF, 128), jnp.int32),
            pltpu.VMEM((_HALF, 128), jnp.int32),
            pltpu.VMEM((128, D), jnp.float32),
            pltpu.VMEM((128, D), jnp.float32),
            pltpu.VMEM_SHARED((NP, D), jnp.float32),
            pltpu.SemaphoreType.DMA,
            pltpu.SemaphoreType.DMA,
            pltpu.SemaphoreType.DMA,
            pltpu.SemaphoreType.DMA,
        ],
    )(_msg_body)
    return f(g, src2, dst2)


_SCH = 48
_SNC = G_S // _SCH


def _score_body(p_hbm, q_hbm, a2_hbm, b2_hbm, adj_hbm,
                p_v, q_v, ia0, ib0, ia1, ib1, out0, out1, semp, semi, semo):
    c = lax.axis_index("c")
    s = lax.axis_index("s")
    gbase = (c * NS + s) * G_S
    ia = (ia0, ia1)
    ib = (ib0, ib1)
    ob = (out0, out1)
    pltpu.async_copy(p_hbm, p_v, semp)
    pltpu.async_copy(q_hbm, q_v, semp)
    pltpu.async_copy(a2_hbm.at[pl.ds(gbase, _SCH)], ia0, semi)
    pltpu.async_copy(b2_hbm.at[pl.ds(gbase, _SCH)], ib0, semi)
    pltpu.make_async_copy(p_hbm, p_v, semp).wait()
    pltpu.make_async_copy(q_hbm, q_v, semp).wait()

    for ci in range(_SNC):
        cur = ci % 2
        nxt = (ci + 1) % 2
        iac, ibc, obc = ia[cur], ib[cur], ob[cur]
        pltpu.make_async_copy(a2_hbm.at[pl.ds(gbase, _SCH)], iac, semi).wait()
        pltpu.make_async_copy(b2_hbm.at[pl.ds(gbase, _SCH)], ibc, semi).wait()
        if ci + 1 < _SNC:
            nbase = gbase + (ci + 1) * _SCH
            pltpu.async_copy(a2_hbm.at[pl.ds(nbase, _SCH)], ia[nxt], semi)
            pltpu.async_copy(b2_hbm.at[pl.ds(nbase, _SCH)], ib[nxt], semi)
        if ci >= 2:
            pltpu.make_async_copy(obc, adj_hbm.at[pl.ds(gbase, _SCH)], semo).wait()

        @pl.loop(0, _SCH)
        def _(j):
            for k in range(128 // L):
                sl = pl.ds(k * L, L)
                va = plsc.load_gather(p_v, [iac[j, sl]])
                vb = plsc.load_gather(q_v, [ibc[j, sl]])
                obc[j, sl] = va + vb

        pltpu.async_copy(obc, adj_hbm.at[pl.ds(gbase + ci * _SCH, _SCH)], semo)

    pltpu.make_async_copy(out0, adj_hbm.at[pl.ds(gbase, _SCH)], semo).wait()
    pltpu.make_async_copy(out1, adj_hbm.at[pl.ds(gbase, _SCH)], semo).wait()


def _score(p, q, a2, b2):
    cp = pltpu.CompilerParams()
    if "needs_layout_passes" in pltpu.CompilerParams.__dataclass_fields__:
        cp = dataclasses.replace(cp, needs_layout_passes=False)
    f = functools.partial(
        pl.kernel,
        out_type=jax.ShapeDtypeStruct((S_PAD // 128, 128), jnp.float32),
        mesh=_mesh(),
        compiler_params=cp,
        scratch_types=[
            pltpu.VMEM((N,), jnp.float32),
            pltpu.VMEM((N,), jnp.float32),
            pltpu.VMEM((_SCH, 128), jnp.int32),
            pltpu.VMEM((_SCH, 128), jnp.int32),
            pltpu.VMEM((_SCH, 128), jnp.int32),
            pltpu.VMEM((_SCH, 128), jnp.int32),
            pltpu.VMEM((_SCH, 128), jnp.float32),
            pltpu.VMEM((_SCH, 128), jnp.float32),
            pltpu.SemaphoreType.DMA,
            pltpu.SemaphoreType.DMA,
            pltpu.SemaphoreType.DMA,
        ],
    )(_score_body)
    return f(p, q, a2, b2)


_BLK = 2000
_SROWS = S // 128


def _sig_body(s_ref, o_ref):
    o_ref[...] = jax.nn.sigmoid(s_ref[...])


def _sig(sraw):
    rows = S_PAD // 128
    return pl.pallas_call(
        _sig_body,
        grid=(5,),
        in_specs=[pl.BlockSpec((rows // 5, 128), lambda i: (i, 0))],
        out_specs=pl.BlockSpec((rows // 5, 128), lambda i: (i, 0)),
        out_shape=jax.ShapeDtypeStruct((rows, 128), jnp.float32),
    )(sraw)


def _mm_body(x_ref, w_ref, o_ref):
    o_ref[...] = jnp.dot(x_ref[...], w_ref[...], preferred_element_type=jnp.float32)


def _mm(x, w):
    return pl.pallas_call(
        _mm_body,
        grid=(N // _BLK,),
        in_specs=[
            pl.BlockSpec((_BLK, D), lambda i: (i, 0)),
            pl.BlockSpec((D, D), lambda i: (0, 0)),
        ],
        out_specs=pl.BlockSpec((_BLK, D), lambda i: (i, 0)),
        out_shape=jax.ShapeDtypeStruct((N, D), jnp.float32),
    )(x, w)


def _gscale_body(h_ref, d0_ref, d1_ref, g_ref, dinv_ref):
    deg = d0_ref[...] + d1_ref[...] + 1.0
    dinv = lax.rsqrt(deg)
    dinv_ref[...] = dinv
    g_ref[...] = h_ref[...] * dinv


def _gscale(h, d0, d1):
    return pl.pallas_call(
        _gscale_body,
        grid=(N // _BLK,),
        in_specs=[
            pl.BlockSpec((_BLK, D), lambda i: (i, 0)),
            pl.BlockSpec((_BLK, 1), lambda i: (i, 0)),
            pl.BlockSpec((_BLK, 1), lambda i: (i, 0)),
        ],
        out_specs=[
            pl.BlockSpec((_BLK, D), lambda i: (i, 0)),
            pl.BlockSpec((_BLK, 1), lambda i: (i, 0)),
        ],
        out_shape=[
            jax.ShapeDtypeStruct((N, D), jnp.float32),
            jax.ShapeDtypeStruct((N, 1), jnp.float32),
        ],
    )(h, d0, d1)


def _head_body(a0_ref, a1_ref, h_ref, dinv_ref, b1_ref, wm1_ref, bm1_ref,
               wm2_ref, bm2_ref, wa1_ref, wa2_ref, ba_ref,
               f_ref, p_ref, q_ref):
    dinv = dinv_ref[...]
    out = dinv * (a0_ref[...] + a1_ref[...]) + (dinv * dinv) * h_ref[...] + b1_ref[...]
    t = jnp.maximum(
        jnp.dot(out, wm1_ref[...], preferred_element_type=jnp.float32) + bm1_ref[...],
        0.0,
    )
    f_ref[...] = jax.nn.sigmoid(
        jnp.dot(t, wm2_ref[...], preferred_element_type=jnp.float32) + bm2_ref[...]
    )
    p_ref[...] = jnp.dot(out, wa1_ref[...], preferred_element_type=jnp.float32) + ba_ref[0, 0]
    q_ref[...] = jnp.dot(out, wa2_ref[...], preferred_element_type=jnp.float32)


def _head(a0, a1, h, dinv, b1, wm1, bm1, wm2, bm2, wa1, wa2, ba):
    full = lambda shape: pl.BlockSpec(shape, lambda i: tuple(0 for _ in shape))
    return pl.pallas_call(
        _head_body,
        grid=(N // _BLK,),
        in_specs=[
            pl.BlockSpec((_BLK, D), lambda i: (i, 0)),
            pl.BlockSpec((_BLK, D), lambda i: (i, 0)),
            pl.BlockSpec((_BLK, D), lambda i: (i, 0)),
            pl.BlockSpec((_BLK, 1), lambda i: (i, 0)),
            full((1, D)),
            full((D, D)),
            full((1, D)),
            full((D, D)),
            full((1, D)),
            full((D, 1)),
            full((D, 1)),
            full((1, 1)),
        ],
        out_specs=[
            pl.BlockSpec((_BLK, D), lambda i: (i, 0)),
            pl.BlockSpec((_BLK, 1), lambda i: (i, 0)),
            pl.BlockSpec((_BLK, 1), lambda i: (i, 0)),
        ],
        out_shape=[
            jax.ShapeDtypeStruct((N, D), jnp.float32),
            jax.ShapeDtypeStruct((N, 1), jnp.float32),
            jax.ShapeDtypeStruct((N, 1), jnp.float32),
        ],
    )(a0, a1, h, dinv, b1, wm1, bm1, wm2, bm2, wa1, wa2, ba)


def kernel(x, edge_index, k_hop_edge_index, neg_adj, W1, b1, Wm1, bm1, Wm2, bm2, Wa, ba):
    src = edge_index[0]
    dst = edge_index[1]
    epad = E_PAD - E
    pad_src = jnp.arange(epad, dtype=jnp.int32) % N
    pad_dst = N + jnp.arange(epad, dtype=jnp.int32) % (NP - N)
    src2 = jnp.concatenate([src, pad_src]).reshape(-1, 128)
    dst2 = jnp.concatenate([dst, pad_dst]).reshape(-1, 128)
    spad = S_PAD - S
    pad_ab = jnp.arange(spad, dtype=jnp.int32) % N
    a2 = jnp.concatenate(
        [k_hop_edge_index[0], neg_adj[:, 0], pad_ab]
    ).reshape(-1, 128)
    b2 = jnp.concatenate(
        [k_hop_edge_index[1], neg_adj[:, 1], pad_ab]
    ).reshape(-1, 128)

    h = _mm(x, W1)
    deg_parts = _deg(dst2)
    d0 = deg_parts[0].reshape(NP, 1)
    d1 = deg_parts[1].reshape(NP, 1)
    g, dinv = _gscale(h, d0[:N], d1[:N])
    acc = _msg(g, src2, dst2)
    f, p, q = _head(
        acc[0], acc[1], h, dinv,
        b1.reshape(1, D), Wm1, bm1.reshape(1, D), Wm2, bm2.reshape(1, D),
        Wa[:D], Wa[D:], ba.reshape(1, 1),
    )
    sraw = _score(p.reshape(-1), q.reshape(-1), a2, b2)
    adj_out = _sig(sraw).reshape(-1)[:S]
    return f, adj_out

# --- scband reference (transcript-rebuilt; emitter-appended) ---
"""Pipeline reference for scband-mask-generator-72035191489122 (READ-ONLY COPY).

The authoritative reference and input builder live on the scoring server;
editing this copy changes nothing except your own understanding.
"""

import jax, jax.numpy as jnp
import numpy as np

N_NODES = 10000
D_FEAT = 128
NHID = 128
N_EDGES = 320000
N_KHOP = 640000
N_NEG = 320000


def setup_inputs(seed: int = 0) -> dict:
    key = jax.random.key(seed)
    ks = jax.random.split(key, 12)
    x = jax.random.normal(ks[0], (N_NODES, D_FEAT), dtype=jnp.float32)
    edge_index = jax.random.randint(ks[1], (2, N_EDGES), 0, N_NODES, dtype=jnp.int32)
    k_hop_edge_index = jax.random.randint(ks[2], (2, N_KHOP), 0, N_NODES, dtype=jnp.int32)
    neg_adj = jax.random.randint(ks[3], (N_NEG, 2), 0, N_NODES, dtype=jnp.int32)
    # GCNConv(D_FEAT, NHID) parameters
    W1 = jax.random.normal(ks[4], (D_FEAT, NHID), dtype=jnp.float32) * (1.0 / np.sqrt(D_FEAT))
    b1 = jnp.zeros((NHID,), dtype=jnp.float32)
    # mlp: Linear(NHID, NHID) -> ReLU -> Linear(NHID, D_FEAT) -> Sigmoid
    Wm1 = jax.random.normal(ks[5], (NHID, NHID), dtype=jnp.float32) * (1.0 / np.sqrt(NHID))
    bm1 = jnp.zeros((NHID,), dtype=jnp.float32)
    Wm2 = jax.random.normal(ks[6], (NHID, D_FEAT), dtype=jnp.float32) * (1.0 / np.sqrt(NHID))
    bm2 = jnp.zeros((D_FEAT,), dtype=jnp.float32)
    # adj_lin: Linear(2*NHID, 1)
    Wa = jax.random.normal(ks[7], (2 * NHID, 1), dtype=jnp.float32) * (1.0 / np.sqrt(2 * NHID))
    ba = jnp.zeros((1,), dtype=jnp.float32)
    return {"x": x, "edge_index": edge_index, "k_hop_edge_index": k_hop_edge_index,
            "neg_adj": neg_adj, "W1": W1, "b1": b1, "Wm1": Wm1, "bm1": bm1,
            "Wm2": Wm2, "bm2": bm2, "Wa": Wa, "ba": ba}


def gcn_conv(x, edge_index, W, b, num_nodes):
    # GCNConv with added self loops and symmetric normalization
    loop = jnp.arange(num_nodes, dtype=edge_index.dtype)
    src = jnp.concatenate([edge_index[0], loop])
    dst = jnp.concatenate([edge_index[1], loop])
    h = x @ W
    deg = jax.ops.segment_sum(jnp.ones_like(dst, dtype=jnp.float32), dst, num_segments=num_nodes)
    dinv = jnp.where(deg > 0, jax.lax.rsqrt(jnp.maximum(deg, 1e-12)), 0.0)
    norm = dinv[src] * dinv[dst]
    msg = h[src] * norm[:, None]
    out = jax.ops.segment_sum(msg, dst, num_segments=num_nodes)
    return out + b


def reference(x, edge_index, k_hop_edge_index, neg_adj, W1, b1, Wm1, bm1, Wm2, bm2, Wa, ba):
    out = gcn_conv(x, edge_index, W1, b1, N_NODES)
    feature_out = jax.nn.sigmoid(jax.nn.relu(out @ Wm1 + bm1) @ Wm2 + bm2)
    # dropout p=0.0 -> identity (eval-equivalent)
    concat_out = out[k_hop_edge_index.T].reshape(k_hop_edge_index.shape[1], -1)
    neg_out = out[neg_adj].reshape(neg_adj.shape[0], -1)
    adj = jnp.concatenate([concat_out, neg_out], axis=0)
    adj_out = jax.nn.sigmoid(adj @ Wa + ba).squeeze(axis=1)
    return (feature_out, adj_out)

if __name__ == "__main__":
    import jax
    _d = setup_inputs()
    print(jax.jit(kernel)(*tuple(_d.values())))

</pallas_src>

<mosaic_0001>
#map = affine_map<(d0, d1) -> (0, 0)>
#map1 = affine_map<(d0, d1) -> (0, 0, 0)>
module attributes {stable_mosaic.version = 14 : i64} {
  func.func @_msg_body(%arg0: i32, %arg1: i32, %arg2: memref<10000x128xf32, #tpu.memory_space<hbm>>, %arg3: memref<2560x128xi32, #tpu.memory_space<hbm>>, %arg4: memref<2560x128xi32, #tpu.memory_space<hbm>>, %arg5: memref<2x10240x128xf32, #tpu.memory_space<hbm>>, %arg6: memref<40x128xi32, #tpu.memory_space<vmem>>, %arg7: memref<40x128xi32, #tpu.memory_space<vmem>>, %arg8: memref<128x128xf32, #tpu.memory_space<vmem>>, %arg9: memref<128x128xf32, #tpu.memory_space<vmem>>, %arg10: memref<10240x128xf32, #tpu.memory_space<vmem_shared>>, %arg11: memref<!tpu.dma_semaphore, #tpu.memory_space<semaphore_mem>>, %arg12: memref<!tpu.dma_semaphore, #tpu.memory_space<semaphore_mem>>, %arg13: memref<!tpu.dma_semaphore, #tpu.memory_space<semaphore_mem>>, %arg14: memref<!tpu.dma_semaphore, #tpu.memory_space<semaphore_mem>>) attributes {dimension_semantics = [#tpu.dimension_semantics<core_parallel>, #tpu.dimension_semantics<subcore_parallel>], iteration_bounds = array<i64: 2, 16>, scalar_prefetch = 0 : i64, scratch_operands = 9 : i64, tpu.core_type = #tpu.core_type<sc_vector_subcore>, window_params = [{transform_indices = #map}, {transform_indices = #map}, {transform_indices = #map}, {transform_indices = #map1}]} {
    %scan3A = arith.constant 0 : i32
    %scan3A_0 = arith.constant 128 : i32
    %scan3A_1 = arith.addi %scan3A, %scan3A_0 : i32
    %scan3A_2 = arith.constant 1 : i32
    scf.for %scan3A_124 = %scan3A to %scan3A_1 step %scan3A_2  : i32 {
      %mul3A_125 = arith.constant 1 : i32
      %mul3A_126 = arith.muli %scan3A_124, %mul3A_125 : i32
      %add3A_127 = arith.constant 0 : i32
      %add3A_128 = arith.addi %add3A_127, %mul3A_126 : i32
      %scan3A_129 = arith.constant 0 : i32
      %scan3A_130 = arith.constant 8 : i32
      %scan3A_131 = arith.addi %scan3A_129, %scan3A_130 : i32
      %scan3A_132 = arith.constant 1 : i32
      scf.for %scan3A_134 = %scan3A_129 to %scan3A_131 step %scan3A_132  : i32 {
        %mul3A_135 = arith.constant 1 : i32
        %mul3A_136 = arith.muli %scan3A_134, %mul3A_135 : i32
        %add3A_137 = arith.constant 0 : i32
        %add3A_138 = arith.addi %add3A_137, %mul3A_136 : i32
        %broadcast_in_dim3A = arith.constant 0.000000e+00 : f32
        %broadcast_in_dim3A_139 = vector.broadcast %broadcast_in_dim3A : f32 to vector<16xf32>
        %mul3A_140 = arith.constant 16 : i32
        %mul3A_141 = arith.muli %add3A_138, %mul3A_140 : i32
        %swap3A = arith.index_cast %add3A_128 : i32 to index
        %swap3A_142 = arith.index_cast %mul3A_141 : i32 to index
        %swap3A_143 = tpu.vector_load %arg8[%swap3A, %swap3A_142] {strides = array<i32>} : memref<128x128xf32, #tpu.memory_space<vmem>>, vector<1x16xf32>,
        %swap3A_144 = vector.shape_cast %swap3A_143 : vector<1x16xf32> to vector<16xf32>
        %swap3A_145 = vector.shape_cast %broadcast_in_dim3A_139 : vector<16xf32> to vector<1x16xf32>
        tpu.vector_store %arg8[%swap3A, %swap3A_142], %swap3A_145 {strides = array<i32>} : memref<128x128xf32, #tpu.memory_space<vmem>>, vector<1x16xf32>,
      }
      %scan3A_133 = arith.constant 8 : i32
    }
    %scan3A_3 = arith.constant 128 : i32
    %scan3A_4 = arith.constant 0 : i32
    %scan3A_5 = arith.constant 5 : i32
    %scan3A_6 = arith.addi %scan3A_4, %scan3A_5 : i32
    %scan3A_7 = arith.constant 1 : i32
    scf.for %scan3A_124 = %scan3A_4 to %scan3A_6 step %scan3A_7  : i32 {
      %mul3A_125 = arith.constant 1 : i32
      %mul3A_126 = arith.muli %scan3A_124, %mul3A_125 : i32
      %add3A_127 = arith.constant 0 : i32
      %add3A_128 = arith.addi %add3A_127, %mul3A_126 : i32
      %mul3A_129 = arith.constant 640 : i32
      %mul3A_130 = arith.muli %arg1, %mul3A_129 : i32
      %mul3A_131 = arith.constant 128 : i32
      %mul3A_132 = arith.muli %add3A_128, %mul3A_131 : i32
      %add3A_133 = arith.addi %mul3A_130, %mul3A_132 : i32
      "tpu.region"() ({
        %run_scoped3A = tpu.sem_alloc : memref<!tpu.dma_semaphore, #tpu.memory_space<semaphore_mem>>
        %dma_start3A_134 = arith.constant 0 : i32
        %dma_start3A_135 = tpu.memref_slice %arg10[%add3A_133, %dma_start3A_134] : memref<10240x128xf32, #tpu.memory_space<vmem_shared>> -> memref<128x128xf32, #tpu.memory_space<vmem_shared>>
        %dma_start3A_136 = arith.constant 0 : i32
        %dma_start3A_137 = tpu.memref_slice %arg10[%add3A_133, %dma_start3A_136] : memref<10240x128xf32, #tpu.memory_space<vmem_shared>> -> memref<128x128xf32, #tpu.memory_space<vmem_shared>>
        tpu.enqueue_dma source(%arg8 : memref<128x128xf32, #tpu.memory_space<vmem>>) target(%dma_start3A_137 : memref<128x128xf32, #tpu.memory_space<vmem_shared>>) target_semaphore(%run_scoped3A : memref<!tpu.dma_semaphore, #tpu.memory_space<semaphore_mem>>)
        %dma_wait3A_138 = arith.constant 0 : i32
        %dma_wait3A_139 = tpu.memref_slice %arg10[%add3A_133, %dma_wait3A_138] : memref<10240x128xf32, #tpu.memory_space<vmem_shared>> -> memref<128x128xf32, #tpu.memory_space<vmem_shared>>
        %dma_wait3A_140 = arith.constant 0 : i32
        %dma_wait3A_141 = tpu.memref_slice %arg10[%add3A_133, %dma_wait3A_140] : memref<10240x128xf32, #tpu.memory_space<vmem_shared>> -> memref<128x128xf32, #tpu.memory_space<vmem_shared>>
        tpu.wait_dma2 semaphore(%run_scoped3A : memref<!tpu.dma_semaphore, #tpu.memory_space<semaphore_mem>>) src(%arg8 : memref<128x128xf32, #tpu.memory_space<vmem>>) dst(%dma_wait3A_141 : memref<128x128xf32, #tpu.memory_space<vmem_shared>>)
        tpu.yield
      }) : () -> ()
    }
    %scan3A_8 = arith.constant 5 : i32
    %barrier3A = arith.constant 0 : index
    tpu.barrier barrier_id(%barrier3A)
    %mul3A = arith.constant 16 : i32
    %mul3A_9 = arith.muli %arg0, %mul3A : i32
    %add3A = arith.addi %mul3A_9, %arg1 : i32
    %mul3A_10 = arith.constant 80 : i32
    %mul3A_11 = arith.muli %add3A, %mul3A_10 : i32
    %add3A_12 = arith.constant 0 : i32
    %add3A_13 = arith.addi %mul3A_11, %add3A_12 : i32
    "tpu.region"() ({
      %run_scoped3A = tpu.sem_alloc : memref<!tpu.dma_semaphore, #tpu.memory_space<semaphore_mem>>
      %dma_start3A_124 = arith.constant 0 : i32
      %dma_start3A_125 = tpu.memref_slice %arg3[%add3A_13, %dma_start3A_124] : memref<2560x128xi32, #tpu.memory_space<hbm>> -> memref<40x128xi32, #tpu.memory_space<hbm>>
      %dma_start3A_126 = arith.constant 0 : i32
      %dma_start3A_127 = tpu.memref_slice %arg3[%add3A_13, %dma_start3A_126] : memref<2560x128xi32, #tpu.memory_space<hbm>> -> memref<40x128xi32, #tpu.memory_space<hbm>>
      tpu.enqueue_dma source(%dma_start3A_127 : memref<40x128xi32, #tpu.memory_space<hbm>>) target(%arg6 : memref<40x128xi32, #tpu.memory_space<vmem>>) target_semaphore(%run_scoped3A : memref<!tpu.dma_semaphore, #tpu.memory_space<semaphore_mem>>)
      %dma_wait3A_128 = arith.constant 0 : i32
      %dma_wait3A_129 = tpu.memref_slice %arg3[%add3A_13, %dma_wait3A_128] : memref<2560x128xi32, #tpu.memory_space<hbm>> -> memref<40x128xi32, #tpu.memory_space<hbm>>
      %dma_wait3A_130 = arith.constant 0 : i32
      %dma_wait3A_131 = tpu.memref_slice %arg3[%add3A_13, %dma_wait3A_130] : memref<2560x128xi32, #tpu.memory_space<hbm>> -> memref<40x128xi32, #tpu.memory_space<hbm>>
      tpu.wait_dma2 semaphore(%run_scoped3A : memref<!tpu.dma_semaphore, #tpu.memory_space<semaphore_mem>>) src(%dma_wait3A_131 : memref<40x128xi32, #tpu.memory_space<hbm>>) dst(%arg6 : memref<40x128xi32, #tpu.memory_space<vmem>>)
      tpu.yield
    }) : () -> ()
    "tpu.region"() ({
      %run_scoped3A = tpu.sem_alloc : memref<!tpu.dma_semaphore, #tpu.memory_space<semaphore_mem>>
      %dma_start3A_124 = arith.constant 0 : i32
      %dma_start3A_125 = tpu.memref_slice %arg4[%add3A_13, %dma_start3A_124] : memref<2560x128xi32, #tpu.memory_space<hbm>> -> memref<40x128xi32, #tpu.memory_space<hbm>>
      %dma_start3A_126 = arith.constant 0 : i32
      %dma_start3A_127 = tpu.memref_slice %arg4[%add3A_13, %dma_start3A_126] : memref<2560x128xi32, #tpu.memory_space<hbm>> -> memref<40x128xi32, #tpu.memory_space<hbm>>
      tpu.enqueue_dma source(%dma_start3A_127 : memref<40x128xi32, #tpu.memory_space<hbm>>) target(%arg7 : memref<40x128xi32, #tpu.memory_space<vmem>>) target_semaphore(%run_scoped3A : memref<!tpu.dma_semaphore, #tpu.memory_space<semaphore_mem>>)
      %dma_wait3A_128 = arith.constant 0 : i32
      %dma_wait3A_129 = tpu.memref_slice %arg4[%add3A_13, %dma_wait3A_128] : memref<2560x128xi32, #tpu.memory_space<hbm>> -> memref<40x128xi32, #tpu.memory_space<hbm>>
      %dma_wait3A_130 = arith.constant 0 : i32
      %dma_wait3A_131 = tpu.memref_slice %arg4[%add3A_13, %dma_wait3A_130] : memref<2560x128xi32, #tpu.memory_space<hbm>> -> memref<40x128xi32, #tpu.memory_space<hbm>>
      tpu.wait_dma2 semaphore(%run_scoped3A : memref<!tpu.dma_semaphore, #tpu.memory_space<semaphore_mem>>) src(%dma_wait3A_131 : memref<40x128xi32, #tpu.memory_space<hbm>>) dst(%arg7 : memref<40x128xi32, #tpu.memory_space<vmem>>)
      tpu.yield
    }) : () -> ()
    %dma_start3A = arith.constant 0 : i32
    %dma_start3A_14 = arith.constant 0 : i32
    %dma_start3A_15 = arith.constant 0 : i32
    %dma_start3A_16 = tpu.memref_slice %arg8[%dma_start3A_14, %dma_start3A_15] : memref<128x128xf32, #tpu.memory_space<vmem>> -> memref<32x128xf32, #tpu.memory_space<vmem>>
    %dma_start3A_17 = arith.constant 0 : i32
    %dma_start3A_18 = tpu.memref_slice %arg6[%dma_start3A, %dma_start3A_17] : memref<40x128xi32, #tpu.memory_space<vmem>> -> memref<1x32xi32, #tpu.memory_space<vmem>>
    %dma_start3A_19 = tpu.memref_squeeze %dma_start3A_18 : memref<1x32xi32, #tpu.memory_space<vmem>> -> memref<32xi32, #tpu.memory_space<vmem>>
    %dma_start3A_20 = arith.constant 0 : i32
    %dma_start3A_21 = arith.constant 0 : i32
    %dma_start3A_22 = tpu.memref_slice %arg2[%dma_start3A_20, %dma_start3A_21] : memref<10000x128xf32, #tpu.memory_space<hbm>> -> memref<10000x128xf32, #tpu.memory_space<hbm>>
    tpu.enqueue_indirect_dma source(%dma_start3A_22 : memref<10000x128xf32, #tpu.memory_space<hbm>>) target(%dma_start3A_16 : memref<32x128xf32, #tpu.memory_space<vmem>>) offsets(%dma_start3A_19 : memref<32xi32, #tpu.memory_space<vmem>>) semaphore(%arg11 : memref<!tpu.dma_semaphore, #tpu.memory_space<semaphore_mem>>)
    %dma_start3A_23 = arith.constant 0 : i32
    %dma_start3A_24 = arith.constant 32 : i32
    %dma_start3A_25 = arith.constant 0 : i32
    %dma_start3A_26 = tpu.memref_slice %arg8[%dma_start3A_24, %dma_start3A_25] : memref<128x128xf32, #tpu.memory_space<vmem>> -> memref<32x128xf32, #tpu.memory_space<vmem>>
    %dma_start3A_27 = arith.constant 32 : i32
    %dma_start3A_28 = tpu.memref_slice %arg6[%dma_start3A_23, %dma_start3A_27] : memref<40x128xi32, #tpu.memory_space<vmem>> -> memref<1x32xi32, #tpu.memory_space<vmem>>
    %dma_start3A_29 = tpu.memref_squeeze %dma_start3A_28 : memref<1x32xi32, #tpu.memory_space<vmem>> -> memref<32xi32, #tpu.memory_space<vmem>>
    %dma_start3A_30 = arith.constant 0 : i32
    %dma_start3A_31 = arith.constant 0 : i32
    %dma_start3A_32 = tpu.memref_slice %arg2[%dma_start3A_30, %dma_start3A_31] : memref<10000x128xf32, #tpu.memory_space<hbm>> -> memref<10000x128xf32, #tpu.memory_space<hbm>>
    tpu.enqueue_indirect_dma source(%dma_start3A_32 : memref<10000x128xf32, #tpu.memory_space<hbm>>) target(%dma_start3A_26 : memref<32x128xf32, #tpu.memory_space<vmem>>) offsets(%dma_start3A_29 : memref<32xi32, #tpu.memory_space<vmem>>) semaphore(%arg11 : memref<!tpu.dma_semaphore, #tpu.memory_space<semaphore_mem>>)
    %dma_start3A_33 = arith.constant 0 : i32
    %dma_start3A_34 = arith.constant 64 : i32
    %dma_start3A_35 = arith.constant 0 : i32
    %dma_start3A_36 = tpu.memref_slice %arg8[%dma_start3A_34, %dma_start3A_35] : memref<128x128xf32, #tpu.memory_space<vmem>> -> memref<32x128xf32, #tpu.memory_space<vmem>>
    %dma_start3A_37 = arith.constant 64 : i32
    %dma_start3A_38 = tpu.memref_slice %arg6[%dma_start3A_33, %dma_start3A_37] : memref<40x128xi32, #tpu.memory_space<vmem>> -> memref<1x32xi32, #tpu.memory_space<vmem>>
    %dma_start3A_39 = tpu.memref_squeeze %dma_start3A_38 : memref<1x32xi32, #tpu.memory_space<vmem>> -> memref<32xi32, #tpu.memory_space<vmem>>
    %dma_start3A_40 = arith.constant 0 : i32
    %dma_start3A_41 = arith.constant 0 : i32
    %dma_start3A_42 = tpu.memref_slice %arg2[%dma_start3A_40, %dma_start3A_41] : memref<10000x128xf32, #tpu.memory_space<hbm>> -> memref<10000x128xf32, #tpu.memory_space<hbm>>
    tpu.enqueue_indirect_dma source(%dma_start3A_42 : memref<10000x128xf32, #tpu.memory_space<hbm>>) target(%dma_start3A_36 : memref<32x128xf32, #tpu.memory_space<vmem>>) offsets(%dma_start3A_39 : memref<32xi32, #tpu.memory_space<vmem>>) semaphore(%arg11 : memref<!tpu.dma_semaphore, #tpu.memory_space<semaphore_mem>>)
    %dma_start3A_43 = arith.constant 0 : i32
    %dma_start3A_44 = arith.constant 96 : i32
    %dma_start3A_45 = arith.constant 0 : i32
    %dma_start3A_46 = tpu.memref_slice %arg8[%dma_start3A_44, %dma_start3A_45] : memref<128x128xf32, #tpu.memory_space<vmem>> -> memref<32x128xf32, #tpu.memory_space<vmem>>
    %dma_start3A_47 = arith.constant 96 : i32
    %dma_start3A_48 = tpu.memref_slice %arg6[%dma_start3A_43, %dma_start3A_47] : memref<40x128xi32, #tpu.memory_space<vmem>> -> memref<1x32xi32, #tpu.memory_space<vmem>>
    %dma_start3A_49 = tpu.memref_squeeze %dma_start3A_48 : memref<1x32xi32, #tpu.memory_space<vmem>> -> memref<32xi32, #tpu.memory_space<vmem>>
    %dma_start3A_50 = arith.constant 0 : i32
    %dma_start3A_51 = arith.constant 0 : i32
    %dma_start3A_52 = tpu.memref_slice %arg2[%dma_start3A_50, %dma_start3A_51] : memref<10000x128xf32, #tpu.memory_space<hbm>> -> memref<10000x128xf32, #tpu.memory_space<hbm>>
    tpu.enqueue_indirect_dma source(%dma_start3A_52 : memref<10000x128xf32, #tpu.memory_space<hbm>>) target(%dma_start3A_46 : memref<32x128xf32, #tpu.memory_space<vmem>>) offsets(%dma_start3A_49 : memref<32xi32, #tpu.memory_space<vmem>>) semaphore(%arg11 : memref<!tpu.dma_semaphore, #tpu.memory_space<semaphore_mem>>)
    %scan3A_53 = arith.constant 0 : i32
    %scan3A_54 = arith.constant 20 : i32
    %scan3A_55 = arith.addi %scan3A_53, %scan3A_54 : i32
    %scan3A_56 = arith.constant 1 : i32
    scf.for %scan3A_124 = %scan3A_53 to %scan3A_55 step %scan3A_56  : i32 {
      %mul3A_125 = arith.constant 1 : i32
      %mul3A_126 = arith.muli %scan3A_124, %mul3A_125 : i32
      %add3A_127 = arith.constant 0 : i32
      %add3A_128 = arith.addi %add3A_127, %mul3A_126 : i32
      %mul3A_129 = arith.constant 2 : i32
      %mul3A_130 = arith.muli %mul3A_129, %add3A_128 : i32
      %dma_wait3A_131 = arith.constant 0 : i32
      %dma_wait3A_132 = arith.constant 0 : i32
      %dma_wait3A_133 = arith.constant 0 : i32
      %dma_wait3A_134 = tpu.memref_slice %arg8[%dma_wait3A_132, %dma_wait3A_133] : memref<128x128xf32, #tpu.memory_space<vmem>> -> memref<32x128xf32, #tpu.memory_space<vmem>>
      %dma_wait3A_135 = arith.constant 0 : i32
      %dma_wait3A_136 = tpu.memref_slice %arg6[%dma_wait3A_131, %dma_wait3A_135] : memref<40x128xi32, #tpu.memory_space<vmem>> -> memref<1x32xi32, #tpu.memory_space<vmem>>
      %dma_wait3A_137 = tpu.memref_squeeze %dma_wait3A_136 : memref<1x32xi32, #tpu.memory_space<vmem>> -> memref<32xi32, #tpu.memory_space<vmem>>
      %dma_wait3A_138 = arith.constant 0 : i32
      %dma_wait3A_139 = arith.constant 0 : i32
      %dma_wait3A_140 = tpu.memref_slice %arg2[%dma_wait3A_138, %dma_wait3A_139] : memref<10000x128xf32, #tpu.memory_space<hbm>> -> memref<10000x128xf32, #tpu.memory_space<hbm>>
      tpu.wait_indirect_dma semaphore(%arg11 : memref<!tpu.dma_semaphore, #tpu.memory_space<semaphore_mem>>) src(%dma_wait3A_140 : memref<10000x128xf32, #tpu.memory_space<hbm>>) dst(%dma_wait3A_134 : memref<32x128xf32, #tpu.memory_space<vmem>>)
      %dma_wait3A_141 = arith.constant 0 : i32
      %dma_wait3A_142 = arith.constant 32 : i32
      %dma_wait3A_143 = arith.constant 0 : i32
      %dma_wait3A_144 = tpu.memref_slice %arg8[%dma_wait3A_142, %dma_wait3A_143] : memref<128x128xf32, #tpu.memory_space<vmem>> -> memref<32x128xf32, #tpu.memory_space<vmem>>
      %dma_wait3A_145 = arith.constant 32 : i32
      %dma_wait3A_146 = tpu.memref_slice %arg6[%dma_wait3A_141, %dma_wait3A_145] : memref<40x128xi32, #tpu.memory_space<vmem>> -> memref<1x32xi32, #tpu.memory_space<vmem>>
      %dma_wait3A_147 = tpu.memref_squeeze %dma_wait3A_146 : memref<1x32xi32, #tpu.memory_space<vmem>> -> memref<32xi32, #tpu.memory_space<vmem>>
      %dma_wait3A_148 = arith.constant 0 : i32
      %dma_wait3A_149 = arith.constant 0 : i32
      %dma_wait3A_150 = tpu.memref_slice %arg2[%dma_wait3A_148, %dma_wait3A_149] : memref<10000x128xf32, #tpu.memory_space<hbm>> -> memref<10000x128xf32, #tpu.memory_space<hbm>>
      tpu.wait_indirect_dma semaphore(%arg11 : memref<!tpu.dma_semaphore, #tpu.memory_space<semaphore_mem>>) src(%dma_wait3A_150 : memref<10000x128xf32, #tpu.memory_space<hbm>>) dst(%dma_wait3A_144 : memref<32x128xf32, #tpu.memory_space<vmem>>)
      %dma_wait3A_151 = arith.constant 0 : i32
      %dma_wait3A_152 = arith.constant 64 : i32
      %dma_wait3A_153 = arith.constant 0 : i32
      %dma_wait3A_154 = tpu.memref_slice %arg8[%dma_wait3A_152, %dma_wait3A_153] : memref<128x128xf32, #tpu.memory_space<vmem>> -> memref<32x128xf32, #tpu.memory_space<vmem>>
      %dma_wait3A_155 = arith.constant 64 : i32
      %dma_wait3A_156 = tpu.memref_slice %arg6[%dma_wait3A_151, %dma_wait3A_155] : memref<40x128xi32, #tpu.memory_space<vmem>> -> memref<1x32xi32, #tpu.memory_space<vmem>>
      %dma_wait3A_157 = tpu.memref_squeeze %dma_wait3A_156 : memref<1x32xi32, #tpu.memory_space<vmem>> -> memref<32xi32, #tpu.memory_space<vmem>>
      %dma_wait3A_158 = arith.constant 0 : i32
      %dma_wait3A_159 = arith.constant 0 : i32
      %dma_wait3A_160 = tpu.memref_slice %arg2[%dma_wait3A_158, %dma_wait3A_159] : memref<10000x128xf32, #tpu.memory_space<hbm>> -> memref<10000x128xf32, #tpu.memory_space<hbm>>
      tpu.wait_indirect_dma semaphore(%arg11 : memref<!tpu.dma_semaphore, #tpu.memory_space<semaphore_mem>>) src(%dma_wait3A_160 : memref<10000x128xf32, #tpu.memory_space<hbm>>) dst(%dma_wait3A_154 : memref<32x128xf32, #tpu.memory_space<vmem>>)
      %dma_wait3A_161 = arith.constant 0 : i32
      %dma_wait3A_162 = arith.constant 96 : i32
      %dma_wait3A_163 = arith.constant 0 : i32
      %dma_wait3A_164 = tpu.memref_slice %arg8[%dma_wait3A_162, %dma_wait3A_163] : memref<128x128xf32, #tpu.memory_space<vmem>> -> memref<32x128xf32, #tpu.memory_space<vmem>>
      %dma_wait3A_165 = arith.constant 96 : i32
      %dma_wait3A_166 = tpu.memref_slice %arg6[%dma_wait3A_161, %dma_wait3A_165] : memref<40x128xi32, #tpu.memory_space<vmem>> -> memref<1x32xi32, #tpu.memory_space<vmem>>
      %dma_wait3A_167 = tpu.memref_squeeze %dma_wait3A_166 : memref<1x32xi32, #tpu.memory_space<vmem>> -> memref<32xi32, #tpu.memory_space<vmem>>
      %dma_wait3A_168 = arith.constant 0 : i32
      %dma_wait3A_169 = arith.constant 0 : i32
      %dma_wait3A_170 = tpu.memref_slice %arg2[%dma_wait3A_168, %dma_wait3A_169] : memref<10000x128xf32, #tpu.memory_space<hbm>> -> memref<10000x128xf32, #tpu.memory_space<hbm>>
      tpu.wait_indirect_dma semaphore(%arg11 : memref<!tpu.dma_semaphore, #tpu.memory_space<semaphore_mem>>) src(%dma_wait3A_170 : memref<10000x128xf32, #tpu.memory_space<hbm>>) dst(%dma_wait3A_164 : memref<32x128xf32, #tpu.memory_space<vmem>>)
      %ge3A = arith.constant 1 : i32
      %ge3A_171 = arith.cmpi sge, %add3A_128, %ge3A : i32
      %convert_element_type3A = arith.extui %ge3A_171 : i1 to i32
      %cond3A = arith.constant 0 : i32
      %cond3A_172 = arith.cmpi ne, %convert_element_type3A, %cond3A : i32
      scf.if %cond3A_172 {
        %dma_wait3A_278 = arith.constant 0 : i32
        %dma_wait3A_279 = arith.constant 0 : i32
        %dma_wait3A_280 = tpu.memref_slice %arg7[%dma_wait3A_278, %dma_wait3A_279] : memref<40x128xi32, #tpu.memory_space<vmem>> -> memref<1x128xi32, #tpu.memory_space<vmem>>
        %dma_wait3A_281 = tpu.memref_squeeze %dma_wait3A_280 : memref<1x128xi32, #tpu.memory_space<vmem>> -> memref<128xi32, #tpu.memory_space<vmem>>
        %dma_wait3A_282 = arith.constant 0 : i32
        %dma_wait3A_283 = arith.constant 0 : i32
        %dma_wait3A_284 = tpu.memref_slice %arg10[%dma_wait3A_282, %dma_wait3A_283] : memref<10240x128xf32, #tpu.memory_space<vmem_shared>> -> memref<10240x128xf32, #tpu.memory_space<vmem_shared>>
        tpu.wait_indirect_dma semaphore(%arg14 : memref<!tpu.dma_semaphore, #tpu.memory_space<semaphore_mem>>) src(%arg9 : memref<128x128xf32, #tpu.memory_space<vmem>>) dst(%dma_wait3A_284 : memref<10240x128xf32, #tpu.memory_space<vmem_shared>>)
      } else {
      }
      %add3A_173 = arith.constant 1 : i32
      %add3A_174 = arith.addi %mul3A_130, %add3A_173 : i32
      %dma_start3A_175 = arith.constant 0 : i32
      %dma_start3A_176 = arith.constant 0 : i32
      %dma_start3A_177 = tpu.memref_slice %arg9[%dma_start3A_175, %dma_start3A_176] : memref<128x128xf32, #tpu.memory_space<vmem>> -> memref<32x128xf32, #tpu.memory_space<vmem>>
      %dma_start3A_178 = arith.constant 0 : i32
      %dma_start3A_179 = tpu.memref_slice %arg6[%add3A_174, %dma_start3A_178] : memref<40x128xi32, #tpu.memory_space<vmem>> -> memref<1x32xi32, #tpu.memory_space<vmem>>
      %dma_start3A_180 = tpu.memref_squeeze %dma_start3A_179 : memref<1x32xi32, #tpu.memory_space<vmem>> -> memref<32xi32, #tpu.memory_space<vmem>>
      %dma_start3A_181 = arith.constant 0 : i32
      %dma_start3A_182 = arith.constant 0 : i32
      %dma_start3A_183 = tpu.memref_slice %arg2[%dma_start3A_181, %dma_start3A_182] : memref<10000x128xf32, #tpu.memory_space<hbm>> -> memref<10000x128xf32, #tpu.memory_space<hbm>>
      tpu.enqueue_indirect_dma source(%dma_start3A_183 : memref<10000x128xf32, #tpu.memory_space<hbm>>) target(%dma_start3A_177 : memref<32x128xf32, #tpu.memory_space<vmem>>) offsets(%dma_start3A_180 : memref<32xi32, #tpu.memory_space<vmem>>) semaphore(%arg12 : memref<!tpu.dma_semaphore, #tpu.memory_space<semaphore_mem>>)
      %dma_start3A_184 = arith.constant 32 : i32
      %dma_start3A_185 = arith.constant 0 : i32
      %dma_start3A_186 = tpu.memref_slice %arg9[%dma_start3A_184, %dma_start3A_185] : memref<128x128xf32, #tpu.memory_space<vmem>> -> memref<32x128xf32, #tpu.memory_space<vmem>>
      %dma_start3A_187 = arith.constant 32 : i32
      %dma_start3A_188 = tpu.memref_slice %arg6[%add3A_174, %dma_start3A_187] : memref<40x128xi32, #tpu.memory_space<vmem>> -> memref<1x32xi32, #tpu.memory_space<vmem>>
      %dma_start3A_189 = tpu.memref_squeeze %dma_start3A_188 : memref<1x32xi32, #tpu.memory_space<vmem>> -> memref<32xi32, #tpu.memory_space<vmem>>
      %dma_start3A_190 = arith.constant 0 : i32
      %dma_start3A_191 = arith.constant 0 : i32
      %dma_start3A_192 = tpu.memref_slice %arg2[%dma_start3A_190, %dma_start3A_191] : memref<10000x128xf32, #tpu.memory_space<hbm>> -> memref<10000x128xf32, #tpu.memory_space<hbm>>
      tpu.enqueue_indirect_dma source(%dma_start3A_192 : memref<10000x128xf32, #tpu.memory_space<hbm>>) target(%dma_start3A_186 : memref<32x128xf32, #tpu.memory_space<vmem>>) offsets(%dma_start3A_189 : memref<32xi32, #tpu.memory_space<vmem>>) semaphore(%arg12 : memref<!tpu.dma_semaphore, #tpu.memory_space<semaphore_mem>>)
      %dma_start3A_193 = arith.constant 64 : i32
      %dma_start3A_194 = arith.constant 0 : i32
      %dma_start3A_195 = tpu.memref_slice %arg9[%dma_start3A_193, %dma_start3A_194] : memref<128x128xf32, #tpu.memory_space<vmem>> -> memref<32x128xf32, #tpu.memory_space<vmem>>
      %dma_start3A_196 = arith.constant 64 : i32
      %dma_start3A_197 = tpu.memref_slice %arg6[%add3A_174, %dma_start3A_196] : memref<40x128xi32, #tpu.memory_space<vmem>> -> memref<1x32xi32, #tpu.memory_space<vmem>>
      %dma_start3A_198 = tpu.memref_squeeze %dma_start3A_197 : memref<1x32xi32, #tpu.memory_space<vmem>> -> memref<32xi32, #tpu.memory_space<vmem>>
      %dma_start3A_199 = arith.constant 0 : i32
      %dma_start3A_200 = arith.constant 0 : i32
      %dma_start3A_201 = tpu.memref_slice %arg2[%dma_start3A_199, %dma_start3A_200] : memref<10000x128xf32, #tpu.memory_space<hbm>> -> memref<10000x128xf32, #tpu.memory_space<hbm>>
      tpu.enqueue_indirect_dma source(%dma_start3A_201 : memref<10000x128xf32, #tpu.memory_space<hbm>>) target(%dma_start3A_195 : memref<32x128xf32, #tpu.memory_space<vmem>>) offsets(%dma_start3A_198 : memref<32xi32, #tpu.memory_space<vmem>>) semaphore(%arg12 : memref<!tpu.dma_semaphore, #tpu.memory_space<semaphore_mem>>)
      %dma_start3A_202 = arith.constant 96 : i32
      %dma_start3A_203 = arith.constant 0 : i32
      %dma_start3A_204 = tpu.memref_slice %arg9[%dma_start3A_202, %dma_start3A_203] : memref<128x128xf32, #tpu.memory_space<vmem>> -> memref<32x128xf32, #tpu.memory_space<vmem>>
      %dma_start3A_205 = arith.constant 96 : i32
      %dma_start3A_206 = tpu.memref_slice %arg6[%add3A_174, %dma_start3A_205] : memref<40x128xi32, #tpu.memory_space<vmem>> -> memref<1x32xi32, #tpu.memory_space<vmem>>
      %dma_start3A_207 = tpu.memref_squeeze %dma_start3A_206 : memref<1x32xi32, #tpu.memory_space<vmem>> -> memref<32xi32, #tpu.memory_space<vmem>>
      %dma_start3A_208 = arith.constant 0 : i32
      %dma_start3A_209 = arith.constant 0 : i32
      %dma_start3A_210 = tpu.memref_slice %arg2[%dma_start3A_208, %dma_start3A_209] : memref<10000x128xf32, #tpu.memory_space<hbm>> -> memref<10000x128xf32, #tpu.memory_space<hbm>>
      tpu.enqueue_indirect_dma source(%dma_start3A_210 : memref<10000x128xf32, #tpu.memory_space<hbm>>) target(%dma_start3A_204 : memref<32x128xf32, #tpu.memory_space<vmem>>) offsets(%dma_start3A_207 : memref<32xi32, #tpu.memory_space<vmem>>) semaphore(%arg12 : memref<!tpu.dma_semaphore, #tpu.memory_space<semaphore_mem>>)
      %dma_start3A_211 = arith.constant 0 : i32
      %dma_start3A_212 = tpu.memref_slice %arg7[%mul3A_130, %dma_start3A_211] : memref<40x128xi32, #tpu.memory_space<vmem>> -> memref<1x128xi32, #tpu.memory_space<vmem>>
      %dma_start3A_213 = tpu.memref_squeeze %dma_start3A_212 : memref<1x128xi32, #tpu.memory_space<vmem>> -> memref<128xi32, #tpu.memory_space<vmem>>
      %dma_start3A_214 = arith.constant 0 : i32
      %dma_start3A_215 = arith.constant 0 : i32
      %dma_start3A_216 = tpu.memref_slice %arg10[%dma_start3A_214, %dma_start3A_215] : memref<10240x128xf32, #tpu.memory_space<vmem_shared>> -> memref<10240x128xf32, #tpu.memory_space<vmem_shared>>
      tpu.enqueue_indirect_dma source(%arg8 : memref<128x128xf32, #tpu.memory_space<vmem>>) target(%dma_start3A_216 : memref<10240x128xf32, #tpu.memory_space<vmem_shared>>) offsets(%dma_start3A_213 : memref<128xi32, #tpu.memory_space<vmem>>) semaphore(%arg13 : memref<!tpu.dma_semaphore, #tpu.memory_space<semaphore_mem>>) {add = true}
      %dma_wait3A_217 = arith.constant 0 : i32
      %dma_wait3A_218 = arith.constant 0 : i32
      %dma_wait3A_219 = arith.constant 0 : i32
      %dma_wait3A_220 = tpu.memref_slice %arg9[%dma_wait3A_218, %dma_wait3A_219] : memref<128x128xf32, #tpu.memory_space<vmem>> -> memref<32x128xf32, #tpu.memory_space<vmem>>
      %dma_wait3A_221 = arith.constant 0 : i32
      %dma_wait3A_222 = tpu.memref_slice %arg6[%dma_wait3A_217, %dma_wait3A_221] : memref<40x128xi32, #tpu.memory_space<vmem>> -> memref<1x32xi32, #tpu.memory_space<vmem>>
      %dma_wait3A_223 = tpu.memref_squeeze %dma_wait3A_222 : memref<1x32xi32, #tpu.memory_space<vmem>> -> memref<32xi32, #tpu.memory_space<vmem>>
      %dma_wait3A_224 = arith.constant 0 : i32
      %dma_wait3A_225 = arith.constant 0 : i32
      %dma_wait3A_226 = tpu.memref_slice %arg2[%dma_wait3A_224, %dma_wait3A_225] : memref<10000x128xf32, #tpu.memory_space<hbm>> -> memref<10000x128xf32, #tpu.memory_space<hbm>>
      tpu.wait_indirect_dma semaphore(%arg12 : memref<!tpu.dma_semaphore, #tpu.memory_space<semaphore_mem>>) src(%dma_wait3A_226 : memref<10000x128xf32, #tpu.memory_space<hbm>>) dst(%dma_wait3A_220 : memref<32x128xf32, #tpu.memory_space<vmem>>)
      %dma_wait3A_227 = arith.constant 0 : i32
      %dma_wait3A_228 = arith.constant 32 : i32
      %dma_wait3A_229 = arith.constant 0 : i32
      %dma_wait3A_230 = tpu.memref_slice %arg9[%dma_wait3A_228, %dma_wait3A_229] : memref<128x128xf32, #tpu.memory_space<vmem>> -> memref<32x128xf32, #tpu.memory_space<vmem>>
      %dma_wait3A_231 = arith.constant 32 : i32
      %dma_wait3A_232 = tpu.memref_slice %arg6[%dma_wait3A_227, %dma_wait3A_231] : memref<40x128xi32, #tpu.memory_space<vmem>> -> memref<1x32xi32, #tpu.memory_space<vmem>>
      %dma_wait3A_233 = tpu.memref_squeeze %dma_wait3A_232 : memref<1x32xi32, #tpu.memory_space<vmem>> -> memref<32xi32, #tpu.memory_space<vmem>>
      %dma_wait3A_234 = arith.constant 0 : i32
      %dma_wait3A_235 = arith.constant 0 : i32
      %dma_wait3A_236 = tpu.memref_slice %arg2[%dma_wait3A_234, %dma_wait3A_235] : memref<10000x128xf32, #tpu.memory_space<hbm>> -> memref<10000x128xf32, #tpu.memory_space<hbm>>
      tpu.wait_indirect_dma semaphore(%arg12 : memref<!tpu.dma_semaphore, #tpu.memory_space<semaphore_mem>>) src(%dma_wait3A_236 : memref<10000x128xf32, #tpu.memory_space<hbm>>) dst(%dma_wait3A_230 : memref<32x128xf32, #tpu.memory_space<vmem>>)
      %dma_wait3A_237 = arith.constant 0 : i32
      %dma_wait3A_238 = arith.constant 64 : i32
      %dma_wait3A_239 = arith.constant 0 : i32
      %dma_wait3A_240 = tpu.memref_slice %arg9[%dma_wait3A_238, %dma_wait3A_239] : memref<128x128xf32, #tpu.memory_space<vmem>> -> memref<32x128xf32, #tpu.memory_space<vmem>>
      %dma_wait3A_241 = arith.constant 64 : i32
      %dma_wait3A_242 = tpu.memref_slice %arg6[%dma_wait3A_237, %dma_wait3A_241] : memref<40x128xi32, #tpu.memory_space<vmem>> -> memref<1x32xi32, #tpu.memory_space<vmem>>
      %dma_wait3A_243 = tpu.memref_squeeze %dma_wait3A_242 : memref<1x32xi32, #tpu.memory_space<vmem>> -> memref<32xi32, #tpu.memory_space<vmem>>
      %dma_wait3A_244 = arith.constant 0 : i32
      %dma_wait3A_245 = arith.constant 0 : i32
      %dma_wait3A_246 = tpu.memref_slice %arg2[%dma_wait3A_244, %dma_wait3A_245] : memref<10000x128xf32, #tpu.memory_space<hbm>> -> memref<10000x128xf32, #tpu.memory_space<hbm>>
      tpu.wait_indirect_dma semaphore(%arg12 : memref<!tpu.dma_semaphore, #tpu.memory_space<semaphore_mem>>) src(%dma_wait3A_246 : memref<10000x128xf32, #tpu.memory_space<hbm>>) dst(%dma_wait3A_240 : memref<32x128xf32, #tpu.memory_space<vmem>>)
      %dma_wait3A_247 = arith.constant 0 : i32
      %dma_wait3A_248 = arith.constant 96 : i32
      %dma_wait3A_249 = arith.constant 0 : i32
      %dma_wait3A_250 = tpu.memref_slice %arg9[%dma_wait3A_248, %dma_wait3A_249] : memref<128x128xf32, #tpu.memory_space<vmem>> -> memref<32x128xf32, #tpu.memory_space<vmem>>
      %dma_wait3A_251 = arith.constant 96 : i32
      %dma_wait3A_252 = tpu.memref_slice %arg6[%dma_wait3A_247, %dma_wait3A_251] : memref<40x128xi32, #tpu.memory_space<vmem>> -> memref<1x32xi32, #tpu.memory_space<vmem>>
      %dma_wait3A_253 = tpu.memref_squeeze %dma_wait3A_252 : memref<1x32xi32, #tpu.memory_space<vmem>> -> memref<32xi32, #tpu.memory_space<vmem>>
      %dma_wait3A_254 = arith.constant 0 : i32
      %dma_wait3A_255 = arith.constant 0 : i32
      %dma_wait3A_256 = tpu.memref_slice %arg2[%dma_wait3A_254, %dma_wait3A_255] : memref<10000x128xf32, #tpu.memory_space<hbm>> -> memref<10000x128xf32, #tpu.memory_space<hbm>>
      tpu.wait_indirect_dma semaphore(%arg12 : memref<!tpu.dma_semaphore, #tpu.memory_space<semaphore_mem>>) src(%dma_wait3A_256 : memref<10000x128xf32, #tpu.memory_space<hbm>>) dst(%dma_wait3A_250 : memref<32x128xf32, #tpu.memory_space<vmem>>)
      %dma_wait3A_257 = arith.constant 0 : i32
      %dma_wait3A_258 = arith.constant 0 : i32
      %dma_wait3A_259 = tpu.memref_slice %arg7[%dma_wait3A_257, %dma_wait3A_258] : memref<40x128xi32, #tpu.memory_space<vmem>> -> memref<1x128xi32, #tpu.memory_space<vmem>>
      %dma_wait3A_260 = tpu.memref_squeeze %dma_wait3A_259 : memref<1x128xi32, #tpu.memory_space<vmem>> -> memref<128xi32, #tpu.memory_space<vmem>>
      %dma_wait3A_261 = arith.constant 0 : i32
      %dma_wait3A_262 = arith.constant 0 : i32
      %dma_wait3A_263 = tpu.memref_slice %arg10[%dma_wait3A_261, %dma_wait3A_262] : memref<10240x128xf32, #tpu.memory_space<vmem_shared>> -> memref<10240x128xf32, #tpu.memory_space<vmem_shared>>
      tpu.wait_indirect_dma semaphore(%arg13 : memref<!tpu.dma_semaphore, #tpu.memory_space<semaphore_mem>>) src(%arg8 : memref<128x128xf32, #tpu.memory_space<vmem>>) dst(%dma_wait3A_263 : memref<10240x128xf32, #tpu.memory_space<vmem_shared>>)
      %add3A_264 = arith.constant 2 : i32
      %add3A_265 = arith.addi %mul3A_130, %add3A_264 : i32
      %lt3A = arith.constant 40 : i32
      %lt3A_266 = arith.cmpi slt, %add3A_265, %lt3A : i32
      %convert_element_type3A_267 = arith.extui %lt3A_266 : i1 to i32
      %cond3A_268 = arith.constant 0 : i32
      %cond3A_269 = arith.cmpi ne, %convert_element_type3A_267, %cond3A_268 : i32
      scf.if %cond3A_269 {
        %add3A_278 = arith.constant 2 : i32
        %add3A_279 = arith.addi %mul3A_130, %add3A_278 : i32
        %dma_start3A_280 = arith.constant 0 : i32
        %dma_start3A_281 = arith.constant 0 : i32
        %dma_start3A_282 = tpu.memref_slice %arg8[%dma_start3A_280, %dma_start3A_281] : memref<128x128xf32, #tpu.memory_space<vmem>> -> memref<32x128xf32, #tpu.memory_space<vmem>>
        %dma_start3A_283 = arith.constant 0 : i32
        %dma_start3A_284 = tpu.memref_slice %arg6[%add3A_279, %dma_start3A_283] : memref<40x128xi32, #tpu.memory_space<vmem>> -> memref<1x32xi32, #tpu.memory_space<vmem>>
        %dma_start3A_285 = tpu.memref_squeeze %dma_start3A_284 : memref<1x32xi32, #tpu.memory_space<vmem>> -> memref<32xi32, #tpu.memory_space<vmem>>
        %dma_start3A_286 = arith.constant 0 : i32
        %dma_start3A_287 = arith.constant 0 : i32
        %dma_start3A_288 = tpu.memref_slice %arg2[%dma_start3A_286, %dma_start3A_287] : memref<10000x128xf32, #tpu.memory_space<hbm>> -> memref<10000x128xf32, #tpu.memory_space<hbm>>
        tpu.enqueue_indirect_dma source(%dma_start3A_288 : memref<10000x128xf32, #tpu.memory_space<hbm>>) target(%dma_start3A_282 : memref<32x128xf32, #tpu.memory_space<vmem>>) offsets(%dma_start3A_285 : memref<32xi32, #tpu.memory_space<vmem>>) semaphore(%arg11 : memref<!tpu.dma_semaphore, #tpu.memory_space<semaphore_mem>>)
        %dma_start3A_289 = arith.constant 32 : i32
        %dma_start3A_290 = arith.constant 0 : i32
        %dma_start3A_291 = tpu.memref_slice %arg8[%dma_start3A_289, %dma_start3A_290] : memref<128x128xf32, #tpu.memory_space<vmem>> -> memref<32x128xf32, #tpu.memory_space<vmem>>
        %dma_start3A_292 = arith.constant 32 : i32
        %dma_start3A_293 = tpu.memref_slice %arg6[%add3A_279, %dma_start3A_292] : memref<40x128xi32, #tpu.memory_space<vmem>> -> memref<1x32xi32, #tpu.memory_space<vmem>>
        %dma_start3A_294 = tpu.memref_squeeze %dma_start3A_293 : memref<1x32xi32, #tpu.memory_space<vmem>> -> memref<32xi32, #tpu.memory_space<vmem>>
        %dma_start3A_295 = arith.constant 0 : i32
        %dma_start3A_296 = arith.constant 0 : i32
        %dma_start3A_297 = tpu.memref_slice %arg2[%dma_start3A_295, %dma_start3A_296] : memref<10000x128xf32, #tpu.memory_space<hbm>> -> memref<10000x128xf32, #tpu.memory_space<hbm>>
        tpu.enqueue_indirect_dma source(%dma_start3A_297 : memref<10000x128xf32, #tpu.memory_space<hbm>>) target(%dma_start3A_291 : memref<32x128xf32, #tpu.memory_space<vmem>>) offsets(%dma_start3A_294 : memref<32xi32, #tpu.memory_space<vmem>>) semaphore(%arg11 : memref<!tpu.dma_semaphore, #tpu.memory_space<semaphore_mem>>)
        %dma_start3A_298 = arith.constant 64 : i32
        %dma_start3A_299 = arith.constant 0 : i32
        %dma_start3A_300 = tpu.memref_slice %arg8[%dma_start3A_298, %dma_start3A_299] : memref<128x128xf32, #tpu.memory_space<vmem>> -> memref<32x128xf32, #tpu.memory_space<vmem>>
        %dma_start3A_301 = arith.constant 64 : i32
        %dma_start3A_302 = tpu.memref_slice %arg6[%add3A_279, %dma_start3A_301] : memref<40x128xi32, #tpu.memory_space<vmem>> -> memref<1x32xi32, #tpu.memory_space<vmem>>
        %dma_start3A_303 = tpu.memref_squeeze %dma_start3A_302 : memref<1x32xi32, #tpu.memory_space<vmem>> -> memref<32xi32, #tpu.memory_space<vmem>>
        %dma_start3A_304 = arith.constant 0 : i32
        %dma_start3A_305 = arith.constant 0 : i32
        %dma_start3A_306 = tpu.memref_slice %arg2[%dma_start3A_304, %dma_start3A_305] : memref<10000x128xf32, #tpu.memory_space<hbm>> -> memref<10000x128xf32, #tpu.memory_space<hbm>>
        tpu.enqueue_indirect_dma source(%dma_start3A_306 : memref<10000x128xf32, #tpu.memory_space<hbm>>) target(%dma_start3A_300 : memref<32x128xf32, #tpu.memory_space<vmem>>) offsets(%dma_start3A_303 : memref<32xi32, #tpu.memory_space<vmem>>) semaphore(%arg11 : memref<!tpu.dma_semaphore, #tpu.memory_space<semaphore_mem>>)
        %dma_start3A_307 = arith.constant 96 : i32
        %dma_start3A_308 = arith.constant 0 : i32
        %dma_start3A_309 = tpu.memref_slice %arg8[%dma_start3A_307, %dma_start3A_308] : memref<128x128xf32, #tpu.memory_space<vmem>> -> memref<32x128xf32, #tpu.memory_space<vmem>>
        %dma_start3A_310 = arith.constant 96 : i32
        %dma_start3A_311 = tpu.memref_slice %arg6[%add3A_279, %dma_start3A_310] : memref<40x128xi32, #tpu.memory_space<vmem>> -> memref<1x32xi32, #tpu.memory_space<vmem>>
        %dma_start3A_312 = tpu.memref_squeeze %dma_start3A_311 : memref<1x32xi32, #tpu.memory_space<vmem>> -> memref<32xi32, #tpu.memory_space<vmem>>
        %dma_start3A_313 = arith.constant 0 : i32
        %dma_start3A_314 = arith.constant 0 : i32
        %dma_start3A_315 = tpu.memref_slice %arg2[%dma_start3A_313, %dma_start3A_314] : memref<10000x128xf32, #tpu.memory_space<hbm>> -> memref<10000x128xf32, #tpu.memory_space<hbm>>
        tpu.enqueue_indirect_dma source(%dma_start3A_315 : memref<10000x128xf32, #tpu.memory_space<hbm>>) target(%dma_start3A_309 : memref<32x128xf32, #tpu.memory_space<vmem>>) offsets(%dma_start3A_312 : memref<32xi32, #tpu.memory_space<vmem>>) semaphore(%arg11 : memref<!tpu.dma_semaphore, #tpu.memory_space<semaphore_mem>>)
      } else {
      }
      %add3A_270 = arith.constant 1 : i32
      %add3A_271 = arith.addi %mul3A_130, %add3A_270 : i32
      %dma_start3A_272 = arith.constant 0 : i32
      %dma_start3A_273 = tpu.memref_slice %arg7[%add3A_271, %dma_start3A_272] : memref<40x128xi32, #tpu.memory_space<vmem>> -> memref<1x128xi32, #tpu.memory_space<vmem>>
      %dma_start3A_274 = tpu.memref_squeeze %dma_start3A_273 : memref<1x128xi32, #tpu.memory_space<vmem>> -> memref<128xi32, #tpu.memory_space<vmem>>
      %dma_start3A_275 = arith.constant 0 : i32
      %dma_start3A_276 = arith.constant 0 : i32
      %dma_start3A_277 = tpu.memref_slice %arg10[%dma_start3A_275, %dma_start3A_276] : memref<10240x128xf32, #tpu.memory_space<vmem_shared>> -> memref<10240x128xf32, #tpu.memory_space<vmem_shared>>
      tpu.enqueue_indirect_dma source(%arg9 : memref<128x128xf32, #tpu.memory_space<vmem>>) target(%dma_start3A_277 : memref<10240x128xf32, #tpu.memory_space<vmem_shared>>) offsets(%dma_start3A_274 : memref<128xi32, #tpu.memory_space<vmem>>) semaphore(%arg14 : memref<!tpu.dma_semaphore, #tpu.memory_space<semaphore_mem>>) {add = true}
    }
    %scan3A_57 = arith.constant 20 : i32
    %dma_wait3A = arith.constant 0 : i32
    %dma_wait3A_58 = arith.constant 0 : i32
    %dma_wait3A_59 = tpu.memref_slice %arg7[%dma_wait3A, %dma_wait3A_58] : memref<40x128xi32, #tpu.memory_space<vmem>> -> memref<1x128xi32, #tpu.memory_space<vmem>>
    %dma_wait3A_60 = tpu.memref_squeeze %dma_wait3A_59 : memref<1x128xi32, #tpu.memory_space<vmem>> -> memref<128xi32, #tpu.memory_space<vmem>>
    %dma_wait3A_61 = arith.constant 0 : i32
    %dma_wait3A_62 = arith.constant 0 : i32
    %dma_wait3A_63 = tpu.memref_slice %arg10[%dma_wait3A_61, %dma_wait3A_62] : memref<10240x128xf32, #tpu.memory_space<vmem_shared>> -> memref<10240x128xf32, #tpu.memory_space<vmem_shared>>
    tpu.wait_indirect_dma semaphore(%arg14 : memref<!tpu.dma_semaphore, #tpu.memory_space<semaphore_mem>>) src(%arg9 : memref<128x128xf32, #tpu.memory_space<vmem>>) dst(%dma_wait3A_63 : memref<10240x128xf32, #tpu.memory_space<vmem_shared>>)
    %add3A_64 = arith.constant 40 : i32
    %add3A_65 = arith.addi %mul3A_11, %add3A_64 : i32
    "tpu.region"() ({
      %run_scoped3A = tpu.sem_alloc : memref<!tpu.dma_semaphore, #tpu.memory_space<semaphore_mem>>
      %dma_start3A_124 = arith.constant 0 : i32
      %dma_start3A_125 = tpu.memref_slice %arg3[%add3A_65, %dma_start3A_124] : memref<2560x128xi32, #tpu.memory_space<hbm>> -> memref<40x128xi32, #tpu.memory_space<hbm>>
      %dma_start3A_126 = arith.constant 0 : i32
      %dma_start3A_127 = tpu.memref_slice %arg3[%add3A_65, %dma_start3A_126] : memref<2560x128xi32, #tpu.memory_space<hbm>> -> memref<40x128xi32, #tpu.memory_space<hbm>>
      tpu.enqueue_dma source(%dma_start3A_127 : memref<40x128xi32, #tpu.memory_space<hbm>>) target(%arg6 : memref<40x128xi32, #tpu.memory_space<vmem>>) target_semaphore(%run_scoped3A : memref<!tpu.dma_semaphore, #tpu.memory_space<semaphore_mem>>)
      %dma_wait3A_128 = arith.constant 0 : i32
      %dma_wait3A_129 = tpu.memref_slice %arg3[%add3A_65, %dma_wait3A_128] : memref<2560x128xi32, #tpu.memory_space<hbm>> -> memref<40x128xi32, #tpu.memory_space<hbm>>
      %dma_wait3A_130 = arith.constant 0 : i32
      %dma_wait3A_131 = tpu.memref_slice %arg3[%add3A_65, %dma_wait3A_130] : memref<2560x128xi32, #tpu.memory_space<hbm>> -> memref<40x128xi32, #tpu.memory_space<hbm>>
      tpu.wait_dma2 semaphore(%run_scoped3A : memref<!tpu.dma_semaphore, #tpu.memory_space<semaphore_mem>>) src(%dma_wait3A_131 : memref<40x128xi32, #tpu.memory_space<hbm>>) dst(%arg6 : memref<40x128xi32, #tpu.memory_space<vmem>>)
      tpu.yield
    }) : () -> ()
    "tpu.region"() ({
      %run_scoped3A = tpu.sem_alloc : memref<!tpu.dma_semaphore, #tpu.memory_space<semaphore_mem>>
      %dma_start3A_124 = arith.constant 0 : i32
      %dma_start3A_125 = tpu.memref_slice %arg4[%add3A_65, %dma_start3A_124] : memref<2560x128xi32, #tpu.memory_space<hbm>> -> memref<40x128xi32, #tpu.memory_space<hbm>>
      %dma_start3A_126 = arith.constant 0 : i32
      %dma_start3A_127 = tpu.memref_slice %arg4[%add3A_65, %dma_start3A_126] : memref<2560x128xi32, #tpu.memory_space<hbm>> -> memref<40x128xi32, #tpu.memory_space<hbm>>
      tpu.enqueue_dma source(%dma_start3A_127 : memref<40x128xi32, #tpu.memory_space<hbm>>) target(%arg7 : memref<40x128xi32, #tpu.memory_space<vmem>>) target_semaphore(%run_scoped3A : memref<!tpu.dma_semaphore, #tpu.memory_space<semaphore_mem>>)
      %dma_wait3A_128 = arith.constant 0 : i32
      %dma_wait3A_129 = tpu.memref_slice %arg4[%add3A_65, %dma_wait3A_128] : memref<2560x128xi32, #tpu.memory_space<hbm>> -> memref<40x128xi32, #tpu.memory_space<hbm>>
      %dma_wait3A_130 = arith.constant 0 : i32
      %dma_wait3A_131 = tpu.memref_slice %arg4[%add3A_65, %dma_wait3A_130] : memref<2560x128xi32, #tpu.memory_space<hbm>> -> memref<40x128xi32, #tpu.memory_space<hbm>>
      tpu.wait_dma2 semaphore(%run_scoped3A : memref<!tpu.dma_semaphore, #tpu.memory_space<semaphore_mem>>) src(%dma_wait3A_131 : memref<40x128xi32, #tpu.memory_space<hbm>>) dst(%arg7 : memref<40x128xi32, #tpu.memory_space<vmem>>)
      tpu.yield
    }) : () -> ()
    %dma_start3A_66 = arith.constant 0 : i32
    %dma_start3A_67 = arith.constant 0 : i32
    %dma_start3A_68 = arith.constant 0 : i32
    %dma_start3A_69 = tpu.memref_slice %arg8[%dma_start3A_67, %dma_start3A_68] : memref<128x128xf32, #tpu.memory_space<vmem>> -> memref<32x128xf32, #tpu.memory_space<vmem>>
    %dma_start3A_70 = arith.constant 0 : i32
    %dma_start3A_71 = tpu.memref_slice %arg6[%dma_start3A_66, %dma_start3A_70] : memref<40x128xi32, #tpu.memory_space<vmem>> -> memref<1x32xi32, #tpu.memory_space<vmem>>
    %dma_start3A_72 = tpu.memref_squeeze %dma_start3A_71 : memref<1x32xi32, #tpu.memory_space<vmem>> -> memref<32xi32, #tpu.memory_space<vmem>>
    %dma_start3A_73 = arith.constant 0 : i32
    %dma_start3A_74 = arith.constant 0 : i32
    %dma_start3A_75 = tpu.memref_slice %arg2[%dma_start3A_73, %dma_start3A_74] : memref<10000x128xf32, #tpu.memory_space<hbm>> -> memref<10000x128xf32, #tpu.memory_space<hbm>>
    tpu.enqueue_indirect_dma source(%dma_start3A_75 : memref<10000x128xf32, #tpu.memory_space<hbm>>) target(%dma_start3A_69 : memref<32x128xf32, #tpu.memory_space<vmem>>) offsets(%dma_start3A_72 : memref<32xi32, #tpu.memory_space<vmem>>) semaphore(%arg11 : memref<!tpu.dma_semaphore, #tpu.memory_space<semaphore_mem>>)
    %dma_start3A_76 = arith.constant 0 : i32
    %dma_start3A_77 = arith.constant 32 : i32
    %dma_start3A_78 = arith.constant 0 : i32
    %dma_start3A_79 = tpu.memref_slice %arg8[%dma_start3A_77, %dma_start3A_78] : memref<128x128xf32, #tpu.memory_space<vmem>> -> memref<32x128xf32, #tpu.memory_space<vmem>>
    %dma_start3A_80 = arith.constant 32 : i32
    %dma_start3A_81 = tpu.memref_slice %arg6[%dma_start3A_76, %dma_start3A_80] : memref<40x128xi32, #tpu.memory_space<vmem>> -> memref<1x32xi32, #tpu.memory_space<vmem>>
    %dma_start3A_82 = tpu.memref_squeeze %dma_start3A_81 : memref<1x32xi32, #tpu.memory_space<vmem>> -> memref<32xi32, #tpu.memory_space<vmem>>
    %dma_start3A_83 = arith.constant 0 : i32
    %dma_start3A_84 = arith.constant 0 : i32
    %dma_start3A_85 = tpu.memref_slice %arg2[%dma_start3A_83, %dma_start3A_84] : memref<10000x128xf32, #tpu.memory_space<hbm>> -> memref<10000x128xf32, #tpu.memory_space<hbm>>
    tpu.enqueue_indirect_dma source(%dma_start3A_85 : memref<10000x128xf32, #tpu.memory_space<hbm>>) target(%dma_start3A_79 : memref<32x128xf32, #tpu.memory_space<vmem>>) offsets(%dma_start3A_82 : memref<32xi32, #tpu.memory_space<vmem>>) semaphore(%arg11 : memref<!tpu.dma_semaphore, #tpu.memory_space<semaphore_mem>>)
    %dma_start3A_86 = arith.constant 0 : i32
    %dma_start3A_87 = arith.constant 64 : i32
    %dma_start3A_88 = arith.constant 0 : i32
    %dma_start3A_89 = tpu.memref_slice %arg8[%dma_start3A_87, %dma_start3A_88] : memref<128x128xf32, #tpu.memory_space<vmem>> -> memref<32x128xf32, #tpu.memory_space<vmem>>
    %dma_start3A_90 = arith.constant 64 : i32
    %dma_start3A_91 = tpu.memref_slice %arg6[%dma_start3A_86, %dma_start3A_90] : memref<40x128xi32, #tpu.memory_space<vmem>> -> memref<1x32xi32, #tpu.memory_space<vmem>>
    %dma_start3A_92 = tpu.memref_squeeze %dma_start3A_91 : memref<1x32xi32, #tpu.memory_space<vmem>> -> memref<32xi32, #tpu.memory_space<vmem>>
    %dma_start3A_93 = arith.constant 0 : i32
    %dma_start3A_94 = arith.constant 0 : i32
    %dma_start3A_95 = tpu.memref_slice %arg2[%dma_start3A_93, %dma_start3A_94] : memref<10000x128xf32, #tpu.memory_space<hbm>> -> memref<10000x128xf32, #tpu.memory_space<hbm>>
    tpu.enqueue_indirect_dma source(%dma_start3A_95 : memref<10000x128xf32, #tpu.memory_space<hbm>>) target(%dma_start3A_89 : memref<32x128xf32, #tpu.memory_space<vmem>>) offsets(%dma_start3A_92 : memref<32xi32, #tpu.memory_space<vmem>>) semaphore(%arg11 : memref<!tpu.dma_semaphore, #tpu.memory_space<semaphore_mem>>)
    %dma_start3A_96 = arith.constant 0 : i32
    %dma_start3A_97 = arith.constant 96 : i32
    %dma_start3A_98 = arith.constant 0 : i32
    %dma_start3A_99 = tpu.memref_slice %arg8[%dma_start3A_97, %dma_start3A_98] : memref<128x128xf32, #tpu.memory_space<vmem>> -> memref<32x128xf32, #tpu.memory_space<vmem>>
    %dma_start3A_100 = arith.constant 96 : i32
    %dma_start3A_101 = tpu.memref_slice %arg6[%dma_start3A_96, %dma_start3A_100] : memref<40x128xi32, #tpu.memory_space<vmem>> -> memref<1x32xi32, #tpu.memory_space<vmem>>
    %dma_start3A_102 = tpu.memref_squeeze %dma_start3A_101 : memref<1x32xi32, #tpu.memory_space<vmem>> -> memref<32xi32, #tpu.memory_space<vmem>>
    %dma_start3A_103 = arith.constant 0 : i32
    %dma_start3A_104 = arith.constant 0 : i32
    %dma_start3A_105 = tpu.memref_slice %arg2[%dma_start3A_103, %dma_start3A_104] : memref<10000x128xf32, #tpu.memory_space<hbm>> -> memref<10000x128xf32, #tpu.memory_space<hbm>>
    tpu.enqueue_indirect_dma source(%dma_start3A_105 : memref<10000x128xf32, #tpu.memory_space<hbm>>) target(%dma_start3A_99 : memref<32x128xf32, #tpu.memory_space<vmem>>) offsets(%dma_start3A_102 : memref<32xi32, #tpu.memory_space<vmem>>) semaphore(%arg11 : memref<!tpu.dma_semaphore, #tpu.memory_space<semaphore_mem>>)
    %scan3A_106 = arith.constant 0 : i32
    %scan3A_107 = arith.constant 20 : i32
    %scan3A_108 = arith.addi %scan3A_106, %scan3A_107 : i32
    %scan3A_109 = arith.constant 1 : i32
    scf.for %scan3A_124 = %scan3A_106 to %scan3A_108 step %scan3A_109  : i32 {
      %mul3A_125 = arith.constant 1 : i32
      %mul3A_126 = arith.muli %scan3A_124, %mul3A_125 : i32
      %add3A_127 = arith.constant 0 : i32
      %add3A_128 = arith.addi %add3A_127, %mul3A_126 : i32
      %mul3A_129 = arith.constant 2 : i32
      %mul3A_130 = arith.muli %mul3A_129, %add3A_128 : i32
      %dma_wait3A_131 = arith.constant 0 : i32
      %dma_wait3A_132 = arith.constant 0 : i32
      %dma_wait3A_133 = arith.constant 0 : i32
      %dma_wait3A_134 = tpu.memref_slice %arg8[%dma_wait3A_132, %dma_wait3A_133] : memref<128x128xf32, #tpu.memory_space<vmem>> -> memref<32x128xf32, #tpu.memory_space<vmem>>
      %dma_wait3A_135 = arith.constant 0 : i32
      %dma_wait3A_136 = tpu.memref_slice %arg6[%dma_wait3A_131, %dma_wait3A_135] : memref<40x128xi32, #tpu.memory_space<vmem>> -> memref<1x32xi32, #tpu.memory_space<vmem>>
      %dma_wait3A_137 = tpu.memref_squeeze %dma_wait3A_136 : memref<1x32xi32, #tpu.memory_space<vmem>> -> memref<32xi32, #tpu.memory_space<vmem>>
      %dma_wait3A_138 = arith.constant 0 : i32
      %dma_wait3A_139 = arith.constant 0 : i32
      %dma_wait3A_140 = tpu.memref_slice %arg2[%dma_wait3A_138, %dma_wait3A_139] : memref<10000x128xf32, #tpu.memory_space<hbm>> -> memref<10000x128xf32, #tpu.memory_space<hbm>>
      tpu.wait_indirect_dma semaphore(%arg11 : memref<!tpu.dma_semaphore, #tpu.memory_space<semaphore_mem>>) src(%dma_wait3A_140 : memref<10000x128xf32, #tpu.memory_space<hbm>>) dst(%dma_wait3A_134 : memref<32x128xf32, #tpu.memory_space<vmem>>)
      %dma_wait3A_141 = arith.constant 0 : i32
      %dma_wait3A_142 = arith.constant 32 : i32
      %dma_wait3A_143 = arith.constant 0 : i32
      %dma_wait3A_144 = tpu.memref_slice %arg8[%dma_wait3A_142, %dma_wait3A_143] : memref<128x128xf32, #tpu.memory_space<vmem>> -> memref<32x128xf32, #tpu.memory_space<vmem>>
      %dma_wait3A_145 = arith.constant 32 : i32
      %dma_wait3A_146 = tpu.memref_slice %arg6[%dma_wait3A_141, %dma_wait3A_145] : memref<40x128xi32, #tpu.memory_space<vmem>> -> memref<1x32xi32, #tpu.memory_space<vmem>>
      %dma_wait3A_147 = tpu.memref_squeeze %dma_wait3A_146 : memref<1x32xi32, #tpu.memory_space<vmem>> -> memref<32xi32, #tpu.memory_space<vmem>>
      %dma_wait3A_148 = arith.constant 0 : i32
      %dma_wait3A_149 = arith.constant 0 : i32
      %dma_wait3A_150 = tpu.memref_slice %arg2[%dma_wait3A_148, %dma_wait3A_149] : memref<10000x128xf32, #tpu.memory_space<hbm>> -> memref<10000x128xf32, #tpu.memory_space<hbm>>
      tpu.wait_indirect_dma semaphore(%arg11 : memref<!tpu.dma_semaphore, #tpu.memory_space<semaphore_mem>>) src(%dma_wait3A_150 : memref<10000x128xf32, #tpu.memory_space<hbm>>) dst(%dma_wait3A_144 : memref<32x128xf32, #tpu.memory_space<vmem>>)
      %dma_wait3A_151 = arith.constant 0 : i32
      %dma_wait3A_152 = arith.constant 64 : i32
      %dma_wait3A_153 = arith.constant 0 : i32
      %dma_wait3A_154 = tpu.memref_slice %arg8[%dma_wait3A_152, %dma_wait3A_153] : memref<128x128xf32, #tpu.memory_space<vmem>> -> memref<32x128xf32, #tpu.memory_space<vmem>>
      %dma_wait3A_155 = arith.constant 64 : i32
      %dma_wait3A_156 = tpu.memref_slice %arg6[%dma_wait3A_151, %dma_wait3A_155] : memref<40x128xi32, #tpu.memory_space<vmem>> -> memref<1x32xi32, #tpu.memory_space<vmem>>
      %dma_wait3A_157 = tpu.memref_squeeze %dma_wait3A_156 : memref<1x32xi32, #tpu.memory_space<vmem>> -> memref<32xi32, #tpu.memory_space<vmem>>
      %dma_wait3A_158 = arith.constant 0 : i32
      %dma_wait3A_159 = arith.constant 0 : i32
      %dma_wait3A_160 = tpu.memref_slice %arg2[%dma_wait3A_158, %dma_wait3A_159] : memref<10000x128xf32, #tpu.memory_space<hbm>> -> memref<10000x128xf32, #tpu.memory_space<hbm>>
      tpu.wait_indirect_dma semaphore(%arg11 : memref<!tpu.dma_semaphore, #tpu.memory_space<semaphore_mem>>) src(%dma_wait3A_160 : memref<10000x128xf32, #tpu.memory_space<hbm>>) dst(%dma_wait3A_154 : memref<32x128xf32, #tpu.memory_space<vmem>>)
      %dma_wait3A_161 = arith.constant 0 : i32
      %dma_wait3A_162 = arith.constant 96 : i32
      %dma_wait3A_163 = arith.constant 0 : i32
      %dma_wait3A_164 = tpu.memref_slice %arg8[%dma_wait3A_162, %dma_wait3A_163] : memref<128x128xf32, #tpu.memory_space<vmem>> -> memref<32x128xf32, #tpu.memory_space<vmem>>
      %dma_wait3A_165 = arith.constant 96 : i32
      %dma_wait3A_166 = tpu.memref_slice %arg6[%dma_wait3A_161, %dma_wait3A_165] : memref<40x128xi32, #tpu.memory_space<vmem>> -> memref<1x32xi32, #tpu.memory_space<vmem>>
      %dma_wait3A_167 = tpu.memref_squeeze %dma_wait3A_166 : memref<1x32xi32, #tpu.memory_space<vmem>> -> memref<32xi32, #tpu.memory_space<vmem>>
      %dma_wait3A_168 = arith.constant 0 : i32
      %dma_wait3A_169 = arith.constant 0 : i32
      %dma_wait3A_170 = tpu.memref_slice %arg2[%dma_wait3A_168, %dma_wait3A_169] : memref<10000x128xf32, #tpu.memory_space<hbm>> -> memref<10000x128xf32, #tpu.memory_space<hbm>>
      tpu.wait_indirect_dma semaphore(%arg11 : memref<!tpu.dma_semaphore, #tpu.memory_space<semaphore_mem>>) src(%dma_wait3A_170 : memref<10000x128xf32, #tpu.memory_space<hbm>>) dst(%dma_wait3A_164 : memref<32x128xf32, #tpu.memory_space<vmem>>)
      %ge3A = arith.constant 1 : i32
      %ge3A_171 = arith.cmpi sge, %add3A_128, %ge3A : i32
      %convert_element_type3A = arith.extui %ge3A_171 : i1 to i32
      %cond3A = arith.constant 0 : i32
      %cond3A_172 = arith.cmpi ne, %convert_element_type3A, %cond3A : i32
      scf.if %cond3A_172 {
        %dma_wait3A_278 = arith.constant 0 : i32
        %dma_wait3A_279 = arith.constant 0 : i32
        %dma_wait3A_280 = tpu.memref_slice %arg7[%dma_wait3A_278, %dma_wait3A_279] : memref<40x128xi32, #tpu.memory_space<vmem>> -> memref<1x128xi32, #tpu.memory_space<vmem>>
        %dma_wait3A_281 = tpu.memref_squeeze %dma_wait3A_280 : memref<1x128xi32, #tpu.memory_space<vmem>> -> memref<128xi32, #tpu.memory_space<vmem>>
        %dma_wait3A_282 = arith.constant 0 : i32
        %dma_wait3A_283 = arith.constant 0 : i32
        %dma_wait3A_284 = tpu.memref_slice %arg10[%dma_wait3A_282, %dma_wait3A_283] : memref<10240x128xf32, #tpu.memory_space<vmem_shared>> -> memref<10240x128xf32, #tpu.memory_space<vmem_shared>>
        tpu.wait_indirect_dma semaphore(%arg14 : memref<!tpu.dma_semaphore, #tpu.memory_space<semaphore_mem>>) src(%arg9 : memref<128x128xf32, #tpu.memory_space<vmem>>) dst(%dma_wait3A_284 : memref<10240x128xf32, #tpu.memory_space<vmem_shared>>)
      } else {
      }
      %add3A_173 = arith.constant 1 : i32
      %add3A_174 = arith.addi %mul3A_130, %add3A_173 : i32
      %dma_start3A_175 = arith.constant 0 : i32
      %dma_start3A_176 = arith.constant 0 : i32
      %dma_start3A_177 = tpu.memref_slice %arg9[%dma_start3A_175, %dma_start3A_176] : memref<128x128xf32, #tpu.memory_space<vmem>> -> memref<32x128xf32, #tpu.memory_space<vmem>>
      %dma_start3A_178 = arith.constant 0 : i32
      %dma_start3A_179 = tpu.memref_slice %arg6[%add3A_174, %dma_start3A_178] : memref<40x128xi32, #tpu.memory_space<vmem>> -> memref<1x32xi32, #tpu.memory_space<vmem>>
      %dma_start3A_180 = tpu.memref_squeeze %dma_start3A_179 : memref<1x32xi32, #tpu.memory_space<vmem>> -> memref<32xi32, #tpu.memory_space<vmem>>
      %dma_start3A_181 = arith.constant 0 : i32
      %dma_start3A_182 = arith.constant 0 : i32
      %dma_start3A_183 = tpu.memref_slice %arg2[%dma_start3A_181, %dma_start3A_182] : memref<10000x128xf32, #tpu.memory_space<hbm>> -> memref<10000x128xf32, #tpu.memory_space<hbm>>
      tpu.enqueue_indirect_dma source(%dma_start3A_183 : memref<10000x128xf32, #tpu.memory_space<hbm>>) target(%dma_start3A_177 : memref<32x128xf32, #tpu.memory_space<vmem>>) offsets(%dma_start3A_180 : memref<32xi32, #tpu.memory_space<vmem>>) semaphore(%arg12 : memref<!tpu.dma_semaphore, #tpu.memory_space<semaphore_mem>>)
      %dma_start3A_184 = arith.constant 32 : i32
      %dma_start3A_185 = arith.constant 0 : i32
      %dma_start3A_186 = tpu.memref_slice %arg9[%dma_start3A_184, %dma_start3A_185] : memref<128x128xf32, #tpu.memory_space<vmem>> -> memref<32x128xf32, #tpu.memory_space<vmem>>
      %dma_start3A_187 = arith.constant 32 : i32
      %dma_start3A_188 = tpu.memref_slice %arg6[%add3A_174, %dma_start3A_187] : memref<40x128xi32, #tpu.memory_space<vmem>> -> memref<1x32xi32, #tpu.memory_space<vmem>>
      %dma_start3A_189 = tpu.memref_squeeze %dma_start3A_188 : memref<1x32xi32, #tpu.memory_space<vmem>> -> memref<32xi32, #tpu.memory_space<vmem>>
      %dma_start3A_190 = arith.constant 0 : i32
      %dma_start3A_191 = arith.constant 0 : i32
      %dma_start3A_192 = tpu.memref_slice %arg2[%dma_start3A_190, %dma_start3A_191] : memref<10000x128xf32, #tpu.memory_space<hbm>> -> memref<10000x128xf32, #tpu.memory_space<hbm>>
      tpu.enqueue_indirect_dma source(%dma_start3A_192 : memref<10000x128xf32, #tpu.memory_space<hbm>>) target(%dma_start3A_186 : memref<32x128xf32, #tpu.memory_space<vmem>>) offsets(%dma_start3A_189 : memref<32xi32, #tpu.memory_space<vmem>>) semaphore(%arg12 : memref<!tpu.dma_semaphore, #tpu.memory_space<semaphore_mem>>)
      %dma_start3A_193 = arith.constant 64 : i32
      %dma_start3A_194 = arith.constant 0 : i32
      %dma_start3A_195 = tpu.memref_slice %arg9[%dma_start3A_193, %dma_start3A_194] : memref<128x128xf32, #tpu.memory_space<vmem>> -> memref<32x128xf32, #tpu.memory_space<vmem>>
      %dma_start3A_196 = arith.constant 64 : i32
      %dma_start3A_197 = tpu.memref_slice %arg6[%add3A_174, %dma_start3A_196] : memref<40x128xi32, #tpu.memory_space<vmem>> -> memref<1x32xi32, #tpu.memory_space<vmem>>
      %dma_start3A_198 = tpu.memref_squeeze %dma_start3A_197 : memref<1x32xi32, #tpu.memory_space<vmem>> -> memref<32xi32, #tpu.memory_space<vmem>>
      %dma_start3A_199 = arith.constant 0 : i32
      %dma_start3A_200 = arith.constant 0 : i32
      %dma_start3A_201 = tpu.memref_slice %arg2[%dma_start3A_199, %dma_start3A_200] : memref<10000x128xf32, #tpu.memory_space<hbm>> -> memref<10000x128xf32, #tpu.memory_space<hbm>>
      tpu.enqueue_indirect_dma source(%dma_start3A_201 : memref<10000x128xf32, #tpu.memory_space<hbm>>) target(%dma_start3A_195 : memref<32x128xf32, #tpu.memory_space<vmem>>) offsets(%dma_start3A_198 : memref<32xi32, #tpu.memory_space<vmem>>) semaphore(%arg12 : memref<!tpu.dma_semaphore, #tpu.memory_space<semaphore_mem>>)
      %dma_start3A_202 = arith.constant 96 : i32
      %dma_start3A_203 = arith.constant 0 : i32
      %dma_start3A_204 = tpu.memref_slice %arg9[%dma_start3A_202, %dma_start3A_203] : memref<128x128xf32, #tpu.memory_space<vmem>> -> memref<32x128xf32, #tpu.memory_space<vmem>>
      %dma_start3A_205 = arith.constant 96 : i32
      %dma_start3A_206 = tpu.memref_slice %arg6[%add3A_174, %dma_start3A_205] : memref<40x128xi32, #tpu.memory_space<vmem>> -> memref<1x32xi32, #tpu.memory_space<vmem>>
      %dma_start3A_207 = tpu.memref_squeeze %dma_start3A_206 : memref<1x32xi32, #tpu.memory_space<vmem>> -> memref<32xi32, #tpu.memory_space<vmem>>
      %dma_start3A_208 = arith.constant 0 : i32
      %dma_start3A_209 = arith.constant 0 : i32
      %dma_start3A_210 = tpu.memref_slice %arg2[%dma_start3A_208, %dma_start3A_209] : memref<10000x128xf32, #tpu.memory_space<hbm>> -> memref<10000x128xf32, #tpu.memory_space<hbm>>
      tpu.enqueue_indirect_dma source(%dma_start3A_210 : memref<10000x128xf32, #tpu.memory_space<hbm>>) target(%dma_start3A_204 : memref<32x128xf32, #tpu.memory_space<vmem>>) offsets(%dma_start3A_207 : memref<32xi32, #tpu.memory_space<vmem>>) semaphore(%arg12 : memref<!tpu.dma_semaphore, #tpu.memory_space<semaphore_mem>>)
      %dma_start3A_211 = arith.constant 0 : i32
      %dma_start3A_212 = tpu.memref_slice %arg7[%mul3A_130, %dma_start3A_211] : memref<40x128xi32, #tpu.memory_space<vmem>> -> memref<1x128xi32, #tpu.memory_space<vmem>>
      %dma_start3A_213 = tpu.memref_squeeze %dma_start3A_212 : memref<1x128xi32, #tpu.memory_space<vmem>> -> memref<128xi32, #tpu.memory_space<vmem>>
      %dma_start3A_214 = arith.constant 0 : i32
      %dma_start3A_215 = arith.constant 0 : i32
      %dma_start3A_216 = tpu.memref_slice %arg10[%dma_start3A_214, %dma_start3A_215] : memref<10240x128xf32, #tpu.memory_space<vmem_shared>> -> memref<10240x128xf32, #tpu.memory_space<vmem_shared>>
      tpu.enqueue_indirect_dma source(%arg8 : memref<128x128xf32, #tpu.memory_space<vmem>>) target(%dma_start3A_216 : memref<10240x128xf32, #tpu.memory_space<vmem_shared>>) offsets(%dma_start3A_213 : memref<128xi32, #tpu.memory_space<vmem>>) semaphore(%arg13 : memref<!tpu.dma_semaphore, #tpu.memory_space<semaphore_mem>>) {add = true}
      %dma_wait3A_217 = arith.constant 0 : i32
      %dma_wait3A_218 = arith.constant 0 : i32
      %dma_wait3A_219 = arith.constant 0 : i32
      %dma_wait3A_220 = tpu.memref_slice %arg9[%dma_wait3A_218, %dma_wait3A_219] : memref<128x128xf32, #tpu.memory_space<vmem>> -> memref<32x128xf32, #tpu.memory_space<vmem>>
      %dma_wait3A_221 = arith.constant 0 : i32
      %dma_wait3A_222 = tpu.memref_slice %arg6[%dma_wait3A_217, %dma_wait3A_221] : memref<40x128xi32, #tpu.memory_space<vmem>> -> memref<1x32xi32, #tpu.memory_space<vmem>>
      %dma_wait3A_223 = tpu.memref_squeeze %dma_wait3A_222 : memref<1x32xi32, #tpu.memory_space<vmem>> -> memref<32xi32, #tpu.memory_space<vmem>>
      %dma_wait3A_224 = arith.constant 0 : i32
      %dma_wait3A_225 = arith.constant 0 : i32
      %dma_wait3A_226 = tpu.memref_slice %arg2[%dma_wait3A_224, %dma_wait3A_225] : memref<10000x128xf32, #tpu.memory_space<hbm>> -> memref<10000x128xf32, #tpu.memory_space<hbm>>
      tpu.wait_indirect_dma semaphore(%arg12 : memref<!tpu.dma_semaphore, #tpu.memory_space<semaphore_mem>>) src(%dma_wait3A_226 : memref<10000x128xf32, #tpu.memory_space<hbm>>) dst(%dma_wait3A_220 : memref<32x128xf32, #tpu.memory_space<vmem>>)
      %dma_wait3A_227 = arith.constant 0 : i32
      %dma_wait3A_228 = arith.constant 32 : i32
      %dma_wait3A_229 = arith.constant 0 : i32
      %dma_wait3A_230 = tpu.memref_slice %arg9[%dma_wait3A_228, %dma_wait3A_229] : memref<128x128xf32, #tpu.memory_space<vmem>> -> memref<32x128xf32, #tpu.memory_space<vmem>>
      %dma_wait3A_231 = arith.constant 32 : i32
      %dma_wait3A_232 = tpu.memref_slice %arg6[%dma_wait3A_227, %dma_wait3A_231] : memref<40x128xi32, #tpu.memory_space<vmem>> -> memref<1x32xi32, #tpu.memory_space<vmem>>
      %dma_wait3A_233 = tpu.memref_squeeze %dma_wait3A_232 : memref<1x32xi32, #tpu.memory_space<vmem>> -> memref<32xi32, #tpu.memory_space<vmem>>
      %dma_wait3A_234 = arith.constant 0 : i32
      %dma_wait3A_235 = arith.constant 0 : i32
      %dma_wait3A_236 = tpu.memref_slice %arg2[%dma_wait3A_234, %dma_wait3A_235] : memref<10000x128xf32, #tpu.memory_space<hbm>> -> memref<10000x128xf32, #tpu.memory_space<hbm>>
      tpu.wait_indirect_dma semaphore(%arg12 : memref<!tpu.dma_semaphore, #tpu.memory_space<semaphore_mem>>) src(%dma_wait3A_236 : memref<10000x128xf32, #tpu.memory_space<hbm>>) dst(%dma_wait3A_230 : memref<32x128xf32, #tpu.memory_space<vmem>>)
      %dma_wait3A_237 = arith.constant 0 : i32
      %dma_wait3A_238 = arith.constant 64 : i32
      %dma_wait3A_239 = arith.constant 0 : i32
      %dma_wait3A_240 = tpu.memref_slice %arg9[%dma_wait3A_238, %dma_wait3A_239] : memref<128x128xf32, #tpu.memory_space<vmem>> -> memref<32x128xf32, #tpu.memory_space<vmem>>
      %dma_wait3A_241 = arith.constant 64 : i32
      %dma_wait3A_242 = tpu.memref_slice %arg6[%dma_wait3A_237, %dma_wait3A_241] : memref<40x128xi32, #tpu.memory_space<vmem>> -> memref<1x32xi32, #tpu.memory_space<vmem>>
      %dma_wait3A_243 = tpu.memref_squeeze %dma_wait3A_242 : memref<1x32xi32, #tpu.memory_space<vmem>> -> memref<32xi32, #tpu.memory_space<vmem>>
      %dma_wait3A_244 = arith.constant 0 : i32
      %dma_wait3A_245 = arith.constant 0 : i32
      %dma_wait3A_246 = tpu.memref_slice %arg2[%dma_wait3A_244, %dma_wait3A_245] : memref<10000x128xf32, #tpu.memory_space<hbm>> -> memref<10000x128xf32, #tpu.memory_space<hbm>>
      tpu.wait_indirect_dma semaphore(%arg12 : memref<!tpu.dma_semaphore, #tpu.memory_space<semaphore_mem>>) src(%dma_wait3A_246 : memref<10000x128xf32, #tpu.memory_space<hbm>>) dst(%dma_wait3A_240 : memref<32x128xf32, #tpu.memory_space<vmem>>)
      %dma_wait3A_247 = arith.constant 0 : i32
      %dma_wait3A_248 = arith.constant 96 : i32
      %dma_wait3A_249 = arith.constant 0 : i32
      %dma_wait3A_250 = tpu.memref_slice %arg9[%dma_wait3A_248, %dma_wait3A_249] : memref<128x128xf32, #tpu.memory_space<vmem>> -> memref<32x128xf32, #tpu.memory_space<vmem>>
      %dma_wait3A_251 = arith.constant 96 : i32
      %dma_wait3A_252 = tpu.memref_slice %arg6[%dma_wait3A_247, %dma_wait3A_251] : memref<40x128xi32, #tpu.memory_space<vmem>> -> memref<1x32xi32, #tpu.memory_space<vmem>>
      %dma_wait3A_253 = tpu.memref_squeeze %dma_wait3A_252 : memref<1x32xi32, #tpu.memory_space<vmem>> -> memref<32xi32, #tpu.memory_space<vmem>>
      %dma_wait3A_254 = arith.constant 0 : i32
      %dma_wait3A_255 = arith.constant 0 : i32
      %dma_wait3A_256 = tpu.memref_slice %arg2[%dma_wait3A_254, %dma_wait3A_255] : memref<10000x128xf32, #tpu.memory_space<hbm>> -> memref<10000x128xf32, #tpu.memory_space<hbm>>
      tpu.wait_indirect_dma semaphore(%arg12 : memref<!tpu.dma_semaphore, #tpu.memory_space<semaphore_mem>>) src(%dma_wait3A_256 : memref<10000x128xf32, #tpu.memory_space<hbm>>) dst(%dma_wait3A_250 : memref<32x128xf32, #tpu.memory_space<vmem>>)
      %dma_wait3A_257 = arith.constant 0 : i32
      %dma_wait3A_258 = arith.constant 0 : i32
      %dma_wait3A_259 = tpu.memref_slice %arg7[%dma_wait3A_257, %dma_wait3A_258] : memref<40x128xi32, #tpu.memory_space<vmem>> -> memref<1x128xi32, #tpu.memory_space<vmem>>
      %dma_wait3A_260 = tpu.memref_squeeze %dma_wait3A_259 : memref<1x128xi32, #tpu.memory_space<vmem>> -> memref<128xi32, #tpu.memory_space<vmem>>
      %dma_wait3A_261 = arith.constant 0 : i32
      %dma_wait3A_262 = arith.constant 0 : i32
      %dma_wait3A_263 = tpu.memref_slice %arg10[%dma_wait3A_261, %dma_wait3A_262] : memref<10240x128xf32, #tpu.memory_space<vmem_shared>> -> memref<10240x128xf32, #tpu.memory_space<vmem_shared>>
      tpu.wait_indirect_dma semaphore(%arg13 : memref<!tpu.dma_semaphore, #tpu.memory_space<semaphore_mem>>) src(%arg8 : memref<128x128xf32, #tpu.memory_space<vmem>>) dst(%dma_wait3A_263 : memref<10240x128xf32, #tpu.memory_space<vmem_shared>>)
      %add3A_264 = arith.constant 2 : i32
      %add3A_265 = arith.addi %mul3A_130, %add3A_264 : i32
      %lt3A = arith.constant 40 : i32
      %lt3A_266 = arith.cmpi slt, %add3A_265, %lt3A : i32
      %convert_element_type3A_267 = arith.extui %lt3A_266 : i1 to i32
      %cond3A_268 = arith.constant 0 : i32
      %cond3A_269 = arith.cmpi ne, %convert_element_type3A_267, %cond3A_268 : i32
      scf.if %cond3A_269 {
        %add3A_278 = arith.constant 2 : i32
        %add3A_279 = arith.addi %mul3A_130, %add3A_278 : i32
        %dma_start3A_280 = arith.constant 0 : i32
        %dma_start3A_281 = arith.constant 0 : i32
        %dma_start3A_282 = tpu.memref_slice %arg8[%dma_start3A_280, %dma_start3A_281] : memref<128x128xf32, #tpu.memory_space<vmem>> -> memref<32x128xf32, #tpu.memory_space<vmem>>
        %dma_start3A_283 = arith.constant 0 : i32
        %dma_start3A_284 = tpu.memref_slice %arg6[%add3A_279, %dma_start3A_283] : memref<40x128xi32, #tpu.memory_space<vmem>> -> memref<1x32xi32, #tpu.memory_space<vmem>>
        %dma_start3A_285 = tpu.memref_squeeze %dma_start3A_284 : memref<1x32xi32, #tpu.memory_space<vmem>> -> memref<32xi32, #tpu.memory_space<vmem>>
        %dma_start3A_286 = arith.constant 0 : i32
        %dma_start3A_287 = arith.constant 0 : i32
        %dma_start3A_288 = tpu.memref_slice %arg2[%dma_start3A_286, %dma_start3A_287] : memref<10000x128xf32, #tpu.memory_space<hbm>> -> memref<10000x128xf32, #tpu.memory_space<hbm>>
        tpu.enqueue_indirect_dma source(%dma_start3A_288 : memref<10000x128xf32, #tpu.memory_space<hbm>>) target(%dma_start3A_282 : memref<32x128xf32, #tpu.memory_space<vmem>>) offsets(%dma_start3A_285 : memref<32xi32, #tpu.memory_space<vmem>>) semaphore(%arg11 : memref<!tpu.dma_semaphore, #tpu.memory_space<semaphore_mem>>)
        %dma_start3A_289 = arith.constant 32 : i32
        %dma_start3A_290 = arith.constant 0 : i32
        %dma_start3A_291 = tpu.memref_slice %arg8[%dma_start3A_289, %dma_start3A_290] : memref<128x128xf32, #tpu.memory_space<vmem>> -> memref<32x128xf32, #tpu.memory_space<vmem>>
        %dma_start3A_292 = arith.constant 32 : i32
        %dma_start3A_293 = tpu.memref_slice %arg6[%add3A_279, %dma_start3A_292] : memref<40x128xi32, #tpu.memory_space<vmem>> -> memref<1x32xi32, #tpu.memory_space<vmem>>
        %dma_start3A_294 = tpu.memref_squeeze %dma_start3A_293 : memref<1x32xi32, #tpu.memory_space<vmem>> -> memref<32xi32, #tpu.memory_space<vmem>>
        %dma_start3A_295 = arith.constant 0 : i32
        %dma_start3A_296 = arith.constant 0 : i32
        %dma_start3A_297 = tpu.memref_slice %arg2[%dma_start3A_295, %dma_start3A_296] : memref<10000x128xf32, #tpu.memory_space<hbm>> -> memref<10000x128xf32, #tpu.memory_space<hbm>>
        tpu.enqueue_indirect_dma source(%dma_start3A_297 : memref<10000x128xf32, #tpu.memory_space<hbm>>) target(%dma_start3A_291 : memref<32x128xf32, #tpu.memory_space<vmem>>) offsets(%dma_start3A_294 : memref<32xi32, #tpu.memory_space<vmem>>) semaphore(%arg11 : memref<!tpu.dma_semaphore, #tpu.memory_space<semaphore_mem>>)
        %dma_start3A_298 = arith.constant 64 : i32
        %dma_start3A_299 = arith.constant 0 : i32
        %dma_start3A_300 = tpu.memref_slice %arg8[%dma_start3A_298, %dma_start3A_299] : memref<128x128xf32, #tpu.memory_space<vmem>> -> memref<32x128xf32, #tpu.memory_space<vmem>>
        %dma_start3A_301 = arith.constant 64 : i32
        %dma_start3A_302 = tpu.memref_slice %arg6[%add3A_279, %dma_start3A_301] : memref<40x128xi32, #tpu.memory_space<vmem>> -> memref<1x32xi32, #tpu.memory_space<vmem>>
        %dma_start3A_303 = tpu.memref_squeeze %dma_start3A_302 : memref<1x32xi32, #tpu.memory_space<vmem>> -> memref<32xi32, #tpu.memory_space<vmem>>
        %dma_start3A_304 = arith.constant 0 : i32
        %dma_start3A_305 = arith.constant 0 : i32
        %dma_start3A_306 = tpu.memref_slice %arg2[%dma_start3A_304, %dma_start3A_305] : memref<10000x128xf32, #tpu.memory_space<hbm>> -> memref<10000x128xf32, #tpu.memory_space<hbm>>
        tpu.enqueue_indirect_dma source(%dma_start3A_306 : memref<10000x128xf32, #tpu.memory_space<hbm>>) target(%dma_start3A_300 : memref<32x128xf32, #tpu.memory_space<vmem>>) offsets(%dma_start3A_303 : memref<32xi32, #tpu.memory_space<vmem>>) semaphore(%arg11 : memref<!tpu.dma_semaphore, #tpu.memory_space<semaphore_mem>>)
        %dma_start3A_307 = arith.constant 96 : i32
        %dma_start3A_308 = arith.constant 0 : i32
        %dma_start3A_309 = tpu.memref_slice %arg8[%dma_start3A_307, %dma_start3A_308] : memref<128x128xf32, #tpu.memory_space<vmem>> -> memref<32x128xf32, #tpu.memory_space<vmem>>
        %dma_start3A_310 = arith.constant 96 : i32
        %dma_start3A_311 = tpu.memref_slice %arg6[%add3A_279, %dma_start3A_310] : memref<40x128xi32, #tpu.memory_space<vmem>> -> memref<1x32xi32, #tpu.memory_space<vmem>>
        %dma_start3A_312 = tpu.memref_squeeze %dma_start3A_311 : memref<1x32xi32, #tpu.memory_space<vmem>> -> memref<32xi32, #tpu.memory_space<vmem>>
        %dma_start3A_313 = arith.constant 0 : i32
        %dma_start3A_314 = arith.constant 0 : i32
        %dma_start3A_315 = tpu.memref_slice %arg2[%dma_start3A_313, %dma_start3A_314] : memref<10000x128xf32, #tpu.memory_space<hbm>> -> memref<10000x128xf32, #tpu.memory_space<hbm>>
        tpu.enqueue_indirect_dma source(%dma_start3A_315 : memref<10000x128xf32, #tpu.memory_space<hbm>>) target(%dma_start3A_309 : memref<32x128xf32, #tpu.memory_space<vmem>>) offsets(%dma_start3A_312 : memref<32xi32, #tpu.memory_space<vmem>>) semaphore(%arg11 : memref<!tpu.dma_semaphore, #tpu.memory_space<semaphore_mem>>)
      } else {
      }
      %add3A_270 = arith.constant 1 : i32
      %add3A_271 = arith.addi %mul3A_130, %add3A_270 : i32
      %dma_start3A_272 = arith.constant 0 : i32
      %dma_start3A_273 = tpu.memref_slice %arg7[%add3A_271, %dma_start3A_272] : memref<40x128xi32, #tpu.memory_space<vmem>> -> memref<1x128xi32, #tpu.memory_space<vmem>>
      %dma_start3A_274 = tpu.memref_squeeze %dma_start3A_273 : memref<1x128xi32, #tpu.memory_space<vmem>> -> memref<128xi32, #tpu.memory_space<vmem>>
      %dma_start3A_275 = arith.constant 0 : i32
      %dma_start3A_276 = arith.constant 0 : i32
      %dma_start3A_277 = tpu.memref_slice %arg10[%dma_start3A_275, %dma_start3A_276] : memref<10240x128xf32, #tpu.memory_space<vmem_shared>> -> memref<10240x128xf32, #tpu.memory_space<vmem_shared>>
      tpu.enqueue_indirect_dma source(%arg9 : memref<128x128xf32, #tpu.memory_space<vmem>>) target(%dma_start3A_277 : memref<10240x128xf32, #tpu.memory_space<vmem_shared>>) offsets(%dma_start3A_274 : memref<128xi32, #tpu.memory_space<vmem>>) semaphore(%arg14 : memref<!tpu.dma_semaphore, #tpu.memory_space<semaphore_mem>>) {add = true}
    }
    %scan3A_110 = arith.constant 20 : i32
    %dma_wait3A_111 = arith.constant 0 : i32
    %dma_wait3A_112 = arith.constant 0 : i32
    %dma_wait3A_113 = tpu.memref_slice %arg7[%dma_wait3A_111, %dma_wait3A_112] : memref<40x128xi32, #tpu.memory_space<vmem>> -> memref<1x128xi32, #tpu.memory_space<vmem>>
    %dma_wait3A_114 = tpu.memref_squeeze %dma_wait3A_113 : memref<1x128xi32, #tpu.memory_space<vmem>> -> memref<128xi32, #tpu.memory_space<vmem>>
    %dma_wait3A_115 = arith.constant 0 : i32
    %dma_wait3A_116 = arith.constant 0 : i32
    %dma_wait3A_117 = tpu.memref_slice %arg10[%dma_wait3A_115, %dma_wait3A_116] : memref<10240x128xf32, #tpu.memory_space<vmem_shared>> -> memref<10240x128xf32, #tpu.memory_space<vmem_shared>>
    tpu.wait_indirect_dma semaphore(%arg14 : memref<!tpu.dma_semaphore, #tpu.memory_space<semaphore_mem>>) src(%arg9 : memref<128x128xf32, #tpu.memory_space<vmem>>) dst(%dma_wait3A_117 : memref<10240x128xf32, #tpu.memory_space<vmem_shared>>)
    %barrier3A_118 = arith.constant 0 : index
    tpu.barrier barrier_id(%barrier3A_118)
    %scan3A_119 = arith.constant 0 : i32
    %scan3A_120 = arith.constant 5 : i32
    %scan3A_121 = arith.addi %scan3A_119, %scan3A_120 : i32
    %scan3A_122 = arith.constant 1 : i32
    scf.for %scan3A_124 = %scan3A_119 to %scan3A_121 step %scan3A_122  : i32 {
      %mul3A_125 = arith.constant 1 : i32
      %mul3A_126 = arith.muli %scan3A_124, %mul3A_125 : i32
      %add3A_127 = arith.constant 0 : i32
      %add3A_128 = arith.addi %add3A_127, %mul3A_126 : i32
      %mul3A_129 = arith.constant 640 : i32
      %mul3A_130 = arith.muli %arg1, %mul3A_129 : i32
      %mul3A_131 = arith.constant 128 : i32
      %mul3A_132 = arith.muli %add3A_128, %mul3A_131 : i32
      %add3A_133 = arith.addi %mul3A_130, %mul3A_132 : i32
      "tpu.region"() ({
        %run_scoped3A = tpu.sem_alloc : memref<!tpu.dma_semaphore, #tpu.memory_space<semaphore_mem>>
        %dma_start3A_134 = arith.constant 0 : i32
        %dma_start3A_135 = tpu.memref_slice %arg5[%arg0, %add3A_133, %dma_start3A_134] : memref<2x10240x128xf32, #tpu.memory_space<hbm>> -> memref<1x128x128xf32, #tpu.memory_space<hbm>>
        %dma_start3A_136 = tpu.memref_squeeze %dma_start3A_135 : memref<1x128x128xf32, #tpu.memory_space<hbm>> -> memref<128x128xf32, #tpu.memory_space<hbm>>
        %dma_start3A_137 = arith.constant 0 : i32
        %dma_start3A_138 = tpu.memref_slice %arg10[%add3A_133, %dma_start3A_137] : memref<10240x128xf32, #tpu.memory_space<vmem_shared>> -> memref<128x128xf32, #tpu.memory_space<vmem_shared>>
        tpu.enqueue_dma source(%dma_start3A_138 : memref<128x128xf32, #tpu.memory_space<vmem_shared>>) target(%dma_start3A_136 : memref<128x128xf32, #tpu.memory_space<hbm>>) target_semaphore(%run_scoped3A : memref<!tpu.dma_semaphore, #tpu.memory_space<semaphore_mem>>)
        %dma_wait3A_139 = arith.constant 0 : i32
        %dma_wait3A_140 = tpu.memref_slice %arg5[%arg0, %add3A_133, %dma_wait3A_139] : memref<2x10240x128xf32, #tpu.memory_space<hbm>> -> memref<1x128x128xf32, #tpu.memory_space<hbm>>
        %dma_wait3A_141 = tpu.memref_squeeze %dma_wait3A_140 : memref<1x128x128xf32, #tpu.memory_space<hbm>> -> memref<128x128xf32, #tpu.memory_space<hbm>>
        %dma_wait3A_142 = arith.constant 0 : i32
        %dma_wait3A_143 = tpu.memref_slice %arg10[%add3A_133, %dma_wait3A_142] : memref<10240x128xf32, #tpu.memory_space<vmem_shared>> -> memref<128x128xf32, #tpu.memory_space<vmem_shared>>
        tpu.wait_dma2 semaphore(%run_scoped3A : memref<!tpu.dma_semaphore, #tpu.memory_space<semaphore_mem>>) src(%dma_wait3A_143 : memref<128x128xf32, #tpu.memory_space<vmem_shared>>) dst(%dma_wait3A_141 : memref<128x128xf32, #tpu.memory_space<hbm>>)
        tpu.yield
      }) : () -> ()
    }
    %scan3A_123 = arith.constant 5 : i32
    return
  }
}

#map = affine_map<(d0, d1) -> (0, 0)>
module attributes {stable_mosaic.version = 14 : i64} {
  func.func @_deg_body(%arg0: i32, %arg1: i32, %arg2: memref<2560x128xi32, #tpu.memory_space<hbm>>, %arg3: memref<2x10240xf32, #tpu.memory_space<hbm>>, %arg4: memref<80x128xi32, #tpu.memory_space<vmem>>, %arg5: memref<128xf32, #tpu.memory_space<vmem>>, %arg6: memref<640xf32, #tpu.memory_space<vmem>>, %arg7: memref<10240xf32, #tpu.memory_space<vmem_shared>>) attributes {dimension_semantics = [#tpu.dimension_semantics<core_parallel>, #tpu.dimension_semantics<subcore_parallel>], iteration_bounds = array<i64: 2, 16>, scalar_prefetch = 0 : i64, scratch_operands = 4 : i64, tpu.core_type = #tpu.core_type<sc_vector_subcore>, window_params = [{transform_indices = #map}, {transform_indices = #map}]} {
    %scan3A = arith.constant 0 : i32
    %scan3A_0 = arith.constant 8 : i32
    %scan3A_1 = arith.addi %scan3A, %scan3A_0 : i32
    %scan3A_2 = arith.constant 1 : i32
    scf.for %scan3A_22 = %scan3A to %scan3A_1 step %scan3A_2  : i32 {
      %mul3A_23 = arith.constant 1 : i32
      %mul3A_24 = arith.muli %scan3A_22, %mul3A_23 : i32
      %add3A_25 = arith.constant 0 : i32
      %add3A_26 = arith.addi %add3A_25, %mul3A_24 : i32
      %broadcast_in_dim3A = arith.constant 1.000000e+00 : f32
      %broadcast_in_dim3A_27 = vector.broadcast %broadcast_in_dim3A : f32 to vector<16xf32>
      %mul3A_28 = arith.constant 16 : i32
      %mul3A_29 = arith.muli %add3A_26, %mul3A_28 : i32
      %swap3A = arith.index_cast %mul3A_29 : i32 to index
      %swap3A_30 = tpu.vector_load %arg5[%swap3A] {strides = array<i32>} : memref<128xf32, #tpu.memory_space<vmem>>, vector<16xf32>,
      %swap3A_31 = vector.shape_cast %swap3A_30 : vector<16xf32> to vector<16xf32>
      %swap3A_32 = vector.shape_cast %broadcast_in_dim3A_27 : vector<16xf32> to vector<16xf32>
      tpu.vector_store %arg5[%swap3A], %swap3A_32 {strides = array<i32>} : memref<128xf32, #tpu.memory_space<vmem>>, vector<16xf32>,
    }
    %scan3A_3 = arith.constant 8 : i32
    %scan3A_4 = arith.constant 0 : i32
    %scan3A_5 = arith.constant 40 : i32
    %scan3A_6 = arith.addi %scan3A_4, %scan3A_5 : i32
    %scan3A_7 = arith.constant 1 : i32
    scf.for %scan3A_22 = %scan3A_4 to %scan3A_6 step %scan3A_7  : i32 {
      %mul3A_23 = arith.constant 1 : i32
      %mul3A_24 = arith.muli %scan3A_22, %mul3A_23 : i32
      %add3A_25 = arith.constant 0 : i32
      %add3A_26 = arith.addi %add3A_25, %mul3A_24 : i32
      %broadcast_in_dim3A = arith.constant 0.000000e+00 : f32
      %broadcast_in_dim3A_27 = vector.broadcast %broadcast_in_dim3A : f32 to vector<16xf32>
      %mul3A_28 = arith.constant 16 : i32
      %mul3A_29 = arith.muli %add3A_26, %mul3A_28 : i32
      %swap3A = arith.index_cast %mul3A_29 : i32 to index
      %swap3A_30 = tpu.vector_load %arg6[%swap3A] {strides = array<i32>} : memref<640xf32, #tpu.memory_space<vmem>>, vector<16xf32>,
      %swap3A_31 = vector.shape_cast %swap3A_30 : vector<16xf32> to vector<16xf32>
      %swap3A_32 = vector.shape_cast %broadcast_in_dim3A_27 : vector<16xf32> to vector<16xf32>
      tpu.vector_store %arg6[%swap3A], %swap3A_32 {strides = array<i32>} : memref<640xf32, #tpu.memory_space<vmem>>, vector<16xf32>,
    }
    %scan3A_8 = arith.constant 40 : i32
    %mul3A = arith.constant 640 : i32
    %mul3A_9 = arith.muli %arg1, %mul3A : i32
    "tpu.region"() ({
      %run_scoped3A = tpu.sem_alloc : memref<!tpu.dma_semaphore, #tpu.memory_space<semaphore_mem>>
      %dma_start3A = tpu.memref_slice %arg7[%mul3A_9] : memref<10240xf32, #tpu.memory_space<vmem_shared>> -> memref<640xf32, #tpu.memory_space<vmem_shared>>
      %dma_start3A_22 = tpu.memref_slice %arg7[%mul3A_9] : memref<10240xf32, #tpu.memory_space<vmem_shared>> -> memref<640xf32, #tpu.memory_space<vmem_shared>>
      tpu.enqueue_dma source(%arg6 : memref<640xf32, #tpu.memory_space<vmem>>) target(%dma_start3A_22 : memref<640xf32, #tpu.memory_space<vmem_shared>>) target_semaphore(%run_scoped3A : memref<!tpu.dma_semaphore, #tpu.memory_space<semaphore_mem>>)
      %dma_wait3A = tpu.memref_slice %arg7[%mul3A_9] : memref<10240xf32, #tpu.memory_space<vmem_shared>> -> memref<640xf32, #tpu.memory_space<vmem_shared>>
      %dma_wait3A_23 = tpu.memref_slice %arg7[%mul3A_9] : memref<10240xf32, #tpu.memory_space<vmem_shared>> -> memref<640xf32, #tpu.memory_space<vmem_shared>>
      tpu.wait_dma2 semaphore(%run_scoped3A : memref<!tpu.dma_semaphore, #tpu.memory_space<semaphore_mem>>) src(%arg6 : memref<640xf32, #tpu.memory_space<vmem>>) dst(%dma_wait3A_23 : memref<640xf32, #tpu.memory_space<vmem_shared>>)
      tpu.yield
    }) : () -> ()
    %barrier3A = arith.constant 0 : index
    tpu.barrier barrier_id(%barrier3A)
    %mul3A_10 = arith.constant 16 : i32
    %mul3A_11 = arith.muli %arg0, %mul3A_10 : i32
    %add3A = arith.addi %mul3A_11, %arg1 : i32
    %mul3A_12 = arith.constant 80 : i32
    %mul3A_13 = arith.muli %add3A, %mul3A_12 : i32
    "tpu.region"() ({
      %run_scoped3A = tpu.sem_alloc : memref<!tpu.dma_semaphore, #tpu.memory_space<semaphore_mem>>
      %dma_start3A = arith.constant 0 : i32
      %dma_start3A_22 = tpu.memref_slice %arg2[%mul3A_13, %dma_start3A] : memref<2560x128xi32, #tpu.memory_space<hbm>> -> memref<80x128xi32, #tpu.memory_space<hbm>>
      %dma_start3A_23 = arith.constant 0 : i32
      %dma_start3A_24 = tpu.memref_slice %arg2[%mul3A_13, %dma_start3A_23] : memref<2560x128xi32, #tpu.memory_space<hbm>> -> memref<80x128xi32, #tpu.memory_space<hbm>>
      tpu.enqueue_dma source(%dma_start3A_24 : memref<80x128xi32, #tpu.memory_space<hbm>>) target(%arg4 : memref<80x128xi32, #tpu.memory_space<vmem>>) target_semaphore(%run_scoped3A : memref<!tpu.dma_semaphore, #tpu.memory_space<semaphore_mem>>)
      %dma_wait3A = arith.constant 0 : i32
      %dma_wait3A_25 = tpu.memref_slice %arg2[%mul3A_13, %dma_wait3A] : memref<2560x128xi32, #tpu.memory_space<hbm>> -> memref<80x128xi32, #tpu.memory_space<hbm>>
      %dma_wait3A_26 = arith.constant 0 : i32
      %dma_wait3A_27 = tpu.memref_slice %arg2[%mul3A_13, %dma_wait3A_26] : memref<2560x128xi32, #tpu.memory_space<hbm>> -> memref<80x128xi32, #tpu.memory_space<hbm>>
      tpu.wait_dma2 semaphore(%run_scoped3A : memref<!tpu.dma_semaphore, #tpu.memory_space<semaphore_mem>>) src(%dma_wait3A_27 : memref<80x128xi32, #tpu.memory_space<hbm>>) dst(%arg4 : memref<80x128xi32, #tpu.memory_space<vmem>>)
      tpu.yield
    }) : () -> ()
    %scan3A_14 = arith.constant 0 : i32
    %scan3A_15 = arith.constant 80 : i32
    %scan3A_16 = arith.addi %scan3A_14, %scan3A_15 : i32
    %scan3A_17 = arith.constant 1 : i32
    scf.for %scan3A_22 = %scan3A_14 to %scan3A_16 step %scan3A_17  : i32 {
      %mul3A_23 = arith.constant 1 : i32
      %mul3A_24 = arith.muli %scan3A_22, %mul3A_23 : i32
      %add3A_25 = arith.constant 0 : i32
      %add3A_26 = arith.addi %add3A_25, %mul3A_24 : i32
      "tpu.region"() ({
        %run_scoped3A = tpu.sem_alloc : memref<!tpu.dma_semaphore, #tpu.memory_space<semaphore_mem>>
        %dma_start3A = arith.constant 0 : i32
        %dma_start3A_27 = tpu.memref_slice %arg4[%add3A_26, %dma_start3A] : memref<80x128xi32, #tpu.memory_space<vmem>> -> memref<1x128xi32, #tpu.memory_space<vmem>>
        %dma_start3A_28 = tpu.memref_squeeze %dma_start3A_27 : memref<1x128xi32, #tpu.memory_space<vmem>> -> memref<128xi32, #tpu.memory_space<vmem>>
        %dma_start3A_29 = arith.constant 0 : i32
        %dma_start3A_30 = tpu.memref_slice %arg7[%dma_start3A_29] : memref<10240xf32, #tpu.memory_space<vmem_shared>> -> memref<10240xf32, #tpu.memory_space<vmem_shared>>
        tpu.enqueue_indirect_dma source(%arg5 : memref<128xf32, #tpu.memory_space<vmem>>) target(%dma_start3A_30 : memref<10240xf32, #tpu.memory_space<vmem_shared>>) offsets(%dma_start3A_28 : memref<128xi32, #tpu.memory_space<vmem>>) semaphore(%run_scoped3A : memref<!tpu.dma_semaphore, #tpu.memory_space<semaphore_mem>>) {add = true}
        %dma_wait3A = arith.constant 0 : i32
        %dma_wait3A_31 = tpu.memref_slice %arg4[%add3A_26, %dma_wait3A] : memref<80x128xi32, #tpu.memory_space<vmem>> -> memref<1x128xi32, #tpu.memory_space<vmem>>
        %dma_wait3A_32 = tpu.memref_squeeze %dma_wait3A_31 : memref<1x128xi32, #tpu.memory_space<vmem>> -> memref<128xi32, #tpu.memory_space<vmem>>
        %dma_wait3A_33 = arith.constant 0 : i32
        %dma_wait3A_34 = tpu.memref_slice %arg7[%dma_wait3A_33] : memref<10240xf32, #tpu.memory_space<vmem_shared>> -> memref<10240xf32, #tpu.memory_space<vmem_shared>>
        tpu.wait_indirect_dma semaphore(%run_scoped3A : memref<!tpu.dma_semaphore, #tpu.memory_space<semaphore_mem>>) src(%arg5 : memref<128xf32, #tpu.memory_space<vmem>>) dst(%dma_wait3A_34 : memref<10240xf32, #tpu.memory_space<vmem_shared>>)
        tpu.yield
      }) : () -> ()
    }
    %scan3A_18 = arith.constant 80 : i32
    %barrier3A_19 = arith.constant 0 : index
    tpu.barrier barrier_id(%barrier3A_19)
    %mul3A_20 = arith.constant 640 : i32
    %mul3A_21 = arith.muli %arg1, %mul3A_20 : i32
    "tpu.region"() ({
      %run_scoped3A = tpu.sem_alloc : memref<!tpu.dma_semaphore, #tpu.memory_space<semaphore_mem>>
      %dma_start3A = tpu.memref_slice %arg3[%arg0, %mul3A_21] : memref<2x10240xf32, #tpu.memory_space<hbm>> -> memref<1x640xf32, #tpu.memory_space<hbm>>
      %dma_start3A_22 = tpu.memref_squeeze %dma_start3A : memref<1x640xf32, #tpu.memory_space<hbm>> -> memref<640xf32, #tpu.memory_space<hbm>>
      %dma_start3A_23 = tpu.memref_slice %arg7[%mul3A_21] : memref<10240xf32, #tpu.memory_space<vmem_shared>> -> memref<640xf32, #tpu.memory_space<vmem_shared>>
      tpu.enqueue_dma source(%dma_start3A_23 : memref<640xf32, #tpu.memory_space<vmem_shared>>) target(%dma_start3A_22 : memref<640xf32, #tpu.memory_space<hbm>>) target_semaphore(%run_scoped3A : memref<!tpu.dma_semaphore, #tpu.memory_space<semaphore_mem>>)
      %dma_wait3A = tpu.memref_slice %arg3[%arg0, %mul3A_21] : memref<2x10240xf32, #tpu.memory_space<hbm>> -> memref<1x640xf32, #tpu.memory_space<hbm>>
      %dma_wait3A_24 = tpu.memref_squeeze %dma_wait3A : memref<1x640xf32, #tpu.memory_space<hbm>> -> memref<640xf32, #tpu.memory_space<hbm>>
      %dma_wait3A_25 = tpu.memref_slice %arg7[%mul3A_21] : memref<10240xf32, #tpu.memory_space<vmem_shared>> -> memref<640xf32, #tpu.memory_space<vmem_shared>>
      tpu.wait_dma2 semaphore(%run_scoped3A : memref<!tpu.dma_semaphore, #tpu.memory_space<semaphore_mem>>) src(%dma_wait3A_25 : memref<640xf32, #tpu.memory_space<vmem_shared>>) dst(%dma_wait3A_24 : memref<640xf32, #tpu.memory_space<hbm>>)
      tpu.yield
    }) : () -> ()
    return
  }
}

#map = affine_map<(d0, d1) -> (0)>
#map1 = affine_map<(d0, d1) -> (0, 0)>
module attributes {stable_mosaic.version = 14 : i64} {
  func.func @_score_body(%arg0: i32, %arg1: i32, %arg2: memref<10000xf32, #tpu.memory_space<hbm>>, %arg3: memref<10000xf32, #tpu.memory_space<hbm>>, %arg4: memref<7680x128xi32, #tpu.memory_space<hbm>>, %arg5: memref<7680x128xi32, #tpu.memory_space<hbm>>, %arg6: memref<7680x128xf32, #tpu.memory_space<hbm>>, %arg7: memref<10000xf32, #tpu.memory_space<vmem>>, %arg8: memref<10000xf32, #tpu.memory_space<vmem>>, %arg9: memref<48x128xi32, #tpu.memory_space<vmem>>, %arg10: memref<48x128xi32, #tpu.memory_space<vmem>>, %arg11: memref<48x128xi32, #tpu.memory_space<vmem>>, %arg12: memref<48x128xi32, #tpu.memory_space<vmem>>, %arg13: memref<48x128xf32, #tpu.memory_space<vmem>>, %arg14: memref<48x128xf32, #tpu.memory_space<vmem>>, %arg15: memref<!tpu.dma_semaphore, #tpu.memory_space<semaphore_mem>>, %arg16: memref<!tpu.dma_semaphore, #tpu.memory_space<semaphore_mem>>, %arg17: memref<!tpu.dma_semaphore, #tpu.memory_space<semaphore_mem>>) attributes {dimension_semantics = [#tpu.dimension_semantics<core_parallel>, #tpu.dimension_semantics<subcore_parallel>], iteration_bounds = array<i64: 2, 16>, scalar_prefetch = 0 : i64, scratch_operands = 11 : i64, tpu.core_type = #tpu.core_type<sc_vector_subcore>, window_params = [{transform_indices = #map}, {transform_indices = #map}, {transform_indices = #map1}, {transform_indices = #map1}, {transform_indices = #map1}]} {
    %mul3A = arith.constant 16 : i32
    %mul3A_0 = arith.muli %arg0, %mul3A : i32
    %add3A = arith.addi %mul3A_0, %arg1 : i32
    %mul3A_1 = arith.constant 240 : i32
    %mul3A_2 = arith.muli %add3A, %mul3A_1 : i32
    tpu.enqueue_dma source(%arg2 : memref<10000xf32, #tpu.memory_space<hbm>>) target(%arg7 : memref<10000xf32, #tpu.memory_space<vmem>>) target_semaphore(%arg15 : memref<!tpu.dma_semaphore, #tpu.memory_space<semaphore_mem>>)
    tpu.enqueue_dma source(%arg3 : memref<10000xf32, #tpu.memory_space<hbm>>) target(%arg8 : memref<10000xf32, #tpu.memory_space<vmem>>) target_semaphore(%arg15 : memref<!tpu.dma_semaphore, #tpu.memory_space<semaphore_mem>>)
    %dma_start3A = arith.constant 0 : i32
    %dma_start3A_3 = tpu.memref_slice %arg4[%mul3A_2, %dma_start3A] : memref<7680x128xi32, #tpu.memory_space<hbm>> -> memref<48x128xi32, #tpu.memory_space<hbm>>
    %dma_start3A_4 = arith.constant 0 : i32
    %dma_start3A_5 = tpu.memref_slice %arg4[%mul3A_2, %dma_start3A_4] : memref<7680x128xi32, #tpu.memory_space<hbm>> -> memref<48x128xi32, #tpu.memory_space<hbm>>
    tpu.enqueue_dma source(%dma_start3A_5 : memref<48x128xi32, #tpu.memory_space<hbm>>) target(%arg9 : memref<48x128xi32, #tpu.memory_space<vmem>>) target_semaphore(%arg16 : memref<!tpu.dma_semaphore, #tpu.memory_space<semaphore_mem>>)
    %dma_start3A_6 = arith.constant 0 : i32
    %dma_start3A_7 = tpu.memref_slice %arg5[%mul3A_2, %dma_start3A_6] : memref<7680x128xi32, #tpu.memory_space<hbm>> -> memref<48x128xi32, #tpu.memory_space<hbm>>
    %dma_start3A_8 = arith.constant 0 : i32
    %dma_start3A_9 = tpu.memref_slice %arg5[%mul3A_2, %dma_start3A_8] : memref<7680x128xi32, #tpu.memory_space<hbm>> -> memref<48x128xi32, #tpu.memory_space<hbm>>
    tpu.enqueue_dma source(%dma_start3A_9 : memref<48x128xi32, #tpu.memory_space<hbm>>) target(%arg10 : memref<48x128xi32, #tpu.memory_space<vmem>>) target_semaphore(%arg16 : memref<!tpu.dma_semaphore, #tpu.memory_space<semaphore_mem>>)
    tpu.wait_dma2 semaphore(%arg15 : memref<!tpu.dma_semaphore, #tpu.memory_space<semaphore_mem>>) src(%arg2 : memref<10000xf32, #tpu.memory_space<hbm>>) dst(%arg7 : memref<10000xf32, #tpu.memory_space<vmem>>)
    tpu.wait_dma2 semaphore(%arg15 : memref<!tpu.dma_semaphore, #tpu.memory_space<semaphore_mem>>) src(%arg3 : memref<10000xf32, #tpu.memory_space<hbm>>) dst(%arg8 : memref<10000xf32, #tpu.memory_space<vmem>>)
    %dma_wait3A = arith.constant 0 : i32
    %dma_wait3A_10 = tpu.memref_slice %arg4[%mul3A_2, %dma_wait3A] : memref<7680x128xi32, #tpu.memory_space<hbm>> -> memref<48x128xi32, #tpu.memory_space<hbm>>
    %dma_wait3A_11 = arith.constant 0 : i32
    %dma_wait3A_12 = tpu.memref_slice %arg4[%mul3A_2, %dma_wait3A_11] : memref<7680x128xi32, #tpu.memory_space<hbm>> -> memref<48x128xi32, #tpu.memory_space<hbm>>
    tpu.wait_dma2 semaphore(%arg16 : memref<!tpu.dma_semaphore, #tpu.memory_space<semaphore_mem>>) src(%dma_wait3A_12 : memref<48x128xi32, #tpu.memory_space<hbm>>) dst(%arg9 : memref<48x128xi32, #tpu.memory_space<vmem>>)
    %dma_wait3A_13 = arith.constant 0 : i32
    %dma_wait3A_14 = tpu.memref_slice %arg5[%mul3A_2, %dma_wait3A_13] : memref<7680x128xi32, #tpu.memory_space<hbm>> -> memref<48x128xi32, #tpu.memory_space<hbm>>
    %dma_wait3A_15 = arith.constant 0 : i32
    %dma_wait3A_16 = tpu.memref_slice %arg5[%mul3A_2, %dma_wait3A_15] : memref<7680x128xi32, #tpu.memory_space<hbm>> -> memref<48x128xi32, #tpu.memory_space<hbm>>
    tpu.wait_dma2 semaphore(%arg16 : memref<!tpu.dma_semaphore, #tpu.memory_space<semaphore_mem>>) src(%dma_wait3A_16 : memref<48x128xi32, #tpu.memory_space<hbm>>) dst(%arg10 : memref<48x128xi32, #tpu.memory_space<vmem>>)
    %add3A_17 = arith.constant 48 : i32
    %add3A_18 = arith.addi %mul3A_2, %add3A_17 : i32
    %dma_start3A_19 = arith.constant 0 : i32
    %dma_start3A_20 = tpu.memref_slice %arg4[%add3A_18, %dma_start3A_19] : memref<7680x128xi32, #tpu.memory_space<hbm>> -> memref<48x128xi32, #tpu.memory_space<hbm>>
    %dma_start3A_21 = arith.constant 0 : i32
    %dma_start3A_22 = tpu.memref_slice %arg4[%add3A_18, %dma_start3A_21] : memref<7680x128xi32, #tpu.memory_space<hbm>> -> memref<48x128xi32, #tpu.memory_space<hbm>>
    tpu.enqueue_dma source(%dma_start3A_22 : memref<48x128xi32, #tpu.memory_space<hbm>>) target(%arg11 : memref<48x128xi32, #tpu.memory_space<vmem>>) target_semaphore(%arg16 : memref<!tpu.dma_semaphore, #tpu.memory_space<semaphore_mem>>)
    %dma_start3A_23 = arith.constant 0 : i32
    %dma_start3A_24 = tpu.memref_slice %arg5[%add3A_18, %dma_start3A_23] : memref<7680x128xi32, #tpu.memory_space<hbm>> -> memref<48x128xi32, #tpu.memory_space<hbm>>
    %dma_start3A_25 = arith.constant 0 : i32
    %dma_start3A_26 = tpu.memref_slice %arg5[%add3A_18, %dma_start3A_25] : memref<7680x128xi32, #tpu.memory_space<hbm>> -> memref<48x128xi32, #tpu.memory_space<hbm>>
    tpu.enqueue_dma source(%dma_start3A_26 : memref<48x128xi32, #tpu.memory_space<hbm>>) target(%arg12 : memref<48x128xi32, #tpu.memory_space<vmem>>) target_semaphore(%arg16 : memref<!tpu.dma_semaphore, #tpu.memory_space<semaphore_mem>>)
    %scan3A = arith.constant 0 : i32
    %scan3A_27 = arith.constant 48 : i32
    %scan3A_28 = arith.addi %scan3A, %scan3A_27 : i32
    %scan3A_29 = arith.constant 1 : i32
    scf.for %scan3A_163 = %scan3A to %scan3A_28 step %scan3A_29  : i32 {
      %mul3A_164 = arith.constant 1 : i32
      %mul3A_165 = arith.muli %scan3A_163, %mul3A_164 : i32
      %add3A_166 = arith.constant 0 : i32
      %add3A_167 = arith.addi %add3A_166, %mul3A_165 : i32
      %get3A = arith.index_cast %add3A_167 : i32 to index
      %get3A_168 = arith.constant 0 : index
      %get3A_169 = tpu.vector_load %arg9[%get3A, %get3A_168] {strides = array<i32>} : memref<48x128xi32, #tpu.memory_space<vmem>>, vector<16xi32>,
      %gather3A = tpu.vector_load_idx %arg7[%get3A_169] : memref<10000xf32, #tpu.memory_space<vmem>>[vector<16xi32>], vector<16xf32>,
      %get3A_170 = arith.index_cast %add3A_167 : i32 to index
      %get3A_171 = arith.constant 0 : index
      %get3A_172 = tpu.vector_load %arg10[%get3A_170, %get3A_171] {strides = array<i32>} : memref<48x128xi32, #tpu.memory_space<vmem>>, vector<16xi32>,
      %gather3A_173 = tpu.vector_load_idx %arg8[%get3A_172] : memref<10000xf32, #tpu.memory_space<vmem>>[vector<16xi32>], vector<16xf32>,
      %add3A_174 = arith.addf %gather3A, %gather3A_173 : vector<16xf32>
      %swap3A = arith.index_cast %add3A_167 : i32 to index
      %swap3A_175 = arith.constant 0 : index
      %swap3A_176 = tpu.vector_load %arg13[%swap3A, %swap3A_175] {strides = array<i32>} : memref<48x128xf32, #tpu.memory_space<vmem>>, vector<16xf32>,
      tpu.vector_store %arg13[%swap3A, %swap3A_175], %add3A_174 {strides = array<i32>} : memref<48x128xf32, #tpu.memory_space<vmem>>, vector<16xf32>,
      %get3A_177 = arith.index_cast %add3A_167 : i32 to index
      %get3A_178 = arith.constant 16 : index
      %get3A_179 = tpu.vector_load %arg9[%get3A_177, %get3A_178] {strides = array<i32>} : memref<48x128xi32, #tpu.memory_space<vmem>>, vector<16xi32>,
      %gather3A_180 = tpu.vector_load_idx %arg7[%get3A_179] : memref<10000xf32, #tpu.memory_space<vmem>>[vector<16xi32>], vector<16xf32>,
      %get3A_181 = arith.index_cast %add3A_167 : i32 to index
      %get3A_182 = arith.constant 16 : index
      %get3A_183 = tpu.vector_load %arg10[%get3A_181, %get3A_182] {strides = array<i32>} : memref<48x128xi32, #tpu.memory_space<vmem>>, vector<16xi32>,
      %gather3A_184 = tpu.vector_load_idx %arg8[%get3A_183] : memref<10000xf32, #tpu.memory_space<vmem>>[vector<16xi32>], vector<16xf32>,
      %add3A_185 = arith.addf %gather3A_180, %gather3A_184 : vector<16xf32>
      %swap3A_186 = arith.index_cast %add3A_167 : i32 to index
      %swap3A_187 = arith.constant 16 : index
      %swap3A_188 = tpu.vector_load %arg13[%swap3A_186, %swap3A_187] {strides = array<i32>} : memref<48x128xf32, #tpu.memory_space<vmem>>, vector<16xf32>,
      tpu.vector_store %arg13[%swap3A_186, %swap3A_187], %add3A_185 {strides = array<i32>} : memref<48x128xf32, #tpu.memory_space<vmem>>, vector<16xf32>,
      %get3A_189 = arith.index_cast %add3A_167 : i32 to index
      %get3A_190 = arith.constant 32 : index
      %get3A_191 = tpu.vector_load %arg9[%get3A_189, %get3A_190] {strides = array<i32>} : memref<48x128xi32, #tpu.memory_space<vmem>>, vector<16xi32>,
      %gather3A_192 = tpu.vector_load_idx %arg7[%get3A_191] : memref<10000xf32, #tpu.memory_space<vmem>>[vector<16xi32>], vector<16xf32>,
      %get3A_193 = arith.index_cast %add3A_167 : i32 to index
      %get3A_194 = arith.constant 32 : index
      %get3A_195 = tpu.vector_load %arg10[%get3A_193, %get3A_194] {strides = array<i32>} : memref<48x128xi32, #tpu.memory_space<vmem>>, vector<16xi32>,
      %gather3A_196 = tpu.vector_load_idx %arg8[%get3A_195] : memref<10000xf32, #tpu.memory_space<vmem>>[vector<16xi32>], vector<16xf32>,
      %add3A_197 = arith.addf %gather3A_192, %gather3A_196 : vector<16xf32>
      %swap3A_198 = arith.index_cast %add3A_167 : i32 to index
      %swap3A_199 = arith.constant 32 : index
      %swap3A_200 = tpu.vector_load %arg13[%swap3A_198, %swap3A_199] {strides = array<i32>} : memref<48x128xf32, #tpu.memory_space<vmem>>, vector<16xf32>,
      tpu.vector_store %arg13[%swap3A_198, %swap3A_199], %add3A_197 {strides = array<i32>} : memref<48x128xf32, #tpu.memory_space<vmem>>, vector<16xf32>,
      %get3A_201 = arith.index_cast %add3A_167 : i32 to index
      %get3A_202 = arith.constant 48 : index
      %get3A_203 = tpu.vector_load %arg9[%get3A_201, %get3A_202] {strides = array<i32>} : memref<48x128xi32, #tpu.memory_space<vmem>>, vector<16xi32>,
      %gather3A_204 = tpu.vector_load_idx %arg7[%get3A_203] : memref<10000xf32, #tpu.memory_space<vmem>>[vector<16xi32>], vector<16xf32>,
      %get3A_205 = arith.index_cast %add3A_167 : i32 to index
      %get3A_206 = arith.constant 48 : index
      %get3A_207 = tpu.vector_load %arg10[%get3A_205, %get3A_206] {strides = array<i32>} : memref<48x128xi32, #tpu.memory_space<vmem>>, vector<16xi32>,
      %gather3A_208 = tpu.vector_load_idx %arg8[%get3A_207] : memref<10000xf32, #tpu.memory_space<vmem>>[vector<16xi32>], vector<16xf32>,
      %add3A_209 = arith.addf %gather3A_204, %gather3A_208 : vector<16xf32>
      %swap3A_210 = arith.index_cast %add3A_167 : i32 to index
      %swap3A_211 = arith.constant 48 : index
      %swap3A_212 = tpu.vector_load %arg13[%swap3A_210, %swap3A_211] {strides = array<i32>} : memref<48x128xf32, #tpu.memory_space<vmem>>, vector<16xf32>,
      tpu.vector_store %arg13[%swap3A_210, %swap3A_211], %add3A_209 {strides = array<i32>} : memref<48x128xf32, #tpu.memory_space<vmem>>, vector<16xf32>,
      %get3A_213 = arith.index_cast %add3A_167 : i32 to index
      %get3A_214 = arith.constant 64 : index
      %get3A_215 = tpu.vector_load %arg9[%get3A_213, %get3A_214] {strides = array<i32>} : memref<48x128xi32, #tpu.memory_space<vmem>>, vector<16xi32>,
      %gather3A_216 = tpu.vector_load_idx %arg7[%get3A_215] : memref<10000xf32, #tpu.memory_space<vmem>>[vector<16xi32>], vector<16xf32>,
      %get3A_217 = arith.index_cast %add3A_167 : i32 to index
      %get3A_218 = arith.constant 64 : index
      %get3A_219 = tpu.vector_load %arg10[%get3A_217, %get3A_218] {strides = array<i32>} : memref<48x128xi32, #tpu.memory_space<vmem>>, vector<16xi32>,
      %gather3A_220 = tpu.vector_load_idx %arg8[%get3A_219] : memref<10000xf32, #tpu.memory_space<vmem>>[vector<16xi32>], vector<16xf32>,
      %add3A_221 = arith.addf %gather3A_216, %gather3A_220 : vector<16xf32>
      %swap3A_222 = arith.index_cast %add3A_167 : i32 to index
      %swap3A_223 = arith.constant 64 : index
      %swap3A_224 = tpu.vector_load %arg13[%swap3A_222, %swap3A_223] {strides = array<i32>} : memref<48x128xf32, #tpu.memory_space<vmem>>, vector<16xf32>,
      tpu.vector_store %arg13[%swap3A_222, %swap3A_223], %add3A_221 {strides = array<i32>} : memref<48x128xf32, #tpu.memory_space<vmem>>, vector<16xf32>,
      %get3A_225 = arith.index_cast %add3A_167 : i32 to index
      %get3A_226 = arith.constant 80 : index
      %get3A_227 = tpu.vector_load %arg9[%get3A_225, %get3A_226] {strides = array<i32>} : memref<48x128xi32, #tpu.memory_space<vmem>>, vector<16xi32>,
      %gather3A_228 = tpu.vector_load_idx %arg7[%get3A_227] : memref<10000xf32, #tpu.memory_space<vmem>>[vector<16xi32>], vector<16xf32>,
      %get3A_229 = arith.index_cast %add3A_167 : i32 to index
      %get3A_230 = arith.constant 80 : index
      %get3A_231 = tpu.vector_load %arg10[%get3A_229, %get3A_230] {strides = array<i32>} : memref<48x128xi32, #tpu.memory_space<vmem>>, vector<16xi32>,
      %gather3A_232 = tpu.vector_load_idx %arg8[%get3A_231] : memref<10000xf32, #tpu.memory_space<vmem>>[vector<16xi32>], vector<16xf32>,
      %add3A_233 = arith.addf %gather3A_228, %gather3A_232 : vector<16xf32>
      %swap3A_234 = arith.index_cast %add3A_167 : i32 to index
      %swap3A_235 = arith.constant 80 : index
      %swap3A_236 = tpu.vector_load %arg13[%swap3A_234, %swap3A_235] {strides = array<i32>} : memref<48x128xf32, #tpu.memory_space<vmem>>, vector<16xf32>,
      tpu.vector_store %arg13[%swap3A_234, %swap3A_235], %add3A_233 {strides = array<i32>} : memref<48x128xf32, #tpu.memory_space<vmem>>, vector<16xf32>,
      %get3A_237 = arith.index_cast %add3A_167 : i32 to index
      %get3A_238 = arith.constant 96 : index
      %get3A_239 = tpu.vector_load %arg9[%get3A_237, %get3A_238] {strides = array<i32>} : memref<48x128xi32, #tpu.memory_space<vmem>>, vector<16xi32>,
      %gather3A_240 = tpu.vector_load_idx %arg7[%get3A_239] : memref<10000xf32, #tpu.memory_space<vmem>>[vector<16xi32>], vector<16xf32>,
      %get3A_241 = arith.index_cast %add3A_167 : i32 to index
      %get3A_242 = arith.constant 96 : index
      %get3A_243 = tpu.vector_load %arg10[%get3A_241, %get3A_242] {strides = array<i32>} : memref<48x128xi32, #tpu.memory_space<vmem>>, vector<16xi32>,
      %gather3A_244 = tpu.vector_load_idx %arg8[%get3A_243] : memref<10000xf32, #tpu.memory_space<vmem>>[vector<16xi32>], vector<16xf32>,
      %add3A_245 = arith.addf %gather3A_240, %gather3A_244 : vector<16xf32>
      %swap3A_246 = arith.index_cast %add3A_167 : i32 to index
      %swap3A_247 = arith.constant 96 : index
      %swap3A_248 = tpu.vector_load %arg13[%swap3A_246, %swap3A_247] {strides = array<i32>} : memref<48x128xf32, #tpu.memory_space<vmem>>, vector<16xf32>,
      tpu.vector_store %arg13[%swap3A_246, %swap3A_247], %add3A_245 {strides = array<i32>} : memref<48x128xf32, #tpu.memory_space<vmem>>, vector<16xf32>,
      %get3A_249 = arith.index_cast %add3A_167 : i32 to index
      %get3A_250 = arith.constant 112 : index
      %get3A_251 = tpu.vector_load %arg9[%get3A_249, %get3A_250] {strides = array<i32>} : memref<48x128xi32, #tpu.memory_space<vmem>>, vector<16xi32>,
      %gather3A_252 = tpu.vector_load_idx %arg7[%get3A_251] : memref<10000xf32, #tpu.memory_space<vmem>>[vector<16xi32>], vector<16xf32>,
      %get3A_253 = arith.index_cast %add3A_167 : i32 to index
      %get3A_254 = arith.constant 112 : index
      %get3A_255 = tpu.vector_load %arg10[%get3A_253, %get3A_254] {strides = array<i32>} : memref<48x128xi32, #tpu.memory_space<vmem>>, vector<16xi32>,
      %gather3A_256 = tpu.vector_load_idx %arg8[%get3A_255] : memref<10000xf32, #tpu.memory_space<vmem>>[vector<16xi32>], vector<16xf32>,
      %add3A_257 = arith.addf %gather3A_252, %gather3A_256 : vector<16xf32>
      %swap3A_258 = arith.index_cast %add3A_167 : i32 to index
      %swap3A_259 = arith.constant 112 : index
      %swap3A_260 = tpu.vector_load %arg13[%swap3A_258, %swap3A_259] {strides = array<i32>} : memref<48x128xf32, #tpu.memory_space<vmem>>, vector<16xf32>,
      tpu.vector_store %arg13[%swap3A_258, %swap3A_259], %add3A_257 {strides = array<i32>} : memref<48x128xf32, #tpu.memory_space<vmem>>, vector<16xf32>,
    }
    %scan3A_30 = arith.constant 48 : i32
    %add3A_31 = arith.constant 0 : i32
    %add3A_32 = arith.addi %mul3A_2, %add3A_31 : i32
    %dma_start3A_33 = arith.constant 0 : i32
    %dma_start3A_34 = tpu.memref_slice %arg6[%add3A_32, %dma_start3A_33] : memref<7680x128xf32, #tpu.memory_space<hbm>> -> memref<48x128xf32, #tpu.memory_space<hbm>>
    %dma_start3A_35 = arith.constant 0 : i32
    %dma_start3A_36 = tpu.memref_slice %arg6[%add3A_32, %dma_start3A_35] : memref<7680x128xf32, #tpu.memory_space<hbm>> -> memref<48x128xf32, #tpu.memory_space<hbm>>
    tpu.enqueue_dma source(%arg13 : memref<48x128xf32, #tpu.memory_space<vmem>>) target(%dma_start3A_36 : memref<48x128xf32, #tpu.memory_space<hbm>>) target_semaphore(%arg17 : memref<!tpu.dma_semaphore, #tpu.memory_space<semaphore_mem>>)
    %dma_wait3A_37 = arith.constant 0 : i32
    %dma_wait3A_38 = tpu.memref_slice %arg4[%mul3A_2, %dma_wait3A_37] : memref<7680x128xi32, #tpu.memory_space<hbm>> -> memref<48x128xi32, #tpu.memory_space<hbm>>
    %dma_wait3A_39 = arith.constant 0 : i32
    %dma_wait3A_40 = tpu.memref_slice %arg4[%mul3A_2, %dma_wait3A_39] : memref<7680x128xi32, #tpu.memory_space<hbm>> -> memref<48x128xi32, #tpu.memory_space<hbm>>
    tpu.wait_dma2 semaphore(%arg16 : memref<!tpu.dma_semaphore, #tpu.memory_space<semaphore_mem>>) src(%dma_wait3A_40 : memref<48x128xi32, #tpu.memory_space<hbm>>) dst(%arg11 : memref<48x128xi32, #tpu.memory_space<vmem>>)
    %dma_wait3A_41 = arith.constant 0 : i32
    %dma_wait3A_42 = tpu.memref_slice %arg5[%mul3A_2, %dma_wait3A_41] : memref<7680x128xi32, #tpu.memory_space<hbm>> -> memref<48x128xi32, #tpu.memory_space<hbm>>
    %dma_wait3A_43 = arith.constant 0 : i32
    %dma_wait3A_44 = tpu.memref_slice %arg5[%mul3A_2, %dma_wait3A_43] : memref<7680x128xi32, #tpu.memory_space<hbm>> -> memref<48x128xi32, #tpu.memory_space<hbm>>
    tpu.wait_dma2 semaphore(%arg16 : memref<!tpu.dma_semaphore, #tpu.memory_space<semaphore_mem>>) src(%dma_wait3A_44 : memref<48x128xi32, #tpu.memory_space<hbm>>) dst(%arg12 : memref<48x128xi32, #tpu.memory_space<vmem>>)
    %add3A_45 = arith.constant 96 : i32
    %add3A_46 = arith.addi %mul3A_2, %add3A_45 : i32
    %dma_start3A_47 = arith.constant 0 : i32
    %dma_start3A_48 = tpu.memref_slice %arg4[%add3A_46, %dma_start3A_47] : memref<7680x128xi32, #tpu.memory_space<hbm>> -> memref<48x128xi32, #tpu.memory_space<hbm>>
    %dma_start3A_49 = arith.constant 0 : i32
    %dma_start3A_50 = tpu.memref_slice %arg4[%add3A_46, %dma_start3A_49] : memref<7680x128xi32, #tpu.memory_space<hbm>> -> memref<48x128xi32, #tpu.memory_space<hbm>>
    tpu.enqueue_dma source(%dma_start3A_50 : memref<48x128xi32, #tpu.memory_space<hbm>>) target(%arg9 : memref<48x128xi32, #tpu.memory_space<vmem>>) target_semaphore(%arg16 : memref<!tpu.dma_semaphore, #tpu.memory_space<semaphore_mem>>)
    %dma_start3A_51 = arith.constant 0 : i32
    %dma_start3A_52 = tpu.memref_slice %arg5[%add3A_46, %dma_start3A_51] : memref<7680x128xi32, #tpu.memory_space<hbm>> -> memref<48x128xi32, #tpu.memory_space<hbm>>
    %dma_start3A_53 = arith.constant 0 : i32
    %dma_start3A_54 = tpu.memref_slice %arg5[%add3A_46, %dma_start3A_53] : memref<7680x128xi32, #tpu.memory_space<hbm>> -> memref<48x128xi32, #tpu.memory_space<hbm>>
    tpu.enqueue_dma source(%dma_start3A_54 : memref<48x128xi32, #tpu.memory_space<hbm>>) target(%arg10 : memref<48x128xi32, #tpu.memory_space<vmem>>) target_semaphore(%arg16 : memref<!tpu.dma_semaphore, #tpu.memory_space<semaphore_mem>>)
    %scan3A_55 = arith.constant 0 : i32
    %scan3A_56 = arith.constant 48 : i32
    %scan3A_57 = arith.addi %scan3A_55, %scan3A_56 : i32
    %scan3A_58 = arith.constant 1 : i32
    scf.for %scan3A_163 = %scan3A_55 to %scan3A_57 step %scan3A_58  : i32 {
      %mul3A_164 = arith.constant 1 : i32
      %mul3A_165 = arith.muli %scan3A_163, %mul3A_164 : i32
      %add3A_166 = arith.constant 0 : i32
      %add3A_167 = arith.addi %add3A_166, %mul3A_165 : i32
      %get3A = arith.index_cast %add3A_167 : i32 to index
      %get3A_168 = arith.constant 0 : index
      %get3A_169 = tpu.vector_load %arg11[%get3A, %get3A_168] {strides = array<i32>} : memref<48x128xi32, #tpu.memory_space<vmem>>, vector<16xi32>,
      %gather3A = tpu.vector_load_idx %arg7[%get3A_169] : memref<10000xf32, #tpu.memory_space<vmem>>[vector<16xi32>], vector<16xf32>,
      %get3A_170 = arith.index_cast %add3A_167 : i32 to index
      %get3A_171 = arith.constant 0 : index
      %get3A_172 = tpu.vector_load %arg12[%get3A_170, %get3A_171] {strides = array<i32>} : memref<48x128xi32, #tpu.memory_space<vmem>>, vector<16xi32>,
      %gather3A_173 = tpu.vector_load_idx %arg8[%get3A_172] : memref<10000xf32, #tpu.memory_space<vmem>>[vector<16xi32>], vector<16xf32>,
      %add3A_174 = arith.addf %gather3A, %gather3A_173 : vector<16xf32>
      %swap3A = arith.index_cast %add3A_167 : i32 to index
      %swap3A_175 = arith.constant 0 : index
      %swap3A_176 = tpu.vector_load %arg14[%swap3A, %swap3A_175] {strides = array<i32>} : memref<48x128xf32, #tpu.memory_space<vmem>>, vector<16xf32>,
      tpu.vector_store %arg14[%swap3A, %swap3A_175], %add3A_174 {strides = array<i32>} : memref<48x128xf32, #tpu.memory_space<vmem>>, vector<16xf32>,
      %get3A_177 = arith.index_cast %add3A_167 : i32 to index
      %get3A_178 = arith.constant 16 : index
      %get3A_179 = tpu.vector_load %arg11[%get3A_177, %get3A_178] {strides = array<i32>} : memref<48x128xi32, #tpu.memory_space<vmem>>, vector<16xi32>,
      %gather3A_180 = tpu.vector_load_idx %arg7[%get3A_179] : memref<10000xf32, #tpu.memory_space<vmem>>[vector<16xi32>], vector<16xf32>,
      %get3A_181 = arith.index_cast %add3A_167 : i32 to index
      %get3A_182 = arith.constant 16 : index
      %get3A_183 = tpu.vector_load %arg12[%get3A_181, %get3A_182] {strides = array<i32>} : memref<48x128xi32, #tpu.memory_space<vmem>>, vector<16xi32>,
      %gather3A_184 = tpu.vector_load_idx %arg8[%get3A_183] : memref<10000xf32, #tpu.memory_space<vmem>>[vector<16xi32>], vector<16xf32>,
      %add3A_185 = arith.addf %gather3A_180, %gather3A_184 : vector<16xf32>
      %swap3A_186 = arith.index_cast %add3A_167 : i32 to index
      %swap3A_187 = arith.constant 16 : index
      %swap3A_188 = tpu.vector_load %arg14[%swap3A_186, %swap3A_187] {strides = array<i32>} : memref<48x128xf32, #tpu.memory_space<vmem>>, vector<16xf32>,
      tpu.vector_store %arg14[%swap3A_186, %swap3A_187], %add3A_185 {strides = array<i32>} : memref<48x128xf32, #tpu.memory_space<vmem>>, vector<16xf32>,
      %get3A_189 = arith.index_cast %add3A_167 : i32 to index
      %get3A_190 = arith.constant 32 : index
      %get3A_191 = tpu.vector_load %arg11[%get3A_189, %get3A_190] {strides = array<i32>} : memref<48x128xi32, #tpu.memory_space<vmem>>, vector<16xi32>,
      %gather3A_192 = tpu.vector_load_idx %arg7[%get3A_191] : memref<10000xf32, #tpu.memory_space<vmem>>[vector<16xi32>], vector<16xf32>,
      %get3A_193 = arith.index_cast %add3A_167 : i32 to index
      %get3A_194 = arith.constant 32 : index
      %get3A_195 = tpu.vector_load %arg12[%get3A_193, %get3A_194] {strides = array<i32>} : memref<48x128xi32, #tpu.memory_space<vmem>>, vector<16xi32>,
      %gather3A_196 = tpu.vector_load_idx %arg8[%get3A_195] : memref<10000xf32, #tpu.memory_space<vmem>>[vector<16xi32>], vector<16xf32>,
      %add3A_197 = arith.addf %gather3A_192, %gather3A_196 : vector<16xf32>
      %swap3A_198 = arith.index_cast %add3A_167 : i32 to index
      %swap3A_199 = arith.constant 32 : index
      %swap3A_200 = tpu.vector_load %arg14[%swap3A_198, %swap3A_199] {strides = array<i32>} : memref<48x128xf32, #tpu.memory_space<vmem>>, vector<16xf32>,
      tpu.vector_store %arg14[%swap3A_198, %swap3A_199], %add3A_197 {strides = array<i32>} : memref<48x128xf32, #tpu.memory_space<vmem>>, vector<16xf32>,
      %get3A_201 = arith.index_cast %add3A_167 : i32 to index
      %get3A_202 = arith.constant 48 : index
      %get3A_203 = tpu.vector_load %arg11[%get3A_201, %get3A_202] {strides = array<i32>} : memref<48x128xi32, #tpu.memory_space<vmem>>, vector<16xi32>,
      %gather3A_204 = tpu.vector_load_idx %arg7[%get3A_203] : memref<10000xf32, #tpu.memory_space<vmem>>[vector<16xi32>], vector<16xf32>,
      %get3A_205 = arith.index_cast %add3A_167 : i32 to index
      %get3A_206 = arith.constant 48 : index
      %get3A_207 = tpu.vector_load %arg12[%get3A_205, %get3A_206] {strides = array<i32>} : memref<48x128xi32, #tpu.memory_space<vmem>>, vector<16xi32>,
      %gather3A_208 = tpu.vector_load_idx %arg8[%get3A_207] : memref<10000xf32, #tpu.memory_space<vmem>>[vector<16xi32>], vector<16xf32>,
      %add3A_209 = arith.addf %gather3A_204, %gather3A_208 : vector<16xf32>
      %swap3A_210 = arith.index_cast %add3A_167 : i32 to index
      %swap3A_211 = arith.constant 48 : index
      %swap3A_212 = tpu.vector_load %arg14[%swap3A_210, %swap3A_211] {strides = array<i32>} : memref<48x128xf32, #tpu.memory_space<vmem>>, vector<16xf32>,
      tpu.vector_store %arg14[%swap3A_210, %swap3A_211], %add3A_209 {strides = array<i32>} : memref<48x128xf32, #tpu.memory_space<vmem>>, vector<16xf32>,
      %get3A_213 = arith.index_cast %add3A_167 : i32 to index
      %get3A_214 = arith.constant 64 : index
      %get3A_215 = tpu.vector_load %arg11[%get3A_213, %get3A_214] {strides = array<i32>} : memref<48x128xi32, #tpu.memory_space<vmem>>, vector<16xi32>,
      %gather3A_216 = tpu.vector_load_idx %arg7[%get3A_215] : memref<10000xf32, #tpu.memory_space<vmem>>[vector<16xi32>], vector<16xf32>,
      %get3A_217 = arith.index_cast %add3A_167 : i32 to index
      %get3A_218 = arith.constant 64 : index
      %get3A_219 = tpu.vector_load %arg12[%get3A_217, %get3A_218] {strides = array<i32>} : memref<48x128xi32, #tpu.memory_space<vmem>>, vector<16xi32>,
      %gather3A_220 = tpu.vector_load_idx %arg8[%get3A_219] : memref<10000xf32, #tpu.memory_space<vmem>>[vector<16xi32>], vector<16xf32>,
      %add3A_221 = arith.addf %gather3A_216, %gather3A_220 : vector<16xf32>
      %swap3A_222 = arith.index_cast %add3A_167 : i32 to index
      %swap3A_223 = arith.constant 64 : index
      %swap3A_224 = tpu.vector_load %arg14[%swap3A_222, %swap3A_223] {strides = array<i32>} : memref<48x128xf32, #tpu.memory_space<vmem>>, vector<16xf32>,
      tpu.vector_store %arg14[%swap3A_222, %swap3A_223], %add3A_221 {strides = array<i32>} : memref<48x128xf32, #tpu.memory_space<vmem>>, vector<16xf32>,
      %get3A_225 = arith.index_cast %add3A_167 : i32 to index
      %get3A_226 = arith.constant 80 : index
      %get3A_227 = tpu.vector_load %arg11[%get3A_225, %get3A_226] {strides = array<i32>} : memref<48x128xi32, #tpu.memory_space<vmem>>, vector<16xi32>,
      %gather3A_228 = tpu.vector_load_idx %arg7[%get3A_227] : memref<10000xf32, #tpu.memory_space<vmem>>[vector<16xi32>], vector<16xf32>,
      %get3A_229 = arith.index_cast %add3A_167 : i32 to index
      %get3A_230 = arith.constant 80 : index
      %get3A_231 = tpu.vector_load %arg12[%get3A_229, %get3A_230] {strides = array<i32>} : memref<48x128xi32, #tpu.memory_space<vmem>>, vector<16xi32>,
      %gather3A_232 = tpu.vector_load_idx %arg8[%get3A_231] : memref<10000xf32, #tpu.memory_space<vmem>>[vector<16xi32>], vector<16xf32>,
      %add3A_233 = arith.addf %gather3A_228, %gather3A_232 : vector<16xf32>
      %swap3A_234 = arith.index_cast %add3A_167 : i32 to index
      %swap3A_235 = arith.constant 80 : index
      %swap3A_236 = tpu.vector_load %arg14[%swap3A_234, %swap3A_235] {strides = array<i32>} : memref<48x128xf32, #tpu.memory_space<vmem>>, vector<16xf32>,
      tpu.vector_store %arg14[%swap3A_234, %swap3A_235], %add3A_233 {strides = array<i32>} : memref<48x128xf32, #tpu.memory_space<vmem>>, vector<16xf32>,
      %get3A_237 = arith.index_cast %add3A_167 : i32 to index
      %get3A_238 = arith.constant 96 : index
      %get3A_239 = tpu.vector_load %arg11[%get3A_237, %get3A_238] {strides = array<i32>} : memref<48x128xi32, #tpu.memory_space<vmem>>, vector<16xi32>,
      %gather3A_240 = tpu.vector_load_idx %arg7[%get3A_239] : memref<10000xf32, #tpu.memory_space<vmem>>[vector<16xi32>], vector<16xf32>,
      %get3A_241 = arith.index_cast %add3A_167 : i32 to index
      %get3A_242 = arith.constant 96 : index
      %get3A_243 = tpu.vector_load %arg12[%get3A_241, %get3A_242] {strides = array<i32>} : memref<48x128xi32, #tpu.memory_space<vmem>>, vector<16xi32>,
      %gather3A_244 = tpu.vector_load_idx %arg8[%get3A_243] : memref<10000xf32, #tpu.memory_space<vmem>>[vector<16xi32>], vector<16xf32>,
      %add3A_245 = arith.addf %gather3A_240, %gather3A_244 : vector<16xf32>
      %swap3A_246 = arith.index_cast %add3A_167 : i32 to index
      %swap3A_247 = arith.constant 96 : index
      %swap3A_248 = tpu.vector_load %arg14[%swap3A_246, %swap3A_247] {strides = array<i32>} : memref<48x128xf32, #tpu.memory_space<vmem>>, vector<16xf32>,
      tpu.vector_store %arg14[%swap3A_246, %swap3A_247], %add3A_245 {strides = array<i32>} : memref<48x128xf32, #tpu.memory_space<vmem>>, vector<16xf32>,
      %get3A_249 = arith.index_cast %add3A_167 : i32 to index
      %get3A_250 = arith.constant 112 : index
      %get3A_251 = tpu.vector_load %arg11[%get3A_249, %get3A_250] {strides = array<i32>} : memref<48x128xi32, #tpu.memory_space<vmem>>, vector<16xi32>,
      %gather3A_252 = tpu.vector_load_idx %arg7[%get3A_251] : memref<10000xf32, #tpu.memory_space<vmem>>[vector<16xi32>], vector<16xf32>,
      %get3A_253 = arith.index_cast %add3A_167 : i32 to index
      %get3A_254 = arith.constant 112 : index
      %get3A_255 = tpu.vector_load %arg12[%get3A_253, %get3A_254] {strides = array<i32>} : memref<48x128xi32, #tpu.memory_space<vmem>>, vector<16xi32>,
      %gather3A_256 = tpu.vector_load_idx %arg8[%get3A_255] : memref<10000xf32, #tpu.memory_space<vmem>>[vector<16xi32>], vector<16xf32>,
      %add3A_257 = arith.addf %gather3A_252, %gather3A_256 : vector<16xf32>
      %swap3A_258 = arith.index_cast %add3A_167 : i32 to index
      %swap3A_259 = arith.constant 112 : index
      %swap3A_260 = tpu.vector_load %arg14[%swap3A_258, %swap3A_259] {strides = array<i32>} : memref<48x128xf32, #tpu.memory_space<vmem>>, vector<16xf32>,
      tpu.vector_store %arg14[%swap3A_258, %swap3A_259], %add3A_257 {strides = array<i32>} : memref<48x128xf32, #tpu.memory_space<vmem>>, vector<16xf32>,
    }
    %scan3A_59 = arith.constant 48 : i32
    %add3A_60 = arith.constant 48 : i32
    %add3A_61 = arith.addi %mul3A_2, %add3A_60 : i32
    %dma_start3A_62 = arith.constant 0 : i32
    %dma_start3A_63 = tpu.memref_slice %arg6[%add3A_61, %dma_start3A_62] : memref<7680x128xf32, #tpu.memory_space<hbm>> -> memref<48x128xf32, #tpu.memory_space<hbm>>
    %dma_start3A_64 = arith.constant 0 : i32
    %dma_start3A_65 = tpu.memref_slice %arg6[%add3A_61, %dma_start3A_64] : memref<7680x128xf32, #tpu.memory_space<hbm>> -> memref<48x128xf32, #tpu.memory_space<hbm>>
    tpu.enqueue_dma source(%arg14 : memref<48x128xf32, #tpu.memory_space<vmem>>) target(%dma_start3A_65 : memref<48x128xf32, #tpu.memory_space<hbm>>) target_semaphore(%arg17 : memref<!tpu.dma_semaphore, #tpu.memory_space<semaphore_mem>>)
    %dma_wait3A_66 = arith.constant 0 : i32
    %dma_wait3A_67 = tpu.memref_slice %arg4[%mul3A_2, %dma_wait3A_66] : memref<7680x128xi32, #tpu.memory_space<hbm>> -> memref<48x128xi32, #tpu.memory_space<hbm>>
    %dma_wait3A_68 = arith.constant 0 : i32
    %dma_wait3A_69 = tpu.memref_slice %arg4[%mul3A_2, %dma_wait3A_68] : memref<7680x128xi32, #tpu.memory_space<hbm>> -> memref<48x128xi32, #tpu.memory_space<hbm>>
    tpu.wait_dma2 semaphore(%arg16 : memref<!tpu.dma_semaphore, #tpu.memory_space<semaphore_mem>>) src(%dma_wait3A_69 : memref<48x128xi32, #tpu.memory_space<hbm>>) dst(%arg9 : memref<48x128xi32, #tpu.memory_space<vmem>>)
    %dma_wait3A_70 = arith.constant 0 : i32
    %dma_wait3A_71 = tpu.memref_slice %arg5[%mul3A_2, %dma_wait3A_70] : memref<7680x128xi32, #tpu.memory_space<hbm>> -> memref<48x128xi32, #tpu.memory_space<hbm>>
    %dma_wait3A_72 = arith.constant 0 : i32
    %dma_wait3A_73 = tpu.memref_slice %arg5[%mul3A_2, %dma_wait3A_72] : memref<7680x128xi32, #tpu.memory_space<hbm>> -> memref<48x128xi32, #tpu.memory_space<hbm>>
    tpu.wait_dma2 semaphore(%arg16 : memref<!tpu.dma_semaphore, #tpu.memory_space<semaphore_mem>>) src(%dma_wait3A_73 : memref<48x128xi32, #tpu.memory_space<hbm>>) dst(%arg10 : memref<48x128xi32, #tpu.memory_space<vmem>>)
    %add3A_74 = arith.constant 144 : i32
    %add3A_75 = arith.addi %mul3A_2, %add3A_74 : i32
    %dma_start3A_76 = arith.constant 0 : i32
    %dma_start3A_77 = tpu.memref_slice %arg4[%add3A_75, %dma_start3A_76] : memref<7680x128xi32, #tpu.memory_space<hbm>> -> memref<48x128xi32, #tpu.memory_space<hbm>>
    %dma_start3A_78 = arith.constant 0 : i32
    %dma_start3A_79 = tpu.memref_slice %arg4[%add3A_75, %dma_start3A_78] : memref<7680x128xi32, #tpu.memory_space<hbm>> -> memref<48x128xi32, #tpu.memory_space<hbm>>
    tpu.enqueue_dma source(%dma_start3A_79 : memref<48x128xi32, #tpu.memory_space<hbm>>) target(%arg11 : memref<48x128xi32, #tpu.memory_space<vmem>>) target_semaphore(%arg16 : memref<!tpu.dma_semaphore, #tpu.memory_space<semaphore_mem>>)
    %dma_start3A_80 = arith.constant 0 : i32
    %dma_start3A_81 = tpu.memref_slice %arg5[%add3A_75, %dma_start3A_80] : memref<7680x128xi32, #tpu.memory_space<hbm>> -> memref<48x128xi32, #tpu.memory_space<hbm>>
    %dma_start3A_82 = arith.constant 0 : i32
    %dma_start3A_83 = tpu.memref_slice %arg5[%add3A_75, %dma_start3A_82] : memref<7680x128xi32, #tpu.memory_space<hbm>> -> memref<48x128xi32, #tpu.memory_space<hbm>>
    tpu.enqueue_dma source(%dma_start3A_83 : memref<48x128xi32, #tpu.memory_space<hbm>>) target(%arg12 : memref<48x128xi32, #tpu.memory_space<vmem>>) target_semaphore(%arg16 : memref<!tpu.dma_semaphore, #tpu.memory_space<semaphore_mem>>)
    %dma_wait3A_84 = arith.constant 0 : i32
    %dma_wait3A_85 = tpu.memref_slice %arg6[%mul3A_2, %dma_wait3A_84] : memref<7680x128xf32, #tpu.memory_space<hbm>> -> memref<48x128xf32, #tpu.memory_space<hbm>>
    %dma_wait3A_86 = arith.constant 0 : i32
    %dma_wait3A_87 = tpu.memref_slice %arg6[%mul3A_2, %dma_wait3A_86] : memref<7680x128xf32, #tpu.memory_space<hbm>> -> memref<48x128xf32, #tpu.memory_space<hbm>>
    tpu.wait_dma2 semaphore(%arg17 : memref<!tpu.dma_semaphore, #tpu.memory_space<semaphore_mem>>) src(%arg13 : memref<48x128xf32, #tpu.memory_space<vmem>>) dst(%dma_wait3A_87 : memref<48x128xf32, #tpu.memory_space<hbm>>)
    %scan3A_88 = arith.constant 0 : i32
    %scan3A_89 = arith.constant 48 : i32
    %scan3A_90 = arith.addi %scan3A_88, %scan3A_89 : i32
    %scan3A_91 = arith.constant 1 : i32
    scf.for %scan3A_163 = %scan3A_88 to %scan3A_90 step %scan3A_91  : i32 {
      %mul3A_164 = arith.constant 1 : i32
      %mul3A_165 = arith.muli %scan3A_163, %mul3A_164 : i32
      %add3A_166 = arith.constant 0 : i32
      %add3A_167 = arith.addi %add3A_166, %mul3A_165 : i32
      %get3A = arith.index_cast %add3A_167 : i32 to index
      %get3A_168 = arith.constant 0 : index
      %get3A_169 = tpu.vector_load %arg9[%get3A, %get3A_168] {strides = array<i32>} : memref<48x128xi32, #tpu.memory_space<vmem>>, vector<16xi32>,
      %gather3A = tpu.vector_load_idx %arg7[%get3A_169] : memref<10000xf32, #tpu.memory_space<vmem>>[vector<16xi32>], vector<16xf32>,
      %get3A_170 = arith.index_cast %add3A_167 : i32 to index
      %get3A_171 = arith.constant 0 : index
      %get3A_172 = tpu.vector_load %arg10[%get3A_170, %get3A_171] {strides = array<i32>} : memref<48x128xi32, #tpu.memory_space<vmem>>, vector<16xi32>,
      %gather3A_173 = tpu.vector_load_idx %arg8[%get3A_172] : memref<10000xf32, #tpu.memory_space<vmem>>[vector<16xi32>], vector<16xf32>,
      %add3A_174 = arith.addf %gather3A, %gather3A_173 : vector<16xf32>
      %swap3A = arith.index_cast %add3A_167 : i32 to index
      %swap3A_175 = arith.constant 0 : index
      %swap3A_176 = tpu.vector_load %arg13[%swap3A, %swap3A_175] {strides = array<i32>} : memref<48x128xf32, #tpu.memory_space<vmem>>, vector<16xf32>,
      tpu.vector_store %arg13[%swap3A, %swap3A_175], %add3A_174 {strides = array<i32>} : memref<48x128xf32, #tpu.memory_space<vmem>>, vector<16xf32>,
      %get3A_177 = arith.index_cast %add3A_167 : i32 to index
      %get3A_178 = arith.constant 16 : index
      %get3A_179 = tpu.vector_load %arg9[%get3A_177, %get3A_178] {strides = array<i32>} : memref<48x128xi32, #tpu.memory_space<vmem>>, vector<16xi32>,
      %gather3A_180 = tpu.vector_load_idx %arg7[%get3A_179] : memref<10000xf32, #tpu.memory_space<vmem>>[vector<16xi32>], vector<16xf32>,
      %get3A_181 = arith.index_cast %add3A_167 : i32 to index
      %get3A_182 = arith.constant 16 : index
      %get3A_183 = tpu.vector_load %arg10[%get3A_181, %get3A_182] {strides = array<i32>} : memref<48x128xi32, #tpu.memory_space<vmem>>, vector<16xi32>,
      %gather3A_184 = tpu.vector_load_idx %arg8[%get3A_183] : memref<10000xf32, #tpu.memory_space<vmem>>[vector<16xi32>], vector<16xf32>,
      %add3A_185 = arith.addf %gather3A_180, %gather3A_184 : vector<16xf32>
      %swap3A_186 = arith.index_cast %add3A_167 : i32 to index
      %swap3A_187 = arith.constant 16 : index
      %swap3A_188 = tpu.vector_load %arg13[%swap3A_186, %swap3A_187] {strides = array<i32>} : memref<48x128xf32, #tpu.memory_space<vmem>>, vector<16xf32>,
      tpu.vector_store %arg13[%swap3A_186, %swap3A_187], %add3A_185 {strides = array<i32>} : memref<48x128xf32, #tpu.memory_space<vmem>>, vector<16xf32>,
      %get3A_189 = arith.index_cast %add3A_167 : i32 to index
      %get3A_190 = arith.constant 32 : index
      %get3A_191 = tpu.vector_load %arg9[%get3A_189, %get3A_190] {strides = array<i32>} : memref<48x128xi32, #tpu.memory_space<vmem>>, vector<16xi32>,
      %gather3A_192 = tpu.vector_load_idx %arg7[%get3A_191] : memref<10000xf32, #tpu.memory_space<vmem>>[vector<16xi32>], vector<16xf32>,
      %get3A_193 = arith.index_cast %add3A_167 : i32 to index
      %get3A_194 = arith.constant 32 : index
      %get3A_195 = tpu.vector_load %arg10[%get3A_193, %get3A_194] {strides = array<i32>} : memref<48x128xi32, #tpu.memory_space<vmem>>, vector<16xi32>,
      %gather3A_196 = tpu.vector_load_idx %arg8[%get3A_195] : memref<10000xf32, #tpu.memory_space<vmem>>[vector<16xi32>], vector<16xf32>,
      %add3A_197 = arith.addf %gather3A_192, %gather3A_196 : vector<16xf32>
      %swap3A_198 = arith.index_cast %add3A_167 : i32 to index
      %swap3A_199 = arith.constant 32 : index
      %swap3A_200 = tpu.vector_load %arg13[%swap3A_198, %swap3A_199] {strides = array<i32>} : memref<48x128xf32, #tpu.memory_space<vmem>>, vector<16xf32>,
      tpu.vector_store %arg13[%swap3A_198, %swap3A_199], %add3A_197 {strides = array<i32>} : memref<48x128xf32, #tpu.memory_space<vmem>>, vector<16xf32>,
      %get3A_201 = arith.index_cast %add3A_167 : i32 to index
      %get3A_202 = arith.constant 48 : index
      %get3A_203 = tpu.vector_load %arg9[%get3A_201, %get3A_202] {strides = array<i32>} : memref<48x128xi32, #tpu.memory_space<vmem>>, vector<16xi32>,
      %gather3A_204 = tpu.vector_load_idx %arg7[%get3A_203] : memref<10000xf32, #tpu.memory_space<vmem>>[vector<16xi32>], vector<16xf32>,
      %get3A_205 = arith.index_cast %add3A_167 : i32 to index
      %get3A_206 = arith.constant 48 : index
      %get3A_207 = tpu.vector_load %arg10[%get3A_205, %get3A_206] {strides = array<i32>} : memref<48x128xi32, #tpu.memory_space<vmem>>, vector<16xi32>,
      %gather3A_208 = tpu.vector_load_idx %arg8[%get3A_207] : memref<10000xf32, #tpu.memory_space<vmem>>[vector<16xi32>], vector<16xf32>,
      %add3A_209 = arith.addf %gather3A_204, %gather3A_208 : vector<16xf32>
      %swap3A_210 = arith.index_cast %add3A_167 : i32 to index
      %swap3A_211 = arith.constant 48 : index
      %swap3A_212 = tpu.vector_load %arg13[%swap3A_210, %swap3A_211] {strides = array<i32>} : memref<48x128xf32, #tpu.memory_space<vmem>>, vector<16xf32>,
      tpu.vector_store %arg13[%swap3A_210, %swap3A_211], %add3A_209 {strides = array<i32>} : memref<48x128xf32, #tpu.memory_space<vmem>>, vector<16xf32>,
      %get3A_213 = arith.index_cast %add3A_167 : i32 to index
      %get3A_214 = arith.constant 64 : index
      %get3A_215 = tpu.vector_load %arg9[%get3A_213, %get3A_214] {strides = array<i32>} : memref<48x128xi32, #tpu.memory_space<vmem>>, vector<16xi32>,
      %gather3A_216 = tpu.vector_load_idx %arg7[%get3A_215] : memref<10000xf32, #tpu.memory_space<vmem>>[vector<16xi32>], vector<16xf32>,
      %get3A_217 = arith.index_cast %add3A_167 : i32 to index
      %get3A_218 = arith.constant 64 : index
      %get3A_219 = tpu.vector_load %arg10[%get3A_217, %get3A_218] {strides = array<i32>} : memref<48x128xi32, #tpu.memory_space<vmem>>, vector<16xi32>,
      %gather3A_220 = tpu.vector_load_idx %arg8[%get3A_219] : memref<10000xf32, #tpu.memory_space<vmem>>[vector<16xi32>], vector<16xf32>,
      %add3A_221 = arith.addf %gather3A_216, %gather3A_220 : vector<16xf32>
      %swap3A_222 = arith.index_cast %add3A_167 : i32 to index
      %swap3A_223 = arith.constant 64 : index
      %swap3A_224 = tpu.vector_load %arg13[%swap3A_222, %swap3A_223] {strides = array<i32>} : memref<48x128xf32, #tpu.memory_space<vmem>>, vector<16xf32>,
      tpu.vector_store %arg13[%swap3A_222, %swap3A_223], %add3A_221 {strides = array<i32>} : memref<48x128xf32, #tpu.memory_space<vmem>>, vector<16xf32>,
      %get3A_225 = arith.index_cast %add3A_167 : i32 to index
      %get3A_226 = arith.constant 80 : index
      %get3A_227 = tpu.vector_load %arg9[%get3A_225, %get3A_226] {strides = array<i32>} : memref<48x128xi32, #tpu.memory_space<vmem>>, vector<16xi32>,
      %gather3A_228 = tpu.vector_load_idx %arg7[%get3A_227] : memref<10000xf32, #tpu.memory_space<vmem>>[vector<16xi32>], vector<16xf32>,
      %get3A_229 = arith.index_cast %add3A_167 : i32 to index
      %get3A_230 = arith.constant 80 : index
      %get3A_231 = tpu.vector_load %arg10[%get3A_229, %get3A_230] {strides = array<i32>} : memref<48x128xi32, #tpu.memory_space<vmem>>, vector<16xi32>,
      %gather3A_232 = tpu.vector_load_idx %arg8[%get3A_231] : memref<10000xf32, #tpu.memory_space<vmem>>[vector<16xi32>], vector<16xf32>,
      %add3A_233 = arith.addf %gather3A_228, %gather3A_232 : vector<16xf32>
      %swap3A_234 = arith.index_cast %add3A_167 : i32 to index
      %swap3A_235 = arith.constant 80 : index
      %swap3A_236 = tpu.vector_load %arg13[%swap3A_234, %swap3A_235] {strides = array<i32>} : memref<48x128xf32, #tpu.memory_space<vmem>>, vector<16xf32>,
      tpu.vector_store %arg13[%swap3A_234, %swap3A_235], %add3A_233 {strides = array<i32>} : memref<48x128xf32, #tpu.memory_space<vmem>>, vector<16xf32>,
      %get3A_237 = arith.index_cast %add3A_167 : i32 to index
      %get3A_238 = arith.constant 96 : index
      %get3A_239 = tpu.vector_load %arg9[%get3A_237, %get3A_238] {strides = array<i32>} : memref<48x128xi32, #tpu.memory_space<vmem>>, vector<16xi32>,
      %gather3A_240 = tpu.vector_load_idx %arg7[%get3A_239] : memref<10000xf32, #tpu.memory_space<vmem>>[vector<16xi32>], vector<16xf32>,
      %get3A_241 = arith.index_cast %add3A_167 : i32 to index
      %get3A_242 = arith.constant 96 : index
      %get3A_243 = tpu.vector_load %arg10[%get3A_241, %get3A_242] {strides = array<i32>} : memref<48x128xi32, #tpu.memory_space<vmem>>, vector<16xi32>,
      %gather3A_244 = tpu.vector_load_idx %arg8[%get3A_243] : memref<10000xf32, #tpu.memory_space<vmem>>[vector<16xi32>], vector<16xf32>,
      %add3A_245 = arith.addf %gather3A_240, %gather3A_244 : vector<16xf32>
      %swap3A_246 = arith.index_cast %add3A_167 : i32 to index
      %swap3A_247 = arith.constant 96 : index
      %swap3A_248 = tpu.vector_load %arg13[%swap3A_246, %swap3A_247] {strides = array<i32>} : memref<48x128xf32, #tpu.memory_space<vmem>>, vector<16xf32>,
      tpu.vector_store %arg13[%swap3A_246, %swap3A_247], %add3A_245 {strides = array<i32>} : memref<48x128xf32, #tpu.memory_space<vmem>>, vector<16xf32>,
      %get3A_249 = arith.index_cast %add3A_167 : i32 to index
      %get3A_250 = arith.constant 112 : index
      %get3A_251 = tpu.vector_load %arg9[%get3A_249, %get3A_250] {strides = array<i32>} : memref<48x128xi32, #tpu.memory_space<vmem>>, vector<16xi32>,
      %gather3A_252 = tpu.vector_load_idx %arg7[%get3A_251] : memref<10000xf32, #tpu.memory_space<vmem>>[vector<16xi32>], vector<16xf32>,
      %get3A_253 = arith.index_cast %add3A_167 : i32 to index
      %get3A_254 = arith.constant 112 : index
      %get3A_255 = tpu.vector_load %arg10[%get3A_253, %get3A_254] {strides = array<i32>} : memref<48x128xi32, #tpu.memory_space<vmem>>, vector<16xi32>,
      %gather3A_256 = tpu.vector_load_idx %arg8[%get3A_255] : memref<10000xf32, #tpu.memory_space<vmem>>[vector<16xi32>], vector<16xf32>,
      %add3A_257 = arith.addf %gather3A_252, %gather3A_256 : vector<16xf32>
      %swap3A_258 = arith.index_cast %add3A_167 : i32 to index
      %swap3A_259 = arith.constant 112 : index
      %swap3A_260 = tpu.vector_load %arg13[%swap3A_258, %swap3A_259] {strides = array<i32>} : memref<48x128xf32, #tpu.memory_space<vmem>>, vector<16xf32>,
      tpu.vector_store %arg13[%swap3A_258, %swap3A_259], %add3A_257 {strides = array<i32>} : memref<48x128xf32, #tpu.memory_space<vmem>>, vector<16xf32>,
    }
    %scan3A_92 = arith.constant 48 : i32
    %add3A_93 = arith.constant 96 : i32
    %add3A_94 = arith.addi %mul3A_2, %add3A_93 : i32
    %dma_start3A_95 = arith.constant 0 : i32
    %dma_start3A_96 = tpu.memref_slice %arg6[%add3A_94, %dma_start3A_95] : memref<7680x128xf32, #tpu.memory_space<hbm>> -> memref<48x128xf32, #tpu.memory_space<hbm>>
    %dma_start3A_97 = arith.constant 0 : i32
    %dma_start3A_98 = tpu.memref_slice %arg6[%add3A_94, %dma_start3A_97] : memref<7680x128xf32, #tpu.memory_space<hbm>> -> memref<48x128xf32, #tpu.memory_space<hbm>>
    tpu.enqueue_dma source(%arg13 : memref<48x128xf32, #tpu.memory_space<vmem>>) target(%dma_start3A_98 : memref<48x128xf32, #tpu.memory_space<hbm>>) target_semaphore(%arg17 : memref<!tpu.dma_semaphore, #tpu.memory_space<semaphore_mem>>)
    %dma_wait3A_99 = arith.constant 0 : i32
    %dma_wait3A_100 = tpu.memref_slice %arg4[%mul3A_2, %dma_wait3A_99] : memref<7680x128xi32, #tpu.memory_space<hbm>> -> memref<48x128xi32, #tpu.memory_space<hbm>>
    %dma_wait3A_101 = arith.constant 0 : i32
    %dma_wait3A_102 = tpu.memref_slice %arg4[%mul3A_2, %dma_wait3A_101] : memref<7680x128xi32, #tpu.memory_space<hbm>> -> memref<48x128xi32, #tpu.memory_space<hbm>>
    tpu.wait_dma2 semaphore(%arg16 : memref<!tpu.dma_semaphore, #tpu.memory_space<semaphore_mem>>) src(%dma_wait3A_102 : memref<48x128xi32, #tpu.memory_space<hbm>>) dst(%arg11 : memref<48x128xi32, #tpu.memory_space<vmem>>)
    %dma_wait3A_103 = arith.constant 0 : i32
    %dma_wait3A_104 = tpu.memref_slice %arg5[%mul3A_2, %dma_wait3A_103] : memref<7680x128xi32, #tpu.memory_space<hbm>> -> memref<48x128xi32, #tpu.memory_space<hbm>>
    %dma_wait3A_105 = arith.constant 0 : i32
    %dma_wait3A_106 = tpu.memref_slice %arg5[%mul3A_2, %dma_wait3A_105] : memref<7680x128xi32, #tpu.memory_space<hbm>> -> memref<48x128xi32, #tpu.memory_space<hbm>>
    tpu.wait_dma2 semaphore(%arg16 : memref<!tpu.dma_semaphore, #tpu.memory_space<semaphore_mem>>) src(%dma_wait3A_106 : memref<48x128xi32, #tpu.memory_space<hbm>>) dst(%arg12 : memref<48x128xi32, #tpu.memory_space<vmem>>)
    %add3A_107 = arith.constant 192 : i32
    %add3A_108 = arith.addi %mul3A_2, %add3A_107 : i32
    %dma_start3A_109 = arith.constant 0 : i32
    %dma_start3A_110 = tpu.memref_slice %arg4[%add3A_108, %dma_start3A_109] : memref<7680x128xi32, #tpu.memory_space<hbm>> -> memref<48x128xi32, #tpu.memory_space<hbm>>
    %dma_start3A_111 = arith.constant 0 : i32
    %dma_start3A_112 = tpu.memref_slice %arg4[%add3A_108, %dma_start3A_111] : memref<7680x128xi32, #tpu.memory_space<hbm>> -> memref<48x128xi32, #tpu.memory_space<hbm>>
    tpu.enqueue_dma source(%dma_start3A_112 : memref<48x128xi32, #tpu.memory_space<hbm>>) target(%arg9 : memref<48x128xi32, #tpu.memory_space<vmem>>) target_semaphore(%arg16 : memref<!tpu.dma_semaphore, #tpu.memory_space<semaphore_mem>>)
    %dma_start3A_113 = arith.constant 0 : i32
    %dma_start3A_114 = tpu.memref_slice %arg5[%add3A_108, %dma_start3A_113] : memref<7680x128xi32, #tpu.memory_space<hbm>> -> memref<48x128xi32, #tpu.memory_space<hbm>>
    %dma_start3A_115 = arith.constant 0 : i32
    %dma_start3A_116 = tpu.memref_slice %arg5[%add3A_108, %dma_start3A_115] : memref<7680x128xi32, #tpu.memory_space<hbm>> -> memref<48x128xi32, #tpu.memory_space<hbm>>
    tpu.enqueue_dma source(%dma_start3A_116 : memref<48x128xi32, #tpu.memory_space<hbm>>) target(%arg10 : memref<48x128xi32, #tpu.memory_space<vmem>>) target_semaphore(%arg16 : memref<!tpu.dma_semaphore, #tpu.memory_space<semaphore_mem>>)
    %dma_wait3A_117 = arith.constant 0 : i32
    %dma_wait3A_118 = tpu.memref_slice %arg6[%mul3A_2, %dma_wait3A_117] : memref<7680x128xf32, #tpu.memory_space<hbm>> -> memref<48x128xf32, #tpu.memory_space<hbm>>
    %dma_wait3A_119 = arith.constant 0 : i32
    %dma_wait3A_120 = tpu.memref_slice %arg6[%mul3A_2, %dma_wait3A_119] : memref<7680x128xf32, #tpu.memory_space<hbm>> -> memref<48x128xf32, #tpu.memory_space<hbm>>
    tpu.wait_dma2 semaphore(%arg17 : memref<!tpu.dma_semaphore, #tpu.memory_space<semaphore_mem>>) src(%arg14 : memref<48x128xf32, #tpu.memory_space<vmem>>) dst(%dma_wait3A_120 : memref<48x128xf32, #tpu.memory_space<hbm>>)
    %scan3A_121 = arith.constant 0 : i32
    %scan3A_122 = arith.constant 48 : i32
    %scan3A_123 = arith.addi %scan3A_121, %scan3A_122 : i32
    %scan3A_124 = arith.constant 1 : i32
    scf.for %scan3A_163 = %scan3A_121 to %scan3A_123 step %scan3A_124  : i32 {
      %mul3A_164 = arith.constant 1 : i32
      %mul3A_165 = arith.muli %scan3A_163, %mul3A_164 : i32
      %add3A_166 = arith.constant 0 : i32
      %add3A_167 = arith.addi %add3A_166, %mul3A_165 : i32
      %get3A = arith.index_cast %add3A_167 : i32 to index
      %get3A_168 = arith.constant 0 : index
      %get3A_169 = tpu.vector_load %arg11[%get3A, %get3A_168] {strides = array<i32>} : memref<48x128xi32, #tpu.memory_space<vmem>>, vector<16xi32>,
      %gather3A = tpu.vector_load_idx %arg7[%get3A_169] : memref<10000xf32, #tpu.memory_space<vmem>>[vector<16xi32>], vector<16xf32>,
      %get3A_170 = arith.index_cast %add3A_167 : i32 to index
      %get3A_171 = arith.constant 0 : index
      %get3A_172 = tpu.vector_load %arg12[%get3A_170, %get3A_171] {strides = array<i32>} : memref<48x128xi32, #tpu.memory_space<vmem>>, vector<16xi32>,
      %gather3A_173 = tpu.vector_load_idx %arg8[%get3A_172] : memref<10000xf32, #tpu.memory_space<vmem>>[vector<16xi32>], vector<16xf32>,
      %add3A_174 = arith.addf %gather3A, %gather3A_173 : vector<16xf32>
      %swap3A = arith.index_cast %add3A_167 : i32 to index
      %swap3A_175 = arith.constant 0 : index
      %swap3A_176 = tpu.vector_load %arg14[%swap3A, %swap3A_175] {strides = array<i32>} : memref<48x128xf32, #tpu.memory_space<vmem>>, vector<16xf32>,
      tpu.vector_store %arg14[%swap3A, %swap3A_175], %add3A_174 {strides = array<i32>} : memref<48x128xf32, #tpu.memory_space<vmem>>, vector<16xf32>,
      %get3A_177 = arith.index_cast %add3A_167 : i32 to index
      %get3A_178 = arith.constant 16 : index
      %get3A_179 = tpu.vector_load %arg11[%get3A_177, %get3A_178] {strides = array<i32>} : memref<48x128xi32, #tpu.memory_space<vmem>>, vector<16xi32>,
      %gather3A_180 = tpu.vector_load_idx %arg7[%get3A_179] : memref<10000xf32, #tpu.memory_space<vmem>>[vector<16xi32>], vector<16xf32>,
      %get3A_181 = arith.index_cast %add3A_167 : i32 to index
      %get3A_182 = arith.constant 16 : index
      %get3A_183 = tpu.vector_load %arg12[%get3A_181, %get3A_182] {strides = array<i32>} : memref<48x128xi32, #tpu.memory_space<vmem>>, vector<16xi32>,
      %gather3A_184 = tpu.vector_load_idx %arg8[%get3A_183] : memref<10000xf32, #tpu.memory_space<vmem>>[vector<16xi32>], vector<16xf32>,
      %add3A_185 = arith.addf %gather3A_180, %gather3A_184 : vector<16xf32>
      %swap3A_186 = arith.index_cast %add3A_167 : i32 to index
      %swap3A_187 = arith.constant 16 : index
      %swap3A_188 = tpu.vector_load %arg14[%swap3A_186, %swap3A_187] {strides = array<i32>} : memref<48x128xf32, #tpu.memory_space<vmem>>, vector<16xf32>,
      tpu.vector_store %arg14[%swap3A_186, %swap3A_187], %add3A_185 {strides = array<i32>} : memref<48x128xf32, #tpu.memory_space<vmem>>, vector<16xf32>,
      %get3A_189 = arith.index_cast %add3A_167 : i32 to index
      %get3A_190 = arith.constant 32 : index
      %get3A_191 = tpu.vector_load %arg11[%get3A_189, %get3A_190] {strides = array<i32>} : memref<48x128xi32, #tpu.memory_space<vmem>>, vector<16xi32>,
      %gather3A_192 = tpu.vector_load_idx %arg7[%get3A_191] : memref<10000xf32, #tpu.memory_space<vmem>>[vector<16xi32>], vector<16xf32>,
      %get3A_193 = arith.index_cast %add3A_167 : i32 to index
      %get3A_194 = arith.constant 32 : index
      %get3A_195 = tpu.vector_load %arg12[%get3A_193, %get3A_194] {strides = array<i32>} : memref<48x128xi32, #tpu.memory_space<vmem>>, vector<16xi32>,
      %gather3A_196 = tpu.vector_load_idx %arg8[%get3A_195] : memref<10000xf32, #tpu.memory_space<vmem>>[vector<16xi32>], vector<16xf32>,
      %add3A_197 = arith.addf %gather3A_192, %gather3A_196 : vector<16xf32>
      %swap3A_198 = arith.index_cast %add3A_167 : i32 to index
      %swap3A_199 = arith.constant 32 : index
      %swap3A_200 = tpu.vector_load %arg14[%swap3A_198, %swap3A_199] {strides = array<i32>} : memref<48x128xf32, #tpu.memory_space<vmem>>, vector<16xf32>,
      tpu.vector_store %arg14[%swap3A_198, %swap3A_199], %add3A_197 {strides = array<i32>} : memref<48x128xf32, #tpu.memory_space<vmem>>, vector<16xf32>,
      %get3A_201 = arith.index_cast %add3A_167 : i32 to index
      %get3A_202 = arith.constant 48 : index
      %get3A_203 = tpu.vector_load %arg11[%get3A_201, %get3A_202] {strides = array<i32>} : memref<48x128xi32, #tpu.memory_space<vmem>>, vector<16xi32>,
      %gather3A_204 = tpu.vector_load_idx %arg7[%get3A_203] : memref<10000xf32, #tpu.memory_space<vmem>>[vector<16xi32>], vector<16xf32>,
      %get3A_205 = arith.index_cast %add3A_167 : i32 to index
      %get3A_206 = arith.constant 48 : index
      %get3A_207 = tpu.vector_load %arg12[%get3A_205, %get3A_206] {strides = array<i32>} : memref<48x128xi32, #tpu.memory_space<vmem>>, vector<16xi32>,
      %gather3A_208 = tpu.vector_load_idx %arg8[%get3A_207] : memref<10000xf32, #tpu.memory_space<vmem>>[vector<16xi32>], vector<16xf32>,
      %add3A_209 = arith.addf %gather3A_204, %gather3A_208 : vector<16xf32>
      %swap3A_210 = arith.index_cast %add3A_167 : i32 to index
      %swap3A_211 = arith.constant 48 : index
      %swap3A_212 = tpu.vector_load %arg14[%swap3A_210, %swap3A_211] {strides = array<i32>} : memref<48x128xf32, #tpu.memory_space<vmem>>, vector<16xf32>,
      tpu.vector_store %arg14[%swap3A_210, %swap3A_211], %add3A_209 {strides = array<i32>} : memref<48x128xf32, #tpu.memory_space<vmem>>, vector<16xf32>,
      %get3A_213 = arith.index_cast %add3A_167 : i32 to index
      %get3A_214 = arith.constant 64 : index
      %get3A_215 = tpu.vector_load %arg11[%get3A_213, %get3A_214] {strides = array<i32>} : memref<48x128xi32, #tpu.memory_space<vmem>>, vector<16xi32>,
      %gather3A_216 = tpu.vector_load_idx %arg7[%get3A_215] : memref<10000xf32, #tpu.memory_space<vmem>>[vector<16xi32>], vector<16xf32>,
      %get3A_217 = arith.index_cast %add3A_167 : i32 to index
      %get3A_218 = arith.constant 64 : index
      %get3A_219 = tpu.vector_load %arg12[%get3A_217, %get3A_218] {strides = array<i32>} : memref<48x128xi32, #tpu.memory_space<vmem>>, vector<16xi32>,
      %gather3A_220 = tpu.vector_load_idx %arg8[%get3A_219] : memref<10000xf32, #tpu.memory_space<vmem>>[vector<16xi32>], vector<16xf32>,
      %add3A_221 = arith.addf %gather3A_216, %gather3A_220 : vector<16xf32>
      %swap3A_222 = arith.index_cast %add3A_167 : i32 to index
      %swap3A_223 = arith.constant 64 : index
      %swap3A_224 = tpu.vector_load %arg14[%swap3A_222, %swap3A_223] {strides = array<i32>} : memref<48x128xf32, #tpu.memory_space<vmem>>, vector<16xf32>,
      tpu.vector_store %arg14[%swap3A_222, %swap3A_223], %add3A_221 {strides = array<i32>} : memref<48x128xf32, #tpu.memory_space<vmem>>, vector<16xf32>,
      %get3A_225 = arith.index_cast %add3A_167 : i32 to index
      %get3A_226 = arith.constant 80 : index
      %get3A_227 = tpu.vector_load %arg11[%get3A_225, %get3A_226] {strides = array<i32>} : memref<48x128xi32, #tpu.memory_space<vmem>>, vector<16xi32>,
      %gather3A_228 = tpu.vector_load_idx %arg7[%get3A_227] : memref<10000xf32, #tpu.memory_space<vmem>>[vector<16xi32>], vector<16xf32>,
      %get3A_229 = arith.index_cast %add3A_167 : i32 to index
      %get3A_230 = arith.constant 80 : index
      %get3A_231 = tpu.vector_load %arg12[%get3A_229, %get3A_230] {strides = array<i32>} : memref<48x128xi32, #tpu.memory_space<vmem>>, vector<16xi32>,
      %gather3A_232 = tpu.vector_load_idx %arg8[%get3A_231] : memref<10000xf32, #tpu.memory_space<vmem>>[vector<16xi32>], vector<16xf32>,
      %add3A_233 = arith.addf %gather3A_228, %gather3A_232 : vector<16xf32>
      %swap3A_234 = arith.index_cast %add3A_167 : i32 to index
      %swap3A_235 = arith.constant 80 : index
      %swap3A_236 = tpu.vector_load %arg14[%swap3A_234, %swap3A_235] {strides = array<i32>} : memref<48x128xf32, #tpu.memory_space<vmem>>, vector<16xf32>,
      tpu.vector_store %arg14[%swap3A_234, %swap3A_235], %add3A_233 {strides = array<i32>} : memref<48x128xf32, #tpu.memory_space<vmem>>, vector<16xf32>,
      %get3A_237 = arith.index_cast %add3A_167 : i32 to index
      %get3A_238 = arith.constant 96 : index
      %get3A_239 = tpu.vector_load %arg11[%get3A_237, %get3A_238] {strides = array<i32>} : memref<48x128xi32, #tpu.memory_space<vmem>>, vector<16xi32>,
      %gather3A_240 = tpu.vector_load_idx %arg7[%get3A_239] : memref<10000xf32, #tpu.memory_space<vmem>>[vector<16xi32>], vector<16xf32>,
      %get3A_241 = arith.index_cast %add3A_167 : i32 to index
      %get3A_242 = arith.constant 96 : index
      %get3A_243 = tpu.vector_load %arg12[%get3A_241, %get3A_242] {strides = array<i32>} : memref<48x128xi32, #tpu.memory_space<vmem>>, vector<16xi32>,
      %gather3A_244 = tpu.vector_load_idx %arg8[%get3A_243] : memref<10000xf32, #tpu.memory_space<vmem>>[vector<16xi32>], vector<16xf32>,
      %add3A_245 = arith.addf %gather3A_240, %gather3A_244 : vector<16xf32>
      %swap3A_246 = arith.index_cast %add3A_167 : i32 to index
      %swap3A_247 = arith.constant 96 : index
      %swap3A_248 = tpu.vector_load %arg14[%swap3A_246, %swap3A_247] {strides = array<i32>} : memref<48x128xf32, #tpu.memory_space<vmem>>, vector<16xf32>,
      tpu.vector_store %arg14[%swap3A_246, %swap3A_247], %add3A_245 {strides = array<i32>} : memref<48x128xf32, #tpu.memory_space<vmem>>, vector<16xf32>,
      %get3A_249 = arith.index_cast %add3A_167 : i32 to index
      %get3A_250 = arith.constant 112 : index
      %get3A_251 = tpu.vector_load %arg11[%get3A_249, %get3A_250] {strides = array<i32>} : memref<48x128xi32, #tpu.memory_space<vmem>>, vector<16xi32>,
      %gather3A_252 = tpu.vector_load_idx %arg7[%get3A_251] : memref<10000xf32, #tpu.memory_space<vmem>>[vector<16xi32>], vector<16xf32>,
      %get3A_253 = arith.index_cast %add3A_167 : i32 to index
      %get3A_254 = arith.constant 112 : index
      %get3A_255 = tpu.vector_load %arg12[%get3A_253, %get3A_254] {strides = array<i32>} : memref<48x128xi32, #tpu.memory_space<vmem>>, vector<16xi32>,
      %gather3A_256 = tpu.vector_load_idx %arg8[%get3A_255] : memref<10000xf32, #tpu.memory_space<vmem>>[vector<16xi32>], vector<16xf32>,
      %add3A_257 = arith.addf %gather3A_252, %gather3A_256 : vector<16xf32>
      %swap3A_258 = arith.index_cast %add3A_167 : i32 to index
      %swap3A_259 = arith.constant 112 : index
      %swap3A_260 = tpu.vector_load %arg14[%swap3A_258, %swap3A_259] {strides = array<i32>} : memref<48x128xf32, #tpu.memory_space<vmem>>, vector<16xf32>,
      tpu.vector_store %arg14[%swap3A_258, %swap3A_259], %add3A_257 {strides = array<i32>} : memref<48x128xf32, #tpu.memory_space<vmem>>, vector<16xf32>,
    }
    %scan3A_125 = arith.constant 48 : i32
    %add3A_126 = arith.constant 144 : i32
    %add3A_127 = arith.addi %mul3A_2, %add3A_126 : i32
    %dma_start3A_128 = arith.constant 0 : i32
    %dma_start3A_129 = tpu.memref_slice %arg6[%add3A_127, %dma_start3A_128] : memref<7680x128xf32, #tpu.memory_space<hbm>> -> memref<48x128xf32, #tpu.memory_space<hbm>>
    %dma_start3A_130 = arith.constant 0 : i32
    %dma_start3A_131 = tpu.memref_slice %arg6[%add3A_127, %dma_start3A_130] : memref<7680x128xf32, #tpu.memory_space<hbm>> -> memref<48x128xf32, #tpu.memory_space<hbm>>
    tpu.enqueue_dma source(%arg14 : memref<48x128xf32, #tpu.memory_space<vmem>>) target(%dma_start3A_131 : memref<48x128xf32, #tpu.memory_space<hbm>>) target_semaphore(%arg17 : memref<!tpu.dma_semaphore, #tpu.memory_space<semaphore_mem>>)
    %dma_wait3A_132 = arith.constant 0 : i32
    %dma_wait3A_133 = tpu.memref_slice %arg4[%mul3A_2, %dma_wait3A_132] : memref<7680x128xi32, #tpu.memory_space<hbm>> -> memref<48x128xi32, #tpu.memory_space<hbm>>
    %dma_wait3A_134 = arith.constant 0 : i32
    %dma_wait3A_135 = tpu.memref_slice %arg4[%mul3A_2, %dma_wait3A_134] : memref<7680x128xi32, #tpu.memory_space<hbm>> -> memref<48x128xi32, #tpu.memory_space<hbm>>
    tpu.wait_dma2 semaphore(%arg16 : memref<!tpu.dma_semaphore, #tpu.memory_space<semaphore_mem>>) src(%dma_wait3A_135 : memref<48x128xi32, #tpu.memory_space<hbm>>) dst(%arg9 : memref<48x128xi32, #tpu.memory_space<vmem>>)
    %dma_wait3A_136 = arith.constant 0 : i32
    %dma_wait3A_137 = tpu.memref_slice %arg5[%mul3A_2, %dma_wait3A_136] : memref<7680x128xi32, #tpu.memory_space<hbm>> -> memref<48x128xi32, #tpu.memory_space<hbm>>
    %dma_wait3A_138 = arith.constant 0 : i32
    %dma_wait3A_139 = tpu.memref_slice %arg5[%mul3A_2, %dma_wait3A_138] : memref<7680x128xi32, #tpu.memory_space<hbm>> -> memref<48x128xi32, #tpu.memory_space<hbm>>
    tpu.wait_dma2 semaphore(%arg16 : memref<!tpu.dma_semaphore, #tpu.memory_space<semaphore_mem>>) src(%dma_wait3A_139 : memref<48x128xi32, #tpu.memory_space<hbm>>) dst(%arg10 : memref<48x128xi32, #tpu.memory_space<vmem>>)
    %dma_wait3A_140 = arith.constant 0 : i32
    %dma_wait3A_141 = tpu.memref_slice %arg6[%mul3A_2, %dma_wait3A_140] : memref<7680x128xf32, #tpu.memory_space<hbm>> -> memref<48x128xf32, #tpu.memory_space<hbm>>
    %dma_wait3A_142 = arith.constant 0 : i32
    %dma_wait3A_143 = tpu.memref_slice %arg6[%mul3A_2, %dma_wait3A_142] : memref<7680x128xf32, #tpu.memory_space<hbm>> -> memref<48x128xf32, #tpu.memory_space<hbm>>
    tpu.wait_dma2 semaphore(%arg17 : memref<!tpu.dma_semaphore, #tpu.memory_space<semaphore_mem>>) src(%arg13 : memref<48x128xf32, #tpu.memory_space<vmem>>) dst(%dma_wait3A_143 : memref<48x128xf32, #tpu.memory_space<hbm>>)
    %scan3A_144 = arith.constant 0 : i32
    %scan3A_145 = arith.constant 48 : i32
    %scan3A_146 = arith.addi %scan3A_144, %scan3A_145 : i32
    %scan3A_147 = arith.constant 1 : i32
    scf.for %scan3A_163 = %scan3A_144 to %scan3A_146 step %scan3A_147  : i32 {
      %mul3A_164 = arith.constant 1 : i32
      %mul3A_165 = arith.muli %scan3A_163, %mul3A_164 : i32
      %add3A_166 = arith.constant 0 : i32
      %add3A_167 = arith.addi %add3A_166, %mul3A_165 : i32
      %get3A = arith.index_cast %add3A_167 : i32 to index
      %get3A_168 = arith.constant 0 : index
      %get3A_169 = tpu.vector_load %arg9[%get3A, %get3A_168] {strides = array<i32>} : memref<48x128xi32, #tpu.memory_space<vmem>>, vector<16xi32>,
      %gather3A = tpu.vector_load_idx %arg7[%get3A_169] : memref<10000xf32, #tpu.memory_space<vmem>>[vector<16xi32>], vector<16xf32>,
      %get3A_170 = arith.index_cast %add3A_167 : i32 to index
      %get3A_171 = arith.constant 0 : index
      %get3A_172 = tpu.vector_load %arg10[%get3A_170, %get3A_171] {strides = array<i32>} : memref<48x128xi32, #tpu.memory_space<vmem>>, vector<16xi32>,
      %gather3A_173 = tpu.vector_load_idx %arg8[%get3A_172] : memref<10000xf32, #tpu.memory_space<vmem>>[vector<16xi32>], vector<16xf32>,
      %add3A_174 = arith.addf %gather3A, %gather3A_173 : vector<16xf32>
      %swap3A = arith.index_cast %add3A_167 : i32 to index
      %swap3A_175 = arith.constant 0 : index
      %swap3A_176 = tpu.vector_load %arg13[%swap3A, %swap3A_175] {strides = array<i32>} : memref<48x128xf32, #tpu.memory_space<vmem>>, vector<16xf32>,
      tpu.vector_store %arg13[%swap3A, %swap3A_175], %add3A_174 {strides = array<i32>} : memref<48x128xf32, #tpu.memory_space<vmem>>, vector<16xf32>,
      %get3A_177 = arith.index_cast %add3A_167 : i32 to index
      %get3A_178 = arith.constant 16 : index
      %get3A_179 = tpu.vector_load %arg9[%get3A_177, %get3A_178] {strides = array<i32>} : memref<48x128xi32, #tpu.memory_space<vmem>>, vector<16xi32>,
      %gather3A_180 = tpu.vector_load_idx %arg7[%get3A_179] : memref<10000xf32, #tpu.memory_space<vmem>>[vector<16xi32>], vector<16xf32>,
      %get3A_181 = arith.index_cast %add3A_167 : i32 to index
      %get3A_182 = arith.constant 16 : index
      %get3A_183 = tpu.vector_load %arg10[%get3A_181, %get3A_182] {strides = array<i32>} : memref<48x128xi32, #tpu.memory_space<vmem>>, vector<16xi32>,
      %gather3A_184 = tpu.vector_load_idx %arg8[%get3A_183] : memref<10000xf32, #tpu.memory_space<vmem>>[vector<16xi32>], vector<16xf32>,
      %add3A_185 = arith.addf %gather3A_180, %gather3A_184 : vector<16xf32>
      %swap3A_186 = arith.index_cast %add3A_167 : i32 to index
      %swap3A_187 = arith.constant 16 : index
      %swap3A_188 = tpu.vector_load %arg13[%swap3A_186, %swap3A_187] {strides = array<i32>} : memref<48x128xf32, #tpu.memory_space<vmem>>, vector<16xf32>,
      tpu.vector_store %arg13[%swap3A_186, %swap3A_187], %add3A_185 {strides = array<i32>} : memref<48x128xf32, #tpu.memory_space<vmem>>, vector<16xf32>,
      %get3A_189 = arith.index_cast %add3A_167 : i32 to index
      %get3A_190 = arith.constant 32 : index
      %get3A_191 = tpu.vector_load %arg9[%get3A_189, %get3A_190] {strides = array<i32>} : memref<48x128xi32, #tpu.memory_space<vmem>>, vector<16xi32>,
      %gather3A_192 = tpu.vector_load_idx %arg7[%get3A_191] : memref<10000xf32, #tpu.memory_space<vmem>>[vector<16xi32>], vector<16xf32>,
      %get3A_193 = arith.index_cast %add3A_167 : i32 to index
      %get3A_194 = arith.constant 32 : index
      %get3A_195 = tpu.vector_load %arg10[%get3A_193, %get3A_194] {strides = array<i32>} : memref<48x128xi32, #tpu.memory_space<vmem>>, vector<16xi32>,
      %gather3A_196 = tpu.vector_load_idx %arg8[%get3A_195] : memref<10000xf32, #tpu.memory_space<vmem>>[vector<16xi32>], vector<16xf32>,
      %add3A_197 = arith.addf %gather3A_192, %gather3A_196 : vector<16xf32>
      %swap3A_198 = arith.index_cast %add3A_167 : i32 to index
      %swap3A_199 = arith.constant 32 : index
      %swap3A_200 = tpu.vector_load %arg13[%swap3A_198, %swap3A_199] {strides = array<i32>} : memref<48x128xf32, #tpu.memory_space<vmem>>, vector<16xf32>,
      tpu.vector_store %arg13[%swap3A_198, %swap3A_199], %add3A_197 {strides = array<i32>} : memref<48x128xf32, #tpu.memory_space<vmem>>, vector<16xf32>,
      %get3A_201 = arith.index_cast %add3A_167 : i32 to index
      %get3A_202 = arith.constant 48 : index
      %get3A_203 = tpu.vector_load %arg9[%get3A_201, %get3A_202] {strides = array<i32>} : memref<48x128xi32, #tpu.memory_space<vmem>>, vector<16xi32>,
      %gather3A_204 = tpu.vector_load_idx %arg7[%get3A_203] : memref<10000xf32, #tpu.memory_space<vmem>>[vector<16xi32>], vector<16xf32>,
      %get3A_205 = arith.index_cast %add3A_167 : i32 to index
      %get3A_206 = arith.constant 48 : index
      %get3A_207 = tpu.vector_load %arg10[%get3A_205, %get3A_206] {strides = array<i32>} : memref<48x128xi32, #tpu.memory_space<vmem>>, vector<16xi32>,
      %gather3A_208 = tpu.vector_load_idx %arg8[%get3A_207] : memref<10000xf32, #tpu.memory_space<vmem>>[vector<16xi32>], vector<16xf32>,
      %add3A_209 = arith.addf %gather3A_204, %gather3A_208 : vector<16xf32>
      %swap3A_210 = arith.index_cast %add3A_167 : i32 to index
      %swap3A_211 = arith.constant 48 : index
      %swap3A_212 = tpu.vector_load %arg13[%swap3A_210, %swap3A_211] {strides = array<i32>} : memref<48x128xf32, #tpu.memory_space<vmem>>, vector<16xf32>,
      tpu.vector_store %arg13[%swap3A_210, %swap3A_211], %add3A_209 {strides = array<i32>} : memref<48x128xf32, #tpu.memory_space<vmem>>, vector<16xf32>,
      %get3A_213 = arith.index_cast %add3A_167 : i32 to index
      %get3A_214 = arith.constant 64 : index
      %get3A_215 = tpu.vector_load %arg9[%get3A_213, %get3A_214] {strides = array<i32>} : memref<48x128xi32, #tpu.memory_space<vmem>>, vector<16xi32>,
      %gather3A_216 = tpu.vector_load_idx %arg7[%get3A_215] : memref<10000xf32, #tpu.memory_space<vmem>>[vector<16xi32>], vector<16xf32>,
      %get3A_217 = arith.index_cast %add3A_167 : i32 to index
      %get3A_218 = arith.constant 64 : index
      %get3A_219 = tpu.vector_load %arg10[%get3A_217, %get3A_218] {strides = array<i32>} : memref<48x128xi32, #tpu.memory_space<vmem>>, vector<16xi32>,
      %gather3A_220 = tpu.vector_load_idx %arg8[%get3A_219] : memref<10000xf32, #tpu.memory_space<vmem>>[vector<16xi32>], vector<16xf32>,
      %add3A_221 = arith.addf %gather3A_216, %gather3A_220 : vector<16xf32>
      %swap3A_222 = arith.index_cast %add3A_167 : i32 to index
      %swap3A_223 = arith.constant 64 : index
      %swap3A_224 = tpu.vector_load %arg13[%swap3A_222, %swap3A_223] {strides = array<i32>} : memref<48x128xf32, #tpu.memory_space<vmem>>, vector<16xf32>,
      tpu.vector_store %arg13[%swap3A_222, %swap3A_223], %add3A_221 {strides = array<i32>} : memref<48x128xf32, #tpu.memory_space<vmem>>, vector<16xf32>,
      %get3A_225 = arith.index_cast %add3A_167 : i32 to index
      %get3A_226 = arith.constant 80 : index
      %get3A_227 = tpu.vector_load %arg9[%get3A_225, %get3A_226] {strides = array<i32>} : memref<48x128xi32, #tpu.memory_space<vmem>>, vector<16xi32>,
      %gather3A_228 = tpu.vector_load_idx %arg7[%get3A_227] : memref<10000xf32, #tpu.memory_space<vmem>>[vector<16xi32>], vector<16xf32>,
      %get3A_229 = arith.index_cast %add3A_167 : i32 to index
      %get3A_230 = arith.constant 80 : index
      %get3A_231 = tpu.vector_load %arg10[%get3A_229, %get3A_230] {strides = array<i32>} : memref<48x128xi32, #tpu.memory_space<vmem>>, vector<16xi32>,
      %gather3A_232 = tpu.vector_load_idx %arg8[%get3A_231] : memref<10000xf32, #tpu.memory_space<vmem>>[vector<16xi32>], vector<16xf32>,
      %add3A_233 = arith.addf %gather3A_228, %gather3A_232 : vector<16xf32>
      %swap3A_234 = arith.index_cast %add3A_167 : i32 to index
      %swap3A_235 = arith.constant 80 : index
      %swap3A_236 = tpu.vector_load %arg13[%swap3A_234, %swap3A_235] {strides = array<i32>} : memref<48x128xf32, #tpu.memory_space<vmem>>, vector<16xf32>,
      tpu.vector_store %arg13[%swap3A_234, %swap3A_235], %add3A_233 {strides = array<i32>} : memref<48x128xf32, #tpu.memory_space<vmem>>, vector<16xf32>,
      %get3A_237 = arith.index_cast %add3A_167 : i32 to index
      %get3A_238 = arith.constant 96 : index
      %get3A_239 = tpu.vector_load %arg9[%get3A_237, %get3A_238] {strides = array<i32>} : memref<48x128xi32, #tpu.memory_space<vmem>>, vector<16xi32>,
      %gather3A_240 = tpu.vector_load_idx %arg7[%get3A_239] : memref<10000xf32, #tpu.memory_space<vmem>>[vector<16xi32>], vector<16xf32>,
      %get3A_241 = arith.index_cast %add3A_167 : i32 to index
      %get3A_242 = arith.constant 96 : index
      %get3A_243 = tpu.vector_load %arg10[%get3A_241, %get3A_242] {strides = array<i32>} : memref<48x128xi32, #tpu.memory_space<vmem>>, vector<16xi32>,
      %gather3A_244 = tpu.vector_load_idx %arg8[%get3A_243] : memref<10000xf32, #tpu.memory_space<vmem>>[vector<16xi32>], vector<16xf32>,
      %add3A_245 = arith.addf %gather3A_240, %gather3A_244 : vector<16xf32>
      %swap3A_246 = arith.index_cast %add3A_167 : i32 to index
      %swap3A_247 = arith.constant 96 : index
      %swap3A_248 = tpu.vector_load %arg13[%swap3A_246, %swap3A_247] {strides = array<i32>} : memref<48x128xf32, #tpu.memory_space<vmem>>, vector<16xf32>,
      tpu.vector_store %arg13[%swap3A_246, %swap3A_247], %add3A_245 {strides = array<i32>} : memref<48x128xf32, #tpu.memory_space<vmem>>, vector<16xf32>,
      %get3A_249 = arith.index_cast %add3A_167 : i32 to index
      %get3A_250 = arith.constant 112 : index
      %get3A_251 = tpu.vector_load %arg9[%get3A_249, %get3A_250] {strides = array<i32>} : memref<48x128xi32, #tpu.memory_space<vmem>>, vector<16xi32>,
      %gather3A_252 = tpu.vector_load_idx %arg7[%get3A_251] : memref<10000xf32, #tpu.memory_space<vmem>>[vector<16xi32>], vector<16xf32>,
      %get3A_253 = arith.index_cast %add3A_167 : i32 to index
      %get3A_254 = arith.constant 112 : index
      %get3A_255 = tpu.vector_load %arg10[%get3A_253, %get3A_254] {strides = array<i32>} : memref<48x128xi32, #tpu.memory_space<vmem>>, vector<16xi32>,
      %gather3A_256 = tpu.vector_load_idx %arg8[%get3A_255] : memref<10000xf32, #tpu.memory_space<vmem>>[vector<16xi32>], vector<16xf32>,
      %add3A_257 = arith.addf %gather3A_252, %gather3A_256 : vector<16xf32>
      %swap3A_258 = arith.index_cast %add3A_167 : i32 to index
      %swap3A_259 = arith.constant 112 : index
      %swap3A_260 = tpu.vector_load %arg13[%swap3A_258, %swap3A_259] {strides = array<i32>} : memref<48x128xf32, #tpu.memory_space<vmem>>, vector<16xf32>,
      tpu.vector_store %arg13[%swap3A_258, %swap3A_259], %add3A_257 {strides = array<i32>} : memref<48x128xf32, #tpu.memory_space<vmem>>, vector<16xf32>,
    }
    %scan3A_148 = arith.constant 48 : i32
    %add3A_149 = arith.constant 192 : i32
    %add3A_150 = arith.addi %mul3A_2, %add3A_149 : i32
    %dma_start3A_151 = arith.constant 0 : i32
    %dma_start3A_152 = tpu.memref_slice %arg6[%add3A_150, %dma_start3A_151] : memref<7680x128xf32, #tpu.memory_space<hbm>> -> memref<48x128xf32, #tpu.memory_space<hbm>>
    %dma_start3A_153 = arith.constant 0 : i32
    %dma_start3A_154 = tpu.memref_slice %arg6[%add3A_150, %dma_start3A_153] : memref<7680x128xf32, #tpu.memory_space<hbm>> -> memref<48x128xf32, #tpu.memory_space<hbm>>
    tpu.enqueue_dma source(%arg13 : memref<48x128xf32, #tpu.memory_space<vmem>>) target(%dma_start3A_154 : memref<48x128xf32, #tpu.memory_space<hbm>>) target_semaphore(%arg17 : memref<!tpu.dma_semaphore, #tpu.memory_space<semaphore_mem>>)
    %dma_wait3A_155 = arith.constant 0 : i32
    %dma_wait3A_156 = tpu.memref_slice %arg6[%mul3A_2, %dma_wait3A_155] : memref<7680x128xf32, #tpu.memory_space<hbm>> -> memref<48x128xf32, #tpu.memory_space<hbm>>
    %dma_wait3A_157 = arith.constant 0 : i32
    %dma_wait3A_158 = tpu.memref_slice %arg6[%mul3A_2, %dma_wait3A_157] : memref<7680x128xf32, #tpu.memory_space<hbm>> -> memref<48x128xf32, #tpu.memory_space<hbm>>
    tpu.wait_dma2 semaphore(%arg17 : memref<!tpu.dma_semaphore, #tpu.memory_space<semaphore_mem>>) src(%arg13 : memref<48x128xf32, #tpu.memory_space<vmem>>) dst(%dma_wait3A_158 : memref<48x128xf32, #tpu.memory_space<hbm>>)
    %dma_wait3A_159 = arith.constant 0 : i32
    %dma_wait3A_160 = tpu.memref_slice %arg6[%mul3A_2, %dma_wait3A_159] : memref<7680x128xf32, #tpu.memory_space<hbm>> -> memref<48x128xf32, #tpu.memory_space<hbm>>
    %dma_wait3A_161 = arith.constant 0 : i32
    %dma_wait3A_162 = tpu.memref_slice %arg6[%mul3A_2, %dma_wait3A_161] : memref<7680x128xf32, #tpu.memory_space<hbm>> -> memref<48x128xf32, #tpu.memory_space<hbm>>
    tpu.wait_dma2 semaphore(%arg17 : memref<!tpu.dma_semaphore, #tpu.memory_space<semaphore_mem>>) src(%arg14 : memref<48x128xf32, #tpu.memory_space<vmem>>) dst(%dma_wait3A_162 : memref<48x128xf32, #tpu.memory_space<hbm>>)
    return
  }
}

module attributes {stable_mosaic.version = 14 : i64} {
  func.func @_mm_body(%arg0: i32, %arg1: memref<2000x128xf32, #tpu.memory_space<vmem>>, %arg2: memref<128x128xf32, #tpu.memory_space<vmem>>, %arg3: memref<2000x128xf32, #tpu.memory_space<vmem>>) attributes {dimension_semantics = [#tpu.dimension_semantics<arbitrary>], iteration_bounds = array<i64: 5>, scalar_prefetch = 0 : i64, scratch_operands = 0 : i64, tpu.core_type = #tpu.core_type<tc>, window_params = [{transform_indices = @transform_0, window_bounds = array<i64: 2000, 128>}, {pipeline_mode = #tpu.pipeline_mode<synchronous>, transform_indices = @transform_1, window_bounds = array<i64: 128, 128>}, {transform_indices = @transform_2, window_bounds = array<i64: 2000, 128>}]} {
    %get3A = arith.constant 0 : index
    %get3A_0 = arith.constant 0 : index
    %get3A_1 = vector.load %arg1[%get3A, %get3A_0] : memref<2000x128xf32, #tpu.memory_space<vmem>>, vector<2000x128xf32>
    %get3A_2 = arith.constant 0 : index
    %get3A_3 = arith.constant 0 : index
    %get3A_4 = vector.load %arg2[%get3A_2, %get3A_3] : memref<128x128xf32, #tpu.memory_space<vmem>>, vector<128x128xf32>
    %dot_general3A = arith.constant dense<0.000000e+00> : vector<2000x128xf32>
    %dot_general3A_5 = tpu.matmul %get3A_1, %get3A_4, %dot_general3A {dimension_numbers = #tpu.dot_dimension_numbers<[1], [0], [0], [1], [0, 0, 1, 1], [], []>, transpose_lhs_hint = false} : vector<2000x128xf32>, vector<128x128xf32>, vector<2000x128xf32> -> vector<2000x128xf32>
    %swap3A = arith.constant 0 : index
    %swap3A_6 = arith.constant 0 : index
    %swap3A_7 = vector.load %arg3[%swap3A, %swap3A_6] : memref<2000x128xf32, #tpu.memory_space<vmem>>, vector<2000x128xf32>
    tpu.vector_store %arg3[%swap3A, %swap3A_6], %dot_general3A_5 {strides = array<i32>} : memref<2000x128xf32, #tpu.memory_space<vmem>>, vector<2000x128xf32>,
    return
  }
  func.func @transform_0(%arg0: i32) -> (i32, i32) {
    %c0_i32 = arith.constant 0 : i32
    %c0_i32_0 = arith.constant 0 : i32
    return %arg0, %c0_i32 : i32, i32
  }
  func.func @transform_1(%arg0: i32) -> (i32, i32) {
    %c0_i32 = arith.constant 0 : i32
    %c0_i32_0 = arith.constant 0 : i32
    %c0_i32_1 = arith.constant 0 : i32
    return %c0_i32, %c0_i32_0 : i32, i32
  }
  func.func @transform_2(%arg0: i32) -> (i32, i32) {
    %c0_i32 = arith.constant 0 : i32
    %c0_i32_0 = arith.constant 0 : i32
    return %arg0, %c0_i32 : i32, i32
  }
}

module attributes {stable_mosaic.version = 14 : i64} {
  func.func @_gscale_body(%arg0: i32, %arg1: memref<2000x128xf32, #tpu.memory_space<vmem>>, %arg2: memref<2000x1xf32, #tpu.memory_space<vmem>>, %arg3: memref<2000x1xf32, #tpu.memory_space<vmem>>, %arg4: memref<2000x128xf32, #tpu.memory_space<vmem>>, %arg5: memref<2000x1xf32, #tpu.memory_space<vmem>>) attributes {dimension_semantics = [#tpu.dimension_semantics<arbitrary>], iteration_bounds = array<i64: 5>, scalar_prefetch = 0 : i64, scratch_operands = 0 : i64, tpu.core_type = #tpu.core_type<tc>, window_params = [{transform_indices = @transform_0, window_bounds = array<i64: 2000, 128>}, {transform_indices = @transform_1, window_bounds = array<i64: 2000, 1>}, {transform_indices = @transform_2, window_bounds = array<i64: 2000, 1>}, {transform_indices = @transform_3, window_bounds = array<i64: 2000, 128>}, {transform_indices = @transform_4, window_bounds = array<i64: 2000, 1>}]} {
    %get3A = arith.constant 0 : index
    %get3A_0 = arith.constant 0 : index
    %get3A_1 = vector.load %arg2[%get3A, %get3A_0] : memref<2000x1xf32, #tpu.memory_space<vmem>>, vector<2000x1xf32>
    %get3A_2 = arith.constant 0 : index
    %get3A_3 = arith.constant 0 : index
    %get3A_4 = vector.load %arg3[%get3A_2, %get3A_3] : memref<2000x1xf32, #tpu.memory_space<vmem>>, vector<2000x1xf32>
    %add3A = arith.addf %get3A_1, %get3A_4 : vector<2000x1xf32>
    %add3A_5 = arith.constant 1.000000e+00 : f32
    %add3A_6 = vector.broadcast %add3A_5 : f32 to vector<2000x1xf32>
    %add3A_7 = arith.addf %add3A, %add3A_6 : vector<2000x1xf32>
    %rsqrt3A = math.rsqrt %add3A_7 : vector<2000x1xf32>
    %swap3A = arith.constant 0 : index
    %swap3A_8 = arith.constant 0 : index
    %swap3A_9 = vector.load %arg5[%swap3A, %swap3A_8] : memref<2000x1xf32, #tpu.memory_space<vmem>>, vector<2000x1xf32>
    tpu.vector_store %arg5[%swap3A, %swap3A_8], %rsqrt3A {strides = array<i32>} : memref<2000x1xf32, #tpu.memory_space<vmem>>, vector<2000x1xf32>,
    %get3A_10 = arith.constant 0 : index
    %get3A_11 = arith.constant 0 : index
    %get3A_12 = vector.load %arg1[%get3A_10, %get3A_11] : memref<2000x128xf32, #tpu.memory_space<vmem>>, vector<2000x128xf32>
    %mul3A = vector.broadcast %rsqrt3A : vector<2000x1xf32> to vector<2000x128xf32>
    %mul3A_13 = arith.mulf %get3A_12, %mul3A : vector<2000x128xf32>
    %swap3A_14 = arith.constant 0 : index
    %swap3A_15 = arith.constant 0 : index
    %swap3A_16 = vector.load %arg4[%swap3A_14, %swap3A_15] : memref<2000x128xf32, #tpu.memory_space<vmem>>, vector<2000x128xf32>
    tpu.vector_store %arg4[%swap3A_14, %swap3A_15], %mul3A_13 {strides = array<i32>} : memref<2000x128xf32, #tpu.memory_space<vmem>>, vector<2000x128xf32>,
    return
  }
  func.func @transform_0(%arg0: i32) -> (i32, i32) {
    %c0_i32 = arith.constant 0 : i32
    %c0_i32_0 = arith.constant 0 : i32
    return %arg0, %c0_i32 : i32, i32
  }
  func.func @transform_1(%arg0: i32) -> (i32, i32) {
    %c0_i32 = arith.constant 0 : i32
    %c0_i32_0 = arith.constant 0 : i32
    return %arg0, %c0_i32 : i32, i32
  }
  func.func @transform_2(%arg0: i32) -> (i32, i32) {
    %c0_i32 = arith.constant 0 : i32
    %c0_i32_0 = arith.constant 0 : i32
    return %arg0, %c0_i32 : i32, i32
  }
  func.func @transform_3(%arg0: i32) -> (i32, i32) {
    %c0_i32 = arith.constant 0 : i32
    %c0_i32_0 = arith.constant 0 : i32
    return %arg0, %c0_i32 : i32, i32
  }
  func.func @transform_4(%arg0: i32) -> (i32, i32) {
    %c0_i32 = arith.constant 0 : i32
    %c0_i32_0 = arith.constant 0 : i32
    return %arg0, %c0_i32 : i32, i32
  }
}

module attributes {stable_mosaic.version = 14 : i64} {
  func.func @_head_body(%arg0: i32, %arg1: memref<2000x128xf32, #tpu.memory_space<vmem>>, %arg2: memref<2000x128xf32, #tpu.memory_space<vmem>>, %arg3: memref<2000x128xf32, #tpu.memory_space<vmem>>, %arg4: memref<2000x1xf32, #tpu.memory_space<vmem>>, %arg5: memref<1x128xf32, #tpu.memory_space<vmem>>, %arg6: memref<128x128xf32, #tpu.memory_space<vmem>>, %arg7: memref<1x128xf32, #tpu.memory_space<vmem>>, %arg8: memref<128x128xf32, #tpu.memory_space<vmem>>, %arg9: memref<1x128xf32, #tpu.memory_space<vmem>>, %arg10: memref<128x1xf32, #tpu.memory_space<vmem>>, %arg11: memref<128x1xf32, #tpu.memory_space<vmem>>, %arg12: memref<1x1xf32, #tpu.memory_space<vmem>>, %arg13: memref<2000x128xf32, #tpu.memory_space<vmem>>, %arg14: memref<2000x1xf32, #tpu.memory_space<vmem>>, %arg15: memref<2000x1xf32, #tpu.memory_space<vmem>>) attributes {dimension_semantics = [#tpu.dimension_semantics<arbitrary>], iteration_bounds = array<i64: 5>, scalar_prefetch = 0 : i64, scratch_operands = 0 : i64, tpu.core_type = #tpu.core_type<tc>, window_params = [{transform_indices = @transform_0, window_bounds = array<i64: 2000, 128>}, {transform_indices = @transform_1, window_bounds = array<i64: 2000, 128>}, {transform_indices = @transform_2, window_bounds = array<i64: 2000, 128>}, {transform_indices = @transform_3, window_bounds = array<i64: 2000, 1>}, {pipeline_mode = #tpu.pipeline_mode<synchronous>, transform_indices = @transform_4, window_bounds = array<i64: 1, 128>}, {pipeline_mode = #tpu.pipeline_mode<synchronous>, transform_indices = @transform_5, window_bounds = array<i64: 128, 128>}, {pipeline_mode = #tpu.pipeline_mode<synchronous>, transform_indices = @transform_6, window_bounds = array<i64: 1, 128>}, {pipeline_mode = #tpu.pipeline_mode<synchronous>, transform_indices = @transform_7, window_bounds = array<i64: 128, 128>}, {pipeline_mode = #tpu.pipeline_mode<synchronous>, transform_indices = @transform_8, window_bounds = array<i64: 1, 128>}, {pipeline_mode = #tpu.pipeline_mode<synchronous>, transform_indices = @transform_9, window_bounds = array<i64: 128, 1>}, {pipeline_mode = #tpu.pipeline_mode<synchronous>, transform_indices = @transform_10, window_bounds = array<i64: 128, 1>}, {pipeline_mode = #tpu.pipeline_mode<synchronous>, transform_indices = @transform_11, window_bounds = array<i64: 1, 1>}, {transform_indices = @transform_12, window_bounds = array<i64: 2000, 128>}, {transform_indices = @transform_13, window_bounds = array<i64: 2000, 1>}, {transform_indices = @transform_14, window_bounds = array<i64: 2000, 1>}]} {
    %get3A = arith.constant 0 : index
    %get3A_0 = arith.constant 0 : index
    %get3A_1 = vector.load %arg4[%get3A, %get3A_0] : memref<2000x1xf32, #tpu.memory_space<vmem>>, vector<2000x1xf32>
    %get3A_2 = arith.constant 0 : index
    %get3A_3 = arith.constant 0 : index
    %get3A_4 = vector.load %arg1[%get3A_2, %get3A_3] : memref<2000x128xf32, #tpu.memory_space<vmem>>, vector<2000x128xf32>
    %get3A_5 = arith.constant 0 : index
    %get3A_6 = arith.constant 0 : index
    %get3A_7 = vector.load %arg2[%get3A_5, %get3A_6] : memref<2000x128xf32, #tpu.memory_space<vmem>>, vector<2000x128xf32>
    %add3A = arith.addf %get3A_4, %get3A_7 : vector<2000x128xf32>
    %mul3A = vector.broadcast %get3A_1 : vector<2000x1xf32> to vector<2000x128xf32>
    %mul3A_8 = arith.mulf %mul3A, %add3A : vector<2000x128xf32>
    %mul3A_9 = arith.mulf %get3A_1, %get3A_1 : vector<2000x1xf32>
    %get3A_10 = arith.constant 0 : index
    %get3A_11 = arith.constant 0 : index
    %get3A_12 = vector.load %arg3[%get3A_10, %get3A_11] : memref<2000x128xf32, #tpu.memory_space<vmem>>, vector<2000x128xf32>
    %mul3A_13 = vector.broadcast %mul3A_9 : vector<2000x1xf32> to vector<2000x128xf32>
    %mul3A_14 = arith.mulf %mul3A_13, %get3A_12 : vector<2000x128xf32>
    %add3A_15 = arith.addf %mul3A_8, %mul3A_14 : vector<2000x128xf32>
    %get3A_16 = arith.constant 0 : index
    %get3A_17 = arith.constant 0 : index
    %get3A_18 = vector.load %arg5[%get3A_16, %get3A_17] : memref<1x128xf32, #tpu.memory_space<vmem>>, vector<1x128xf32>
    %add3A_19 = vector.broadcast %get3A_18 : vector<1x128xf32> to vector<2000x128xf32>
    %add3A_20 = arith.addf %add3A_15, %add3A_19 : vector<2000x128xf32>
    %get3A_21 = arith.constant 0 : index
    %get3A_22 = arith.constant 0 : index
    %get3A_23 = vector.load %arg6[%get3A_21, %get3A_22] : memref<128x128xf32, #tpu.memory_space<vmem>>, vector<128x128xf32>
    %dot_general3A = arith.constant dense<0.000000e+00> : vector<2000x128xf32>
    %dot_general3A_24 = tpu.matmul %add3A_20, %get3A_23, %dot_general3A {dimension_numbers = #tpu.dot_dimension_numbers<[1], [0], [0], [1], [0, 0, 1, 1], [], []>, transpose_lhs_hint = false} : vector<2000x128xf32>, vector<128x128xf32>, vector<2000x128xf32> -> vector<2000x128xf32>
    %get3A_25 = arith.constant 0 : index
    %get3A_26 = arith.constant 0 : index
    %get3A_27 = vector.load %arg7[%get3A_25, %get3A_26] : memref<1x128xf32, #tpu.memory_space<vmem>>, vector<1x128xf32>
    %add3A_28 = vector.broadcast %get3A_27 : vector<1x128xf32> to vector<2000x128xf32>
    %add3A_29 = arith.addf %dot_general3A_24, %add3A_28 : vector<2000x128xf32>
    %max3A = arith.constant 0.000000e+00 : f32
    %max3A_30 = vector.broadcast %max3A : f32 to vector<2000x128xf32>
    %max3A_31 = arith.maximumf %add3A_29, %max3A_30 : vector<2000x128xf32>
    %get3A_32 = arith.constant 0 : index
    %get3A_33 = arith.constant 0 : index
    %get3A_34 = vector.load %arg8[%get3A_32, %get3A_33] : memref<128x128xf32, #tpu.memory_space<vmem>>, vector<128x128xf32>
    %dot_general3A_35 = arith.constant dense<0.000000e+00> : vector<2000x128xf32>
    %dot_general3A_36 = tpu.matmul %max3A_31, %get3A_34, %dot_general3A_35 {dimension_numbers = #tpu.dot_dimension_numbers<[1], [0], [0], [1], [0, 0, 1, 1], [], []>, transpose_lhs_hint = false} : vector<2000x128xf32>, vector<128x128xf32>, vector<2000x128xf32> -> vector<2000x128xf32>
    %get3A_37 = arith.constant 0 : index
    %get3A_38 = arith.constant 0 : index
    %get3A_39 = vector.load %arg9[%get3A_37, %get3A_38] : memref<1x128xf32, #tpu.memory_space<vmem>>, vector<1x128xf32>
    %add3A_40 = vector.broadcast %get3A_39 : vector<1x128xf32> to vector<2000x128xf32>
    %add3A_41 = arith.addf %dot_general3A_36, %add3A_40 : vector<2000x128xf32>
    %logistic3A = arith.negf %add3A_41 : vector<2000x128xf32>
    %logistic3A_42 = math.exp %logistic3A : vector<2000x128xf32>
    %logistic3A_43 = arith.constant 1.000000e+00 : f32
    %logistic3A_44 = vector.broadcast %logistic3A_43 : f32 to vector<2000x128xf32>
    %logistic3A_45 = arith.addf %logistic3A_44, %logistic3A_42 : vector<2000x128xf32>
    %logistic3A_46 = arith.divf %logistic3A_44, %logistic3A_45 : vector<2000x128xf32>
    %swap3A = arith.constant 0 : index
    %swap3A_47 = arith.constant 0 : index
    %swap3A_48 = vector.load %arg13[%swap3A, %swap3A_47] : memref<2000x128xf32, #tpu.memory_space<vmem>>, vector<2000x128xf32>
    tpu.vector_store %arg13[%swap3A, %swap3A_47], %logistic3A_46 {strides = array<i32>} : memref<2000x128xf32, #tpu.memory_space<vmem>>, vector<2000x128xf32>,
    %get3A_49 = arith.constant 0 : index
    %get3A_50 = arith.constant 0 : index
    %get3A_51 = vector.load %arg10[%get3A_49, %get3A_50] : memref<128x1xf32, #tpu.memory_space<vmem>>, vector<128x1xf32>
    %dot_general3A_52 = arith.constant dense<0.000000e+00> : vector<2000x1xf32>
    %dot_general3A_53 = tpu.matmul %add3A_20, %get3A_51, %dot_general3A_52 {dimension_numbers = #tpu.dot_dimension_numbers<[1], [0], [0], [1], [0, 0, 1, 1], [], []>, transpose_lhs_hint = false} : vector<2000x128xf32>, vector<128x1xf32>, vector<2000x1xf32> -> vector<2000x1xf32>
    %get3A_54 = arith.constant 0 : index
    %get3A_55 = arith.constant 0 : index
    %get3A_56 = vector.load %arg12[%get3A_54, %get3A_55] : memref<1x1xf32, #tpu.memory_space<vmem>>, vector<1x1xf32>
    %get3A_57 = vector.extract %get3A_56[0, 0] : f32 from vector<1x1xf32>
    %add3A_58 = vector.broadcast %get3A_57 : f32 to vector<2000x1xf32>
    %add3A_59 = arith.addf %dot_general3A_53, %add3A_58 : vector<2000x1xf32>
    %swap3A_60 = arith.constant 0 : index
    %swap3A_61 = arith.constant 0 : index
    %swap3A_62 = vector.load %arg14[%swap3A_60, %swap3A_61] : memref<2000x1xf32, #tpu.memory_space<vmem>>, vector<2000x1xf32>
    tpu.vector_store %arg14[%swap3A_60, %swap3A_61], %add3A_59 {strides = array<i32>} : memref<2000x1xf32, #tpu.memory_space<vmem>>, vector<2000x1xf32>,
    %get3A_63 = arith.constant 0 : index
    %get3A_64 = arith.constant 0 : index
    %get3A_65 = vector.load %arg11[%get3A_63, %get3A_64] : memref<128x1xf32, #tpu.memory_space<vmem>>, vector<128x1xf32>
    %dot_general3A_66 = arith.constant dense<0.000000e+00> : vector<2000x1xf32>
    %dot_general3A_67 = tpu.matmul %add3A_20, %get3A_65, %dot_general3A_66 {dimension_numbers = #tpu.dot_dimension_numbers<[1], [0], [0], [1], [0, 0, 1, 1], [], []>, transpose_lhs_hint = false} : vector<2000x128xf32>, vector<128x1xf32>, vector<2000x1xf32> -> vector<2000x1xf32>
    %swap3A_68 = arith.constant 0 : index
    %swap3A_69 = arith.constant 0 : index
    %swap3A_70 = vector.load %arg15[%swap3A_68, %swap3A_69] : memref<2000x1xf32, #tpu.memory_space<vmem>>, vector<2000x1xf32>
    tpu.vector_store %arg15[%swap3A_68, %swap3A_69], %dot_general3A_67 {strides = array<i32>} : memref<2000x1xf32, #tpu.memory_space<vmem>>, vector<2000x1xf32>,
    return
  }
  func.func @transform_0(%arg0: i32) -> (i32, i32) {
    %c0_i32 = arith.constant 0 : i32
    %c0_i32_0 = arith.constant 0 : i32
    return %arg0, %c0_i32 : i32, i32
  }
  func.func @transform_1(%arg0: i32) -> (i32, i32) {
    %c0_i32 = arith.constant 0 : i32
    %c0_i32_0 = arith.constant 0 : i32
    return %arg0, %c0_i32 : i32, i32
  }
  func.func @transform_2(%arg0: i32) -> (i32, i32) {
    %c0_i32 = arith.constant 0 : i32
    %c0_i32_0 = arith.constant 0 : i32
    return %arg0, %c0_i32 : i32, i32
  }
  func.func @transform_3(%arg0: i32) -> (i32, i32) {
    %c0_i32 = arith.constant 0 : i32
    %c0_i32_0 = arith.constant 0 : i32
    return %arg0, %c0_i32 : i32, i32
  }
  func.func @transform_4(%arg0: i32) -> (i32, i32) {
    %c0_i32 = arith.constant 0 : i32
    %c0_i32_0 = arith.constant 0 : i32
    %c0_i32_1 = arith.constant 0 : i32
    return %c0_i32, %c0_i32_0 : i32, i32
  }
  func.func @transform_5(%arg0: i32) -> (i32, i32) {
    %c0_i32 = arith.constant 0 : i32
    %c0_i32_0 = arith.constant 0 : i32
    %c0_i32_1 = arith.constant 0 : i32
    return %c0_i32, %c0_i32_0 : i32, i32
  }
  func.func @transform_6(%arg0: i32) -> (i32, i32) {
    %c0_i32 = arith.constant 0 : i32
    %c0_i32_0 = arith.constant 0 : i32
    %c0_i32_1 = arith.constant 0 : i32
    return %c0_i32, %c0_i32_0 : i32, i32
  }
  func.func @transform_7(%arg0: i32) -> (i32, i32) {
    %c0_i32 = arith.constant 0 : i32
    %c0_i32_0 = arith.constant 0 : i32
    %c0_i32_1 = arith.constant 0 : i32
    return %c0_i32, %c0_i32_0 : i32, i32
  }
  func.func @transform_8(%arg0: i32) -> (i32, i32) {
    %c0_i32 = arith.constant 0 : i32
    %c0_i32_0 = arith.constant 0 : i32
    %c0_i32_1 = arith.constant 0 : i32
    return %c0_i32, %c0_i32_0 : i32, i32
  }
  func.func @transform_9(%arg0: i32) -> (i32, i32) {
    %c0_i32 = arith.constant 0 : i32
    %c0_i32_0 = arith.constant 0 : i32
    %c0_i32_1 = arith.constant 0 : i32
    return %c0_i32, %c0_i32_0 : i32, i32
  }
  func.func @transform_10(%arg0: i32) -> (i32, i32) {
    %c0_i32 = arith.constant 0 : i32
    %c0_i32_0 = arith.constant 0 : i32
    %c0_i32_1 = arith.constant 0 : i32
    return %c0_i32, %c0_i32_0 : i32, i32
  }
  func.func @transform_11(%arg0: i32) -> (i32, i32) {
    %c0_i32 = arith.constant 0 : i32
    %c0_i32_0 = arith.constant 0 : i32
    %c0_i32_1 = arith.constant 0 : i32
    return %c0_i32, %c0_i32_0 : i32, i32
  }
  func.func @transform_12(%arg0: i32) -> (i32, i32) {
    %c0_i32 = arith.constant 0 : i32
    %c0_i32_0 = arith.constant 0 : i32
    return %arg0, %c0_i32 : i32, i32
  }
  func.func @transform_13(%arg0: i32) -> (i32, i32) {
    %c0_i32 = arith.constant 0 : i32
    %c0_i32_0 = arith.constant 0 : i32
    return %arg0, %c0_i32 : i32, i32
  }
  func.func @transform_14(%arg0: i32) -> (i32, i32) {
    %c0_i32 = arith.constant 0 : i32
    %c0_i32_0 = arith.constant 0 : i32
    return %arg0, %c0_i32 : i32, i32
  }
}

module attributes {stable_mosaic.version = 14 : i64} {
  func.func @_sig_body(%arg0: i32, %arg1: memref<1536x128xf32, #tpu.memory_space<vmem>>, %arg2: memref<1536x128xf32, #tpu.memory_space<vmem>>) attributes {dimension_semantics = [#tpu.dimension_semantics<arbitrary>], iteration_bounds = array<i64: 5>, scalar_prefetch = 0 : i64, scratch_operands = 0 : i64, tpu.core_type = #tpu.core_type<tc>, window_params = [{transform_indices = @transform_0, window_bounds = array<i64: 1536, 128>}, {transform_indices = @transform_1, window_bounds = array<i64: 1536, 128>}]} {
    %get3A = arith.constant 0 : index
    %get3A_0 = arith.constant 0 : index
    %get3A_1 = vector.load %arg1[%get3A, %get3A_0] : memref<1536x128xf32, #tpu.memory_space<vmem>>, vector<1536x128xf32>
    %logistic3A = arith.negf %get3A_1 : vector<1536x128xf32>
    %logistic3A_2 = math.exp %logistic3A : vector<1536x128xf32>
    %logistic3A_3 = arith.constant 1.000000e+00 : f32
    %logistic3A_4 = vector.broadcast %logistic3A_3 : f32 to vector<1536x128xf32>
    %logistic3A_5 = arith.addf %logistic3A_4, %logistic3A_2 : vector<1536x128xf32>
    %logistic3A_6 = arith.divf %logistic3A_4, %logistic3A_5 : vector<1536x128xf32>
    %swap3A = arith.constant 0 : index
    %swap3A_7 = arith.constant 0 : index
    %swap3A_8 = vector.load %arg2[%swap3A, %swap3A_7] : memref<1536x128xf32, #tpu.memory_space<vmem>>, vector<1536x128xf32>
    tpu.vector_store %arg2[%swap3A, %swap3A_7], %logistic3A_6 {strides = array<i32>} : memref<1536x128xf32, #tpu.memory_space<vmem>>, vector<1536x128xf32>,
    return
  }
  func.func @transform_0(%arg0: i32) -> (i32, i32) {
    %c0_i32 = arith.constant 0 : i32
    %c0_i32_0 = arith.constant 0 : i32
    return %arg0, %c0_i32 : i32, i32
  }
  func.func @transform_1(%arg0: i32) -> (i32, i32) {
    %c0_i32 = arith.constant 0 : i32
    %c0_i32_0 = arith.constant 0 : i32
    return %arg0, %c0_i32 : i32, i32
  }
}

</mosaic_0001>

<sc_bundles>
// kernel: kernel.12.cloned.1.call-start
scs
__scs_entry_jumppad:
0x0: {  	(pc) =	sbr.rel $0x88, $3  }
0x1: {  	(tag) =	ssettag $0x0;
	lr =	simm.s32 $0x1  }
0x2: {  	[smem:$0x3F95] =	sst lr;
	_ =	strace $0xD0000000  }
0x3: {  	_ = 	snop  }
0x4: {  	_ = 	snop  }
0x5: {  	_ = 	snop  }
0x6: {  	_ = 	snop  }
0x7: {  	_ = 	snop  }
__scs_overlays_trampoline_lowered:
0x8: {  	[smem:$0x3FA4] =	sst s0  }
0x9: {  	[smem:$0x3FA5] =	sst s1  }
0xa: {  	[smem:$0x3FA6] =	sst s2  }
0xb: {  	[smem:$0x3FA7] =	sst s3  }
0xc: {  	[smem:$0x3FA8] =	sst s4  }
0xd: {  	[smem:$0x3FA9] =	sst s5  }
0xe: {  	[smem:$0x3FAA] =	sst s6  }
0xf: {  	[smem:$0x3FAB] =	sst s7  }
0x10: {  	[smem:$0x3FAC] =	sst s8  }
0x11: {  	[smem:$0x3FAD] =	sst s9;
	s0 =	simm.s32 @!p0 $0x0  }
0x12: {  	s1 =	sld [smem:$0x3F93];
	s0 =	simm.s32 @p0 $0x1  }
0x13: {  	[smem:$0x3FAE] =	sst s0;
	s0 =	simm.s32 @!p1 $0x0  }
0x14: {  	s2 =	sld [smem:$0x3F92];
	s0 =	simm.s32 @p1 $0x1  }
0x15: {  	[smem:$0x3FAF] =	sst s0;
	s0 =	simm.s32 @!p2 $0x0  }
0x16: {  	s3 =	sld [smem:$0x3FDB];
	s0 =	simm.s32 @p2 $0x1  }
0x17: {  	s4 =	simm.s32 $0x1BF5;
	[smem:$0x3FB1] =	sst s0  }
0x18: {  	s0 =	sld [smem:$0x3F94];
	_ =	swait.ge [sflag:s4], $0x0  }
0x19: {  	s7 =	sld [smem:$0x3F95]  }
0x1a: {  	s8 =	sadd.s32 $0xFFFFE003, lr  }
0x1b: {  	s9 =	sadd.s32 $0xFFFFFEF7, lr;
	s5 =	simm.s32 $0xFFFFFFFF;
	p2 =	slt.u32 s8, $0xFFFFF086  }
0x1c: {  	p1 =	slt.u32 s9, $0xF7A;
	s5 =	simm.s32 @!p2 $0x0  }
0x1d: {  	s5 =	simm.s32 @p1 $0x1;
	p0 =	seq.s32 s7, s2  }
0x1e: {  	s7 =	smul.u32 @!p0 $0xF7A, s2;
	p2 =	seq.s32 @!p0 s5, $0x0  }
0x1f: {  	s9 =	smul.u32 $0xF7A, s1;
	s8 =	simm.s32 @!p0 $0x1BF5;
	p2 =	por !p2, p0  }
0x20: {  	[sflag:s8] =	ssyncset.s32 @!p0 $0xFFFFF086;
	s6 =	sadd.s32 @!p0 s3, s7;
	s7 =	simm.s32 @!p0 $0x108  }
0x21: {  	s3 =	sadd.s32 s3, s9;
	s6 =	sadd.s32 @!p0 $0x88, s6;
	s7 =	simm.s32 @p2 $0x1082  }
0x22: {  	[simem:s7], [sflag:s8] =	dma.local @!p0 [hbm:s6], $0xF7A  }
0x23: {  	s9 =	sor.u32 $0xD0000000, s2;
	s6 =	simm.s32 $0x108;
	_ =	swait.ge @!p0 [sflag:s8], $0x0  }
0x24: {  	s3 =	sadd.s32 $0x88, s3;
	s6 =	simm.s32 @!p1 $0x1082;
	[sflag:s4] =	ssyncset.s32 $0xFFFFF086  }
0x25: {  	[simem:s6], [sflag:s4] =	dma.local [hbm:s3], $0xF7A  }
0x26: {  	[smem:$0x3F95] =	sst s1;
	(tag) =	ssettag s2;
	_ =	strace s9  }
0x27: {  	s1 =	sld [smem:$0x3FA5]  }
0x28: {  	s2 =	sld [smem:$0x3FA6]  }
0x29: {  	s4 =	sld [smem:$0x3FA8]  }
0x2a: {  	p0 =	seq.s32 s5, $0x0;
	s5 =	sld [smem:$0x3FA9]  }
0x2b: {  	s6 =	sld [smem:$0x3FAA]  }
0x2c: {  	s7 =	sld [smem:$0x3FAB]  }
0x2d: {  	s3 =	simm.s32 $0x108;
	s8 =	sld [smem:$0x3FAC]  }
0x2e: {  	s3 =	simm.s32 @!p0 $0x1082;
	s9 =	sld [smem:$0x3FAD]  }
0x2f: {  	lr =	sadd.s32 s0, s3;
	s0 =	sld [smem:$0x3FA4]  }
0x30: {  	s3 =	sld [smem:$0x3FA7]  }
0x31: {  	[smem:$0x3FB0] =	sst s10  }
0x32: {  	s10 =	sld [smem:$0x3FAE];
	_ =	sdelay $0x3  }
0x33: {  	p0 =	seq.s32 s10, $0x1;
	s10 =	sld [smem:$0x3FB0];
	_ =	sdelay $0x3  }
0x34: {  	[smem:$0x3FB0] =	sst s10  }
0x35: {  	s10 =	sld [smem:$0x3FAF];
	_ =	sdelay $0x3  }
0x36: {  	p1 =	seq.s32 s10, $0x1;
	s10 =	sld [smem:$0x3FB0];
	_ =	sdelay $0x3  }
0x37: {  	[smem:$0x3FB0] =	sst s10  }
0x38: {  	s10 =	sld [smem:$0x3FB1]  }
0x39: {  	_ = 	snop;
	(pc) =	sbr.ind lr, $3  }
0x3a: {  	_ = 	snop  }
0x3b: {  	_ = 	snop  }
0x3c: {  	p2 =	seq.s32 s10, $0x1;
	s10 =	sld [smem:$0x3FB0]  }
0x3d: {  	_ =	shalt  }
0x3e: {  	_ =	shalt  }
0x3f: {  	_ =	shalt  }
0x40: {  	_ =	shalt  }
0x41: {  	_ =	shalt  }
0x42: {  	_ =	shalt  }
0x43: {  	_ =	shalt  }
0x44: {  	_ =	shalt  }
0x45: {  	_ =	shalt  }
0x46: {  	_ =	shalt  }
0x47: {  	_ =	shalt  }
0x48: {  	_ =	shalt  }
0x49: {  	_ =	shalt  }
0x4a: {  	_ =	shalt  }
0x4b: {  	_ =	shalt  }
0x4c: {  	_ =	shalt  }
0x4d: {  	_ =	shalt  }
0x4e: {  	_ =	shalt  }
0x4f: {  	_ =	shalt  }
0x50: {  	_ =	shalt  }
0x51: {  	_ =	shalt  }
0x52: {  	_ =	shalt  }
0x53: {  	_ =	shalt  }
0x54: {  	_ =	shalt  }
0x55: {  	_ =	shalt  }
0x56: {  	_ =	shalt  }
0x57: {  	_ =	shalt  }
0x58: {  	_ =	shalt  }
0x59: {  	_ =	shalt  }
0x5a: {  	_ =	shalt  }
0x5b: {  	_ =	shalt  }
0x5c: {  	_ =	shalt  }
0x5d: {  	_ =	shalt  }
0x5e: {  	_ =	shalt  }
0x5f: {  	_ =	shalt  }
0x60: {  	_ =	shalt  }
0x61: {  	_ =	shalt  }
0x62: {  	_ =	shalt  }
0x63: {  	_ =	shalt  }
0x64: {  	_ =	shalt  }
0x65: {  	_ =	shalt  }
0x66: {  	_ =	shalt  }
0x67: {  	_ =	shalt  }
0x68: {  	_ =	shalt  }
0x69: {  	_ =	shalt  }
0x6a: {  	_ =	shalt  }
0x6b: {  	_ =	shalt  }
0x6c: {  	_ =	shalt  }
0x6d: {  	_ =	shalt  }
0x6e: {  	_ =	shalt  }
0x6f: {  	_ =	shalt  }
0x70: {  	_ =	shalt  }
0x71: {  	_ =	shalt  }
0x72: {  	_ =	shalt  }
0x73: {  	_ =	shalt  }
0x74: {  	_ =	shalt  }
0x75: {  	_ =	shalt  }
0x76: {  	_ =	shalt  }
0x77: {  	_ =	shalt  }
0x78: {  	_ =	shalt  }
0x79: {  	_ =	shalt  }
0x7a: {  	_ =	shalt  }
0x7b: {  	_ =	shalt  }
0x7c: {  	_ =	shalt  }
0x7d: {  	_ =	shalt  }
0x7e: {  	_ =	shalt  }
0x7f: {  	_ =	shalt  }
0x80: {  	_ =	shalt  }
0x81: {  	_ =	shalt  }
0x82: {  	_ =	shalt  }
0x83: {  	_ =	shalt  }
0x84: {  	_ =	shalt  }
0x85: {  	_ =	shalt  }
0x86: {  	_ =	shalt  }
0x87: {  	_ =	shalt  }
.Lfunc_end0:
.L_simem_size_0:
called_computation.1_lowered:
.L_overlay_start_0:
0x88: {  	s2 =	sld [smem:$0x3FD9]  }
0x89: {  	s3 =	sld [smem:$0x3FFE];
	_ =	sdelay $0x1  }
0x8a: {  	s1 =	srdreg.scid  }
0x8b: {  	s0 =	sand.u32 $0x1, s1  }
0x8c: {  	s14 =	sshll.u32 s0, $0xA;
	s2 =	sadd.s32 s3, s2  }
0x8d: {  	s2 =	sadd.s32 s2, s14  }
0x8e: {  	[smem:$0x3FBC] =	sst s2  }
0x8f: {  	_ = 	snop  }
0x90: {  	s2 =	sld [smem:$0x3FD0];
	_ =	sdelay $0x2  }
0x91: {  	s15 =	simm.s32 $0xA;
	s4 =	simm.s32 $0x10  }
0x92: {  	[smem:s4], [sflag:s15] =	dma.local [hbm:s2], $0x1  }
0x93: {  	_ =	swait.eq [sflag:s15], $0x1  }
0x94: {  	[sflag:s15] =	ssyncset.done $0x0  }
0x95: {  	s16 =	sld [smem:$0x10];
	[sflag:s15] =	ssyncadd.s32 $0xFFFFFFFF  }
0x96: {  	s17 =	sld [smem:$0x11];
	(tm) =	ssettm $0x1  }
0x97: {  	s18 =	sld [smem:$0x3FFB];
	_ =	sdelay $0x3  }
0x98: {  	_ =	strace s18  }
0x99: {  	s4 =	sld [smem:$0x3FFC];
	_ =	sdelay $0x3  }
0x9a: {  	_ =	strace s4  }
0x9b: {  	s4 =	sld [smem:$0x3FFD];
	_ =	sdelay $0x3  }
0x9c: {  	_ =	strace s4  }
0x9d: {  	_ =	strace $0x8FFFFFFF  }
0x9e: {  	s19 =	sld [smem:$0x3FDB];
	_ =	sdelay $0x1  }
0x9f: {  	s5 =	simm.s32 $_scs_section_size  }
0xa0: {  	s6 =	simm.s32 $_size__tile_overlayer_lowered;
	s7 =	simm.s32 $_tile_overlayer_lowered  }
0xa1: {  	s22 =	simm.s32 $0x1BFF;
	s21 =	sshll.u32 s7, $0x1;
	s4 =	sadd.s32 s5, s19  }
0xa2: {  	s8 =	simm.s32 $0x0;
	s20 =	sshll.u32 s6, $0x1;
	s6 =	sadd.s32 s21, s4  }
0xa3: {  	[timem:s8], [sflag:s22] =	dma.local [hbm:s6], s20  }
0xa4: {  	_ =	swait.ge [sflag:s22], s20  }
0xa5: {  	s5 =	ssub.s32 $0x0, s20;
	[sflag:s22] =	ssyncset.done $0x0  }
0xa6: {  	[sflag:s22] =	ssyncadd.s32 s5;
	_ =	sdelay $0x1  }
0xa7: {  	s23 =	simm.s32 $0x1B8B  }
0xa8: {  	_ =	swait.ge [sflag:s23], $0x1  }
0xa9: {  	[sflag:s23] =	ssyncset.done $0x0  }
0xaa: {  	s25 =	simm.s32 $0x1B8E;
	s24 =	sld [smem:$0x3FFE];
	[sflag:s23] =	ssyncadd.s32 $0xFFFFFFFF  }
0xab: {  	s26 =	simm.s32 $execute0_lowered;
	[smem:$0x3FD2] =	sst s25  }
0xac: {  	s6 =	sshll.u32 s26, $0x1;
	_ =	strace $0x80000049;
	[dreg:$0x1] =	wrdreg $0xFFFFFFFF  }
0xad: {  	s28 =	simm.s32 $_size_execute0_lowered;
	s4 =	sadd.s32 s4, s6;
	[dreg:$0x0] =	wrdreg $0x0  }
0xae: {  	s6 =	sshll.u32 s28, $0x1;
	[dreg:$0x2] =	wrdreg s4  }
0xaf: {  	[dreg:$0x3] =	wrdreg s6  }
0xb0: {  	[dreg:$0x4] =	wrdreg $0xC0  }
0xb1: {  	_ =	task [dreg:s8], $0x5FFFF  }
0xb2: {  	[dreg:$0x1] =	wrdreg $0xFFFFFFFF  }
0xb3: {  	[dreg:$0x0] =	wrdreg $0x60  }
0xb4: {  	[dreg:$0x2] =	wrdreg s16  }
0xb5: {  	[dreg:$0x3] =	wrdreg s24  }
0xb6: {  	[dreg:$0x4] =	wrdreg s17  }
0xb7: {  	[dreg:$0x5] =	wrdreg $0xA8000  }
0xb8: {  	[dreg:$0x6] =	wrdreg $0x9  }
0xb9: {  	_ =	task.clear_ibuf [dreg:s8], $0x7FFFF;
	_ =	strace $0x90000049  }
0xba: {  	s29 =	simm.s32 $0x9;
	_ =	strace $0x8000004B  }
0xbb: {  	_ =	swait.ge [sflag:s29], $0x1  }
0xbc: {  	[sflag:s29] =	ssyncadd.s32 $0xFFFFFFFF  }
0xbd: {  	_ =	strace $0x9000004B  }
0xbe: {  	_ =	sfence  }
0xbf: {  	s30 =	sld [smem:$0x0];
	_ =	sdelay $0x2  }
0xc0: {  	s31 =	sshll.u32 s1, $0xD;
	s1 =	sshrl.u32 s1, $0x2  }
0xc1: {  	s3 =	sand.u32 $0x4000, s31;
	s1 =	sadd.s32 s1, s30  }
0xc2: {  	s0 =	sor.u32 s3, s0;
	s1 =	sshll.u32 s1, $0x11  }
0xc3: {  	s0 =	sor.u32 s1, s0  }
0xc4: {  	s0 =	sadd.s32 $0x8F2B, s0  }
0xc5: {  	[sflag:s0] =	ssyncadd.remote.s32 $0x1  }
0xc6: {  	_ =	sfence.sel $0xFFFF  }
0xc7: {  	[dreg:$0x0] =	wrdreg $0xFFFFFFFF;
	(pc) =	sbr.abs _section_cstart, $3  }
0xc8: {  	[dreg:$0x1] =	wrdreg $0xFFFFFFFF  }
0xc9: {  	_ =	task.clear_ibuf [dreg:s8], $0x2FFFF;
	_ =	strace $0x9FFFFFFF  }
0xca: {  	(tm) =	ssettm $0x7FFFFFFF  }
0xcb: {  	_ =	shalt  }
tec
execute0_lowered:
.L_overlay_start_1:
0x0: {  	(tag) =	ssettag $0x1  }
0x1: {  	s1 =	rddreg [dreg:$0x0]  }
0x2: {  	s0 =	rddreg [dreg:$0x1]  }
0x3: {  	s2 =	rddreg [dreg:$0x2]  }
0x4: {  	s4 =	srdreg.scid;
	s3 =	rddreg [dreg:$0x3]  }
0x5: {  	s12 =	stileid.u32;
	s28 =	simm.s32 $0x20;
	s29 =	simm.s32 $0x3800  }
0x6: {  	s31 =	simm.s32 $0x4800;
	s30 =	simm.s32 $0x4;
	s5 =	sand.u32 $0x1, s4  }
0x7: {  	s4 =	simm.s32 $0x0;
	s7 =	smul.u32 $0x50000, s12;
	s9 =	sadd.s32 $0x2200, s0  }
0x8: {  	s0 =	sadd.s32 $0xC200, s0;
	s6 =	sshll.u32 s5, $0x4;
	s11 =	smul.u32 $0x140000, s5  }
0x9: {  	[smem:$0x7FF] =	sst s4;
	s6 =	sor.u32 s12, s6;
	s12 =	smul.u32 $0x14000, s12  }
0xa: {  	s10 =	ssub.s32 $0x2, s5;
	_ =	strace $0x8000004A;
	s8 =	smul.u32 $0x500, s6  }
0xb: {  	s21 =	sshrl.u32 s10, $0x1;
	s7 =	sshrl.u32 s7, $0x2;
	s6 =	smul.u32 $0x2800, s6  }
0xc: {  	s10 =	ssub.s32 s10, s21;
	s5 =	sadd.s32 s7, s3;
	s23 =	sadd.s32 s11, s12  }
0xd: {  	s26 =	sadd.s32 $0x4000, s12;
	s13 =	sadd.s32 $0x8000, s5;
	s14 =	sadd.s32 $0xC000, s5  }
0xe: {  	s15 =	sadd.s32 $0x10000, s5;
	s16 =	sadd.s32 $0x8000, s12;
	s18 =	sadd.s32 $0xC000, s12  }
0xf: {  	s20 =	sadd.s32 $0x10000, s12;
	s12 =	simm.s32 $0x8800;
	[dreg:$0xc] =	wrdreg s13  }
0x10: {  	s6 =	sshrl.u32 s6, $0x3;
	s22 =	sadd.s32 s9, s8;
	[dreg:$0xd] =	wrdreg s14  }
0x11: {  	s8 =	sadd.s32 s2, s8;
	s7 =	sshrl.u32 s23, $0x3;
	[dreg:$0xe] =	wrdreg s15  }
0x12: {  	s17 =	sadd.s32 s11, s16;
	s19 =	sadd.s32 s11, s18;
	s13 =	simm.s32 $0xE0  }
0x13: {  	s14 =	simm.s32 $0x9800;
	s15 =	simm.s32 $0x2;
	[dreg:$0x5] =	wrdreg s22  }
0x14: {  	s6 =	sadd.s32 $0x280, s6;
	[dreg:$0x6] =	wrdreg s8;
	s25 =	sadd.s32 s0, s7  }
0x15: {  	s8 =	smax.u32 s10, $0x1;
	s10 =	sadd.s32 s11, s26;
	s7 =	sshrl.u32 s17, $0x3  }
0x16: {  	s21 =	sshrl.u32 s19, $0x3;
	s22 =	sadd.s32 s11, s20;
	s11 =	simm.s32 $0xC0  }
0x17: {  	s17 =	simm.s32 $0x100;
	s19 =	simm.s32 $0x140;
	[dreg:$0x9] =	wrdreg s25  }
0x18: {  	s24 =	sadd.s32 s9, s6;
	s2 =	sadd.s32 s2, s6;
	[dreg:$0xa] =	wrdreg s8  }
0x19: {  	s9 =	sadd.s32 $0x4000, s5;
	s6 =	sshrl.u32 s10, $0x3;
	s7 =	sadd.s32 s0, s7  }
0x1a: {  	s23 =	sshrl.u32 s22, $0x3;
	s8 =	sadd.s32 s18, s3;
	[dreg:$0x7] =	wrdreg s24  }
0x1b: {  	s10 =	simm.s32 $0x7800;
	s18 =	simm.s32 $0x120;
	[dreg:$0x8] =	wrdreg s2  }
0x1c: {  	s22 =	simm.s32 $0x160;
	[dreg:$0xb] =	wrdreg s9;
	s6 =	sadd.s32 s0, s6  }
0x1d: {  	s2 =	sadd.s32 s26, s3;
	[dreg:$0x10] =	wrdreg s7;
	s7 =	sadd.s32 s0, s21  }
0x1e: {  	s0 =	sadd.s32 s0, s23;
	s24 =	sadd.s32 s20, s3;
	s20 =	simm.s32 $0x2800  }
0x1f: {  	s21 =	simm.s32 $0x5;
	s26 =	sshrl.u32 s8, $0x3;
	[dreg:$0xf] =	wrdreg s6  }
0x20: {  	s8 =	simm.s32 $0x6800;
	s23 =	simm.s32 $0x1480;
	[dreg:$0x11] =	wrdreg s7  }
.Ltmp0:
0x21: {  	s6 =	sadd.s32 s16, s3;
	[dreg:$0x12] =	wrdreg s0;
	(pc) =	sbr.rel .LBB2_1-.Ltmp0, $4  }
0x22: {  	s2 =	sshrl.u32 s2, $0x3;
	[dreg:$0x15] =	wrdreg s26;
	s0 =	sshrl.u32 s24, $0x3  }
0x23: {  	s26 =	simm.s32 $0x1400;
	s7 =	simm.s32 $0x80;
	[dreg:$0x13] =	wrdreg s2  }
0x24: {  	s16 =	simm.s32 $0x3;
	s25 =	sshrl.u32 s6, $0x3;
	[dreg:$0x16] =	wrdreg s0  }
0x25: {  	v0 =	vimm.f32 $0.0e+00;
	s2 =	simm.s32 $0x5800;
	s6 =	simm.s32 $0x1;
	[dreg:$0x14] =	wrdreg s25  }
.LBB2_9:
0x26: {  	[spmem:s3] =	stream.indirect.scatter.add.f32 [tilespmem:s8], [sflag:$0x4], $0x80, s0, s7, $0xb8;
	[tilespmem:$0x1E800] =	vst v63  }
0x27: {  	_ =	swait.ge [sflag:s30], $0x4000  }
0x28: {  	[sflag:s30] =	ssyncset.done $0x0  }
0x29: {  	s9 =	stileid.u32;
	[sflag:s30] =	ssyncadd.s32 $0xFFFFC000  }
0x2a: {  	s0 =	sshll.u32 s9, $0x6;
	[bflag:$0x0] =	sbarrier.arrive $0xFFFF  }
0x2b: {  	s9 =	sshrl.u32 s5, $0x3;
	s0 =	sor.u32 $0x1C05, s0;
	s24 =	rddreg [dreg:$0x9]  }
0x2c: {  	[hbm:s24], [sflag:s0] =	dma.local [spmem:s9], $0x800  }
0x2d: {  	_ =	swait.ge [sflag:s21], $0x800  }
0x2e: {  	[sflag:s21] =	ssyncset.done $0x0;
	s24 =	rddreg [dreg:$0xf]  }
0x2f: {  	s25 =	rddreg [dreg:$0x13];
	[sflag:s21] =	ssyncadd.s32 $0xFFFFF800  }
0x30: {  	[hbm:s24], [sflag:s0] =	dma.local [spmem:s25], $0x800  }
0x31: {  	_ =	swait.ge [sflag:s21], $0x800  }
0x32: {  	[sflag:s21] =	ssyncset.done $0x0;
	s24 =	rddreg [dreg:$0x10]  }
0x33: {  	s25 =	rddreg [dreg:$0x14];
	[sflag:s21] =	ssyncadd.s32 $0xFFFFF800  }
0x34: {  	[hbm:s24], [sflag:s0] =	dma.local [spmem:s25], $0x800  }
0x35: {  	_ =	swait.ge [sflag:s21], $0x800  }
0x36: {  	[sflag:s21] =	ssyncset.done $0x0;
	s24 =	rddreg [dreg:$0x11]  }
0x37: {  	s25 =	rddreg [dreg:$0x15];
	[sflag:s21] =	ssyncadd.s32 $0xFFFFF800  }
0x38: {  	[hbm:s24], [sflag:s0] =	dma.local [spmem:s25], $0x800  }
0x39: {  	_ =	swait.ge [sflag:s21], $0x800  }
0x3a: {  	[sflag:s21] =	ssyncset.done $0x0;
	s24 =	rddreg [dreg:$0x12]  }
0x3b: {  	s25 =	rddreg [dreg:$0x16];
	[sflag:s21] =	ssyncadd.s32 $0xFFFFF800  }
0x3c: {  	[hbm:s24], [sflag:s0] =	dma.local [spmem:s25], $0x800  }
0x3d: {  	_ =	swait.ge [sflag:s21], $0x800  }
0x3e: {  	s4 =	sadd.s32 $0x1, s4;
	s25 =	rddreg [dreg:$0xa]  }
0x3f: {  	p0 =	sne.s32 s4, s25  }
.Ltmp1:
0x40: {  	_ = 	snop;
	(pc) =	sbr.rel @!p0 .LBB2_10-.Ltmp1, $3  }
0x41: {  	_ =	sdelay $0x1  }
0x42: {  	[sflag:s21] =	ssyncset.done $0x0  }
0x43: {  	[sflag:s21] =	ssyncadd.s32 $0xFFFFF800  }
.LBB2_1:
0x44: {  	s24 =	simm.s32 $0x0;
	s25 =	simm.s32 $0x200  }
.LBB2_2:
0x45: {  	p0 =	sne.s32 s25, $0xFE00;
	[tilespmem:s24+$0x2870] =	vst v0  }
0x46: {  	[tilespmem:s24+$0x2800] =	vst v0  }
0x47: {  	[tilespmem:s24+$0x2810] =	vst v0  }
.Ltmp2:
0x48: {  	[tilespmem:s24+$0x2820] =	vst v0;
	(pc) =	sbr.rel @p0 .LBB2_2-.Ltmp2, $4  }
0x49: {  	[tilespmem:s24+$0x2830] =	vst v0  }
0x4a: {  	[tilespmem:s24+$0x2840] =	vst v0  }
0x4b: {  	[tilespmem:s24+$0x2850] =	vst v0  }
0x4c: {  	[tilespmem:s24+$0x2860] =	vst v0;
	s24 =	sshra.s32 s25, $0x2;
	s25 =	sadd.s32 $0x200, s25  }
0x4d: {  	[tilespmem:s24+$0x2870] =	vst v0  }
0x4e: {  	[tilespmem:s24+$0x2800] =	vst v0  }
0x4f: {  	[tilespmem:s24+$0x2810] =	vst v0  }
0x50: {  	[tilespmem:s24+$0x2820] =	vst v0  }
0x51: {  	[tilespmem:s24+$0x2830] =	vst v0  }
0x52: {  	[tilespmem:s24+$0x2840] =	vst v0  }
0x53: {  	[tilespmem:s24+$0x2850] =	vst v0  }
0x54: {  	[tilespmem:s24+$0x2860] =	vst v0  }
0x55: {  	[spmem:s5] =	stream.linear.scatter [tilespmem:s20], [sflag:$0x5], $0x4000, $0x38;
	[tilespmem:$0x1E800] =	vst v63  }
0x56: {  	_ =	swait.ge [sflag:s21], $0x4000  }
0x57: {  	[sflag:s21] =	ssyncset.done $0x0  }
0x58: {  	s0 =	rddreg [dreg:$0xb];
	[sflag:s21] =	ssyncadd.s32 $0xFFFFC000  }
0x59: {  	[spmem:s0] =	stream.linear.scatter [tilespmem:s20], [sflag:$0x5], $0x4000, $0x38;
	[tilespmem:$0x1E800] =	vst v63  }
0x5a: {  	_ =	swait.ge [sflag:s21], $0x4000  }
0x5b: {  	[sflag:s21] =	ssyncset.done $0x0  }
0x5c: {  	s25 =	rddreg [dreg:$0xc];
	[sflag:s21] =	ssyncadd.s32 $0xFFFFC000  }
0x5d: {  	[spmem:s25] =	stream.linear.scatter [tilespmem:s20], [sflag:$0x5], $0x4000, $0x38;
	[tilespmem:$0x1E800] =	vst v63  }
0x5e: {  	_ =	swait.ge [sflag:s21], $0x4000  }
0x5f: {  	[sflag:s21] =	ssyncset.done $0x0  }
0x60: {  	s9 =	rddreg [dreg:$0xd];
	[sflag:s21] =	ssyncadd.s32 $0xFFFFC000  }
0x61: {  	[spmem:s9] =	stream.linear.scatter [tilespmem:s20], [sflag:$0x5], $0x4000, $0x38;
	[tilespmem:$0x1E800] =	vst v63  }
0x62: {  	_ =	swait.ge [sflag:s21], $0x4000  }
0x63: {  	[sflag:s21] =	ssyncset.done $0x0  }
0x64: {  	s24 =	rddreg [dreg:$0xe];
	[sflag:s21] =	ssyncadd.s32 $0xFFFFC000  }
0x65: {  	[spmem:s24] =	stream.linear.scatter [tilespmem:s20], [sflag:$0x5], $0x4000, $0x38;
	[tilespmem:$0x1E800] =	vst v63  }
0x66: {  	_ =	swait.ge [sflag:s21], $0x4000  }
0x67: {  	[sflag:s21] =	ssyncset.done $0x0  }
0x68: {  	[sflag:s21] =	ssyncadd.s32 $0xFFFFC000  }
0x69: {  	[bflag:$0x0] =	sbarrier.arrive $0xFFFF  }
0x6a: {  	s24 =	simm.s32 $0x0;
	s25 =	rddreg [dreg:$0x5]  }
0x6b: {  	[tilespmem:s24], [sflag:$0x5] =	stream.linear.gather [hbm4b:s25+s24], $0x1400, $0x38;
	[tilespmem:$0x1E800] =	vst v63  }
0x6c: {  	_ =	swait.ge [sflag:s21], $0x1400  }
0x6d: {  	[sflag:s21] =	ssyncset.done $0x0  }
0x6e: {  	s9 =	rddreg [dreg:$0x6];
	[sflag:s21] =	ssyncadd.s32 $0xFFFFEC00  }
0x6f: {  	[tilespmem:s26], [sflag:$0x5] =	stream.linear.gather [hbm4b:s9+s24], $0x1400, $0x38;
	[tilespmem:$0x1E800] =	vst v63  }
0x70: {  	_ =	swait.ge [sflag:s21], $0x1400  }
0x71: {  	[sflag:s21] =	ssyncset.done $0x0  }
0x72: {  	[sflag:s21] =	ssyncadd.s32 $0xFFFFEC00  }
0x73: {  	[tilespmem:s20], [sflag:$0x1] =	stream.indirect.gather [hbm4b:s1+s28], $0x80, s24, s28, $0xb8;
	[tilespmem:$0x1E800] =	vst v63  }
0x74: {  	_ = 	snop  }
0x75: {  	[tilespmem:s29], [sflag:$0x1] =	stream.indirect.gather [hbm4b:s1+s28], $0x80, s28, s28, $0xb8;
	[tilespmem:$0x1E800] =	vst v63  }
0x76: {  	s25 =	simm.s32 $0x40  }
0x77: {  	[tilespmem:s31], [sflag:$0x1] =	stream.indirect.gather [hbm4b:s1+s28], $0x80, s25, s28, $0xb8;
	[tilespmem:$0x1E800] =	vst v63  }
0x78: {  	s9 =	simm.s32 $0x60  }
0x79: {  	[tilespmem:s2], [sflag:$0x1] =	stream.indirect.gather [hbm4b:s1+s28], $0x80, s9, s28, $0xb8;
	[tilespmem:$0x1E800] =	vst v63  }
0x7a: {  	_ =	swait.ge [sflag:s6], $0x1000  }
0x7b: {  	[sflag:s6] =	ssyncset.done $0x0  }
0x7c: {  	[sflag:s6] =	ssyncadd.s32 $0xFFFFF000  }
0x7d: {  	_ =	swait.ge [sflag:s6], $0x1000  }
0x7e: {  	[sflag:s6] =	ssyncset.done $0x0  }
0x7f: {  	[sflag:s6] =	ssyncadd.s32 $0xFFFFF000  }
0x80: {  	_ =	swait.ge [sflag:s6], $0x1000  }
0x81: {  	[sflag:s6] =	ssyncset.done $0x0  }
0x82: {  	[sflag:s6] =	ssyncadd.s32 $0xFFFFF000  }
0x83: {  	_ =	swait.ge [sflag:s6], $0x1000  }
0x84: {  	[sflag:s6] =	ssyncset.done $0x0  }
0x85: {  	[sflag:s6] =	ssyncadd.s32 $0xFFFFF000  }
0x86: {  	[tilespmem:s8], [sflag:$0x2] =	stream.indirect.gather [hbm4b:s1+s28], $0x80, s7, s28, $0xb8;
	[tilespmem:$0x1E800] =	vst v63  }
0x87: {  	s25 =	simm.s32 $0xA0  }
0x88: {  	[tilespmem:s10], [sflag:$0x2] =	stream.indirect.gather [hbm4b:s1+s28], $0x80, s25, s28, $0xb8;
	[tilespmem:$0x1E800] =	vst v63  }
0x89: {  	_ = 	snop  }
0x8a: {  	[tilespmem:s12], [sflag:$0x2] =	stream.indirect.gather [hbm4b:s1+s28], $0x80, s11, s28, $0xb8;
	[tilespmem:$0x1E800] =	vst v63  }
0x8b: {  	_ = 	snop  }
0x8c: {  	[tilespmem:s14], [sflag:$0x2] =	stream.indirect.gather [hbm4b:s1+s28], $0x80, s13, s28, $0xb8;
	[tilespmem:$0x1E800] =	vst v63  }
0x8d: {  	_ = 	snop  }
0x8e: {  	[spmem:s3] =	stream.indirect.scatter.add.f32 [tilespmem:s20], [sflag:$0x3], $0x80, s26, s7, $0xb8;
	[tilespmem:$0x1E800] =	vst v63  }
0x8f: {  	_ =	swait.ge [sflag:s15], $0x1000  }
0x90: {  	[sflag:s15] =	ssyncset.done $0x0  }
0x91: {  	[sflag:s15] =	ssyncadd.s32 $0xFFFFF000  }
0x92: {  	_ =	swait.ge [sflag:s15], $0x1000  }
0x93: {  	[sflag:s15] =	ssyncset.done $0x0  }
0x94: {  	[sflag:s15] =	ssyncadd.s32 $0xFFFFF000  }
0x95: {  	_ =	swait.ge [sflag:s15], $0x1000  }
0x96: {  	[sflag:s15] =	ssyncset.done $0x0  }
0x97: {  	[sflag:s15] =	ssyncadd.s32 $0xFFFFF000  }
0x98: {  	_ =	swait.ge [sflag:s15], $0x1000  }
0x99: {  	[sflag:s15] =	ssyncset.done $0x0  }
0x9a: {  	[sflag:s15] =	ssyncadd.s32 $0xFFFFF000  }
0x9b: {  	_ =	swait.ge [sflag:s16], $0x4000  }
0x9c: {  	[sflag:s16] =	ssyncset.done $0x0  }
0x9d: {  	[sflag:s16] =	ssyncadd.s32 $0xFFFFC000  }
0x9e: {  	[tilespmem:s20], [sflag:$0x1] =	stream.indirect.gather [hbm4b:s1+s28], $0x80, s17, s28, $0xb8;
	[tilespmem:$0x1E800] =	vst v63  }
0x9f: {  	_ = 	snop  }
0xa0: {  	[tilespmem:s29], [sflag:$0x1] =	stream.indirect.gather [hbm4b:s1+s28], $0x80, s18, s28, $0xb8;
	[tilespmem:$0x1E800] =	vst v63  }
0xa1: {  	_ = 	snop  }
0xa2: {  	[tilespmem:s31], [sflag:$0x1] =	stream.indirect.gather [hbm4b:s1+s28], $0x80, s19, s28, $0xb8;
	[tilespmem:$0x1E800] =	vst v63  }
0xa3: {  	_ = 	snop  }
0xa4: {  	[tilespmem:s2], [sflag:$0x1] =	stream.indirect.gather [hbm4b:s1+s28], $0x80, s22, s28, $0xb8;
	[tilespmem:$0x1E800] =	vst v63  }
0xa5: {  	_ = 	snop  }
0xa6: {  	[spmem:s3] =	stream.indirect.scatter.add.f32 [tilespmem:s8], [sflag:$0x4], $0x80, s23, s7, $0xb8;
	[tilespmem:$0x1E800] =	vst v63  }
.LBB2_4:
0xa7: {  	_ =	swait.ge [sflag:s6], $0x1000  }
0xa8: {  	[sflag:s6] =	ssyncset.done $0x0  }
0xa9: {  	[sflag:s6] =	ssyncadd.s32 $0xFFFFF000  }
0xaa: {  	_ =	swait.ge [sflag:s6], $0x1000  }
0xab: {  	[sflag:s6] =	ssyncset.done $0x0  }
0xac: {  	[sflag:s6] =	ssyncadd.s32 $0xFFFFF000  }
0xad: {  	_ =	swait.ge [sflag:s6], $0x1000  }
0xae: {  	[sflag:s6] =	ssyncset.done $0x0  }
0xaf: {  	[sflag:s6] =	ssyncadd.s32 $0xFFFFF000  }
0xb0: {  	_ =	swait.ge [sflag:s6], $0x1000  }
0xb1: {  	[sflag:s6] =	ssyncset.done $0x0  }
0xb2: {  	[sflag:s6] =	ssyncadd.s32 $0xFFFFF000  }
0xb3: {  	_ =	swait.ge [sflag:s30], $0x4000  }
0xb4: {  	s25 =	sshra.s32 s24, $0x2;
	[sflag:s30] =	ssyncset.done $0x0  }
0xb5: {  	s0 =	sadd.s32 $0x180, s25;
	[sflag:s30] =	ssyncadd.s32 $0xFFFFC000  }
0xb6: {  	[tilespmem:s8], [sflag:$0x2] =	stream.indirect.gather [hbm4b:s1+s28], $0x80, s0, s28, $0xb8;
	[tilespmem:$0x1E800] =	vst v63  }
0xb7: {  	s9 =	sadd.s32 $0x1A0, s25  }
0xb8: {  	[tilespmem:s10], [sflag:$0x2] =	stream.indirect.gather [hbm4b:s1+s28], $0x80, s9, s28, $0xb8;
	[tilespmem:$0x1E800] =	vst v63  }
0xb9: {  	s9 =	sadd.s32 $0x1C0, s25  }
0xba: {  	[tilespmem:s12], [sflag:$0x2] =	stream.indirect.gather [hbm4b:s1+s28], $0x80, s9, s28, $0xb8;
	[tilespmem:$0x1E800] =	vst v63  }
0xbb: {  	s9 =	sadd.s32 $0x1E0, s25  }
0xbc: {  	[tilespmem:s14], [sflag:$0x2] =	stream.indirect.gather [hbm4b:s1+s28], $0x80, s9, s28, $0xb8;
	[tilespmem:$0x1E800] =	vst v63  }
0xbd: {  	s9 =	sadd.s32 $0x1500, s25  }
0xbe: {  	[spmem:s3] =	stream.indirect.scatter.add.f32 [tilespmem:s20], [sflag:$0x3], $0x80, s9, s7, $0xb8;
	[tilespmem:$0x1E800] =	vst v63  }
0xbf: {  	_ =	swait.ge [sflag:s15], $0x1000  }
0xc0: {  	[sflag:s15] =	ssyncset.done $0x0  }
0xc1: {  	[sflag:s15] =	ssyncadd.s32 $0xFFFFF000  }
0xc2: {  	_ =	swait.ge [sflag:s15], $0x1000  }
0xc3: {  	[sflag:s15] =	ssyncset.done $0x0  }
0xc4: {  	[sflag:s15] =	ssyncadd.s32 $0xFFFFF000  }
0xc5: {  	_ =	swait.ge [sflag:s15], $0x1000  }
0xc6: {  	[sflag:s15] =	ssyncset.done $0x0  }
0xc7: {  	[sflag:s15] =	ssyncadd.s32 $0xFFFFF000  }
0xc8: {  	p0 =	seq.s32 s24, $0x4800;
	_ =	swait.ge [sflag:s15], $0x1000  }
.Ltmp3:
0xc9: {  	[sflag:s15] =	ssyncset.done $0x0;
	(pc) =	sbr.rel @p0 .LBB2_6-.Ltmp3, $4  }
0xca: {  	[sflag:s15] =	ssyncadd.s32 $0xFFFFF000  }
0xcb: {  	_ =	swait.ge [sflag:s16], $0x4000  }
0xcc: {  	[sflag:s16] =	ssyncset.done $0x0  }
0xcd: {  	s0 =	sadd.s32 $0x1580, s25;
	[sflag:s16] =	ssyncadd.s32 $0xFFFFC000  }
0xce: {  	s9 =	sadd.s32 $0x200, s25  }
0xcf: {  	[tilespmem:s20], [sflag:$0x1] =	stream.indirect.gather [hbm4b:s1+s28], $0x80, s9, s28, $0xb8;
	[tilespmem:$0x1E800] =	vst v63  }
0xd0: {  	s9 =	sadd.s32 $0x220, s25  }
0xd1: {  	[tilespmem:s29], [sflag:$0x1] =	stream.indirect.gather [hbm4b:s1+s28], $0x80, s9, s28, $0xb8;
	[tilespmem:$0x1E800] =	vst v63  }
0xd2: {  	s9 =	sadd.s32 $0x240, s25  }
0xd3: {  	[tilespmem:s31], [sflag:$0x1] =	stream.indirect.gather [hbm4b:s1+s28], $0x80, s9, s28, $0xb8;
	[tilespmem:$0x1E800] =	vst v63  }
.Ltmp4:
0xd4: {  	_ = 	snop;
	(pc) =	sbr.rel .LBB2_4-.Ltmp4, $4  }
0xd5: {  	s25 =	sadd.s32 $0x260, s25  }
0xd6: {  	[tilespmem:s2], [sflag:$0x1] =	stream.indirect.gather [hbm4b:s1+s28], $0x80, s25, s28, $0xb8;
	[tilespmem:$0x1E800] =	vst v63  }
0xd7: {  	s24 =	sadd.s32 $0x400, s24  }
0xd8: {  	[spmem:s3] =	stream.indirect.scatter.add.f32 [tilespmem:s8], [sflag:$0x4], $0x80, s0, s7, $0xb8;
	[tilespmem:$0x1E800] =	vst v63  }
.LBB2_6:
0xd9: {  	[spmem:s3] =	stream.indirect.scatter.add.f32 [tilespmem:s8], [sflag:$0x4], $0x80, s0, s7, $0xb8;
	[tilespmem:$0x1E800] =	vst v63  }
0xda: {  	_ =	swait.ge [sflag:s30], $0x4000  }
0xdb: {  	[sflag:s30] =	ssyncset.done $0x0  }
0xdc: {  	s24 =	simm.s32 $0x0;
	s25 =	rddreg [dreg:$0x7];
	[sflag:s30] =	ssyncadd.s32 $0xFFFFC000  }
0xdd: {  	[tilespmem:s24], [sflag:$0x5] =	stream.linear.gather [hbm4b:s25+s24], $0x1400, $0x38;
	[tilespmem:$0x1E800] =	vst v63  }
0xde: {  	_ =	swait.ge [sflag:s21], $0x1400  }
0xdf: {  	[sflag:s21] =	ssyncset.done $0x0  }
0xe0: {  	s9 =	rddreg [dreg:$0x8];
	[sflag:s21] =	ssyncadd.s32 $0xFFFFEC00  }
0xe1: {  	[tilespmem:s26], [sflag:$0x5] =	stream.linear.gather [hbm4b:s9+s24], $0x1400, $0x38;
	[tilespmem:$0x1E800] =	vst v63  }
0xe2: {  	_ =	swait.ge [sflag:s21], $0x1400  }
0xe3: {  	[sflag:s21] =	ssyncset.done $0x0  }
0xe4: {  	[sflag:s21] =	ssyncadd.s32 $0xFFFFEC00  }
0xe5: {  	[tilespmem:s20], [sflag:$0x1] =	stream.indirect.gather [hbm4b:s1+s28], $0x80, s24, s28, $0xb8;
	[tilespmem:$0x1E800] =	vst v63  }
0xe6: {  	_ = 	snop  }
0xe7: {  	[tilespmem:s29], [sflag:$0x1] =	stream.indirect.gather [hbm4b:s1+s28], $0x80, s28, s28, $0xb8;
	[tilespmem:$0x1E800] =	vst v63  }
0xe8: {  	s25 =	simm.s32 $0x40  }
0xe9: {  	[tilespmem:s31], [sflag:$0x1] =	stream.indirect.gather [hbm4b:s1+s28], $0x80, s25, s28, $0xb8;
	[tilespmem:$0x1E800] =	vst v63  }
0xea: {  	s9 =	simm.s32 $0x60  }
0xeb: {  	[tilespmem:s2], [sflag:$0x1] =	stream.indirect.gather [hbm4b:s1+s28], $0x80, s9, s28, $0xb8;
	[tilespmem:$0x1E800] =	vst v63  }
0xec: {  	_ =	swait.ge [sflag:s6], $0x1000  }
0xed: {  	[sflag:s6] =	ssyncset.done $0x0  }
0xee: {  	[sflag:s6] =	ssyncadd.s32 $0xFFFFF000  }
0xef: {  	_ =	swait.ge [sflag:s6], $0x1000  }
0xf0: {  	[sflag:s6] =	ssyncset.done $0x0  }
0xf1: {  	[sflag:s6] =	ssyncadd.s32 $0xFFFFF000  }
0xf2: {  	_ =	swait.ge [sflag:s6], $0x1000  }
0xf3: {  	[sflag:s6] =	ssyncset.done $0x0  }
0xf4: {  	[sflag:s6] =	ssyncadd.s32 $0xFFFFF000  }
0xf5: {  	_ =	swait.ge [sflag:s6], $0x1000  }
0xf6: {  	[sflag:s6] =	ssyncset.done $0x0  }
0xf7: {  	[sflag:s6] =	ssyncadd.s32 $0xFFFFF000  }
0xf8: {  	[tilespmem:s8], [sflag:$0x2] =	stream.indirect.gather [hbm4b:s1+s28], $0x80, s7, s28, $0xb8;
	[tilespmem:$0x1E800] =	vst v63  }
0xf9: {  	s25 =	simm.s32 $0xA0  }
0xfa: {  	[tilespmem:s10], [sflag:$0x2] =	stream.indirect.gather [hbm4b:s1+s28], $0x80, s25, s28, $0xb8;
	[tilespmem:$0x1E800] =	vst v63  }
0xfb: {  	_ = 	snop  }
0xfc: {  	[tilespmem:s12], [sflag:$0x2] =	stream.indirect.gather [hbm4b:s1+s28], $0x80, s11, s28, $0xb8;
	[tilespmem:$0x1E800] =	vst v63  }
0xfd: {  	_ = 	snop  }
0xfe: {  	[tilespmem:s14], [sflag:$0x2] =	stream.indirect.gather [hbm4b:s1+s28], $0x80, s13, s28, $0xb8;
	[tilespmem:$0x1E800] =	vst v63  }
0xff: {  	_ = 	snop  }
0x100: {  	[spmem:s3] =	stream.indirect.scatter.add.f32 [tilespmem:s20], [sflag:$0x3], $0x80, s26, s7, $0xb8;
	[tilespmem:$0x1E800] =	vst v63  }
0x101: {  	_ =	swait.ge [sflag:s15], $0x1000  }
0x102: {  	[sflag:s15] =	ssyncset.done $0x0  }
0x103: {  	[sflag:s15] =	ssyncadd.s32 $0xFFFFF000  }
0x104: {  	_ =	swait.ge [sflag:s15], $0x1000  }
0x105: {  	[sflag:s15] =	ssyncset.done $0x0  }
0x106: {  	[sflag:s15] =	ssyncadd.s32 $0xFFFFF000  }
0x107: {  	_ =	swait.ge [sflag:s15], $0x1000  }
0x108: {  	[sflag:s15] =	ssyncset.done $0x0  }
0x109: {  	[sflag:s15] =	ssyncadd.s32 $0xFFFFF000  }
0x10a: {  	_ =	swait.ge [sflag:s15], $0x1000  }
0x10b: {  	[sflag:s15] =	ssyncset.done $0x0  }
0x10c: {  	[sflag:s15] =	ssyncadd.s32 $0xFFFFF000  }
0x10d: {  	_ =	swait.ge [sflag:s16], $0x4000  }
0x10e: {  	[sflag:s16] =	ssyncset.done $0x0  }
0x10f: {  	[sflag:s16] =	ssyncadd.s32 $0xFFFFC000  }
0x110: {  	[tilespmem:s20], [sflag:$0x1] =	stream.indirect.gather [hbm4b:s1+s28], $0x80, s17, s28, $0xb8;
	[tilespmem:$0x1E800] =	vst v63  }
0x111: {  	_ = 	snop  }
0x112: {  	[tilespmem:s29], [sflag:$0x1] =	stream.indirect.gather [hbm4b:s1+s28], $0x80, s18, s28, $0xb8;
	[tilespmem:$0x1E800] =	vst v63  }
0x113: {  	_ = 	snop  }
0x114: {  	[tilespmem:s31], [sflag:$0x1] =	stream.indirect.gather [hbm4b:s1+s28], $0x80, s19, s28, $0xb8;
	[tilespmem:$0x1E800] =	vst v63  }
0x115: {  	_ = 	snop  }
0x116: {  	[tilespmem:s2], [sflag:$0x1] =	stream.indirect.gather [hbm4b:s1+s28], $0x80, s22, s28, $0xb8;
	[tilespmem:$0x1E800] =	vst v63  }
0x117: {  	_ = 	snop  }
0x118: {  	[spmem:s3] =	stream.indirect.scatter.add.f32 [tilespmem:s8], [sflag:$0x4], $0x80, s23, s7, $0xb8;
	[tilespmem:$0x1E800] =	vst v63  }
.LBB2_7:
0x119: {  	_ =	swait.ge [sflag:s6], $0x1000  }
0x11a: {  	[sflag:s6] =	ssyncset.done $0x0  }
0x11b: {  	[sflag:s6] =	ssyncadd.s32 $0xFFFFF000  }
0x11c: {  	_ =	swait.ge [sflag:s6], $0x1000  }
0x11d: {  	[sflag:s6] =	ssyncset.done $0x0  }
0x11e: {  	[sflag:s6] =	ssyncadd.s32 $0xFFFFF000  }
0x11f: {  	_ =	swait.ge [sflag:s6], $0x1000  }
0x120: {  	[sflag:s6] =	ssyncset.done $0x0  }
0x121: {  	[sflag:s6] =	ssyncadd.s32 $0xFFFFF000  }
0x122: {  	_ =	swait.ge [sflag:s6], $0x1000  }
0x123: {  	[sflag:s6] =	ssyncset.done $0x0  }
0x124: {  	[sflag:s6] =	ssyncadd.s32 $0xFFFFF000  }
0x125: {  	_ =	swait.ge [sflag:s30], $0x4000  }
0x126: {  	s25 =	sshra.s32 s24, $0x2;
	[sflag:s30] =	ssyncset.done $0x0  }
0x127: {  	s0 =	sadd.s32 $0x180, s25;
	[sflag:s30] =	ssyncadd.s32 $0xFFFFC000  }
0x128: {  	[tilespmem:s8], [sflag:$0x2] =	stream.indirect.gather [hbm4b:s1+s28], $0x80, s0, s28, $0xb8;
	[tilespmem:$0x1E800] =	vst v63  }
0x129: {  	s9 =	sadd.s32 $0x1A0, s25  }
0x12a: {  	[tilespmem:s10], [sflag:$0x2] =	stream.indirect.gather [hbm4b:s1+s28], $0x80, s9, s28, $0xb8;
	[tilespmem:$0x1E800] =	vst v63  }
0x12b: {  	s9 =	sadd.s32 $0x1C0, s25  }
0x12c: {  	[tilespmem:s12], [sflag:$0x2] =	stream.indirect.gather [hbm4b:s1+s28], $0x80, s9, s28, $0xb8;
	[tilespmem:$0x1E800] =	vst v63  }
0x12d: {  	s9 =	sadd.s32 $0x1E0, s25  }
0x12e: {  	[tilespmem:s14], [sflag:$0x2] =	stream.indirect.gather [hbm4b:s1+s28], $0x80, s9, s28, $0xb8;
	[tilespmem:$0x1E800] =	vst v63  }
0x12f: {  	s9 =	sadd.s32 $0x1500, s25  }
0x130: {  	[spmem:s3] =	stream.indirect.scatter.add.f32 [tilespmem:s20], [sflag:$0x3], $0x80, s9, s7, $0xb8;
	[tilespmem:$0x1E800] =	vst v63  }
0x131: {  	_ =	swait.ge [sflag:s15], $0x1000  }
0x132: {  	[sflag:s15] =	ssyncset.done $0x0  }
0x133: {  	[sflag:s15] =	ssyncadd.s32 $0xFFFFF000  }
0x134: {  	_ =	swait.ge [sflag:s15], $0x1000  }
0x135: {  	[sflag:s15] =	ssyncset.done $0x0  }
0x136: {  	[sflag:s15] =	ssyncadd.s32 $0xFFFFF000  }
0x137: {  	_ =	swait.ge [sflag:s15], $0x1000  }
0x138: {  	[sflag:s15] =	ssyncset.done $0x0  }
0x139: {  	[sflag:s15] =	ssyncadd.s32 $0xFFFFF000  }
0x13a: {  	p0 =	seq.s32 s24, $0x4800;
	_ =	swait.ge [sflag:s15], $0x1000  }
.Ltmp5:
0x13b: {  	[sflag:s15] =	ssyncset.done $0x0;
	(pc) =	sbr.rel @p0 .LBB2_9-.Ltmp5, $4  }
0x13c: {  	[sflag:s15] =	ssyncadd.s32 $0xFFFFF000  }
0x13d: {  	_ =	swait.ge [sflag:s16], $0x4000  }
0x13e: {  	[sflag:s16] =	ssyncset.done $0x0  }
0x13f: {  	s0 =	sadd.s32 $0x1580, s25;
	[sflag:s16] =	ssyncadd.s32 $0xFFFFC000  }
0x140: {  	s9 =	sadd.s32 $0x200, s25  }
0x141: {  	[tilespmem:s20], [sflag:$0x1] =	stream.indirect.gather [hbm4b:s1+s28], $0x80, s9, s28, $0xb8;
	[tilespmem:$0x1E800] =	vst v63  }
0x142: {  	s9 =	sadd.s32 $0x220, s25  }
0x143: {  	[tilespmem:s29], [sflag:$0x1] =	stream.indirect.gather [hbm4b:s1+s28], $0x80, s9, s28, $0xb8;
	[tilespmem:$0x1E800] =	vst v63  }
0x144: {  	s9 =	sadd.s32 $0x240, s25  }
0x145: {  	[tilespmem:s31], [sflag:$0x1] =	stream.indirect.gather [hbm4b:s1+s28], $0x80, s9, s28, $0xb8;
	[tilespmem:$0x1E800] =	vst v63  }
.Ltmp6:
0x146: {  	_ = 	snop;
	(pc) =	sbr.rel .LBB2_7-.Ltmp6, $4  }
0x147: {  	s25 =	sadd.s32 $0x260, s25  }
0x148: {  	[tilespmem:s2], [sflag:$0x1] =	stream.indirect.gather [hbm4b:s1+s28], $0x80, s25, s28, $0xb8;
	[tilespmem:$0x1E800] =	vst v63  }
0x149: {  	s24 =	sadd.s32 $0x400, s24  }
0x14a: {  	[spmem:s3] =	stream.indirect.scatter.add.f32 [tilespmem:s8], [sflag:$0x4], $0x80, s0, s7, $0xb8;
	[tilespmem:$0x1E800] =	vst v63  }
.LBB2_10:
0x14b: {  	_ =	sfence.sel $0x180000  }
0x14c: {  	[bflag:$0x0] =	sbarrier.arrive $0xFFFF  }
0x14d: {  	_ =	strace $0x9000004A  }
0x14e: {  	s0 =	stileid.u32;
	[bflag:$0x2] =	sbarrier.arrive $0xFFFF  }
0x14f: {  	p0 =	sne.s32 s0, $0x0;
	s0 =	rddreg [dreg:$0x4]  }
0x150: {  	s0 =	sadd.s32 @!p0 $0x100000, s0  }
0x151: {  	[sflag:s0] =	ssyncadd.tile.s32 @!p0 $0x1;
	_ =	shalt  }
.Lfunc_end2:
_tile_overlayer_lowered:
.L_overlay_start_2:
0x152: {  	(tag) =	ssettag $0x2  }
0x153: {  	s0 =	rddreg [dreg:$0x0];
	s2 =	stileid.u32  }
0x154: {  	s1 =	rddreg [dreg:$0x1];
	p0 =	sne.s32 s2, $0x0  }
0x155: {  	s3 =	rddreg [dreg:$0x2];
	[bflag:$0x3] =	sbarrier.arrive $0xFFFF;
	s2 =	simm.s32 @!p0 $0x1C05  }
0x156: {  	[timem:s3], [sflag:s2] =	dma.local @!p0 [hbm:s0], s1  }
0x157: {  	s0 =	simm.s32 @!p0 $0x5  }
0x158: {  	_ =	swait.ge @!p0 [sflag:s0], s1  }
0x159: {  	s1 =	ssub.s32 @!p0 $0x0, s1;
	[sflag:s0] =	ssyncset.done @!p0 $0x0  }
0x15a: {  	[sflag:s0] =	ssyncadd.s32 @!p0 s1  }
0x15b: {  	[bflag:$0x3] =	sbarrier.arrive $0xFFFF  }
0x15c: {  	_ =	shalt  }

// kernel: kernel.15.cloned.1.call-start
scs
__scs_entry_jumppad:
0x0: {  	(pc) =	sbr.rel $0x88, $3  }
0x1: {  	(tag) =	ssettag $0x0;
	lr =	simm.s32 $0x1  }
0x2: {  	[smem:$0x3F95] =	sst lr;
	_ =	strace $0xD0000000  }
0x3: {  	_ = 	snop  }
0x4: {  	_ = 	snop  }
0x5: {  	_ = 	snop  }
0x6: {  	_ = 	snop  }
0x7: {  	_ = 	snop  }
__scs_overlays_trampoline_lowered:
0x8: {  	[smem:$0x3FA4] =	sst s0  }
0x9: {  	[smem:$0x3FA5] =	sst s1  }
0xa: {  	[smem:$0x3FA6] =	sst s2  }
0xb: {  	[smem:$0x3FA7] =	sst s3  }
0xc: {  	[smem:$0x3FA8] =	sst s4  }
0xd: {  	[smem:$0x3FA9] =	sst s5  }
0xe: {  	[smem:$0x3FAA] =	sst s6  }
0xf: {  	[smem:$0x3FAB] =	sst s7  }
0x10: {  	[smem:$0x3FAC] =	sst s8  }
0x11: {  	[smem:$0x3FAD] =	sst s9;
	s0 =	simm.s32 @!p0 $0x0  }
0x12: {  	s1 =	sld [smem:$0x3F93];
	s0 =	simm.s32 @p0 $0x1  }
0x13: {  	[smem:$0x3FAE] =	sst s0;
	s0 =	simm.s32 @!p1 $0x0  }
0x14: {  	s2 =	sld [smem:$0x3F92];
	s0 =	simm.s32 @p1 $0x1  }
0x15: {  	[smem:$0x3FAF] =	sst s0;
	s0 =	simm.s32 @!p2 $0x0  }
0x16: {  	s3 =	sld [smem:$0x3FDB];
	s0 =	simm.s32 @p2 $0x1  }
0x17: {  	s4 =	simm.s32 $0x1BF5;
	[smem:$0x3FB1] =	sst s0  }
0x18: {  	s0 =	sld [smem:$0x3F94];
	_ =	swait.ge [sflag:s4], $0x0  }
0x19: {  	s7 =	sld [smem:$0x3F95]  }
0x1a: {  	s8 =	sadd.s32 $0xFFFFE003, lr  }
0x1b: {  	s9 =	sadd.s32 $0xFFFFFEF7, lr;
	s5 =	simm.s32 $0xFFFFFFFF;
	p2 =	slt.u32 s8, $0xFFFFF086  }
0x1c: {  	p1 =	slt.u32 s9, $0xF7A;
	s5 =	simm.s32 @!p2 $0x0  }
0x1d: {  	s5 =	simm.s32 @p1 $0x1;
	p0 =	seq.s32 s7, s2  }
0x1e: {  	s7 =	smul.u32 @!p0 $0xF7A, s2;
	p2 =	seq.s32 @!p0 s5, $0x0  }
0x1f: {  	s9 =	smul.u32 $0xF7A, s1;
	s8 =	simm.s32 @!p0 $0x1BF5;
	p2 =	por !p2, p0  }
0x20: {  	[sflag:s8] =	ssyncset.s32 @!p0 $0xFFFFF086;
	s6 =	sadd.s32 @!p0 s3, s7;
	s7 =	simm.s32 @!p0 $0x108  }
0x21: {  	s3 =	sadd.s32 s3, s9;
	s6 =	sadd.s32 @!p0 $0x88, s6;
	s7 =	simm.s32 @p2 $0x1082  }
0x22: {  	[simem:s7], [sflag:s8] =	dma.local @!p0 [hbm:s6], $0xF7A  }
0x23: {  	s9 =	sor.u32 $0xD0000000, s2;
	s6 =	simm.s32 $0x108;
	_ =	swait.ge @!p0 [sflag:s8], $0x0  }
0x24: {  	s3 =	sadd.s32 $0x88, s3;
	s6 =	simm.s32 @!p1 $0x1082;
	[sflag:s4] =	ssyncset.s32 $0xFFFFF086  }
0x25: {  	[simem:s6], [sflag:s4] =	dma.local [hbm:s3], $0xF7A  }
0x26: {  	[smem:$0x3F95] =	sst s1;
	(tag) =	ssettag s2;
	_ =	strace s9  }
0x27: {  	s1 =	sld [smem:$0x3FA5]  }
0x28: {  	s2 =	sld [smem:$0x3FA6]  }
0x29: {  	s4 =	sld [smem:$0x3FA8]  }
0x2a: {  	p0 =	seq.s32 s5, $0x0;
	s5 =	sld [smem:$0x3FA9]  }
0x2b: {  	s6 =	sld [smem:$0x3FAA]  }
0x2c: {  	s7 =	sld [smem:$0x3FAB]  }
0x2d: {  	s3 =	simm.s32 $0x108;
	s8 =	sld [smem:$0x3FAC]  }
0x2e: {  	s3 =	simm.s32 @!p0 $0x1082;
	s9 =	sld [smem:$0x3FAD]  }
0x2f: {  	lr =	sadd.s32 s0, s3;
	s0 =	sld [smem:$0x3FA4]  }
0x30: {  	s3 =	sld [smem:$0x3FA7]  }
0x31: {  	[smem:$0x3FB0] =	sst s10  }
0x32: {  	s10 =	sld [smem:$0x3FAE];
	_ =	sdelay $0x3  }
0x33: {  	p0 =	seq.s32 s10, $0x1;
	s10 =	sld [smem:$0x3FB0];
	_ =	sdelay $0x3  }
0x34: {  	[smem:$0x3FB0] =	sst s10  }
0x35: {  	s10 =	sld [smem:$0x3FAF];
	_ =	sdelay $0x3  }
0x36: {  	p1 =	seq.s32 s10, $0x1;
	s10 =	sld [smem:$0x3FB0];
	_ =	sdelay $0x3  }
0x37: {  	[smem:$0x3FB0] =	sst s10  }
0x38: {  	s10 =	sld [smem:$0x3FB1]  }
0x39: {  	_ = 	snop;
	(pc) =	sbr.ind lr, $3  }
0x3a: {  	_ = 	snop  }
0x3b: {  	_ = 	snop  }
0x3c: {  	p2 =	seq.s32 s10, $0x1;
	s10 =	sld [smem:$0x3FB0]  }
0x3d: {  	_ =	shalt  }
0x3e: {  	_ =	shalt  }
0x3f: {  	_ =	shalt  }
0x40: {  	_ =	shalt  }
0x41: {  	_ =	shalt  }
0x42: {  	_ =	shalt  }
0x43: {  	_ =	shalt  }
0x44: {  	_ =	shalt  }
0x45: {  	_ =	shalt  }
0x46: {  	_ =	shalt  }
0x47: {  	_ =	shalt  }
0x48: {  	_ =	shalt  }
0x49: {  	_ =	shalt  }
0x4a: {  	_ =	shalt  }
0x4b: {  	_ =	shalt  }
0x4c: {  	_ =	shalt  }
0x4d: {  	_ =	shalt  }
0x4e: {  	_ =	shalt  }
0x4f: {  	_ =	shalt  }
0x50: {  	_ =	shalt  }
0x51: {  	_ =	shalt  }
0x52: {  	_ =	shalt  }
0x53: {  	_ =	shalt  }
0x54: {  	_ =	shalt  }
0x55: {  	_ =	shalt  }
0x56: {  	_ =	shalt  }
0x57: {  	_ =	shalt  }
0x58: {  	_ =	shalt  }
0x59: {  	_ =	shalt  }
0x5a: {  	_ =	shalt  }
0x5b: {  	_ =	shalt  }
0x5c: {  	_ =	shalt  }
0x5d: {  	_ =	shalt  }
0x5e: {  	_ =	shalt  }
0x5f: {  	_ =	shalt  }
0x60: {  	_ =	shalt  }
0x61: {  	_ =	shalt  }
0x62: {  	_ =	shalt  }
0x63: {  	_ =	shalt  }
0x64: {  	_ =	shalt  }
0x65: {  	_ =	shalt  }
0x66: {  	_ =	shalt  }
0x67: {  	_ =	shalt  }
0x68: {  	_ =	shalt  }
0x69: {  	_ =	shalt  }
0x6a: {  	_ =	shalt  }
0x6b: {  	_ =	shalt  }
0x6c: {  	_ =	shalt  }
0x6d: {  	_ =	shalt  }
0x6e: {  	_ =	shalt  }
0x6f: {  	_ =	shalt  }
0x70: {  	_ =	shalt  }
0x71: {  	_ =	shalt  }
0x72: {  	_ =	shalt  }
0x73: {  	_ =	shalt  }
0x74: {  	_ =	shalt  }
0x75: {  	_ =	shalt  }
0x76: {  	_ =	shalt  }
0x77: {  	_ =	shalt  }
0x78: {  	_ =	shalt  }
0x79: {  	_ =	shalt  }
0x7a: {  	_ =	shalt  }
0x7b: {  	_ =	shalt  }
0x7c: {  	_ =	shalt  }
0x7d: {  	_ =	shalt  }
0x7e: {  	_ =	shalt  }
0x7f: {  	_ =	shalt  }
0x80: {  	_ =	shalt  }
0x81: {  	_ =	shalt  }
0x82: {  	_ =	shalt  }
0x83: {  	_ =	shalt  }
0x84: {  	_ =	shalt  }
0x85: {  	_ =	shalt  }
0x86: {  	_ =	shalt  }
0x87: {  	_ =	shalt  }
.Lfunc_end0:
.L_simem_size_0:
called_computation.2_lowered:
.L_overlay_start_0:
0x88: {  	s2 =	sld [smem:$0x3FD9]  }
0x89: {  	s3 =	sld [smem:$0x3FFE];
	_ =	sdelay $0x1  }
0x8a: {  	s1 =	srdreg.scid  }
0x8b: {  	s0 =	sand.u32 $0x1, s1  }
0x8c: {  	s14 =	sshll.u32 s0, $0xA;
	s2 =	sadd.s32 s3, s2  }
0x8d: {  	s2 =	sadd.s32 s2, s14  }
0x8e: {  	[smem:$0x3FBC] =	sst s2  }
0x8f: {  	_ = 	snop  }
0x90: {  	s2 =	sld [smem:$0x3FD0];
	_ =	sdelay $0x2  }
0x91: {  	s15 =	simm.s32 $0xA;
	s4 =	simm.s32 $0x10  }
0x92: {  	[smem:s4], [sflag:s15] =	dma.local [hbm:s2], $0x1  }
0x93: {  	_ =	swait.eq [sflag:s15], $0x1  }
0x94: {  	[sflag:s15] =	ssyncset.done $0x0  }
0x95: {  	[sflag:s15] =	ssyncadd.s32 $0xFFFFFFFF  }
0x96: {  	s16 =	sld [smem:$0x11];
	(tm) =	ssettm $0x1  }
0x97: {  	s17 =	sld [smem:$0x3FFB];
	_ =	sdelay $0x3  }
0x98: {  	_ =	strace s17  }
0x99: {  	s3 =	sld [smem:$0x3FFC];
	_ =	sdelay $0x3  }
0x9a: {  	_ =	strace s3  }
0x9b: {  	s3 =	sld [smem:$0x3FFD];
	_ =	sdelay $0x3  }
0x9c: {  	_ =	strace s3  }
0x9d: {  	_ =	strace $0x8FFFFFFF  }
0x9e: {  	s18 =	sld [smem:$0x3FDB];
	_ =	sdelay $0x1  }
0x9f: {  	s19 =	simm.s32 $_scs_section_size  }
0xa0: {  	s5 =	simm.s32 $_size__tile_overlayer_lowered;
	s6 =	simm.s32 $_tile_overlayer_lowered  }
0xa1: {  	s22 =	simm.s32 $0x1BFF;
	s21 =	sshll.u32 s6, $0x1;
	s3 =	sadd.s32 s19, s18  }
0xa2: {  	s7 =	simm.s32 $0x0;
	s20 =	sshll.u32 s5, $0x1;
	s5 =	sadd.s32 s21, s3  }
0xa3: {  	[timem:s7], [sflag:s22] =	dma.local [hbm:s5], s20  }
0xa4: {  	_ =	swait.ge [sflag:s22], s20  }
0xa5: {  	s4 =	ssub.s32 $0x0, s20;
	[sflag:s22] =	ssyncset.done $0x0  }
0xa6: {  	[sflag:s22] =	ssyncadd.s32 s4;
	_ =	sdelay $0x1  }
0xa7: {  	s23 =	simm.s32 $0x1B8B  }
0xa8: {  	_ =	swait.ge [sflag:s23], $0x1  }
0xa9: {  	[sflag:s23] =	ssyncset.done $0x0  }
0xaa: {  	s25 =	simm.s32 $0x1B8E;
	s24 =	sld [smem:$0x3FFE];
	[sflag:s23] =	ssyncadd.s32 $0xFFFFFFFF  }
0xab: {  	s26 =	simm.s32 $execute0_lowered;
	[smem:$0x3FD2] =	sst s25  }
0xac: {  	s5 =	sshll.u32 s26, $0x1;
	_ =	strace $0x8000004C;
	[dreg:$0x1] =	wrdreg $0xFFFFFFFF  }
0xad: {  	s28 =	simm.s32 $_size_execute0_lowered;
	s3 =	sadd.s32 s3, s5;
	[dreg:$0x0] =	wrdreg $0x0  }
0xae: {  	s5 =	sshll.u32 s28, $0x1;
	[dreg:$0x2] =	wrdreg s3  }
0xaf: {  	[dreg:$0x3] =	wrdreg s5  }
0xb0: {  	[dreg:$0x4] =	wrdreg $0xC0  }
0xb1: {  	_ =	task [dreg:s7], $0x5FFFF  }
0xb2: {  	[dreg:$0x1] =	wrdreg $0xFFFFFFFF  }
0xb3: {  	[dreg:$0x0] =	wrdreg $0x60  }
0xb4: {  	[dreg:$0x2] =	wrdreg s16  }
0xb5: {  	[dreg:$0x3] =	wrdreg s24  }
0xb6: {  	[dreg:$0x4] =	wrdreg $0x9  }
0xb7: {  	_ =	task.clear_ibuf [dreg:s7], $0x5FFFF;
	_ =	strace $0x9000004C  }
0xb8: {  	s29 =	simm.s32 $0x9;
	_ =	strace $0x8000004E  }
0xb9: {  	_ =	swait.ge [sflag:s29], $0x1  }
0xba: {  	[sflag:s29] =	ssyncadd.s32 $0xFFFFFFFF  }
0xbb: {  	_ =	strace $0x9000004E  }
0xbc: {  	_ =	sfence  }
0xbd: {  	s30 =	sld [smem:$0x0];
	_ =	sdelay $0x2  }
0xbe: {  	s31 =	sshll.u32 s1, $0xD;
	s1 =	sshrl.u32 s1, $0x2  }
0xbf: {  	s3 =	sand.u32 $0x4000, s31;
	s1 =	sadd.s32 s1, s30  }
0xc0: {  	s0 =	sor.u32 s3, s0;
	s1 =	sshll.u32 s1, $0x11  }
0xc1: {  	s0 =	sor.u32 s1, s0  }
0xc2: {  	s0 =	sadd.s32 $0x8F2B, s0  }
0xc3: {  	[sflag:s0] =	ssyncadd.remote.s32 $0x1  }
0xc4: {  	_ =	sfence.sel $0xFFFF  }
0xc5: {  	[dreg:$0x0] =	wrdreg $0xFFFFFFFF;
	(pc) =	sbr.abs _section_cstart, $3  }
0xc6: {  	[dreg:$0x1] =	wrdreg $0xFFFFFFFF  }
0xc7: {  	_ =	task.clear_ibuf [dreg:s7], $0x2FFFF;
	_ =	strace $0x9FFFFFFF  }
0xc8: {  	(tm) =	ssettm $0x7FFFFFFF  }
0xc9: {  	_ =	shalt  }
tec
execute0_lowered:
.L_overlay_start_1:
0x0: {  	(tag) =	ssettag $0x1  }
0x1: {  	s0 =	rddreg [dreg:$0x1]  }
0x2: {  	s1 =	srdreg.scid;
	s3 =	simm.s32 $0x0;
	s4 =	stileid.u32  }
0x3: {  	s21 =	simm.s32 $0x2780;
	s22 =	simm.s32 $0x4F00;
	s28 =	simm.s32 $0x9700  }
0x4: {  	s29 =	simm.s32 $0xAF00;
	s30 =	simm.s32 $0xC700;
	s31 =	simm.s32 $0x3  }
0x5: {  	s1 =	sand.u32 $0x1, s1;
	[smem:$0x7FF] =	sst s3;
	s23 =	sadd.s32 $0x2200, s0  }
0x6: {  	s16 =	sadd.s32 $0x7A400, s0;
	s17 =	sadd.s32 $0x5C400, s0;
	s2 =	sshll.u32 s1, $0x4  }
0x7: {  	s0 =	sadd.s32 $0x2800, s0;
	s1 =	ssub.s32 $0x2, s1;
	s2 =	sor.u32 s4, s2  }
0x8: {  	_ =	strace $0x8000004D;
	s5 =	sshrl.u32 s1, $0x1;
	s24 =	smul.u32 $0x7800, s2  }
0x9: {  	[dreg:$0x3] =	wrdreg s23;
	s2 =	smul.u32 $0xF00, s2;
	s1 =	ssub.s32 s1, s5  }
0xa: {  	s23 =	simm.s32 $0x6700;
	s20 =	smax.u32 s1, $0x1;
	s4 =	sshrl.u32 s24, $0x3  }
0xb: {  	s25 =	sadd.s32 s16, s2;
	s6 =	sadd.s32 s17, s2;
	s9 =	sadd.s32 s0, s2  }
0xc: {  	s24 =	simm.s32 $0x1;
	s12 =	sadd.s32 $0x300, s4;
	[dreg:$0x4] =	wrdreg s25  }
0xd: {  	s26 =	sadd.s32 $0x600, s4;
	s18 =	sadd.s32 $0x900, s4;
	s4 =	sadd.s32 $0xC00, s4  }
0xe: {  	s25 =	simm.s32 $0x2;
	s7 =	sadd.s32 s16, s12;
	s8 =	sadd.s32 s17, s12  }
0xf: {  	s10 =	sadd.s32 s16, s26;
	s11 =	sadd.s32 s17, s26;
	s12 =	sadd.s32 s0, s12  }
0x10: {  	s13 =	sadd.s32 s16, s18;
	s14 =	sadd.s32 s17, s18;
	s15 =	sadd.s32 s0, s26  }
0x11: {  	s16 =	sadd.s32 s16, s4;
	s17 =	sadd.s32 s17, s4;
	s18 =	sadd.s32 s0, s18  }
0x12: {  	s19 =	sadd.s32 s0, s4;
	s26 =	simm.s32 $0x7F00;
	s0 =	simm.s32 $0x0  }
.LBB2_1:
0x13: {  	s1 =	rddreg [dreg:$0x0]  }
0x14: {  	[tilespmem:s3], [sflag:$0x1] =	stream.linear.gather [hbm4b:s1+s3], $0x2780, $0x38;
	[tilespmem:$0xDF00] =	vst v63  }
0x15: {  	s4 =	rddreg [dreg:$0x3]  }
0x16: {  	[tilespmem:s21], [sflag:$0x1] =	stream.linear.gather [hbm4b:s4+s3], $0x2780, $0x38;
	[tilespmem:$0xDF00] =	vst v63  }
0x17: {  	s5 =	rddreg [dreg:$0x4]  }
0x18: {  	[tilespmem:s22], [sflag:$0x2] =	stream.linear.gather [hbm4b:s5+s3], $0x1800, $0x38;
	[tilespmem:$0xDF00] =	vst v63  }
0x19: {  	_ = 	snop  }
0x1a: {  	[tilespmem:s23], [sflag:$0x2] =	stream.linear.gather [hbm4b:s6+s3], $0x1800, $0x38;
	[tilespmem:$0xDF00] =	vst v63  }
0x1b: {  	_ =	swait.ge [sflag:s24], $0x2780  }
0x1c: {  	[sflag:s24] =	ssyncset.done $0x0  }
0x1d: {  	[sflag:s24] =	ssyncadd.s32 $0xFFFFD880  }
0x1e: {  	_ =	swait.ge [sflag:s24], $0x2780  }
0x1f: {  	[sflag:s24] =	ssyncset.done $0x0  }
0x20: {  	[sflag:s24] =	ssyncadd.s32 $0xFFFFD880  }
0x21: {  	_ =	swait.ge [sflag:s25], $0x1800  }
0x22: {  	[sflag:s25] =	ssyncset.done $0x0  }
0x23: {  	[sflag:s25] =	ssyncadd.s32 $0xFFFFE800  }
0x24: {  	_ =	swait.ge [sflag:s25], $0x1800  }
0x25: {  	[sflag:s25] =	ssyncset.done $0x0  }
0x26: {  	[sflag:s25] =	ssyncadd.s32 $0xFFFFE800  }
0x27: {  	[tilespmem:s26], [sflag:$0x2] =	stream.linear.gather [hbm4b:s7+s3], $0x1800, $0x38;
	[tilespmem:$0xDF00] =	vst v63  }
0x28: {  	s2 =	simm.s32 $0x0  }
0x29: {  	[tilespmem:s28], [sflag:$0x2] =	stream.linear.gather [hbm4b:s8+s3], $0x1800, $0x38;
	[tilespmem:$0xDF00] =	vst v63  }
0x2a: {  	v0 =	vld [tilespmem:s2+$0x4F00]  }
0x2b: {  	v1 =	vld [tilespmem:s2+$0x6700];
	_ =	sdelay $0x5  }
0x2c: {  	v2 =	vld [tilespmem:s2+$0x4F10]  }
0x2d: {  	v0 =	vld.idx.msk [tilespmem:v0+s3+$0x0], $0xffff  }
0x2e: {  	v1 =	vld.idx.msk [tilespmem:v1+s21+$0x0], $0xffff  }
0x2f: {  	v3 =	vld [tilespmem:s2+$0x6710];
	_ =	sdelay $0x3  }
0x30: {  	v0 =	vadd.f32 v1, v0;
	_ =	sdelay $0x1  }
0x31: {  	[tilespmem:s2+$0xAF00] =	vst v0  }
0x32: {  	v0 =	vld.idx.msk [tilespmem:v2+s3+$0x0], $0xffff  }
0x33: {  	v1 =	vld.idx.msk [tilespmem:v3+s21+$0x0], $0xffff  }
0x34: {  	v2 =	vld [tilespmem:s2+$0x4F20]  }
0x35: {  	v3 =	vld [tilespmem:s2+$0x6720];
	_ =	sdelay $0x3  }
0x36: {  	v0 =	vadd.f32 v1, v0;
	_ =	sdelay $0x1  }
0x37: {  	[tilespmem:s2+$0xAF10] =	vst v0  }
0x38: {  	v0 =	vld.idx.msk [tilespmem:v2+s3+$0x0], $0xffff  }
0x39: {  	v1 =	vld.idx.msk [tilespmem:v3+s21+$0x0], $0xffff  }
0x3a: {  	v2 =	vld [tilespmem:s2+$0x4F30]  }
0x3b: {  	v3 =	vld [tilespmem:s2+$0x6730];
	_ =	sdelay $0x3  }
0x3c: {  	v0 =	vadd.f32 v1, v0;
	_ =	sdelay $0x1  }
0x3d: {  	[tilespmem:s2+$0xAF20] =	vst v0  }
0x3e: {  	v0 =	vld.idx.msk [tilespmem:v2+s3+$0x0], $0xffff  }
0x3f: {  	v1 =	vld.idx.msk [tilespmem:v3+s21+$0x0], $0xffff  }
0x40: {  	v2 =	vld [tilespmem:s2+$0x4F40]  }
0x41: {  	v3 =	vld [tilespmem:s2+$0x6740];
	_ =	sdelay $0x3  }
0x42: {  	v0 =	vadd.f32 v1, v0;
	_ =	sdelay $0x1  }
0x43: {  	[tilespmem:s2+$0xAF30] =	vst v0  }
0x44: {  	v0 =	vld.idx.msk [tilespmem:v2+s3+$0x0], $0xffff  }
0x45: {  	v1 =	vld.idx.msk [tilespmem:v3+s21+$0x0], $0xffff  }
0x46: {  	v2 =	vld [tilespmem:s2+$0x4F50]  }
0x47: {  	v3 =	vld [tilespmem:s2+$0x6750];
	_ =	sdelay $0x3  }
0x48: {  	v0 =	vadd.f32 v1, v0;
	_ =	sdelay $0x1  }
0x49: {  	[tilespmem:s2+$0xAF40] =	vst v0  }
0x4a: {  	v0 =	vld.idx.msk [tilespmem:v2+s3+$0x0], $0xffff  }
0x4b: {  	v1 =	vld.idx.msk [tilespmem:v3+s21+$0x0], $0xffff  }
0x4c: {  	v2 =	vld [tilespmem:s2+$0x4F60]  }
0x4d: {  	v3 =	vld [tilespmem:s2+$0x6760];
	_ =	sdelay $0x3  }
0x4e: {  	v0 =	vadd.f32 v1, v0;
	_ =	sdelay $0x1  }
0x4f: {  	[tilespmem:s2+$0xAF50] =	vst v0  }
0x50: {  	v0 =	vld.idx.msk [tilespmem:v2+s3+$0x0], $0xffff  }
0x51: {  	v1 =	vld.idx.msk [tilespmem:v3+s21+$0x0], $0xffff;
	_ =	sdelay $0x2  }
0x52: {  	v2 =	vld [tilespmem:s2+$0x4F70];
	_ =	sdelay $0x1  }
0x53: {  	v1 =	vadd.f32 v1, v0;
	v0 =	vld [tilespmem:s2+$0x6770];
	_ =	sdelay $0x4  }
0x54: {  	[tilespmem:s2+$0xAF60] =	vst v1  }
0x55: {  	s1 =	simm.s32 $0x200;
	s4 =	simm.s32 $0x400;
	v1 =	vld.idx.msk [tilespmem:v2+s3+$0x0], $0xffff  }
.LBB2_2:
0x56: {  	p0 =	sne.s32 s4, $0x5E00  }
0x57: {  	s5 =	sshra.s32 s1, $0x2;
	v0 =	vld.idx.msk [tilespmem:v0+s21+$0x0], $0xffff;
	s1 =	smov.u32 s4;
	s4 =	sadd.s32 $0x200, s4  }
0x58: {  	v2 =	vld [tilespmem:s5+$0x4F00]  }
0x59: {  	v3 =	vld [tilespmem:s5+$0x6700];
	_ =	sdelay $0x3  }
0x5a: {  	v0 =	vadd.f32 v0, v1;
	_ =	sdelay $0x1  }
0x5b: {  	v1 =	vld [tilespmem:s5+$0x6710];
	[tilespmem:s2+$0xAF70] =	vst v0;
	s2 =	smov.u32 s5  }
0x5c: {  	v0 =	vld.idx.msk [tilespmem:v2+s3+$0x0], $0xffff  }
0x5d: {  	v2 =	vld.idx.msk [tilespmem:v3+s21+$0x0], $0xffff  }
0x5e: {  	v3 =	vld [tilespmem:s2+$0x4F10];
	_ =	sdelay $0x4  }
0x5f: {  	v0 =	vadd.f32 v2, v0;
	_ =	sdelay $0x1  }
0x60: {  	[tilespmem:s2+$0xAF00] =	vst v0;
	v0 =	vld [tilespmem:s2+$0x6720]  }
0x61: {  	v2 =	vld.idx.msk [tilespmem:v3+s3+$0x0], $0xffff  }
0x62: {  	v1 =	vld.idx.msk [tilespmem:v1+s21+$0x0], $0xffff  }
0x63: {  	v3 =	vld [tilespmem:s2+$0x4F20];
	_ =	sdelay $0x4  }
0x64: {  	v1 =	vadd.f32 v1, v2;
	_ =	sdelay $0x1  }
0x65: {  	[tilespmem:s2+$0xAF10] =	vst v1;
	v1 =	vld [tilespmem:s2+$0x6730]  }
0x66: {  	v2 =	vld.idx.msk [tilespmem:v3+s3+$0x0], $0xffff  }
0x67: {  	v0 =	vld.idx.msk [tilespmem:v0+s21+$0x0], $0xffff  }
0x68: {  	v3 =	vld [tilespmem:s2+$0x4F30];
	_ =	sdelay $0x4  }
0x69: {  	v0 =	vadd.f32 v0, v2;
	_ =	sdelay $0x1  }
0x6a: {  	[tilespmem:s2+$0xAF20] =	vst v0;
	v0 =	vld [tilespmem:s2+$0x6740]  }
0x6b: {  	v2 =	vld.idx.msk [tilespmem:v3+s3+$0x0], $0xffff  }
0x6c: {  	v1 =	vld.idx.msk [tilespmem:v1+s21+$0x0], $0xffff  }
0x6d: {  	v3 =	vld [tilespmem:s2+$0x4F40];
	_ =	sdelay $0x4  }
0x6e: {  	v1 =	vadd.f32 v1, v2;
	_ =	sdelay $0x1  }
0x6f: {  	[tilespmem:s2+$0xAF30] =	vst v1;
	v1 =	vld [tilespmem:s2+$0x6750]  }
0x70: {  	v2 =	vld.idx.msk [tilespmem:v3+s3+$0x0], $0xffff  }
0x71: {  	v0 =	vld.idx.msk [tilespmem:v0+s21+$0x0], $0xffff  }
0x72: {  	v3 =	vld [tilespmem:s2+$0x4F50];
	_ =	sdelay $0x4  }
0x73: {  	v0 =	vadd.f32 v0, v2;
	_ =	sdelay $0x1  }
0x74: {  	[tilespmem:s2+$0xAF40] =	vst v0;
	v2 =	vld [tilespmem:s2+$0x6760]  }
0x75: {  	v0 =	vld.idx.msk [tilespmem:v3+s3+$0x0], $0xffff  }
0x76: {  	v1 =	vld.idx.msk [tilespmem:v1+s21+$0x0], $0xffff  }
0x77: {  	v3 =	vld [tilespmem:s2+$0x4F60];
	_ =	sdelay $0x4  }
0x78: {  	v0 =	vadd.f32 v1, v0;
	_ =	sdelay $0x1  }
0x79: {  	[tilespmem:s2+$0xAF50] =	vst v0;
	v0 =	vld [tilespmem:s2+$0x6770]  }
0x7a: {  	v1 =	vld.idx.msk [tilespmem:v3+s3+$0x0], $0xffff  }
0x7b: {  	v2 =	vld.idx.msk [tilespmem:v2+s21+$0x0], $0xffff  }
0x7c: {  	v3 =	vld [tilespmem:s2+$0x4F70];
	_ =	sdelay $0x3  }
.Ltmp0:
0x7d: {  	(pc) =	sbr.rel @p0 .LBB2_2-.Ltmp0, $3  }
0x7e: {  	v1 =	vadd.f32 v2, v1;
	_ =	sdelay $0x1  }
0x7f: {  	[tilespmem:s2+$0xAF60] =	vst v1  }
0x80: {  	v1 =	vld.idx.msk [tilespmem:v3+s3+$0x0], $0xffff  }
0x81: {  	_ =	sdelay $0x3  }
0x82: {  	s1 =	sshra.s32 s1, $0x2;
	v0 =	vld.idx.msk [tilespmem:v0+s21+$0x0], $0xffff  }
0x83: {  	v2 =	vld [tilespmem:s1+$0x4F00]  }
0x84: {  	v3 =	vld [tilespmem:s1+$0x6700];
	_ =	sdelay $0x3  }
0x85: {  	v0 =	vadd.f32 v0, v1;
	_ =	sdelay $0x1  }
0x86: {  	v1 =	vld [tilespmem:s1+$0x6710];
	[tilespmem:s2+$0xAF70] =	vst v0  }
0x87: {  	v0 =	vld.idx.msk [tilespmem:v2+s3+$0x0], $0xffff  }
0x88: {  	v2 =	vld.idx.msk [tilespmem:v3+s21+$0x0], $0xffff  }
0x89: {  	v3 =	vld [tilespmem:s1+$0x4F10];
	_ =	sdelay $0x4  }
0x8a: {  	v0 =	vadd.f32 v2, v0;
	_ =	sdelay $0x1  }
0x8b: {  	v2 =	vld [tilespmem:s1+$0x4F20];
	[tilespmem:s1+$0xAF00] =	vst v0  }
0x8c: {  	v0 =	vld.idx.msk [tilespmem:v3+s3+$0x0], $0xffff  }
0x8d: {  	v1 =	vld.idx.msk [tilespmem:v1+s21+$0x0], $0xffff  }
0x8e: {  	v3 =	vld [tilespmem:s1+$0x6720];
	_ =	sdelay $0x3  }
0x8f: {  	v0 =	vadd.f32 v1, v0;
	_ =	sdelay $0x1  }
0x90: {  	[tilespmem:s1+$0xAF10] =	vst v0  }
0x91: {  	v0 =	vld.idx.msk [tilespmem:v2+s3+$0x0], $0xffff  }
0x92: {  	v1 =	vld.idx.msk [tilespmem:v3+s21+$0x0], $0xffff  }
0x93: {  	v2 =	vld [tilespmem:s1+$0x4F30]  }
0x94: {  	v3 =	vld [tilespmem:s1+$0x6730];
	_ =	sdelay $0x3  }
0x95: {  	v0 =	vadd.f32 v1, v0;
	_ =	sdelay $0x1  }
0x96: {  	[tilespmem:s1+$0xAF20] =	vst v0  }
0x97: {  	v0 =	vld.idx.msk [tilespmem:v2+s3+$0x0], $0xffff  }
0x98: {  	v1 =	vld.idx.msk [tilespmem:v3+s21+$0x0], $0xffff  }
0x99: {  	v2 =	vld [tilespmem:s1+$0x4F40]  }
0x9a: {  	v3 =	vld [tilespmem:s1+$0x6740];
	_ =	sdelay $0x3  }
0x9b: {  	v0 =	vadd.f32 v1, v0;
	_ =	sdelay $0x1  }
0x9c: {  	[tilespmem:s1+$0xAF30] =	vst v0  }
0x9d: {  	v0 =	vld.idx.msk [tilespmem:v2+s3+$0x0], $0xffff  }
0x9e: {  	v1 =	vld.idx.msk [tilespmem:v3+s21+$0x0], $0xffff  }
0x9f: {  	v2 =	vld [tilespmem:s1+$0x4F50]  }
0xa0: {  	v3 =	vld [tilespmem:s1+$0x6750];
	_ =	sdelay $0x3  }
0xa1: {  	v0 =	vadd.f32 v1, v0;
	_ =	sdelay $0x1  }
0xa2: {  	[tilespmem:s1+$0xAF40] =	vst v0  }
0xa3: {  	v0 =	vld.idx.msk [tilespmem:v2+s3+$0x0], $0xffff  }
0xa4: {  	v1 =	vld.idx.msk [tilespmem:v3+s21+$0x0], $0xffff  }
0xa5: {  	v2 =	vld [tilespmem:s1+$0x4F60]  }
0xa6: {  	v3 =	vld [tilespmem:s1+$0x6760];
	_ =	sdelay $0x3  }
0xa7: {  	v0 =	vadd.f32 v1, v0;
	_ =	sdelay $0x1  }
0xa8: {  	[tilespmem:s1+$0xAF50] =	vst v0  }
0xa9: {  	v0 =	vld.idx.msk [tilespmem:v2+s3+$0x0], $0xffff  }
0xaa: {  	v1 =	vld.idx.msk [tilespmem:v3+s21+$0x0], $0xffff  }
0xab: {  	v2 =	vld [tilespmem:s1+$0x4F70]  }
0xac: {  	v3 =	vld [tilespmem:s1+$0x6770];
	_ =	sdelay $0x3  }
0xad: {  	v0 =	vadd.f32 v1, v0;
	_ =	sdelay $0x1  }
0xae: {  	[tilespmem:s1+$0xAF60] =	vst v0  }
0xaf: {  	v0 =	vld.idx.msk [tilespmem:v2+s3+$0x0], $0xffff  }
0xb0: {  	v1 =	vld.idx.msk [tilespmem:v3+s21+$0x0], $0xffff;
	_ =	sdelay $0x4  }
0xb1: {  	v0 =	vadd.f32 v1, v0;
	_ =	sdelay $0x1  }
0xb2: {  	s5 =	simm.s32 $0x0;
	[tilespmem:s1+$0xAF70] =	vst v0  }
0xb3: {  	[hbm4b:s9+s5] =	stream.linear.scatter [tilespmem:s29], [sflag:$0x3], $0x1800, $0x38;
	[tilespmem:$0xDF00] =	vst v63  }
0xb4: {  	_ =	swait.ge [sflag:s25], $0x1800  }
0xb5: {  	[sflag:s25] =	ssyncset.done $0x0  }
0xb6: {  	[sflag:s25] =	ssyncadd.s32 $0xFFFFE800  }
0xb7: {  	_ =	swait.ge [sflag:s25], $0x1800  }
0xb8: {  	[sflag:s25] =	ssyncset.done $0x0  }
0xb9: {  	[sflag:s25] =	ssyncadd.s32 $0xFFFFE800  }
0xba: {  	[tilespmem:s22], [sflag:$0x2] =	stream.linear.gather [hbm4b:s10+s5], $0x1800, $0x38;
	[tilespmem:$0xDF00] =	vst v63  }
0xbb: {  	s2 =	simm.s32 $0x0  }
0xbc: {  	[tilespmem:s23], [sflag:$0x2] =	stream.linear.gather [hbm4b:s11+s5], $0x1800, $0x38;
	[tilespmem:$0xDF00] =	vst v63  }
0xbd: {  	v0 =	vld [tilespmem:s2+$0x7F00]  }
0xbe: {  	v1 =	vld [tilespmem:s2+$0x9700];
	_ =	sdelay $0x5  }
0xbf: {  	v2 =	vld [tilespmem:s2+$0x7F10]  }
0xc0: {  	v0 =	vld.idx.msk [tilespmem:v0+s3+$0x0], $0xffff  }
0xc1: {  	v1 =	vld.idx.msk [tilespmem:v1+s21+$0x0], $0xffff  }
0xc2: {  	v3 =	vld [tilespmem:s2+$0x9710];
	_ =	sdelay $0x3  }
0xc3: {  	v0 =	vadd.f32 v1, v0;
	_ =	sdelay $0x1  }
0xc4: {  	[tilespmem:s2+$0xC700] =	vst v0  }
0xc5: {  	v0 =	vld.idx.msk [tilespmem:v2+s3+$0x0], $0xffff  }
0xc6: {  	v1 =	vld.idx.msk [tilespmem:v3+s21+$0x0], $0xffff  }
0xc7: {  	v2 =	vld [tilespmem:s2+$0x7F20]  }
0xc8: {  	v3 =	vld [tilespmem:s2+$0x9720];
	_ =	sdelay $0x3  }
0xc9: {  	v0 =	vadd.f32 v1, v0;
	_ =	sdelay $0x1  }
0xca: {  	[tilespmem:s2+$0xC710] =	vst v0  }
0xcb: {  	v0 =	vld.idx.msk [tilespmem:v2+s3+$0x0], $0xffff  }
0xcc: {  	v1 =	vld.idx.msk [tilespmem:v3+s21+$0x0], $0xffff  }
0xcd: {  	v2 =	vld [tilespmem:s2+$0x7F30]  }
0xce: {  	v3 =	vld [tilespmem:s2+$0x9730];
	_ =	sdelay $0x3  }
0xcf: {  	v0 =	vadd.f32 v1, v0;
	_ =	sdelay $0x1  }
0xd0: {  	[tilespmem:s2+$0xC720] =	vst v0  }
0xd1: {  	v0 =	vld.idx.msk [tilespmem:v2+s3+$0x0], $0xffff  }
0xd2: {  	v1 =	vld.idx.msk [tilespmem:v3+s21+$0x0], $0xffff  }
0xd3: {  	v2 =	vld [tilespmem:s2+$0x7F40]  }
0xd4: {  	v3 =	vld [tilespmem:s2+$0x9740];
	_ =	sdelay $0x3  }
0xd5: {  	v0 =	vadd.f32 v1, v0;
	_ =	sdelay $0x1  }
0xd6: {  	[tilespmem:s2+$0xC730] =	vst v0  }
0xd7: {  	v0 =	vld.idx.msk [tilespmem:v2+s3+$0x0], $0xffff  }
0xd8: {  	v1 =	vld.idx.msk [tilespmem:v3+s21+$0x0], $0xffff  }
0xd9: {  	v2 =	vld [tilespmem:s2+$0x7F50]  }
0xda: {  	v3 =	vld [tilespmem:s2+$0x9750];
	_ =	sdelay $0x3  }
0xdb: {  	v0 =	vadd.f32 v1, v0;
	_ =	sdelay $0x1  }
0xdc: {  	[tilespmem:s2+$0xC740] =	vst v0  }
0xdd: {  	v0 =	vld.idx.msk [tilespmem:v2+s3+$0x0], $0xffff  }
0xde: {  	v1 =	vld.idx.msk [tilespmem:v3+s21+$0x0], $0xffff  }
0xdf: {  	v2 =	vld [tilespmem:s2+$0x7F60]  }
0xe0: {  	v3 =	vld [tilespmem:s2+$0x9760];
	_ =	sdelay $0x3  }
0xe1: {  	v0 =	vadd.f32 v1, v0;
	_ =	sdelay $0x1  }
0xe2: {  	[tilespmem:s2+$0xC750] =	vst v0  }
0xe3: {  	v0 =	vld.idx.msk [tilespmem:v2+s3+$0x0], $0xffff  }
0xe4: {  	v1 =	vld.idx.msk [tilespmem:v3+s21+$0x0], $0xffff;
	_ =	sdelay $0x2  }
0xe5: {  	v2 =	vld [tilespmem:s2+$0x7F70];
	_ =	sdelay $0x1  }
0xe6: {  	v1 =	vadd.f32 v1, v0;
	v0 =	vld [tilespmem:s2+$0x9770];
	_ =	sdelay $0x4  }
0xe7: {  	[tilespmem:s2+$0xC760] =	vst v1  }
0xe8: {  	s4 =	simm.s32 $0x400;
	s1 =	simm.s32 $0x200;
	v1 =	vld.idx.msk [tilespmem:v2+s3+$0x0], $0xffff  }
.LBB2_4:
0xe9: {  	p0 =	sne.s32 s4, $0x5E00  }
0xea: {  	s5 =	sshra.s32 s1, $0x2;
	v0 =	vld.idx.msk [tilespmem:v0+s21+$0x0], $0xffff;
	s1 =	smov.u32 s4;
	s4 =	sadd.s32 $0x200, s4  }
0xeb: {  	v2 =	vld [tilespmem:s5+$0x7F00]  }
0xec: {  	v3 =	vld [tilespmem:s5+$0x9700];
	_ =	sdelay $0x3  }
0xed: {  	v0 =	vadd.f32 v0, v1;
	_ =	sdelay $0x1  }
0xee: {  	v1 =	vld [tilespmem:s5+$0x9710];
	[tilespmem:s2+$0xC770] =	vst v0;
	s2 =	smov.u32 s5  }
0xef: {  	v0 =	vld.idx.msk [tilespmem:v2+s3+$0x0], $0xffff  }
0xf0: {  	v2 =	vld.idx.msk [tilespmem:v3+s21+$0x0], $0xffff  }
0xf1: {  	v3 =	vld [tilespmem:s2+$0x7F10];
	_ =	sdelay $0x4  }
0xf2: {  	v0 =	vadd.f32 v2, v0;
	_ =	sdelay $0x1  }
0xf3: {  	[tilespmem:s2+$0xC700] =	vst v0;
	v0 =	vld [tilespmem:s2+$0x9720]  }
0xf4: {  	v2 =	vld.idx.msk [tilespmem:v3+s3+$0x0], $0xffff  }
0xf5: {  	v1 =	vld.idx.msk [tilespmem:v1+s21+$0x0], $0xffff  }
0xf6: {  	v3 =	vld [tilespmem:s2+$0x7F20];
	_ =	sdelay $0x4  }
0xf7: {  	v1 =	vadd.f32 v1, v2;
	_ =	sdelay $0x1  }
0xf8: {  	[tilespmem:s2+$0xC710] =	vst v1;
	v1 =	vld [tilespmem:s2+$0x9730]  }
0xf9: {  	v2 =	vld.idx.msk [tilespmem:v3+s3+$0x0], $0xffff  }
0xfa: {  	v0 =	vld.idx.msk [tilespmem:v0+s21+$0x0], $0xffff  }
0xfb: {  	v3 =	vld [tilespmem:s2+$0x7F30];
	_ =	sdelay $0x4  }
0xfc: {  	v0 =	vadd.f32 v0, v2;
	_ =	sdelay $0x1  }
0xfd: {  	[tilespmem:s2+$0xC720] =	vst v0;
	v0 =	vld [tilespmem:s2+$0x9740]  }
0xfe: {  	v2 =	vld.idx.msk [tilespmem:v3+s3+$0x0], $0xffff  }
0xff: {  	v1 =	vld.idx.msk [tilespmem:v1+s21+$0x0], $0xffff  }
0x100: {  	v3 =	vld [tilespmem:s2+$0x7F40];
	_ =	sdelay $0x4  }
0x101: {  	v1 =	vadd.f32 v1, v2;
	_ =	sdelay $0x1  }
0x102: {  	[tilespmem:s2+$0xC730] =	vst v1;
	v1 =	vld [tilespmem:s2+$0x9750]  }
0x103: {  	v2 =	vld.idx.msk [tilespmem:v3+s3+$0x0], $0xffff  }
0x104: {  	v0 =	vld.idx.msk [tilespmem:v0+s21+$0x0], $0xffff  }
0x105: {  	v3 =	vld [tilespmem:s2+$0x7F50];
	_ =	sdelay $0x4  }
0x106: {  	v0 =	vadd.f32 v0, v2;
	_ =	sdelay $0x1  }
0x107: {  	[tilespmem:s2+$0xC740] =	vst v0;
	v2 =	vld [tilespmem:s2+$0x9760]  }
0x108: {  	v0 =	vld.idx.msk [tilespmem:v3+s3+$0x0], $0xffff  }
0x109: {  	v1 =	vld.idx.msk [tilespmem:v1+s21+$0x0], $0xffff  }
0x10a: {  	v3 =	vld [tilespmem:s2+$0x7F60];
	_ =	sdelay $0x4  }
0x10b: {  	v0 =	vadd.f32 v1, v0;
	_ =	sdelay $0x1  }
0x10c: {  	[tilespmem:s2+$0xC750] =	vst v0;
	v0 =	vld [tilespmem:s2+$0x9770]  }
0x10d: {  	v1 =	vld.idx.msk [tilespmem:v3+s3+$0x0], $0xffff  }
0x10e: {  	v2 =	vld.idx.msk [tilespmem:v2+s21+$0x0], $0xffff  }
0x10f: {  	v3 =	vld [tilespmem:s2+$0x7F70];
	_ =	sdelay $0x3  }
.Ltmp1:
0x110: {  	(pc) =	sbr.rel @p0 .LBB2_4-.Ltmp1, $3  }
0x111: {  	v1 =	vadd.f32 v2, v1;
	_ =	sdelay $0x1  }
0x112: {  	[tilespmem:s2+$0xC760] =	vst v1  }
0x113: {  	v1 =	vld.idx.msk [tilespmem:v3+s3+$0x0], $0xffff  }
0x114: {  	_ =	sdelay $0x3  }
0x115: {  	s1 =	sshra.s32 s1, $0x2;
	v0 =	vld.idx.msk [tilespmem:v0+s21+$0x0], $0xffff  }
0x116: {  	v2 =	vld [tilespmem:s1+$0x7F00]  }
0x117: {  	v3 =	vld [tilespmem:s1+$0x9700];
	_ =	sdelay $0x3  }
0x118: {  	v0 =	vadd.f32 v0, v1;
	_ =	sdelay $0x1  }
0x119: {  	v1 =	vld [tilespmem:s1+$0x9710];
	[tilespmem:s2+$0xC770] =	vst v0  }
0x11a: {  	v0 =	vld.idx.msk [tilespmem:v2+s3+$0x0], $0xffff  }
0x11b: {  	v2 =	vld.idx.msk [tilespmem:v3+s21+$0x0], $0xffff  }
0x11c: {  	v3 =	vld [tilespmem:s1+$0x7F10];
	_ =	sdelay $0x4  }
0x11d: {  	v0 =	vadd.f32 v2, v0;
	_ =	sdelay $0x1  }
0x11e: {  	v2 =	vld [tilespmem:s1+$0x7F20];
	[tilespmem:s1+$0xC700] =	vst v0  }
0x11f: {  	v0 =	vld.idx.msk [tilespmem:v3+s3+$0x0], $0xffff  }
0x120: {  	v1 =	vld.idx.msk [tilespmem:v1+s21+$0x0], $0xffff  }
0x121: {  	v3 =	vld [tilespmem:s1+$0x9720];
	_ =	sdelay $0x3  }
0x122: {  	v0 =	vadd.f32 v1, v0;
	_ =	sdelay $0x1  }
0x123: {  	[tilespmem:s1+$0xC710] =	vst v0  }
0x124: {  	v0 =	vld.idx.msk [tilespmem:v2+s3+$0x0], $0xffff  }
0x125: {  	v1 =	vld.idx.msk [tilespmem:v3+s21+$0x0], $0xffff  }
0x126: {  	v2 =	vld [tilespmem:s1+$0x7F30]  }
0x127: {  	v3 =	vld [tilespmem:s1+$0x9730];
	_ =	sdelay $0x3  }
0x128: {  	v0 =	vadd.f32 v1, v0;
	_ =	sdelay $0x1  }
0x129: {  	[tilespmem:s1+$0xC720] =	vst v0  }
0x12a: {  	v0 =	vld.idx.msk [tilespmem:v2+s3+$0x0], $0xffff  }
0x12b: {  	v1 =	vld.idx.msk [tilespmem:v3+s21+$0x0], $0xffff  }
0x12c: {  	v2 =	vld [tilespmem:s1+$0x7F40]  }
0x12d: {  	v3 =	vld [tilespmem:s1+$0x9740];
	_ =	sdelay $0x3  }
0x12e: {  	v0 =	vadd.f32 v1, v0;
	_ =	sdelay $0x1  }
0x12f: {  	[tilespmem:s1+$0xC730] =	vst v0  }
0x130: {  	v0 =	vld.idx.msk [tilespmem:v2+s3+$0x0], $0xffff  }
0x131: {  	v1 =	vld.idx.msk [tilespmem:v3+s21+$0x0], $0xffff  }
0x132: {  	v2 =	vld [tilespmem:s1+$0x7F50]  }
0x133: {  	v3 =	vld [tilespmem:s1+$0x9750];
	_ =	sdelay $0x3  }
0x134: {  	v0 =	vadd.f32 v1, v0;
	_ =	sdelay $0x1  }
0x135: {  	[tilespmem:s1+$0xC740] =	vst v0  }
0x136: {  	v0 =	vld.idx.msk [tilespmem:v2+s3+$0x0], $0xffff  }
0x137: {  	v1 =	vld.idx.msk [tilespmem:v3+s21+$0x0], $0xffff  }
0x138: {  	v2 =	vld [tilespmem:s1+$0x7F60]  }
0x139: {  	v3 =	vld [tilespmem:s1+$0x9760];
	_ =	sdelay $0x3  }
0x13a: {  	v0 =	vadd.f32 v1, v0;
	_ =	sdelay $0x1  }
0x13b: {  	[tilespmem:s1+$0xC750] =	vst v0  }
0x13c: {  	v0 =	vld.idx.msk [tilespmem:v2+s3+$0x0], $0xffff  }
0x13d: {  	v1 =	vld.idx.msk [tilespmem:v3+s21+$0x0], $0xffff  }
0x13e: {  	v2 =	vld [tilespmem:s1+$0x7F70]  }
0x13f: {  	v3 =	vld [tilespmem:s1+$0x9770];
	_ =	sdelay $0x3  }
0x140: {  	v0 =	vadd.f32 v1, v0;
	_ =	sdelay $0x1  }
0x141: {  	[tilespmem:s1+$0xC760] =	vst v0  }
0x142: {  	v0 =	vld.idx.msk [tilespmem:v2+s3+$0x0], $0xffff  }
0x143: {  	v1 =	vld.idx.msk [tilespmem:v3+s21+$0x0], $0xffff;
	_ =	sdelay $0x4  }
0x144: {  	v0 =	vadd.f32 v1, v0;
	_ =	sdelay $0x1  }
0x145: {  	s5 =	simm.s32 $0x0;
	[tilespmem:s1+$0xC770] =	vst v0  }
0x146: {  	[hbm4b:s12+s5] =	stream.linear.scatter [tilespmem:s30], [sflag:$0x3], $0x1800, $0x38;
	[tilespmem:$0xDF00] =	vst v63  }
0x147: {  	_ =	swait.ge [sflag:s25], $0x1800  }
0x148: {  	[sflag:s25] =	ssyncset.done $0x0  }
0x149: {  	[sflag:s25] =	ssyncadd.s32 $0xFFFFE800  }
0x14a: {  	_ =	swait.ge [sflag:s25], $0x1800  }
0x14b: {  	[sflag:s25] =	ssyncset.done $0x0  }
0x14c: {  	[sflag:s25] =	ssyncadd.s32 $0xFFFFE800  }
0x14d: {  	[tilespmem:s26], [sflag:$0x2] =	stream.linear.gather [hbm4b:s13+s5], $0x1800, $0x38;
	[tilespmem:$0xDF00] =	vst v63  }
0x14e: {  	_ = 	snop  }
0x14f: {  	[tilespmem:s28], [sflag:$0x2] =	stream.linear.gather [hbm4b:s14+s5], $0x1800, $0x38;
	[tilespmem:$0xDF00] =	vst v63  }
0x150: {  	_ =	swait.ge [sflag:s31], $0x1800  }
0x151: {  	[sflag:s31] =	ssyncset.done $0x0  }
0x152: {  	s2 =	simm.s32 $0x0;
	[sflag:s31] =	ssyncadd.s32 $0xFFFFE800  }
0x153: {  	v0 =	vld [tilespmem:s2+$0x4F00]  }
0x154: {  	v1 =	vld [tilespmem:s2+$0x6700];
	_ =	sdelay $0x5  }
0x155: {  	v2 =	vld [tilespmem:s2+$0x4F10]  }
0x156: {  	v0 =	vld.idx.msk [tilespmem:v0+s3+$0x0], $0xffff  }
0x157: {  	v1 =	vld.idx.msk [tilespmem:v1+s21+$0x0], $0xffff  }
0x158: {  	v3 =	vld [tilespmem:s2+$0x6710];
	_ =	sdelay $0x3  }
0x159: {  	v0 =	vadd.f32 v1, v0;
	_ =	sdelay $0x1  }
0x15a: {  	[tilespmem:s2+$0xAF00] =	vst v0  }
0x15b: {  	v0 =	vld.idx.msk [tilespmem:v2+s3+$0x0], $0xffff  }
0x15c: {  	v1 =	vld.idx.msk [tilespmem:v3+s21+$0x0], $0xffff  }
0x15d: {  	v2 =	vld [tilespmem:s2+$0x4F20]  }
0x15e: {  	v3 =	vld [tilespmem:s2+$0x6720];
	_ =	sdelay $0x3  }
0x15f: {  	v0 =	vadd.f32 v1, v0;
	_ =	sdelay $0x1  }
0x160: {  	[tilespmem:s2+$0xAF10] =	vst v0  }
0x161: {  	v0 =	vld.idx.msk [tilespmem:v2+s3+$0x0], $0xffff  }
0x162: {  	v1 =	vld.idx.msk [tilespmem:v3+s21+$0x0], $0xffff  }
0x163: {  	v2 =	vld [tilespmem:s2+$0x4F30]  }
0x164: {  	v3 =	vld [tilespmem:s2+$0x6730];
	_ =	sdelay $0x3  }
0x165: {  	v0 =	vadd.f32 v1, v0;
	_ =	sdelay $0x1  }
0x166: {  	[tilespmem:s2+$0xAF20] =	vst v0  }
0x167: {  	v0 =	vld.idx.msk [tilespmem:v2+s3+$0x0], $0xffff  }
0x168: {  	v1 =	vld.idx.msk [tilespmem:v3+s21+$0x0], $0xffff  }
0x169: {  	v2 =	vld [tilespmem:s2+$0x4F40]  }
0x16a: {  	v3 =	vld [tilespmem:s2+$0x6740];
	_ =	sdelay $0x3  }
0x16b: {  	v0 =	vadd.f32 v1, v0;
	_ =	sdelay $0x1  }
0x16c: {  	[tilespmem:s2+$0xAF30] =	vst v0  }
0x16d: {  	v0 =	vld.idx.msk [tilespmem:v2+s3+$0x0], $0xffff  }
0x16e: {  	v1 =	vld.idx.msk [tilespmem:v3+s21+$0x0], $0xffff  }
0x16f: {  	v2 =	vld [tilespmem:s2+$0x4F50]  }
0x170: {  	v3 =	vld [tilespmem:s2+$0x6750];
	_ =	sdelay $0x3  }
0x171: {  	v0 =	vadd.f32 v1, v0;
	_ =	sdelay $0x1  }
0x172: {  	[tilespmem:s2+$0xAF40] =	vst v0  }
0x173: {  	v0 =	vld.idx.msk [tilespmem:v2+s3+$0x0], $0xffff  }
0x174: {  	v1 =	vld.idx.msk [tilespmem:v3+s21+$0x0], $0xffff  }
0x175: {  	v2 =	vld [tilespmem:s2+$0x4F60]  }
0x176: {  	v3 =	vld [tilespmem:s2+$0x6760];
	_ =	sdelay $0x3  }
0x177: {  	v0 =	vadd.f32 v1, v0;
	_ =	sdelay $0x1  }
0x178: {  	[tilespmem:s2+$0xAF50] =	vst v0  }
0x179: {  	v0 =	vld.idx.msk [tilespmem:v2+s3+$0x0], $0xffff  }
0x17a: {  	v1 =	vld.idx.msk [tilespmem:v3+s21+$0x0], $0xffff;
	_ =	sdelay $0x2  }
0x17b: {  	v2 =	vld [tilespmem:s2+$0x4F70];
	_ =	sdelay $0x1  }
0x17c: {  	v1 =	vadd.f32 v1, v0;
	v0 =	vld [tilespmem:s2+$0x6770];
	_ =	sdelay $0x4  }
0x17d: {  	[tilespmem:s2+$0xAF60] =	vst v1  }
0x17e: {  	s4 =	simm.s32 $0x400;
	s1 =	simm.s32 $0x200;
	v1 =	vld.idx.msk [tilespmem:v2+s3+$0x0], $0xffff  }
.LBB2_6:
0x17f: {  	p0 =	sne.s32 s4, $0x5E00  }
0x180: {  	s5 =	sshra.s32 s1, $0x2;
	v0 =	vld.idx.msk [tilespmem:v0+s21+$0x0], $0xffff;
	s1 =	smov.u32 s4;
	s4 =	sadd.s32 $0x200, s4  }
0x181: {  	v2 =	vld [tilespmem:s5+$0x4F00]  }
0x182: {  	v3 =	vld [tilespmem:s5+$0x6700];
	_ =	sdelay $0x3  }
0x183: {  	v0 =	vadd.f32 v0, v1;
	_ =	sdelay $0x1  }
0x184: {  	v1 =	vld [tilespmem:s5+$0x6710];
	[tilespmem:s2+$0xAF70] =	vst v0;
	s2 =	smov.u32 s5  }
0x185: {  	v0 =	vld.idx.msk [tilespmem:v2+s3+$0x0], $0xffff  }
0x186: {  	v2 =	vld.idx.msk [tilespmem:v3+s21+$0x0], $0xffff  }
0x187: {  	v3 =	vld [tilespmem:s2+$0x4F10];
	_ =	sdelay $0x4  }
0x188: {  	v0 =	vadd.f32 v2, v0;
	_ =	sdelay $0x1  }
0x189: {  	[tilespmem:s2+$0xAF00] =	vst v0;
	v0 =	vld [tilespmem:s2+$0x6720]  }
0x18a: {  	v2 =	vld.idx.msk [tilespmem:v3+s3+$0x0], $0xffff  }
0x18b: {  	v1 =	vld.idx.msk [tilespmem:v1+s21+$0x0], $0xffff  }
0x18c: {  	v3 =	vld [tilespmem:s2+$0x4F20];
	_ =	sdelay $0x4  }
0x18d: {  	v1 =	vadd.f32 v1, v2;
	_ =	sdelay $0x1  }
0x18e: {  	[tilespmem:s2+$0xAF10] =	vst v1;
	v1 =	vld [tilespmem:s2+$0x6730]  }
0x18f: {  	v2 =	vld.idx.msk [tilespmem:v3+s3+$0x0], $0xffff  }
0x190: {  	v0 =	vld.idx.msk [tilespmem:v0+s21+$0x0], $0xffff  }
0x191: {  	v3 =	vld [tilespmem:s2+$0x4F30];
	_ =	sdelay $0x4  }
0x192: {  	v0 =	vadd.f32 v0, v2;
	_ =	sdelay $0x1  }
0x193: {  	[tilespmem:s2+$0xAF20] =	vst v0;
	v0 =	vld [tilespmem:s2+$0x6740]  }
0x194: {  	v2 =	vld.idx.msk [tilespmem:v3+s3+$0x0], $0xffff  }
0x195: {  	v1 =	vld.idx.msk [tilespmem:v1+s21+$0x0], $0xffff  }
0x196: {  	v3 =	vld [tilespmem:s2+$0x4F40];
	_ =	sdelay $0x4  }
0x197: {  	v1 =	vadd.f32 v1, v2;
	_ =	sdelay $0x1  }
0x198: {  	[tilespmem:s2+$0xAF30] =	vst v1;
	v1 =	vld [tilespmem:s2+$0x6750]  }
0x199: {  	v2 =	vld.idx.msk [tilespmem:v3+s3+$0x0], $0xffff  }
0x19a: {  	v0 =	vld.idx.msk [tilespmem:v0+s21+$0x0], $0xffff  }
0x19b: {  	v3 =	vld [tilespmem:s2+$0x4F50];
	_ =	sdelay $0x4  }
0x19c: {  	v0 =	vadd.f32 v0, v2;
	_ =	sdelay $0x1  }
0x19d: {  	[tilespmem:s2+$0xAF40] =	vst v0;
	v2 =	vld [tilespmem:s2+$0x6760]  }
0x19e: {  	v0 =	vld.idx.msk [tilespmem:v3+s3+$0x0], $0xffff  }
0x19f: {  	v1 =	vld.idx.msk [tilespmem:v1+s21+$0x0], $0xffff  }
0x1a0: {  	v3 =	vld [tilespmem:s2+$0x4F60];
	_ =	sdelay $0x4  }
0x1a1: {  	v0 =	vadd.f32 v1, v0;
	_ =	sdelay $0x1  }
0x1a2: {  	[tilespmem:s2+$0xAF50] =	vst v0;
	v0 =	vld [tilespmem:s2+$0x6770]  }
0x1a3: {  	v1 =	vld.idx.msk [tilespmem:v3+s3+$0x0], $0xffff  }
0x1a4: {  	v2 =	vld.idx.msk [tilespmem:v2+s21+$0x0], $0xffff  }
0x1a5: {  	v3 =	vld [tilespmem:s2+$0x4F70];
	_ =	sdelay $0x3  }
.Ltmp2:
0x1a6: {  	(pc) =	sbr.rel @p0 .LBB2_6-.Ltmp2, $3  }
0x1a7: {  	v1 =	vadd.f32 v2, v1;
	_ =	sdelay $0x1  }
0x1a8: {  	[tilespmem:s2+$0xAF60] =	vst v1  }
0x1a9: {  	v1 =	vld.idx.msk [tilespmem:v3+s3+$0x0], $0xffff  }
0x1aa: {  	_ =	sdelay $0x3  }
0x1ab: {  	s1 =	sshra.s32 s1, $0x2;
	v0 =	vld.idx.msk [tilespmem:v0+s21+$0x0], $0xffff  }
0x1ac: {  	v2 =	vld [tilespmem:s1+$0x4F00]  }
0x1ad: {  	v3 =	vld [tilespmem:s1+$0x6700];
	_ =	sdelay $0x3  }
0x1ae: {  	v0 =	vadd.f32 v0, v1;
	_ =	sdelay $0x1  }
0x1af: {  	v1 =	vld [tilespmem:s1+$0x6710];
	[tilespmem:s2+$0xAF70] =	vst v0  }
0x1b0: {  	v0 =	vld.idx.msk [tilespmem:v2+s3+$0x0], $0xffff  }
0x1b1: {  	v2 =	vld.idx.msk [tilespmem:v3+s21+$0x0], $0xffff  }
0x1b2: {  	v3 =	vld [tilespmem:s1+$0x4F10];
	_ =	sdelay $0x4  }
0x1b3: {  	v0 =	vadd.f32 v2, v0;
	_ =	sdelay $0x1  }
0x1b4: {  	v2 =	vld [tilespmem:s1+$0x4F20];
	[tilespmem:s1+$0xAF00] =	vst v0  }
0x1b5: {  	v0 =	vld.idx.msk [tilespmem:v3+s3+$0x0], $0xffff  }
0x1b6: {  	v1 =	vld.idx.msk [tilespmem:v1+s21+$0x0], $0xffff  }
0x1b7: {  	v3 =	vld [tilespmem:s1+$0x6720];
	_ =	sdelay $0x3  }
0x1b8: {  	v0 =	vadd.f32 v1, v0;
	_ =	sdelay $0x1  }
0x1b9: {  	[tilespmem:s1+$0xAF10] =	vst v0  }
0x1ba: {  	v0 =	vld.idx.msk [tilespmem:v2+s3+$0x0], $0xffff  }
0x1bb: {  	v1 =	vld.idx.msk [tilespmem:v3+s21+$0x0], $0xffff  }
0x1bc: {  	v2 =	vld [tilespmem:s1+$0x4F30]  }
0x1bd: {  	v3 =	vld [tilespmem:s1+$0x6730];
	_ =	sdelay $0x3  }
0x1be: {  	v0 =	vadd.f32 v1, v0;
	_ =	sdelay $0x1  }
0x1bf: {  	[tilespmem:s1+$0xAF20] =	vst v0  }
0x1c0: {  	v0 =	vld.idx.msk [tilespmem:v2+s3+$0x0], $0xffff  }
0x1c1: {  	v1 =	vld.idx.msk [tilespmem:v3+s21+$0x0], $0xffff  }
0x1c2: {  	v2 =	vld [tilespmem:s1+$0x4F40]  }
0x1c3: {  	v3 =	vld [tilespmem:s1+$0x6740];
	_ =	sdelay $0x3  }
0x1c4: {  	v0 =	vadd.f32 v1, v0;
	_ =	sdelay $0x1  }
0x1c5: {  	[tilespmem:s1+$0xAF30] =	vst v0  }
0x1c6: {  	v0 =	vld.idx.msk [tilespmem:v2+s3+$0x0], $0xffff  }
0x1c7: {  	v1 =	vld.idx.msk [tilespmem:v3+s21+$0x0], $0xffff  }
0x1c8: {  	v2 =	vld [tilespmem:s1+$0x4F50]  }
0x1c9: {  	v3 =	vld [tilespmem:s1+$0x6750];
	_ =	sdelay $0x3  }
0x1ca: {  	v0 =	vadd.f32 v1, v0;
	_ =	sdelay $0x1  }
0x1cb: {  	[tilespmem:s1+$0xAF40] =	vst v0  }
0x1cc: {  	v0 =	vld.idx.msk [tilespmem:v2+s3+$0x0], $0xffff  }
0x1cd: {  	v1 =	vld.idx.msk [tilespmem:v3+s21+$0x0], $0xffff  }
0x1ce: {  	v2 =	vld [tilespmem:s1+$0x4F60]  }
0x1cf: {  	v3 =	vld [tilespmem:s1+$0x6760];
	_ =	sdelay $0x3  }
0x1d0: {  	v0 =	vadd.f32 v1, v0;
	_ =	sdelay $0x1  }
0x1d1: {  	[tilespmem:s1+$0xAF50] =	vst v0  }
0x1d2: {  	v0 =	vld.idx.msk [tilespmem:v2+s3+$0x0], $0xffff  }
0x1d3: {  	v1 =	vld.idx.msk [tilespmem:v3+s21+$0x0], $0xffff  }
0x1d4: {  	v2 =	vld [tilespmem:s1+$0x4F70]  }
0x1d5: {  	v3 =	vld [tilespmem:s1+$0x6770];
	_ =	sdelay $0x3  }
0x1d6: {  	v0 =	vadd.f32 v1, v0;
	_ =	sdelay $0x1  }
0x1d7: {  	[tilespmem:s1+$0xAF60] =	vst v0  }
0x1d8: {  	v0 =	vld.idx.msk [tilespmem:v2+s3+$0x0], $0xffff  }
0x1d9: {  	v1 =	vld.idx.msk [tilespmem:v3+s21+$0x0], $0xffff;
	_ =	sdelay $0x4  }
0x1da: {  	v0 =	vadd.f32 v1, v0;
	_ =	sdelay $0x1  }
0x1db: {  	s5 =	simm.s32 $0x0;
	[tilespmem:s1+$0xAF70] =	vst v0  }
0x1dc: {  	[hbm4b:s15+s5] =	stream.linear.scatter [tilespmem:s29], [sflag:$0x3], $0x1800, $0x38;
	[tilespmem:$0xDF00] =	vst v63  }
0x1dd: {  	_ =	swait.ge [sflag:s25], $0x1800  }
0x1de: {  	[sflag:s25] =	ssyncset.done $0x0  }
0x1df: {  	[sflag:s25] =	ssyncadd.s32 $0xFFFFE800  }
0x1e0: {  	_ =	swait.ge [sflag:s25], $0x1800  }
0x1e1: {  	[sflag:s25] =	ssyncset.done $0x0  }
0x1e2: {  	[sflag:s25] =	ssyncadd.s32 $0xFFFFE800  }
0x1e3: {  	[tilespmem:s22], [sflag:$0x2] =	stream.linear.gather [hbm4b:s16+s5], $0x1800, $0x38;
	[tilespmem:$0xDF00] =	vst v63  }
0x1e4: {  	_ = 	snop  }
0x1e5: {  	[tilespmem:s23], [sflag:$0x2] =	stream.linear.gather [hbm4b:s17+s5], $0x1800, $0x38;
	[tilespmem:$0xDF00] =	vst v63  }
0x1e6: {  	_ =	swait.ge [sflag:s31], $0x1800  }
0x1e7: {  	[sflag:s31] =	ssyncset.done $0x0  }
0x1e8: {  	s2 =	simm.s32 $0x0;
	[sflag:s31] =	ssyncadd.s32 $0xFFFFE800  }
0x1e9: {  	v0 =	vld [tilespmem:s2+$0x7F00]  }
0x1ea: {  	v1 =	vld [tilespmem:s2+$0x9700];
	_ =	sdelay $0x5  }
0x1eb: {  	v2 =	vld [tilespmem:s2+$0x7F10]  }
0x1ec: {  	v0 =	vld.idx.msk [tilespmem:v0+s3+$0x0], $0xffff  }
0x1ed: {  	v1 =	vld.idx.msk [tilespmem:v1+s21+$0x0], $0xffff  }
0x1ee: {  	v3 =	vld [tilespmem:s2+$0x9710];
	_ =	sdelay $0x3  }
0x1ef: {  	v0 =	vadd.f32 v1, v0;
	_ =	sdelay $0x1  }
0x1f0: {  	[tilespmem:s2+$0xC700] =	vst v0  }
0x1f1: {  	v0 =	vld.idx.msk [tilespmem:v2+s3+$0x0], $0xffff  }
0x1f2: {  	v1 =	vld.idx.msk [tilespmem:v3+s21+$0x0], $0xffff  }
0x1f3: {  	v2 =	vld [tilespmem:s2+$0x7F20]  }
0x1f4: {  	v3 =	vld [tilespmem:s2+$0x9720];
	_ =	sdelay $0x3  }
0x1f5: {  	v0 =	vadd.f32 v1, v0;
	_ =	sdelay $0x1  }
0x1f6: {  	[tilespmem:s2+$0xC710] =	vst v0  }
0x1f7: {  	v0 =	vld.idx.msk [tilespmem:v2+s3+$0x0], $0xffff  }
0x1f8: {  	v1 =	vld.idx.msk [tilespmem:v3+s21+$0x0], $0xffff  }
0x1f9: {  	v2 =	vld [tilespmem:s2+$0x7F30]  }
0x1fa: {  	v3 =	vld [tilespmem:s2+$0x9730];
	_ =	sdelay $0x3  }
0x1fb: {  	v0 =	vadd.f32 v1, v0;
	_ =	sdelay $0x1  }
0x1fc: {  	[tilespmem:s2+$0xC720] =	vst v0  }
0x1fd: {  	v0 =	vld.idx.msk [tilespmem:v2+s3+$0x0], $0xffff  }
0x1fe: {  	v1 =	vld.idx.msk [tilespmem:v3+s21+$0x0], $0xffff  }
0x1ff: {  	v2 =	vld [tilespmem:s2+$0x7F40]  }
0x200: {  	v3 =	vld [tilespmem:s2+$0x9740];
	_ =	sdelay $0x3  }
0x201: {  	v0 =	vadd.f32 v1, v0;
	_ =	sdelay $0x1  }
0x202: {  	[tilespmem:s2+$0xC730] =	vst v0  }
0x203: {  	v0 =	vld.idx.msk [tilespmem:v2+s3+$0x0], $0xffff  }
0x204: {  	v1 =	vld.idx.msk [tilespmem:v3+s21+$0x0], $0xffff  }
0x205: {  	v2 =	vld [tilespmem:s2+$0x7F50]  }
0x206: {  	v3 =	vld [tilespmem:s2+$0x9750];
	_ =	sdelay $0x3  }
0x207: {  	v0 =	vadd.f32 v1, v0;
	_ =	sdelay $0x1  }
0x208: {  	[tilespmem:s2+$0xC740] =	vst v0  }
0x209: {  	v0 =	vld.idx.msk [tilespmem:v2+s3+$0x0], $0xffff  }
0x20a: {  	v1 =	vld.idx.msk [tilespmem:v3+s21+$0x0], $0xffff  }
0x20b: {  	v2 =	vld [tilespmem:s2+$0x7F60]  }
0x20c: {  	v3 =	vld [tilespmem:s2+$0x9760];
	_ =	sdelay $0x3  }
0x20d: {  	v0 =	vadd.f32 v1, v0;
	_ =	sdelay $0x1  }
0x20e: {  	[tilespmem:s2+$0xC750] =	vst v0  }
0x20f: {  	v0 =	vld.idx.msk [tilespmem:v2+s3+$0x0], $0xffff  }
0x210: {  	v1 =	vld.idx.msk [tilespmem:v3+s21+$0x0], $0xffff;
	_ =	sdelay $0x2  }
0x211: {  	v2 =	vld [tilespmem:s2+$0x7F70];
	_ =	sdelay $0x1  }
0x212: {  	v1 =	vadd.f32 v1, v0;
	v0 =	vld [tilespmem:s2+$0x9770];
	_ =	sdelay $0x4  }
0x213: {  	[tilespmem:s2+$0xC760] =	vst v1  }
0x214: {  	s4 =	simm.s32 $0x400;
	s1 =	simm.s32 $0x200;
	v1 =	vld.idx.msk [tilespmem:v2+s3+$0x0], $0xffff  }
.LBB2_8:
0x215: {  	p0 =	sne.s32 s4, $0x5E00  }
0x216: {  	s5 =	sshra.s32 s1, $0x2;
	v0 =	vld.idx.msk [tilespmem:v0+s21+$0x0], $0xffff;
	s1 =	smov.u32 s4;
	s4 =	sadd.s32 $0x200, s4  }
0x217: {  	v2 =	vld [tilespmem:s5+$0x7F00]  }
0x218: {  	v3 =	vld [tilespmem:s5+$0x9700];
	_ =	sdelay $0x3  }
0x219: {  	v0 =	vadd.f32 v0, v1;
	_ =	sdelay $0x1  }
0x21a: {  	v1 =	vld [tilespmem:s5+$0x9710];
	[tilespmem:s2+$0xC770] =	vst v0;
	s2 =	smov.u32 s5  }
0x21b: {  	v0 =	vld.idx.msk [tilespmem:v2+s3+$0x0], $0xffff  }
0x21c: {  	v2 =	vld.idx.msk [tilespmem:v3+s21+$0x0], $0xffff  }
0x21d: {  	v3 =	vld [tilespmem:s2+$0x7F10];
	_ =	sdelay $0x4  }
0x21e: {  	v0 =	vadd.f32 v2, v0;
	_ =	sdelay $0x1  }
0x21f: {  	[tilespmem:s2+$0xC700] =	vst v0;
	v0 =	vld [tilespmem:s2+$0x9720]  }
0x220: {  	v2 =	vld.idx.msk [tilespmem:v3+s3+$0x0], $0xffff  }
0x221: {  	v1 =	vld.idx.msk [tilespmem:v1+s21+$0x0], $0xffff  }
0x222: {  	v3 =	vld [tilespmem:s2+$0x7F20];
	_ =	sdelay $0x4  }
0x223: {  	v1 =	vadd.f32 v1, v2;
	_ =	sdelay $0x1  }
0x224: {  	[tilespmem:s2+$0xC710] =	vst v1;
	v1 =	vld [tilespmem:s2+$0x9730]  }
0x225: {  	v2 =	vld.idx.msk [tilespmem:v3+s3+$0x0], $0xffff  }
0x226: {  	v0 =	vld.idx.msk [tilespmem:v0+s21+$0x0], $0xffff  }
0x227: {  	v3 =	vld [tilespmem:s2+$0x7F30];
	_ =	sdelay $0x4  }
0x228: {  	v0 =	vadd.f32 v0, v2;
	_ =	sdelay $0x1  }
0x229: {  	[tilespmem:s2+$0xC720] =	vst v0;
	v0 =	vld [tilespmem:s2+$0x9740]  }
0x22a: {  	v2 =	vld.idx.msk [tilespmem:v3+s3+$0x0], $0xffff  }
0x22b: {  	v1 =	vld.idx.msk [tilespmem:v1+s21+$0x0], $0xffff  }
0x22c: {  	v3 =	vld [tilespmem:s2+$0x7F40];
	_ =	sdelay $0x4  }
0x22d: {  	v1 =	vadd.f32 v1, v2;
	_ =	sdelay $0x1  }
0x22e: {  	[tilespmem:s2+$0xC730] =	vst v1;
	v1 =	vld [tilespmem:s2+$0x9750]  }
0x22f: {  	v2 =	vld.idx.msk [tilespmem:v3+s3+$0x0], $0xffff  }
0x230: {  	v0 =	vld.idx.msk [tilespmem:v0+s21+$0x0], $0xffff  }
0x231: {  	v3 =	vld [tilespmem:s2+$0x7F50];
	_ =	sdelay $0x4  }
0x232: {  	v0 =	vadd.f32 v0, v2;
	_ =	sdelay $0x1  }
0x233: {  	[tilespmem:s2+$0xC740] =	vst v0;
	v2 =	vld [tilespmem:s2+$0x9760]  }
0x234: {  	v0 =	vld.idx.msk [tilespmem:v3+s3+$0x0], $0xffff  }
0x235: {  	v1 =	vld.idx.msk [tilespmem:v1+s21+$0x0], $0xffff  }
0x236: {  	v3 =	vld [tilespmem:s2+$0x7F60];
	_ =	sdelay $0x4  }
0x237: {  	v0 =	vadd.f32 v1, v0;
	_ =	sdelay $0x1  }
0x238: {  	[tilespmem:s2+$0xC750] =	vst v0;
	v0 =	vld [tilespmem:s2+$0x9770]  }
0x239: {  	v1 =	vld.idx.msk [tilespmem:v3+s3+$0x0], $0xffff  }
0x23a: {  	v2 =	vld.idx.msk [tilespmem:v2+s21+$0x0], $0xffff  }
0x23b: {  	v3 =	vld [tilespmem:s2+$0x7F70];
	_ =	sdelay $0x3  }
.Ltmp3:
0x23c: {  	(pc) =	sbr.rel @p0 .LBB2_8-.Ltmp3, $3  }
0x23d: {  	v1 =	vadd.f32 v2, v1;
	_ =	sdelay $0x1  }
0x23e: {  	[tilespmem:s2+$0xC760] =	vst v1  }
0x23f: {  	v1 =	vld.idx.msk [tilespmem:v3+s3+$0x0], $0xffff  }
0x240: {  	_ =	sdelay $0x3  }
0x241: {  	s1 =	sshra.s32 s1, $0x2;
	v0 =	vld.idx.msk [tilespmem:v0+s21+$0x0], $0xffff  }
0x242: {  	v2 =	vld [tilespmem:s1+$0x7F00]  }
0x243: {  	v3 =	vld [tilespmem:s1+$0x9700];
	_ =	sdelay $0x3  }
0x244: {  	v0 =	vadd.f32 v0, v1;
	_ =	sdelay $0x1  }
0x245: {  	v1 =	vld [tilespmem:s1+$0x9710];
	[tilespmem:s2+$0xC770] =	vst v0  }
0x246: {  	v0 =	vld.idx.msk [tilespmem:v2+s3+$0x0], $0xffff  }
0x247: {  	v2 =	vld.idx.msk [tilespmem:v3+s21+$0x0], $0xffff  }
0x248: {  	v3 =	vld [tilespmem:s1+$0x7F10];
	_ =	sdelay $0x4  }
0x249: {  	v0 =	vadd.f32 v2, v0;
	_ =	sdelay $0x1  }
0x24a: {  	v2 =	vld [tilespmem:s1+$0x7F20];
	[tilespmem:s1+$0xC700] =	vst v0  }
0x24b: {  	v0 =	vld.idx.msk [tilespmem:v3+s3+$0x0], $0xffff  }
0x24c: {  	v1 =	vld.idx.msk [tilespmem:v1+s21+$0x0], $0xffff  }
0x24d: {  	v3 =	vld [tilespmem:s1+$0x9720];
	_ =	sdelay $0x3  }
0x24e: {  	v0 =	vadd.f32 v1, v0;
	_ =	sdelay $0x1  }
0x24f: {  	[tilespmem:s1+$0xC710] =	vst v0  }
0x250: {  	v0 =	vld.idx.msk [tilespmem:v2+s3+$0x0], $0xffff  }
0x251: {  	v1 =	vld.idx.msk [tilespmem:v3+s21+$0x0], $0xffff  }
0x252: {  	v2 =	vld [tilespmem:s1+$0x7F30]  }
0x253: {  	v3 =	vld [tilespmem:s1+$0x9730];
	_ =	sdelay $0x3  }
0x254: {  	v0 =	vadd.f32 v1, v0;
	_ =	sdelay $0x1  }
0x255: {  	[tilespmem:s1+$0xC720] =	vst v0  }
0x256: {  	v0 =	vld.idx.msk [tilespmem:v2+s3+$0x0], $0xffff  }
0x257: {  	v1 =	vld.idx.msk [tilespmem:v3+s21+$0x0], $0xffff  }
0x258: {  	v2 =	vld [tilespmem:s1+$0x7F40]  }
0x259: {  	v3 =	vld [tilespmem:s1+$0x9740];
	_ =	sdelay $0x3  }
0x25a: {  	v0 =	vadd.f32 v1, v0;
	_ =	sdelay $0x1  }
0x25b: {  	[tilespmem:s1+$0xC730] =	vst v0  }
0x25c: {  	v0 =	vld.idx.msk [tilespmem:v2+s3+$0x0], $0xffff  }
0x25d: {  	v1 =	vld.idx.msk [tilespmem:v3+s21+$0x0], $0xffff  }
0x25e: {  	v2 =	vld [tilespmem:s1+$0x7F50]  }
0x25f: {  	v3 =	vld [tilespmem:s1+$0x9750];
	_ =	sdelay $0x3  }
0x260: {  	v0 =	vadd.f32 v1, v0;
	_ =	sdelay $0x1  }
0x261: {  	[tilespmem:s1+$0xC740] =	vst v0  }
0x262: {  	v0 =	vld.idx.msk [tilespmem:v2+s3+$0x0], $0xffff  }
0x263: {  	v1 =	vld.idx.msk [tilespmem:v3+s21+$0x0], $0xffff  }
0x264: {  	v2 =	vld [tilespmem:s1+$0x7F60]  }
0x265: {  	v3 =	vld [tilespmem:s1+$0x9760];
	_ =	sdelay $0x3  }
0x266: {  	v0 =	vadd.f32 v1, v0;
	_ =	sdelay $0x1  }
0x267: {  	[tilespmem:s1+$0xC750] =	vst v0  }
0x268: {  	v0 =	vld.idx.msk [tilespmem:v2+s3+$0x0], $0xffff  }
0x269: {  	v1 =	vld.idx.msk [tilespmem:v3+s21+$0x0], $0xffff  }
0x26a: {  	v2 =	vld [tilespmem:s1+$0x7F70]  }
0x26b: {  	v3 =	vld [tilespmem:s1+$0x9770];
	_ =	sdelay $0x3  }
0x26c: {  	v0 =	vadd.f32 v1, v0;
	_ =	sdelay $0x1  }
0x26d: {  	[tilespmem:s1+$0xC760] =	vst v0  }
0x26e: {  	v0 =	vld.idx.msk [tilespmem:v2+s3+$0x0], $0xffff  }
0x26f: {  	v1 =	vld.idx.msk [tilespmem:v3+s21+$0x0], $0xffff;
	_ =	sdelay $0x4  }
0x270: {  	v0 =	vadd.f32 v1, v0;
	_ =	sdelay $0x1  }
0x271: {  	s5 =	simm.s32 $0x0;
	[tilespmem:s1+$0xC770] =	vst v0  }
0x272: {  	[hbm4b:s18+s5] =	stream.linear.scatter [tilespmem:s30], [sflag:$0x3], $0x1800, $0x38;
	[tilespmem:$0xDF00] =	vst v63  }
0x273: {  	_ =	swait.ge [sflag:s25], $0x1800  }
0x274: {  	[sflag:s25] =	ssyncset.done $0x0  }
0x275: {  	[sflag:s25] =	ssyncadd.s32 $0xFFFFE800  }
0x276: {  	_ =	swait.ge [sflag:s25], $0x1800  }
0x277: {  	[sflag:s25] =	ssyncset.done $0x0  }
0x278: {  	[sflag:s25] =	ssyncadd.s32 $0xFFFFE800  }
0x279: {  	_ =	swait.ge [sflag:s31], $0x1800  }
0x27a: {  	[sflag:s31] =	ssyncset.done $0x0  }
0x27b: {  	s2 =	simm.s32 $0x0;
	[sflag:s31] =	ssyncadd.s32 $0xFFFFE800  }
0x27c: {  	v0 =	vld [tilespmem:s2+$0x4F00]  }
0x27d: {  	v1 =	vld [tilespmem:s2+$0x6700];
	_ =	sdelay $0x5  }
0x27e: {  	v2 =	vld [tilespmem:s2+$0x4F10]  }
0x27f: {  	v0 =	vld.idx.msk [tilespmem:v0+s3+$0x0], $0xffff  }
0x280: {  	v1 =	vld.idx.msk [tilespmem:v1+s21+$0x0], $0xffff  }
0x281: {  	v3 =	vld [tilespmem:s2+$0x6710];
	_ =	sdelay $0x3  }
0x282: {  	v0 =	vadd.f32 v1, v0;
	_ =	sdelay $0x1  }
0x283: {  	[tilespmem:s2+$0xAF00] =	vst v0  }
0x284: {  	v0 =	vld.idx.msk [tilespmem:v2+s3+$0x0], $0xffff  }
0x285: {  	v1 =	vld.idx.msk [tilespmem:v3+s21+$0x0], $0xffff  }
0x286: {  	v2 =	vld [tilespmem:s2+$0x4F20]  }
0x287: {  	v3 =	vld [tilespmem:s2+$0x6720];
	_ =	sdelay $0x3  }
0x288: {  	v0 =	vadd.f32 v1, v0;
	_ =	sdelay $0x1  }
0x289: {  	[tilespmem:s2+$0xAF10] =	vst v0  }
0x28a: {  	v0 =	vld.idx.msk [tilespmem:v2+s3+$0x0], $0xffff  }
0x28b: {  	v1 =	vld.idx.msk [tilespmem:v3+s21+$0x0], $0xffff  }
0x28c: {  	v2 =	vld [tilespmem:s2+$0x4F30]  }
0x28d: {  	v3 =	vld [tilespmem:s2+$0x6730];
	_ =	sdelay $0x3  }
0x28e: {  	v0 =	vadd.f32 v1, v0;
	_ =	sdelay $0x1  }
0x28f: {  	[tilespmem:s2+$0xAF20] =	vst v0  }
0x290: {  	v0 =	vld.idx.msk [tilespmem:v2+s3+$0x0], $0xffff  }
0x291: {  	v1 =	vld.idx.msk [tilespmem:v3+s21+$0x0], $0xffff  }
0x292: {  	v2 =	vld [tilespmem:s2+$0x4F40]  }
0x293: {  	v3 =	vld [tilespmem:s2+$0x6740];
	_ =	sdelay $0x3  }
0x294: {  	v0 =	vadd.f32 v1, v0;
	_ =	sdelay $0x1  }
0x295: {  	[tilespmem:s2+$0xAF30] =	vst v0  }
0x296: {  	v0 =	vld.idx.msk [tilespmem:v2+s3+$0x0], $0xffff  }
0x297: {  	v1 =	vld.idx.msk [tilespmem:v3+s21+$0x0], $0xffff  }
0x298: {  	v2 =	vld [tilespmem:s2+$0x4F50]  }
0x299: {  	v3 =	vld [tilespmem:s2+$0x6750];
	_ =	sdelay $0x3  }
0x29a: {  	v0 =	vadd.f32 v1, v0;
	_ =	sdelay $0x1  }
0x29b: {  	[tilespmem:s2+$0xAF40] =	vst v0  }
0x29c: {  	v0 =	vld.idx.msk [tilespmem:v2+s3+$0x0], $0xffff  }
0x29d: {  	v1 =	vld.idx.msk [tilespmem:v3+s21+$0x0], $0xffff  }
0x29e: {  	v2 =	vld [tilespmem:s2+$0x4F60]  }
0x29f: {  	v3 =	vld [tilespmem:s2+$0x6760];
	_ =	sdelay $0x3  }
0x2a0: {  	v0 =	vadd.f32 v1, v0;
	_ =	sdelay $0x1  }
0x2a1: {  	[tilespmem:s2+$0xAF50] =	vst v0  }
0x2a2: {  	v0 =	vld.idx.msk [tilespmem:v2+s3+$0x0], $0xffff  }
0x2a3: {  	v1 =	vld.idx.msk [tilespmem:v3+s21+$0x0], $0xffff;
	_ =	sdelay $0x2  }
0x2a4: {  	v2 =	vld [tilespmem:s2+$0x4F70];
	_ =	sdelay $0x1  }
0x2a5: {  	v1 =	vadd.f32 v1, v0;
	v0 =	vld [tilespmem:s2+$0x6770];
	_ =	sdelay $0x4  }
0x2a6: {  	[tilespmem:s2+$0xAF60] =	vst v1  }
0x2a7: {  	s4 =	simm.s32 $0x400;
	s1 =	simm.s32 $0x200;
	v1 =	vld.idx.msk [tilespmem:v2+s3+$0x0], $0xffff  }
.LBB2_10:
0x2a8: {  	p0 =	sne.s32 s4, $0x5E00  }
0x2a9: {  	s5 =	sshra.s32 s1, $0x2;
	v0 =	vld.idx.msk [tilespmem:v0+s21+$0x0], $0xffff;
	s1 =	smov.u32 s4;
	s4 =	sadd.s32 $0x200, s4  }
0x2aa: {  	v2 =	vld [tilespmem:s5+$0x4F00]  }
0x2ab: {  	v3 =	vld [tilespmem:s5+$0x6700];
	_ =	sdelay $0x3  }
0x2ac: {  	v0 =	vadd.f32 v0, v1;
	_ =	sdelay $0x1  }
0x2ad: {  	v1 =	vld [tilespmem:s5+$0x6710];
	[tilespmem:s2+$0xAF70] =	vst v0;
	s2 =	smov.u32 s5  }
0x2ae: {  	v0 =	vld.idx.msk [tilespmem:v2+s3+$0x0], $0xffff  }
0x2af: {  	v2 =	vld.idx.msk [tilespmem:v3+s21+$0x0], $0xffff  }
0x2b0: {  	v3 =	vld [tilespmem:s2+$0x4F10];
	_ =	sdelay $0x4  }
0x2b1: {  	v0 =	vadd.f32 v2, v0;
	_ =	sdelay $0x1  }
0x2b2: {  	[tilespmem:s2+$0xAF00] =	vst v0;
	v0 =	vld [tilespmem:s2+$0x6720]  }
0x2b3: {  	v2 =	vld.idx.msk [tilespmem:v3+s3+$0x0], $0xffff  }
0x2b4: {  	v1 =	vld.idx.msk [tilespmem:v1+s21+$0x0], $0xffff  }
0x2b5: {  	v3 =	vld [tilespmem:s2+$0x4F20];
	_ =	sdelay $0x4  }
0x2b6: {  	v1 =	vadd.f32 v1, v2;
	_ =	sdelay $0x1  }
0x2b7: {  	[tilespmem:s2+$0xAF10] =	vst v1;
	v1 =	vld [tilespmem:s2+$0x6730]  }
0x2b8: {  	v2 =	vld.idx.msk [tilespmem:v3+s3+$0x0], $0xffff  }
0x2b9: {  	v0 =	vld.idx.msk [tilespmem:v0+s21+$0x0], $0xffff  }
0x2ba: {  	v3 =	vld [tilespmem:s2+$0x4F30];
	_ =	sdelay $0x4  }
0x2bb: {  	v0 =	vadd.f32 v0, v2;
	_ =	sdelay $0x1  }
0x2bc: {  	[tilespmem:s2+$0xAF20] =	vst v0;
	v0 =	vld [tilespmem:s2+$0x6740]  }
0x2bd: {  	v2 =	vld.idx.msk [tilespmem:v3+s3+$0x0], $0xffff  }
0x2be: {  	v1 =	vld.idx.msk [tilespmem:v1+s21+$0x0], $0xffff  }
0x2bf: {  	v3 =	vld [tilespmem:s2+$0x4F40];
	_ =	sdelay $0x4  }
0x2c0: {  	v1 =	vadd.f32 v1, v2;
	_ =	sdelay $0x1  }
0x2c1: {  	[tilespmem:s2+$0xAF30] =	vst v1;
	v1 =	vld [tilespmem:s2+$0x6750]  }
0x2c2: {  	v2 =	vld.idx.msk [tilespmem:v3+s3+$0x0], $0xffff  }
0x2c3: {  	v0 =	vld.idx.msk [tilespmem:v0+s21+$0x0], $0xffff  }
0x2c4: {  	v3 =	vld [tilespmem:s2+$0x4F50];
	_ =	sdelay $0x4  }
0x2c5: {  	v0 =	vadd.f32 v0, v2;
	_ =	sdelay $0x1  }
0x2c6: {  	[tilespmem:s2+$0xAF40] =	vst v0;
	v2 =	vld [tilespmem:s2+$0x6760]  }
0x2c7: {  	v0 =	vld.idx.msk [tilespmem:v3+s3+$0x0], $0xffff  }
0x2c8: {  	v1 =	vld.idx.msk [tilespmem:v1+s21+$0x0], $0xffff  }
0x2c9: {  	v3 =	vld [tilespmem:s2+$0x4F60];
	_ =	sdelay $0x4  }
0x2ca: {  	v0 =	vadd.f32 v1, v0;
	_ =	sdelay $0x1  }
0x2cb: {  	[tilespmem:s2+$0xAF50] =	vst v0;
	v0 =	vld [tilespmem:s2+$0x6770]  }
0x2cc: {  	v1 =	vld.idx.msk [tilespmem:v3+s3+$0x0], $0xffff  }
0x2cd: {  	v2 =	vld.idx.msk [tilespmem:v2+s21+$0x0], $0xffff  }
0x2ce: {  	v3 =	vld [tilespmem:s2+$0x4F70];
	_ =	sdelay $0x3  }
.Ltmp4:
0x2cf: {  	(pc) =	sbr.rel @p0 .LBB2_10-.Ltmp4, $3  }
0x2d0: {  	v1 =	vadd.f32 v2, v1;
	_ =	sdelay $0x1  }
0x2d1: {  	[tilespmem:s2+$0xAF60] =	vst v1  }
0x2d2: {  	v1 =	vld.idx.msk [tilespmem:v3+s3+$0x0], $0xffff  }
0x2d3: {  	_ =	sdelay $0x3  }
0x2d4: {  	s1 =	sshra.s32 s1, $0x2;
	v0 =	vld.idx.msk [tilespmem:v0+s21+$0x0], $0xffff  }
0x2d5: {  	v2 =	vld [tilespmem:s1+$0x4F00]  }
0x2d6: {  	v3 =	vld [tilespmem:s1+$0x6700];
	_ =	sdelay $0x2  }
0x2d7: {  	v0 =	vadd.f32 v0, v1;
	_ =	sdelay $0x1  }
0x2d8: {  	v43 =	vld [tilespmem:s1+$0x6710];
	[tilespmem:s2+$0xAF70] =	vst v0  }
0x2d9: {  	v45 =	vld [tilespmem:s1+$0x4F10]  }
0x2da: {  	v0 =	vld.idx.msk [tilespmem:v2+s3+$0x0], $0xffff  }
0x2db: {  	v44 =	vld.idx.msk [tilespmem:v3+s21+$0x0], $0xffff;
	_ =	sdelay $0x4  }
0x2dc: {  	v0 =	vadd.f32 v44, v0;
	_ =	sdelay $0x1  }
0x2dd: {  	v46 =	vld [tilespmem:s1+$0x4F20];
	[tilespmem:s1+$0xAF00] =	vst v0  }
0x2de: {  	v0 =	vld.idx.msk [tilespmem:v45+s3+$0x0], $0xffff  }
0x2df: {  	v1 =	vld.idx.msk [tilespmem:v43+s21+$0x0], $0xffff  }
0x2e0: {  	v47 =	vld [tilespmem:s1+$0x6720];
	_ =	sdelay $0x3  }
0x2e1: {  	v0 =	vadd.f32 v1, v0;
	_ =	sdelay $0x1  }
0x2e2: {  	v49 =	vld [tilespmem:s1+$0x4F30];
	[tilespmem:s1+$0xAF10] =	vst v0  }
0x2e3: {  	v0 =	vld.idx.msk [tilespmem:v46+s3+$0x0], $0xffff  }
0x2e4: {  	v48 =	vld.idx.msk [tilespmem:v47+s21+$0x0], $0xffff  }
0x2e5: {  	v50 =	vld [tilespmem:s1+$0x6730];
	_ =	sdelay $0x3  }
0x2e6: {  	v0 =	vadd.f32 v48, v0;
	_ =	sdelay $0x1  }
0x2e7: {  	v52 =	vld [tilespmem:s1+$0x4F40];
	[tilespmem:s1+$0xAF20] =	vst v0  }
0x2e8: {  	v0 =	vld.idx.msk [tilespmem:v49+s3+$0x0], $0xffff  }
0x2e9: {  	v51 =	vld.idx.msk [tilespmem:v50+s21+$0x0], $0xffff  }
0x2ea: {  	v53 =	vld [tilespmem:s1+$0x6740];
	_ =	sdelay $0x3  }
0x2eb: {  	v0 =	vadd.f32 v51, v0;
	_ =	sdelay $0x1  }
0x2ec: {  	v55 =	vld [tilespmem:s1+$0x4F50];
	[tilespmem:s1+$0xAF30] =	vst v0  }
0x2ed: {  	v0 =	vld.idx.msk [tilespmem:v52+s3+$0x0], $0xffff  }
0x2ee: {  	v54 =	vld.idx.msk [tilespmem:v53+s21+$0x0], $0xffff  }
0x2ef: {  	v56 =	vld [tilespmem:s1+$0x6750];
	_ =	sdelay $0x3  }
0x2f0: {  	v0 =	vadd.f32 v54, v0;
	_ =	sdelay $0x1  }
0x2f1: {  	v58 =	vld [tilespmem:s1+$0x4F60];
	[tilespmem:s1+$0xAF40] =	vst v0  }
0x2f2: {  	v0 =	vld.idx.msk [tilespmem:v55+s3+$0x0], $0xffff  }
0x2f3: {  	v57 =	vld.idx.msk [tilespmem:v56+s21+$0x0], $0xffff  }
0x2f4: {  	v59 =	vld [tilespmem:s1+$0x6760];
	_ =	sdelay $0x3  }
0x2f5: {  	v0 =	vadd.f32 v57, v0;
	_ =	sdelay $0x1  }
0x2f6: {  	v61 =	vld [tilespmem:s1+$0x4F70];
	[tilespmem:s1+$0xAF50] =	vst v0  }
0x2f7: {  	v0 =	vld.idx.msk [tilespmem:v58+s3+$0x0], $0xffff  }
0x2f8: {  	v60 =	vld.idx.msk [tilespmem:v59+s21+$0x0], $0xffff  }
0x2f9: {  	v62 =	vld [tilespmem:s1+$0x6770];
	_ =	sdelay $0x3  }
0x2fa: {  	v0 =	vadd.f32 v60, v0;
	_ =	sdelay $0x1  }
0x2fb: {  	[tilespmem:s1+$0xAF60] =	vst v0  }
0x2fc: {  	v0 =	vld.idx.msk [tilespmem:v61+s3+$0x0], $0xffff  }
0x2fd: {  	v63 =	vld.idx.msk [tilespmem:v62+s21+$0x0], $0xffff;
	_ =	sdelay $0x4  }
0x2fe: {  	v0 =	vadd.f32 v63, v0;
	_ =	sdelay $0x1  }
0x2ff: {  	s0 =	sadd.s32 $0x1, s0;
	[tilespmem:s1+$0xAF70] =	vst v0  }
0x300: {  	[hbm4b:s19+s3] =	stream.linear.scatter [tilespmem:s29], [sflag:$0x3], $0x1800, $0x38;
	[tilespmem:$0xDF00] =	vst v63  }
0x301: {  	p0 =	sne.s32 s0, s20;
	_ =	swait.ge [sflag:s31], $0x1800  }
.Ltmp5:
0x302: {  	[sflag:s31] =	ssyncset.done $0x0;
	(pc) =	sbr.rel @p0 .LBB2_1-.Ltmp5, $4  }
0x303: {  	[sflag:s31] =	ssyncadd.s32 $0xFFFFE800  }
0x304: {  	_ =	swait.ge [sflag:s31], $0x1800  }
0x305: {  	[sflag:s31] =	ssyncset.done $0x0  }
0x306: {  	[sflag:s31] =	ssyncadd.s32 $0xFFFFE800  }
0x307: {  	_ =	sfence.sel $0x180000  }
0x308: {  	[bflag:$0x0] =	sbarrier.arrive $0xFFFF  }
0x309: {  	_ =	strace $0x9000004D  }
0x30a: {  	s0 =	stileid.u32;
	[bflag:$0x2] =	sbarrier.arrive $0xFFFF  }
0x30b: {  	p0 =	sne.s32 s0, $0x0;
	s0 =	rddreg [dreg:$0x2]  }
0x30c: {  	s0 =	sadd.s32 @!p0 $0x100000, s0  }
0x30d: {  	[sflag:s0] =	ssyncadd.tile.s32 @!p0 $0x1;
	_ =	shalt  }
.Lfunc_end2:
_tile_overlayer_lowered:
.L_overlay_start_2:
0x30e: {  	(tag) =	ssettag $0x2  }
0x30f: {  	s0 =	rddreg [dreg:$0x0];
	s2 =	stileid.u32  }
0x310: {  	s1 =	rddreg [dreg:$0x1];
	p0 =	sne.s32 s2, $0x0  }
0x311: {  	s3 =	rddreg [dreg:$0x2];
	[bflag:$0x3] =	sbarrier.arrive $0xFFFF;
	s2 =	simm.s32 @!p0 $0x1C04  }
0x312: {  	[timem:s3], [sflag:s2] =	dma.local @!p0 [hbm:s0], s1  }
0x313: {  	s0 =	simm.s32 @!p0 $0x4  }
0x314: {  	_ =	swait.ge @!p0 [sflag:s0], s1  }
0x315: {  	s1 =	ssub.s32 @!p0 $0x0, s1;
	[sflag:s0] =	ssyncset.done @!p0 $0x0  }
0x316: {  	[sflag:s0] =	ssyncadd.s32 @!p0 s1  }
0x317: {  	[bflag:$0x3] =	sbarrier.arrive $0xFFFF  }
0x318: {  	_ =	shalt  }

// kernel: kernel.9.cloned.1.call-start
scs
__scs_entry_jumppad:
0x0: {  	(pc) =	sbr.rel $0x88, $3  }
0x1: {  	(tag) =	ssettag $0x0;
	lr =	simm.s32 $0x1  }
0x2: {  	[smem:$0x3F95] =	sst lr;
	_ =	strace $0xD0000000  }
0x3: {  	_ = 	snop  }
0x4: {  	_ = 	snop  }
0x5: {  	_ = 	snop  }
0x6: {  	_ = 	snop  }
0x7: {  	_ = 	snop  }
__scs_overlays_trampoline_lowered:
0x8: {  	[smem:$0x3FA4] =	sst s0  }
0x9: {  	[smem:$0x3FA5] =	sst s1  }
0xa: {  	[smem:$0x3FA6] =	sst s2  }
0xb: {  	[smem:$0x3FA7] =	sst s3  }
0xc: {  	[smem:$0x3FA8] =	sst s4  }
0xd: {  	[smem:$0x3FA9] =	sst s5  }
0xe: {  	[smem:$0x3FAA] =	sst s6  }
0xf: {  	[smem:$0x3FAB] =	sst s7  }
0x10: {  	[smem:$0x3FAC] =	sst s8  }
0x11: {  	[smem:$0x3FAD] =	sst s9;
	s0 =	simm.s32 @!p0 $0x0  }
0x12: {  	s1 =	sld [smem:$0x3F93];
	s0 =	simm.s32 @p0 $0x1  }
0x13: {  	[smem:$0x3FAE] =	sst s0;
	s0 =	simm.s32 @!p1 $0x0  }
0x14: {  	s2 =	sld [smem:$0x3F92];
	s0 =	simm.s32 @p1 $0x1  }
0x15: {  	[smem:$0x3FAF] =	sst s0;
	s0 =	simm.s32 @!p2 $0x0  }
0x16: {  	s3 =	sld [smem:$0x3FDB];
	s0 =	simm.s32 @p2 $0x1  }
0x17: {  	s4 =	simm.s32 $0x1BF5;
	[smem:$0x3FB1] =	sst s0  }
0x18: {  	s0 =	sld [smem:$0x3F94];
	_ =	swait.ge [sflag:s4], $0x0  }
0x19: {  	s7 =	sld [smem:$0x3F95]  }
0x1a: {  	s8 =	sadd.s32 $0xFFFFE003, lr  }
0x1b: {  	s9 =	sadd.s32 $0xFFFFFEF7, lr;
	s5 =	simm.s32 $0xFFFFFFFF;
	p2 =	slt.u32 s8, $0xFFFFF086  }
0x1c: {  	p1 =	slt.u32 s9, $0xF7A;
	s5 =	simm.s32 @!p2 $0x0  }
0x1d: {  	s5 =	simm.s32 @p1 $0x1;
	p0 =	seq.s32 s7, s2  }
0x1e: {  	s7 =	smul.u32 @!p0 $0xF7A, s2;
	p2 =	seq.s32 @!p0 s5, $0x0  }
0x1f: {  	s9 =	smul.u32 $0xF7A, s1;
	s8 =	simm.s32 @!p0 $0x1BF5;
	p2 =	por !p2, p0  }
0x20: {  	[sflag:s8] =	ssyncset.s32 @!p0 $0xFFFFF086;
	s6 =	sadd.s32 @!p0 s3, s7;
	s7 =	simm.s32 @!p0 $0x108  }
0x21: {  	s3 =	sadd.s32 s3, s9;
	s6 =	sadd.s32 @!p0 $0x88, s6;
	s7 =	simm.s32 @p2 $0x1082  }
0x22: {  	[simem:s7], [sflag:s8] =	dma.local @!p0 [hbm:s6], $0xF7A  }
0x23: {  	s9 =	sor.u32 $0xD0000000, s2;
	s6 =	simm.s32 $0x108;
	_ =	swait.ge @!p0 [sflag:s8], $0x0  }
0x24: {  	s3 =	sadd.s32 $0x88, s3;
	s6 =	simm.s32 @!p1 $0x1082;
	[sflag:s4] =	ssyncset.s32 $0xFFFFF086  }
0x25: {  	[simem:s6], [sflag:s4] =	dma.local [hbm:s3], $0xF7A  }
0x26: {  	[smem:$0x3F95] =	sst s1;
	(tag) =	ssettag s2;
	_ =	strace s9  }
0x27: {  	s1 =	sld [smem:$0x3FA5]  }
0x28: {  	s2 =	sld [smem:$0x3FA6]  }
0x29: {  	s4 =	sld [smem:$0x3FA8]  }
0x2a: {  	p0 =	seq.s32 s5, $0x0;
	s5 =	sld [smem:$0x3FA9]  }
0x2b: {  	s6 =	sld [smem:$0x3FAA]  }
0x2c: {  	s7 =	sld [smem:$0x3FAB]  }
0x2d: {  	s3 =	simm.s32 $0x108;
	s8 =	sld [smem:$0x3FAC]  }
0x2e: {  	s3 =	simm.s32 @!p0 $0x1082;
	s9 =	sld [smem:$0x3FAD]  }
0x2f: {  	lr =	sadd.s32 s0, s3;
	s0 =	sld [smem:$0x3FA4]  }
0x30: {  	s3 =	sld [smem:$0x3FA7]  }
0x31: {  	[smem:$0x3FB0] =	sst s10  }
0x32: {  	s10 =	sld [smem:$0x3FAE];
	_ =	sdelay $0x3  }
0x33: {  	p0 =	seq.s32 s10, $0x1;
	s10 =	sld [smem:$0x3FB0];
	_ =	sdelay $0x3  }
0x34: {  	[smem:$0x3FB0] =	sst s10  }
0x35: {  	s10 =	sld [smem:$0x3FAF];
	_ =	sdelay $0x3  }
0x36: {  	p1 =	seq.s32 s10, $0x1;
	s10 =	sld [smem:$0x3FB0];
	_ =	sdelay $0x3  }
0x37: {  	[smem:$0x3FB0] =	sst s10  }
0x38: {  	s10 =	sld [smem:$0x3FB1]  }
0x39: {  	_ = 	snop;
	(pc) =	sbr.ind lr, $3  }
0x3a: {  	_ = 	snop  }
0x3b: {  	_ = 	snop  }
0x3c: {  	p2 =	seq.s32 s10, $0x1;
	s10 =	sld [smem:$0x3FB0]  }
0x3d: {  	_ =	shalt  }
0x3e: {  	_ =	shalt  }
0x3f: {  	_ =	shalt  }
0x40: {  	_ =	shalt  }
0x41: {  	_ =	shalt  }
0x42: {  	_ =	shalt  }
0x43: {  	_ =	shalt  }
0x44: {  	_ =	shalt  }
0x45: {  	_ =	shalt  }
0x46: {  	_ =	shalt  }
0x47: {  	_ =	shalt  }
0x48: {  	_ =	shalt  }
0x49: {  	_ =	shalt  }
0x4a: {  	_ =	shalt  }
0x4b: {  	_ =	shalt  }
0x4c: {  	_ =	shalt  }
0x4d: {  	_ =	shalt  }
0x4e: {  	_ =	shalt  }
0x4f: {  	_ =	shalt  }
0x50: {  	_ =	shalt  }
0x51: {  	_ =	shalt  }
0x52: {  	_ =	shalt  }
0x53: {  	_ =	shalt  }
0x54: {  	_ =	shalt  }
0x55: {  	_ =	shalt  }
0x56: {  	_ =	shalt  }
0x57: {  	_ =	shalt  }
0x58: {  	_ =	shalt  }
0x59: {  	_ =	shalt  }
0x5a: {  	_ =	shalt  }
0x5b: {  	_ =	shalt  }
0x5c: {  	_ =	shalt  }
0x5d: {  	_ =	shalt  }
0x5e: {  	_ =	shalt  }
0x5f: {  	_ =	shalt  }
0x60: {  	_ =	shalt  }
0x61: {  	_ =	shalt  }
0x62: {  	_ =	shalt  }
0x63: {  	_ =	shalt  }
0x64: {  	_ =	shalt  }
0x65: {  	_ =	shalt  }
0x66: {  	_ =	shalt  }
0x67: {  	_ =	shalt  }
0x68: {  	_ =	shalt  }
0x69: {  	_ =	shalt  }
0x6a: {  	_ =	shalt  }
0x6b: {  	_ =	shalt  }
0x6c: {  	_ =	shalt  }
0x6d: {  	_ =	shalt  }
0x6e: {  	_ =	shalt  }
0x6f: {  	_ =	shalt  }
0x70: {  	_ =	shalt  }
0x71: {  	_ =	shalt  }
0x72: {  	_ =	shalt  }
0x73: {  	_ =	shalt  }
0x74: {  	_ =	shalt  }
0x75: {  	_ =	shalt  }
0x76: {  	_ =	shalt  }
0x77: {  	_ =	shalt  }
0x78: {  	_ =	shalt  }
0x79: {  	_ =	shalt  }
0x7a: {  	_ =	shalt  }
0x7b: {  	_ =	shalt  }
0x7c: {  	_ =	shalt  }
0x7d: {  	_ =	shalt  }
0x7e: {  	_ =	shalt  }
0x7f: {  	_ =	shalt  }
0x80: {  	_ =	shalt  }
0x81: {  	_ =	shalt  }
0x82: {  	_ =	shalt  }
0x83: {  	_ =	shalt  }
0x84: {  	_ =	shalt  }
0x85: {  	_ =	shalt  }
0x86: {  	_ =	shalt  }
0x87: {  	_ =	shalt  }
.Lfunc_end0:
.L_simem_size_0:
called_computation_lowered:
.L_overlay_start_0:
0x88: {  	s2 =	sld [smem:$0x3FD9]  }
0x89: {  	s3 =	sld [smem:$0x3FFE];
	_ =	sdelay $0x1  }
0x8a: {  	s1 =	srdreg.scid  }
0x8b: {  	s0 =	sand.u32 $0x1, s1  }
0x8c: {  	s15 =	sshll.u32 s0, $0xA;
	s2 =	sadd.s32 s3, s2  }
0x8d: {  	s2 =	sadd.s32 s2, s15  }
0x8e: {  	[smem:$0x3FBC] =	sst s2  }
0x8f: {  	_ = 	snop  }
0x90: {  	s2 =	sld [smem:$0x3FD0];
	_ =	sdelay $0x2  }
0x91: {  	s16 =	simm.s32 $0xA;
	s4 =	simm.s32 $0x10  }
0x92: {  	[smem:s4], [sflag:s16] =	dma.local [hbm:s2], $0x1  }
0x93: {  	_ =	swait.eq [sflag:s16], $0x1  }
0x94: {  	[sflag:s16] =	ssyncset.done $0x0  }
0x95: {  	s17 =	sld [smem:$0x10];
	[sflag:s16] =	ssyncadd.s32 $0xFFFFFFFF  }
0x96: {  	s18 =	sld [smem:$0x11];
	(tm) =	ssettm $0x1  }
0x97: {  	s19 =	sld [smem:$0x3FFB];
	_ =	sdelay $0x3  }
0x98: {  	_ =	strace s19  }
0x99: {  	s4 =	sld [smem:$0x3FFC];
	_ =	sdelay $0x3  }
0x9a: {  	_ =	strace s4  }
0x9b: {  	s4 =	sld [smem:$0x3FFD];
	_ =	sdelay $0x3  }
0x9c: {  	_ =	strace s4  }
0x9d: {  	_ =	strace $0x8FFFFFFF  }
0x9e: {  	s20 =	sld [smem:$0x3FDB];
	_ =	sdelay $0x1  }
0x9f: {  	s5 =	simm.s32 $_scs_section_size  }
0xa0: {  	s6 =	simm.s32 $_size__tile_overlayer_lowered;
	s7 =	simm.s32 $_tile_overlayer_lowered  }
0xa1: {  	s23 =	simm.s32 $0x1BFF;
	s22 =	sshll.u32 s7, $0x1;
	s4 =	sadd.s32 s5, s20  }
0xa2: {  	s8 =	simm.s32 $0x0;
	s21 =	sshll.u32 s6, $0x1;
	s6 =	sadd.s32 s22, s4  }
0xa3: {  	[timem:s8], [sflag:s23] =	dma.local [hbm:s6], s21  }
0xa4: {  	_ =	swait.ge [sflag:s23], s21  }
0xa5: {  	s5 =	ssub.s32 $0x0, s21;
	[sflag:s23] =	ssyncset.done $0x0  }
0xa6: {  	[sflag:s23] =	ssyncadd.s32 s5;
	_ =	sdelay $0x1  }
0xa7: {  	s24 =	simm.s32 $0x1B8B  }
0xa8: {  	_ =	swait.ge [sflag:s24], $0x1  }
0xa9: {  	[sflag:s24] =	ssyncset.done $0x0  }
0xaa: {  	s25 =	simm.s32 $0x1B8E;
	[sflag:s24] =	ssyncadd.s32 $0xFFFFFFFF  }
0xab: {  	s26 =	simm.s32 $execute0_lowered;
	[smem:$0x3FD2] =	sst s25  }
0xac: {  	s5 =	sshll.u32 s26, $0x1;
	_ =	strace $0x80000046;
	[dreg:$0x1] =	wrdreg $0xFFFFFFFF  }
0xad: {  	s28 =	simm.s32 $_size_execute0_lowered;
	s4 =	sadd.s32 s4, s5;
	[dreg:$0x0] =	wrdreg $0x0  }
0xae: {  	s5 =	sshll.u32 s28, $0x1;
	[dreg:$0x2] =	wrdreg s4  }
0xaf: {  	[dreg:$0x3] =	wrdreg s5  }
0xb0: {  	[dreg:$0x4] =	wrdreg $0xC0  }
0xb1: {  	_ =	task [dreg:s8], $0x5FFFF  }
0xb2: {  	[dreg:$0x1] =	wrdreg $0xFFFFFFFF  }
0xb3: {  	[dreg:$0x0] =	wrdreg $0x60  }
0xb4: {  	[dreg:$0x2] =	wrdreg s18  }
0xb5: {  	[dreg:$0x3] =	wrdreg s17  }
0xb6: {  	[dreg:$0x4] =	wrdreg $0x2B000  }
0xb7: {  	[dreg:$0x5] =	wrdreg $0x9  }
0xb8: {  	_ =	task.clear_ibuf [dreg:s8], $0x6FFFF;
	_ =	strace $0x90000046  }
0xb9: {  	s29 =	simm.s32 $0x9;
	_ =	strace $0x80000048  }
0xba: {  	_ =	swait.ge [sflag:s29], $0x1  }
0xbb: {  	[sflag:s29] =	ssyncadd.s32 $0xFFFFFFFF  }
0xbc: {  	_ =	strace $0x90000048  }
0xbd: {  	_ =	sfence  }
0xbe: {  	s30 =	sld [smem:$0x0];
	_ =	sdelay $0x2  }
0xbf: {  	s31 =	sshll.u32 s1, $0xD;
	s1 =	sshrl.u32 s1, $0x2  }
0xc0: {  	s3 =	sand.u32 $0x4000, s31;
	s1 =	sadd.s32 s1, s30  }
0xc1: {  	s0 =	sor.u32 s3, s0;
	s1 =	sshll.u32 s1, $0x11  }
0xc2: {  	s0 =	sor.u32 s1, s0  }
0xc3: {  	s0 =	sadd.s32 $0x8F2B, s0  }
0xc4: {  	[sflag:s0] =	ssyncadd.remote.s32 $0x1  }
0xc5: {  	_ =	sfence.sel $0xFFFF  }
0xc6: {  	[dreg:$0x0] =	wrdreg $0xFFFFFFFF;
	(pc) =	sbr.abs _section_cstart, $3  }
0xc7: {  	[dreg:$0x1] =	wrdreg $0xFFFFFFFF  }
0xc8: {  	_ =	task.clear_ibuf [dreg:s8], $0x2FFFF;
	_ =	strace $0x9FFFFFFF  }
0xc9: {  	(tm) =	ssettm $0x7FFFFFFF  }
tec
execute0_lowered:
.L_overlay_start_1:
0x0: {  	(tag) =	ssettag $0x1  }
0x1: {  	s5 =	rddreg [dreg:$0x0]  }
0x2: {  	s6 =	rddreg [dreg:$0x1]  }
0x3: {  	s1 =	rddreg [dreg:$0x2]  }
0x4: {  	s0 =	rddreg [dreg:$0x3];
	s3 =	simm.s32 $0x0;
	s4 =	srdreg.scid  }
0x5: {  	s2 =	stileid.u32;
	s14 =	simm.s32 $0x20;
	s15 =	simm.s32 $0x10  }
0x6: {  	s16 =	simm.s32 $0x0;
	[smem:$0x7FF] =	sst s3;
	s7 =	smul.u32 $0xA00, s2  }
0x7: {  	s4 =	sand.u32 $0x1, s4;
	s10 =	smul.u32 $0x500, s2;
	s12 =	sshll.u32 s2, $0x6  }
0x8: {  	_ =	strace $0x80000047;
	s8 =	sshll.u32 s4, $0x4;
	s9 =	ssub.s32 $0x2, s4  }
0x9: {  	s4 =	sshll.u32 s4, $0x7;
	s12 =	sor.u32 $0x1C01, s12;
	s8 =	sor.u32 s2, s8  }
0xa: {  	s11 =	sshrl.u32 s9, $0x1;
	s7 =	sshrl.u32 s7, $0x2;
	s10 =	sor.u32 s4, s10  }
0xb: {  	s8 =	smul.u32 $0x500, s8;
	s9 =	ssub.s32 s9, s11;
	s4 =	sadd.s32 s7, s1  }
0xc: {  	s31 =	sshrl.u32 s10, $0x3;
	s10 =	simm.s32 $0x80;
	s11 =	simm.s32 $0x2800  }
0xd: {  	s6 =	sadd.s32 s6, s31;
	s7 =	smax.u32 s9, $0x1;
	s9 =	simm.s32 $0x1  }
0xe: {  	v0 =	vimm.f32 $1.000000000e+00;
	v1 =	vimm.f32 $0.0e+00;
	s13 =	sshrl.u32 s4, $0x3;
	s5 =	sadd.s32 s5, s8;
	s8 =	simm.s32 $0x2880  }
.LBB2_1:
0xf: {  	[tilespmem:$0x2800] =	vst v0  }
0x10: {  	[tilespmem:$0x2810] =	vst v0  }
0x11: {  	[tilespmem:$0x2820] =	vst v0  }
0x12: {  	[tilespmem:$0x2830] =	vst v0  }
0x13: {  	[tilespmem:$0x2840] =	vst v0  }
0x14: {  	[tilespmem:$0x2850] =	vst v0  }
0x15: {  	[tilespmem:$0x2860] =	vst v0  }
0x16: {  	[tilespmem:$0x2870] =	vst v0  }
0x17: {  	[tilespmem:$0x2880] =	vst v1  }
0x18: {  	[tilespmem:$0x2890] =	vst v1  }
0x19: {  	[tilespmem:$0x28A0] =	vst v1  }
0x1a: {  	[tilespmem:$0x28B0] =	vst v1  }
0x1b: {  	[tilespmem:$0x28C0] =	vst v1  }
0x1c: {  	[tilespmem:$0x28D0] =	vst v1  }
0x1d: {  	[tilespmem:$0x28E0] =	vst v1  }
0x1e: {  	[tilespmem:$0x28F0] =	vst v1  }
0x1f: {  	[tilespmem:$0x2900] =	vst v1  }
0x20: {  	[tilespmem:$0x2910] =	vst v1  }
0x21: {  	[tilespmem:$0x2920] =	vst v1  }
0x22: {  	[tilespmem:$0x2930] =	vst v1  }
0x23: {  	[tilespmem:$0x2940] =	vst v1  }
0x24: {  	[tilespmem:$0x2950] =	vst v1  }
0x25: {  	[tilespmem:$0x2960] =	vst v1  }
0x26: {  	[tilespmem:$0x2970] =	vst v1  }
0x27: {  	[tilespmem:$0x2980] =	vst v1  }
0x28: {  	[tilespmem:$0x2990] =	vst v1  }
0x29: {  	[tilespmem:$0x29A0] =	vst v1  }
0x2a: {  	[tilespmem:$0x29B0] =	vst v1  }
0x2b: {  	[tilespmem:$0x29C0] =	vst v1  }
0x2c: {  	[tilespmem:$0x29D0] =	vst v1  }
0x2d: {  	[tilespmem:$0x29E0] =	vst v1  }
0x2e: {  	[tilespmem:$0x29F0] =	vst v1  }
0x2f: {  	[tilespmem:$0x2A00] =	vst v1  }
0x30: {  	[tilespmem:$0x2A10] =	vst v1  }
0x31: {  	[tilespmem:$0x2A20] =	vst v1  }
0x32: {  	[tilespmem:$0x2A30] =	vst v1  }
0x33: {  	[tilespmem:$0x2A40] =	vst v1  }
0x34: {  	[tilespmem:$0x2A50] =	vst v1  }
0x35: {  	[tilespmem:$0x2A60] =	vst v1  }
0x36: {  	[tilespmem:$0x2A70] =	vst v1  }
0x37: {  	[tilespmem:$0x2A80] =	vst v1  }
0x38: {  	[tilespmem:$0x2A90] =	vst v1  }
0x39: {  	[tilespmem:$0x2AA0] =	vst v1  }
0x3a: {  	[tilespmem:$0x2AB0] =	vst v1  }
0x3b: {  	[tilespmem:$0x2AC0] =	vst v1  }
0x3c: {  	[tilespmem:$0x2AD0] =	vst v1  }
0x3d: {  	[tilespmem:$0x2AE0] =	vst v1  }
0x3e: {  	[tilespmem:$0x2AF0] =	vst v1  }
0x3f: {  	[spmem:s4] =	stream.linear.scatter [tilespmem:s8], [sflag:$0x1], $0x280, $0x38;
	[tilespmem:$0x2D80] =	vst v63  }
0x40: {  	_ =	swait.ge [sflag:s9], $0x280  }
0x41: {  	[sflag:s9] =	ssyncset.done $0x0  }
0x42: {  	[sflag:s9] =	ssyncadd.s32 $0xFFFFFD80  }
0x43: {  	[bflag:$0x0] =	sbarrier.arrive $0xFFFF  }
0x44: {  	[tilespmem:s3], [sflag:$0x1] =	stream.linear.gather [hbm4b:s5+s3], $0x2800, $0x38;
	[tilespmem:$0x2D80] =	vst v63  }
0x45: {  	_ =	swait.ge [sflag:s9], $0x2800  }
0x46: {  	[sflag:s9] =	ssyncset.done $0x0  }
0x47: {  	s17 =	simm.s32 $0x0;
	[sflag:s9] =	ssyncadd.s32 $0xFFFFD800  }
0x48: {  	[spmem:s1] =	stream.indirect.scatter.add.f32 [tilespmem:s11], [sflag:$0x1], $0x1, s17, s10, $0xb8;
	[tilespmem:$0x2D80] =	vst v63  }
0x49: {  	_ =	swait.ge [sflag:s9], $0x80  }
0x4a: {  	s17 =	simm.s32 $0x200;
	[sflag:s9] =	ssyncset.done $0x0  }
.LBB2_2:
0x4b: {  	s18 =	sshra.s32 s17, $0x2;
	[sflag:s9] =	ssyncadd.s32 $0xFFFFFF80;
	p0 =	sne.s32 s17, $0x9E00  }
0x4c: {  	[spmem:s1] =	stream.indirect.scatter.add.f32 [tilespmem:s11], [sflag:$0x1], $0x1, s18, s10, $0xb8;
	[tilespmem:$0x2D80] =	vst v63  }
.Ltmp0:
0x4d: {  	_ = 	snop;
	(pc) =	sbr.rel @p0 .LBB2_2-.Ltmp0, $4  }
0x4e: {  	_ = 	snop  }
0x4f: {  	s17 =	sadd.s32 $0x200, s17  }
0x50: {  	_ =	swait.ge [sflag:s9], $0x80  }
0x51: {  	[sflag:s9] =	ssyncset.done $0x0  }
0x52: {  	s16 =	sadd.s32 $0x1, s16  }
0x53: {  	[sflag:s9] =	ssyncadd.s32 $0xFFFFFF80;
	p0 =	sne.s32 s16, s7  }
.Ltmp1:
0x54: {  	[bflag:$0x0] =	sbarrier.arrive $0xFFFF;
	(pc) =	sbr.rel @p0 .LBB2_1-.Ltmp1, $4  }
0x55: {  	[hbm:s6@s14], [sflag:s12] =	dma.strided [spmem:s13@s15], $0x50, s9, $0x10   }
0x56: {  	_ =	swait.ge [sflag:s9], $0x50  }
0x57: {  	[sflag:s9] =	ssyncset.done $0x0  }
0x58: {  	[sflag:s9] =	ssyncadd.s32 $0xFFFFFFB0  }
0x59: {  	_ =	sfence.sel $0x180000  }
0x5a: {  	[bflag:$0x0] =	sbarrier.arrive $0xFFFF  }
0x5b: {  	p0 =	sne.s32 s2, $0x0;
	_ =	strace $0x90000047  }
0x5c: {  	s0 =	sadd.s32 @!p0 $0x100000, s0;
	[bflag:$0x2] =	sbarrier.arrive $0xFFFF  }
0x5d: {  	[sflag:s0] =	ssyncadd.tile.s32 @!p0 $0x1;
	_ =	shalt  }
.Lfunc_end2:
_tile_overlayer_lowered:
.L_overlay_start_2:
0x5e: {  	(tag) =	ssettag $0x2  }
0x5f: {  	s0 =	rddreg [dreg:$0x0];
	s2 =	stileid.u32  }
0x60: {  	s1 =	rddreg [dreg:$0x1];
	p0 =	sne.s32 s2, $0x0  }
0x61: {  	s3 =	rddreg [dreg:$0x2];
	[bflag:$0x3] =	sbarrier.arrive $0xFFFF;
	s2 =	simm.s32 @!p0 $0x1C01  }
0x62: {  	[timem:s3], [sflag:s2] =	dma.local @!p0 [hbm:s0], s1  }
0x63: {  	s0 =	simm.s32 @!p0 $0x1  }
0x64: {  	_ =	swait.ge @!p0 [sflag:s0], s1  }
0x65: {  	s1 =	ssub.s32 @!p0 $0x0, s1;
	[sflag:s0] =	ssyncset.done @!p0 $0x0  }
0x66: {  	[sflag:s0] =	ssyncadd.s32 @!p0 s1  }
0x67: {  	[bflag:$0x3] =	sbarrier.arrive $0xFFFF  }
0x68: {  	_ =	shalt  }

</sc_bundles>
